<compile_context>
chip_gen: v7x
topology: tpu7x:2x2x1
jax: 0.10.2.dev20260603
libtpu: 0.0.44.dev20260713+nightly
codegen_flags: <defaults>
</compile_context>

<pallas_src>
import jax
import jax.numpy as jnp
from jax import lax
from jax.experimental import pallas as pl
from jax.experimental.pallas import tpu as pltpu
from jax.experimental.pallas import tpu_sc as plsc

D = 128
CH = 64
NC = 2
NS = 16
NW = NC * NS




def _acc_rows(n_nodes):
  u = NS * 8
  return ((n_nodes + 1 + u - 1) // u) * u


def _mesh():
  return plsc.VectorSubcoreMesh(
      core_axis_name="c", subcore_axis_name="s", num_cores=NC, num_subcores=NS
  )


def _make_sc_agg(n_nodes, nch):
  nr = _acc_rows(n_nodes)
  rpt = nr // NS
  SBD = 40
  assert (nch // 2) % SBD == 0
  GCH = 2 * CH

  out_type = jax.ShapeDtypeStruct((NC, nr, D), jnp.float32)
  scratch = [
      pltpu.VMEM((nch // 2, GCH), jnp.int32),
      pltpu.VMEM((SBD, GCH), jnp.int32),
      pltpu.VMEM((GCH, D), jnp.float32),
      pltpu.VMEM((GCH, D), jnp.float32),
      pltpu.MemorySpace.VMEM_SHARED((nr, D), jnp.float32),
      pltpu.SemaphoreType.DMA,
      pltpu.SemaphoreType.DMA,
      pltpu.SemaphoreType.DMA,
      pltpu.SemaphoreType.DMA,
  ]

  def body(y, srcp, dstp, z128_h, psum,
           src_v, dst_v, rows_a, rows_b, acc_p, sga, sgb, ssa, ssb):
    c = lax.axis_index("c")
    s = lax.axis_index("s")
    w = c * NS + s

    gi = pltpu.async_copy(srcp.at[w], src_v, sgb)
    pltpu.sync_copy(z128_h, rows_a.at[pl.ds(0, CH)])
    zsrc = rows_a.at[pl.ds(0, CH)]
    nz = rpt // CH
    rem = rpt - nz * CH

    @pl.loop(0, nz)
    def _(k):
      pltpu.async_copy(zsrc, acc_p.at[pl.ds(s * rpt + k * CH, CH)], ssa)

    if rem:
      pltpu.async_copy(rows_a.at[pl.ds(0, rem)],
                       acc_p.at[pl.ds(s * rpt + nz * CH, rem)], ssb)

    @pl.loop(0, nz)
    def _(k):
      pltpu.make_async_copy(
          zsrc, acc_p.at[pl.ds(s * rpt + k * CH, CH)], ssa).wait()

    if rem:
      pltpu.make_async_copy(
          rows_a.at[pl.ds(0, rem)],
          acc_p.at[pl.ds(s * rpt + nz * CH, rem)], ssb).wait()
    gi.wait()

    plsc.subcore_barrier()

    nbh = nch // 2 // SBD

    def wait_sb():
      pltpu.make_async_copy(rows_b, acc_p.at[dst_v.at[SBD - 1]], ssb).wait()

    @pl.loop(0, nbh)
    def _(bo):
      @pl.when(bo > 0)
      def _():
        wait_sb()

      pltpu.sync_copy(dstp.at[w, pl.ds(bo * SBD, SBD)], dst_v)

      def pair(j, first):
        q = bo * SBD + j
        ga = pltpu.async_copy(y.at[src_v.at[q]], rows_a, sga)
        if not first:
          pltpu.make_async_copy(rows_b, acc_p.at[dst_v.at[j]], ssb).wait()
        gb = pltpu.async_copy(y.at[src_v.at[q + 1]], rows_b, sgb)
        ga.wait()
        sa = pltpu.async_copy(rows_a, acc_p.at[dst_v.at[j]], ssa, add=True)
        gb.wait()
        pltpu.async_copy(rows_b, acc_p.at[dst_v.at[j + 1]], ssb, add=True)
        sa.wait()

      pair(0, True)

      @pl.loop(1, SBD // 2)
      def _(p):
        pair(2 * p, False)

    wait_sb()

    plsc.subcore_barrier()

    sl = pl.ds(s * rpt, rpt)
    pltpu.sync_copy(acc_p.at[sl], psum.at[c, sl])

  return pl.kernel(body, out_type=out_type, mesh=_mesh(), scratch_types=scratch)


def _make_sc_counts(n_nodes, nch):
  nr = _acc_rows(n_nodes)
  rpt = nr // NS
  nch2 = nch // 2

  out_type = jax.ShapeDtypeStruct((NC, nr, D), jnp.float32)
  scratch = [
      pltpu.VMEM((nch2, 2 * CH), jnp.int32),
      pltpu.VMEM((2 * CH, D), jnp.float32),
      pltpu.VMEM((CH, D), jnp.float32),
      pltpu.MemorySpace.VMEM_SHARED((nr, D), jnp.float32),
      pltpu.SemaphoreType.DMA,
      pltpu.SemaphoreType.DMA,
  ]

  def body(dstp, ones_h, z128_h, cnt,
           dst_v, ones_v, zc_v, acc_c, ssa, ssb):
    c = lax.axis_index("c")
    s = lax.axis_index("s")
    w = c * NS + s

    pltpu.sync_copy(dstp.at[w], dst_v)
    pltpu.sync_copy(z128_h, zc_v)
    pltpu.sync_copy(ones_h, ones_v)

    nz = rpt // CH
    rem = rpt - nz * CH

    @pl.loop(0, nz)
    def _(k):
      pltpu.sync_copy(zc_v, acc_c.at[pl.ds(s * rpt + k * CH, CH)])

    if rem:
      pltpu.sync_copy(zc_v.at[pl.ds(0, rem)],
                      acc_c.at[pl.ds(s * rpt + nz * CH, rem)])

    plsc.subcore_barrier()

    even = nch2 - (nch2 % 2)

    @pl.loop(0, even, step=2)
    def _(m):
      sa = pltpu.async_copy(ones_v, acc_c.at[dst_v.at[m]], ssa, add=True)
      sb = pltpu.async_copy(ones_v, acc_c.at[dst_v.at[m + 1]], ssb, add=True)
      sa.wait()
      sb.wait()

    if nch2 % 2:
      pltpu.async_copy(ones_v, acc_c.at[dst_v.at[nch2 - 1]], ssa,
                       add=True).wait()

    plsc.subcore_barrier()

    sl = pl.ds(s * rpt, rpt)
    pltpu.sync_copy(acc_c.at[sl], cnt.at[c, sl])

  return pl.kernel(body, out_type=out_type, mesh=_mesh(), scratch_types=scratch)



_BR = 1000


def _mm_body(x_ref, w_ref, o_ref):
  o_ref[...] = jnp.dot(
      x_ref[...], w_ref[...],
      preferred_element_type=jnp.float32, precision=lax.Precision.HIGHEST,
  )


def _combine_body(p0, p1, c0, c1, h, wr, b, wl, hn_o, y_o):
  cnt = jnp.maximum(c0[0, :, 0:1] + c1[0, :, 0:1], 1.0)
  z = (p0[0] + p1[0]) / cnt
  z = z + jnp.dot(h[...], wr[...], preferred_element_type=jnp.float32,
                  precision=lax.Precision.HIGHEST)
  z = z + b[...]
  hn = jnp.where(z >= 0, z, 0.1 * z)
  hn_o[...] = hn
  y_o[...] = jnp.dot(hn, wl[...], preferred_element_type=jnp.float32,
                     precision=lax.Precision.HIGHEST)


def _final_body(p0, p1, c0, c1, h, wr, b, o_ref):
  cnt = jnp.maximum(c0[0, :, 0:1] + c1[0, :, 0:1], 1.0)
  z = (p0[0] + p1[0]) / cnt
  z = z + jnp.dot(h[...], wr[...], preferred_element_type=jnp.float32,
                  precision=lax.Precision.HIGHEST)
  z = z + b[...]
  m = jnp.max(z, axis=1, keepdims=True)
  zs = z - m
  o_ref[...] = zs - jnp.log(jnp.sum(jnp.exp(zs), axis=1, keepdims=True))


def _row_spec(width=D):
  return pl.BlockSpec((_BR, width), lambda i: (i, 0))


def _core_spec(core, width=D):
  return pl.BlockSpec((1, _BR, width), lambda i, c=core: (c, i, 0))


def _full_spec(shape):
  return pl.BlockSpec(shape, lambda i: (0,) * len(shape))


def _make_tc_kernels(n):
  grid = (n // _BR,)
  mm = pl.pallas_call(
      _mm_body,
      grid=grid,
      in_specs=[_row_spec(), _full_spec((D, D))],
      out_specs=_row_spec(),
      out_shape=jax.ShapeDtypeStruct((n, D), jnp.float32),
  )
  combine = pl.pallas_call(
      _combine_body,
      grid=grid,
      in_specs=[_core_spec(0), _core_spec(1), _core_spec(0), _core_spec(1),
                _row_spec(), _full_spec((D, D)), _full_spec((1, D)),
                _full_spec((D, D))],
      out_specs=[_row_spec(), _row_spec()],
      out_shape=[jax.ShapeDtypeStruct((n, D), jnp.float32),
                 jax.ShapeDtypeStruct((n, D), jnp.float32)],
  )
  final = pl.pallas_call(
      _final_body,
      grid=grid,
      in_specs=[_core_spec(0), _core_spec(1), _core_spec(0), _core_spec(1),
                _row_spec(), _full_spec((D, D)), _full_spec((1, D))],
      out_specs=_row_spec(),
      out_shape=jax.ShapeDtypeStruct((n, D), jnp.float32),
  )
  return mm, combine, final




def kernel(x, edge_index, enc_Wl, enc_Wr, enc_b, l0_Wl, l0_Wr, l0_b,
           l1_Wl, l1_Wr, l1_b, dec_Wl, dec_Wr, dec_b):
  n, d = x.shape
  assert d == D
  e = edge_index.shape[1]

  nch = -(-e // (NW * CH))
  nch = ((nch + 79) // 80) * 80
  pad = NW * nch * CH - e
  src = jnp.concatenate(
      [edge_index[0].astype(jnp.int32), jnp.zeros((pad,), jnp.int32)]
  ).reshape(NW, nch // 2, 2 * CH)
  dst = jnp.concatenate(
      [edge_index[1].astype(jnp.int32), jnp.full((pad,), n, jnp.int32)]
  ).reshape(NW, nch // 2, 2 * CH)

  ones2 = jnp.ones((2 * CH, D), jnp.float32)
  z128 = jnp.zeros((CH, D), jnp.float32)

  sc_counts = _make_sc_counts(n, nch)
  sc_agg = _make_sc_agg(n, nch)
  mm, combine, final = _make_tc_kernels(n)

  b_enc = enc_b.reshape(1, D)
  b_l0 = l0_b.reshape(1, D)
  b_l1 = l1_b.reshape(1, D)
  b_dec = dec_b.reshape(1, D)

  cnt = sc_counts(dst, ones2, z128)
  y = mm(x, enc_Wl)
  p = sc_agg(y, src, dst, z128)
  h, y = combine(p, p, cnt, cnt, x, enc_Wr, b_enc, l0_Wl)
  p = sc_agg(y, src, dst, z128)
  h, y = combine(p, p, cnt, cnt, h, l0_Wr, b_l0, l1_Wl)
  p = sc_agg(y, src, dst, z128)
  h, y = combine(p, p, cnt, cnt, h, l1_Wr, b_l1, dec_Wl)
  p = sc_agg(y, src, dst, z128)
  return final(p, p, cnt, cnt, h, dec_Wr, b_dec)

# --- scband reference (transcript-rebuilt; emitter-appended) ---
"""Pipeline reference for scband-hetero-sage-24773371363384 (READ-ONLY COPY).

The authoritative reference and input builder live on the scoring server;
editing this copy changes nothing except your own understanding.
"""

import jax, jax.numpy as jnp
import numpy as np

N_NODES = 10000
N_EDGES = 320000
D_FEAT = 128
HIDDEN = 128
OUT_DIM = 128


def _glorot(key, fan_in, fan_out):
    limit = float(np.sqrt(6.0 / (fan_in + fan_out)))
    return jax.random.uniform(key, (fan_in, fan_out), dtype=jnp.float32, minval=-limit, maxval=limit)


def setup_inputs(seed: int = 0) -> dict:
    key = jax.random.key(seed)
    ks = jax.random.split(key, 16)
    x = jax.random.normal(ks[0], (N_NODES, D_FEAT), dtype=jnp.float32)
    edge_index = jax.random.randint(ks[1], (2, N_EDGES), 0, N_NODES, dtype=jnp.int64)
    inp = {"x": x, "edge_index": edge_index}
    dims = [(D_FEAT, HIDDEN), (HIDDEN, HIDDEN), (HIDDEN, HIDDEN), (HIDDEN, OUT_DIM)]
    names = ["enc", "l0", "l1", "dec"]
    ki = 2
    for nm, (fi, fo) in zip(names, dims):
        inp[nm + "_Wl"] = _glorot(ks[ki], fi, fo); ki += 1
        inp[nm + "_Wr"] = _glorot(ks[ki], fi, fo); ki += 1
        inp[nm + "_b"] = jnp.zeros((fo,), dtype=jnp.float32)
    return inp


def sage_conv(x, edge_index, Wl, Wr, b):
    # PyG SAGEConv (mean aggr): out = lin_l(mean_j x_j) + lin_r(x_root)
    src = edge_index[0]
    dst = edge_index[1]
    n = x.shape[0]
    msg = x[src]
    summed = jax.ops.segment_sum(msg, dst, num_segments=n)
    cnt = jax.ops.segment_sum(jnp.ones((src.shape[0],), dtype=x.dtype), dst, num_segments=n)
    agg = summed / jnp.clip(cnt, 1.0, None)[:, None]
    return agg @ Wl + x @ Wr + b


def reference(x, edge_index, enc_Wl, enc_Wr, enc_b, l0_Wl, l0_Wr, l0_b, l1_Wl, l1_Wr, l1_b, dec_Wl, dec_Wr, dec_b):
    # dropout is identity in eval mode
    h = jax.nn.leaky_relu(sage_conv(x, edge_index, enc_Wl, enc_Wr, enc_b), 0.1)
    h = jax.nn.leaky_relu(sage_conv(h, edge_index, l0_Wl, l0_Wr, l0_b), 0.1)
    h = jax.nn.leaky_relu(sage_conv(h, edge_index, l1_Wl, l1_Wr, l1_b), 0.1)
    h = sage_conv(h, edge_index, dec_Wl, dec_Wr, dec_b)
    return jax.nn.log_softmax(h, axis=1)

if __name__ == "__main__":
    import jax
    _d = setup_inputs()
    print(jax.jit(kernel)(*tuple(_d.values())))

</pallas_src>

<mosaic_0001>
#map = affine_map<(d0, d1) -> (0, 0)>
#map1 = affine_map<(d0, d1) -> (0, 0, 0)>
module attributes {stable_mosaic.version = 14 : i64} {
  func.func @body(%arg0: i32, %arg1: i32, %arg2: memref<10000x128xf32, #tpu.memory_space<hbm>>, %arg3: memref<32x80x128xi32, #tpu.memory_space<hbm>>, %arg4: memref<32x80x128xi32, #tpu.memory_space<hbm>>, %arg5: memref<64x128xf32, #tpu.memory_space<hbm>>, %arg6: memref<2x10112x128xf32, #tpu.memory_space<hbm>>, %arg7: memref<80x128xi32, #tpu.memory_space<vmem>>, %arg8: memref<40x128xi32, #tpu.memory_space<vmem>>, %arg9: memref<128x128xf32, #tpu.memory_space<vmem>>, %arg10: memref<128x128xf32, #tpu.memory_space<vmem>>, %arg11: memref<10112x128xf32, #tpu.memory_space<vmem_shared>>, %arg12: memref<!tpu.dma_semaphore, #tpu.memory_space<semaphore_mem>>, %arg13: memref<!tpu.dma_semaphore, #tpu.memory_space<semaphore_mem>>, %arg14: memref<!tpu.dma_semaphore, #tpu.memory_space<semaphore_mem>>, %arg15: memref<!tpu.dma_semaphore, #tpu.memory_space<semaphore_mem>>) attributes {dimension_semantics = [#tpu.dimension_semantics<core_parallel>, #tpu.dimension_semantics<subcore_parallel>], iteration_bounds = array<i64: 2, 16>, scalar_prefetch = 0 : i64, scratch_operands = 9 : i64, tpu.core_type = #tpu.core_type<sc_vector_subcore>, window_params = [{transform_indices = #map}, {transform_indices = #map1}, {transform_indices = #map1}, {transform_indices = #map}, {transform_indices = #map1}]} {
    %mul3A = arith.constant 16 : i32
    %mul3A_0 = arith.muli %arg0, %mul3A : i32
    %add3A = arith.addi %mul3A_0, %arg1 : i32
    %dma_start3A = arith.constant 0 : i32
    %dma_start3A_1 = arith.constant 0 : i32
    %dma_start3A_2 = tpu.memref_slice %arg3[%add3A, %dma_start3A, %dma_start3A_1] : memref<32x80x128xi32, #tpu.memory_space<hbm>> -> memref<1x80x128xi32, #tpu.memory_space<hbm>>
    %dma_start3A_3 = tpu.memref_squeeze %dma_start3A_2 : memref<1x80x128xi32, #tpu.memory_space<hbm>> -> memref<80x128xi32, #tpu.memory_space<hbm>>
    %dma_start3A_4 = arith.constant 0 : i32
    %dma_start3A_5 = arith.constant 0 : i32
    %dma_start3A_6 = tpu.memref_slice %arg3[%add3A, %dma_start3A_4, %dma_start3A_5] : memref<32x80x128xi32, #tpu.memory_space<hbm>> -> memref<1x80x128xi32, #tpu.memory_space<hbm>>
    %dma_start3A_7 = tpu.memref_squeeze %dma_start3A_6 : memref<1x80x128xi32, #tpu.memory_space<hbm>> -> memref<80x128xi32, #tpu.memory_space<hbm>>
    tpu.enqueue_dma source(%dma_start3A_7 : memref<80x128xi32, #tpu.memory_space<hbm>>) target(%arg7 : memref<80x128xi32, #tpu.memory_space<vmem>>) target_semaphore(%arg13 : memref<!tpu.dma_semaphore, #tpu.memory_space<semaphore_mem>>)
    "tpu.region"() ({
      %run_scoped3A = tpu.sem_alloc : memref<!tpu.dma_semaphore, #tpu.memory_space<semaphore_mem>>
      %dma_start3A_67 = arith.constant 0 : i32
      %dma_start3A_68 = arith.constant 0 : i32
      %dma_start3A_69 = tpu.memref_slice %arg9[%dma_start3A_67, %dma_start3A_68] : memref<128x128xf32, #tpu.memory_space<vmem>> -> memref<64x128xf32, #tpu.memory_space<vmem>>
      %dma_start3A_70 = arith.constant 0 : i32
      %dma_start3A_71 = arith.constant 0 : i32
      %dma_start3A_72 = tpu.memref_slice %arg9[%dma_start3A_70, %dma_start3A_71] : memref<128x128xf32, #tpu.memory_space<vmem>> -> memref<64x128xf32, #tpu.memory_space<vmem>>
      tpu.enqueue_dma source(%arg5 : memref<64x128xf32, #tpu.memory_space<hbm>>) target(%dma_start3A_72 : memref<64x128xf32, #tpu.memory_space<vmem>>) target_semaphore(%run_scoped3A : memref<!tpu.dma_semaphore, #tpu.memory_space<semaphore_mem>>)
      %dma_wait3A_73 = arith.constant 0 : i32
      %dma_wait3A_74 = arith.constant 0 : i32
      %dma_wait3A_75 = tpu.memref_slice %arg9[%dma_wait3A_73, %dma_wait3A_74] : memref<128x128xf32, #tpu.memory_space<vmem>> -> memref<64x128xf32, #tpu.memory_space<vmem>>
      %dma_wait3A_76 = arith.constant 0 : i32
      %dma_wait3A_77 = arith.constant 0 : i32
      %dma_wait3A_78 = tpu.memref_slice %arg9[%dma_wait3A_76, %dma_wait3A_77] : memref<128x128xf32, #tpu.memory_space<vmem>> -> memref<64x128xf32, #tpu.memory_space<vmem>>
      tpu.wait_dma2 semaphore(%run_scoped3A : memref<!tpu.dma_semaphore, #tpu.memory_space<semaphore_mem>>) src(%arg5 : memref<64x128xf32, #tpu.memory_space<hbm>>) dst(%dma_wait3A_78 : memref<64x128xf32, #tpu.memory_space<vmem>>)
      tpu.yield
    }) : () -> ()
    %scan3A = arith.constant 0 : i32
    %scan3A_8 = arith.constant 9 : i32
    %scan3A_9 = arith.addi %scan3A, %scan3A_8 : i32
    %scan3A_10 = arith.constant 1 : i32
    scf.for %scan3A_67 = %scan3A to %scan3A_9 step %scan3A_10  : i32 {
      %mul3A_68 = arith.constant 1 : i32
      %mul3A_69 = arith.muli %scan3A_67, %mul3A_68 : i32
      %add3A_70 = arith.constant 0 : i32
      %add3A_71 = arith.addi %add3A_70, %mul3A_69 : i32
      %mul3A_72 = arith.constant 632 : i32
      %mul3A_73 = arith.muli %arg1, %mul3A_72 : i32
      %mul3A_74 = arith.constant 64 : i32
      %mul3A_75 = arith.muli %add3A_71, %mul3A_74 : i32
      %add3A_76 = arith.addi %mul3A_73, %mul3A_75 : i32
      %dma_start3A_77 = arith.constant 0 : i32
      %dma_start3A_78 = arith.constant 0 : i32
      %dma_start3A_79 = tpu.memref_slice %arg9[%dma_start3A_77, %dma_start3A_78] : memref<128x128xf32, #tpu.memory_space<vmem>> -> memref<64x128xf32, #tpu.memory_space<vmem>>
      %dma_start3A_80 = arith.constant 0 : i32
      %dma_start3A_81 = tpu.memref_slice %arg11[%add3A_76, %dma_start3A_80] : memref<10112x128xf32, #tpu.memory_space<vmem_shared>> -> memref<64x128xf32, #tpu.memory_space<vmem_shared>>
      %dma_start3A_82 = arith.constant 0 : i32
      %dma_start3A_83 = tpu.memref_slice %arg11[%add3A_76, %dma_start3A_82] : memref<10112x128xf32, #tpu.memory_space<vmem_shared>> -> memref<64x128xf32, #tpu.memory_space<vmem_shared>>
      %dma_start3A_84 = arith.constant 0 : i32
      %dma_start3A_85 = arith.constant 0 : i32
      %dma_start3A_86 = tpu.memref_slice %arg9[%dma_start3A_84, %dma_start3A_85] : memref<128x128xf32, #tpu.memory_space<vmem>> -> memref<64x128xf32, #tpu.memory_space<vmem>>
      tpu.enqueue_dma source(%dma_start3A_86 : memref<64x128xf32, #tpu.memory_space<vmem>>) target(%dma_start3A_83 : memref<64x128xf32, #tpu.memory_space<vmem_shared>>) target_semaphore(%arg14 : memref<!tpu.dma_semaphore, #tpu.memory_space<semaphore_mem>>)
    }
    %scan3A_11 = arith.constant 9 : i32
    %mul3A_12 = arith.constant 632 : i32
    %mul3A_13 = arith.muli %arg1, %mul3A_12 : i32
    %add3A_14 = arith.constant 576 : i32
    %add3A_15 = arith.addi %mul3A_13, %add3A_14 : i32
    %dma_start3A_16 = arith.constant 0 : i32
    %dma_start3A_17 = arith.constant 0 : i32
    %dma_start3A_18 = tpu.memref_slice %arg9[%dma_start3A_16, %dma_start3A_17] : memref<128x128xf32, #tpu.memory_space<vmem>> -> memref<56x128xf32, #tpu.memory_space<vmem>>
    %dma_start3A_19 = arith.constant 0 : i32
    %dma_start3A_20 = tpu.memref_slice %arg11[%add3A_15, %dma_start3A_19] : memref<10112x128xf32, #tpu.memory_space<vmem_shared>> -> memref<56x128xf32, #tpu.memory_space<vmem_shared>>
    %dma_start3A_21 = arith.constant 0 : i32
    %dma_start3A_22 = tpu.memref_slice %arg11[%add3A_15, %dma_start3A_21] : memref<10112x128xf32, #tpu.memory_space<vmem_shared>> -> memref<56x128xf32, #tpu.memory_space<vmem_shared>>
    %dma_start3A_23 = arith.constant 0 : i32
    %dma_start3A_24 = arith.constant 0 : i32
    %dma_start3A_25 = tpu.memref_slice %arg9[%dma_start3A_23, %dma_start3A_24] : memref<128x128xf32, #tpu.memory_space<vmem>> -> memref<56x128xf32, #tpu.memory_space<vmem>>
    tpu.enqueue_dma source(%dma_start3A_25 : memref<56x128xf32, #tpu.memory_space<vmem>>) target(%dma_start3A_22 : memref<56x128xf32, #tpu.memory_space<vmem_shared>>) target_semaphore(%arg15 : memref<!tpu.dma_semaphore, #tpu.memory_space<semaphore_mem>>)
    %scan3A_26 = arith.constant 0 : i32
    %scan3A_27 = arith.constant 9 : i32
    %scan3A_28 = arith.addi %scan3A_26, %scan3A_27 : i32
    %scan3A_29 = arith.constant 1 : i32
    scf.for %scan3A_67 = %scan3A_26 to %scan3A_28 step %scan3A_29  : i32 {
      %mul3A_68 = arith.constant 1 : i32
      %mul3A_69 = arith.muli %scan3A_67, %mul3A_68 : i32
      %add3A_70 = arith.constant 0 : i32
      %add3A_71 = arith.addi %add3A_70, %mul3A_69 : i32
      %mul3A_72 = arith.constant 632 : i32
      %mul3A_73 = arith.muli %arg1, %mul3A_72 : i32
      %mul3A_74 = arith.constant 64 : i32
      %mul3A_75 = arith.muli %add3A_71, %mul3A_74 : i32
      %add3A_76 = arith.addi %mul3A_73, %mul3A_75 : i32
      %dma_wait3A_77 = arith.constant 0 : i32
      %dma_wait3A_78 = arith.constant 0 : i32
      %dma_wait3A_79 = tpu.memref_slice %arg9[%dma_wait3A_77, %dma_wait3A_78] : memref<128x128xf32, #tpu.memory_space<vmem>> -> memref<64x128xf32, #tpu.memory_space<vmem>>
      %dma_wait3A_80 = arith.constant 0 : i32
      %dma_wait3A_81 = tpu.memref_slice %arg11[%add3A_76, %dma_wait3A_80] : memref<10112x128xf32, #tpu.memory_space<vmem_shared>> -> memref<64x128xf32, #tpu.memory_space<vmem_shared>>
      %dma_wait3A_82 = arith.constant 0 : i32
      %dma_wait3A_83 = tpu.memref_slice %arg11[%add3A_76, %dma_wait3A_82] : memref<10112x128xf32, #tpu.memory_space<vmem_shared>> -> memref<64x128xf32, #tpu.memory_space<vmem_shared>>
      %dma_wait3A_84 = arith.constant 0 : i32
      %dma_wait3A_85 = arith.constant 0 : i32
      %dma_wait3A_86 = tpu.memref_slice %arg9[%dma_wait3A_84, %dma_wait3A_85] : memref<128x128xf32, #tpu.memory_space<vmem>> -> memref<64x128xf32, #tpu.memory_space<vmem>>
      tpu.wait_dma2 semaphore(%arg14 : memref<!tpu.dma_semaphore, #tpu.memory_space<semaphore_mem>>) src(%dma_wait3A_86 : memref<64x128xf32, #tpu.memory_space<vmem>>) dst(%dma_wait3A_83 : memref<64x128xf32, #tpu.memory_space<vmem_shared>>)
    }
    %scan3A_30 = arith.constant 9 : i32
    %mul3A_31 = arith.constant 632 : i32
    %mul3A_32 = arith.muli %arg1, %mul3A_31 : i32
    %add3A_33 = arith.constant 576 : i32
    %add3A_34 = arith.addi %mul3A_32, %add3A_33 : i32
    %dma_wait3A = arith.constant 0 : i32
    %dma_wait3A_35 = arith.constant 0 : i32
    %dma_wait3A_36 = tpu.memref_slice %arg9[%dma_wait3A, %dma_wait3A_35] : memref<128x128xf32, #tpu.memory_space<vmem>> -> memref<56x128xf32, #tpu.memory_space<vmem>>
    %dma_wait3A_37 = arith.constant 0 : i32
    %dma_wait3A_38 = tpu.memref_slice %arg11[%add3A_34, %dma_wait3A_37] : memref<10112x128xf32, #tpu.memory_space<vmem_shared>> -> memref<56x128xf32, #tpu.memory_space<vmem_shared>>
    %dma_wait3A_39 = arith.constant 0 : i32
    %dma_wait3A_40 = tpu.memref_slice %arg11[%add3A_34, %dma_wait3A_39] : memref<10112x128xf32, #tpu.memory_space<vmem_shared>> -> memref<56x128xf32, #tpu.memory_space<vmem_shared>>
    %dma_wait3A_41 = arith.constant 0 : i32
    %dma_wait3A_42 = arith.constant 0 : i32
    %dma_wait3A_43 = tpu.memref_slice %arg9[%dma_wait3A_41, %dma_wait3A_42] : memref<128x128xf32, #tpu.memory_space<vmem>> -> memref<56x128xf32, #tpu.memory_space<vmem>>
    tpu.wait_dma2 semaphore(%arg15 : memref<!tpu.dma_semaphore, #tpu.memory_space<semaphore_mem>>) src(%dma_wait3A_43 : memref<56x128xf32, #tpu.memory_space<vmem>>) dst(%dma_wait3A_40 : memref<56x128xf32, #tpu.memory_space<vmem_shared>>)
    %dma_wait3A_44 = arith.constant 0 : i32
    %dma_wait3A_45 = arith.constant 0 : i32
    %dma_wait3A_46 = tpu.memref_slice %arg3[%add3A, %dma_wait3A_44, %dma_wait3A_45] : memref<32x80x128xi32, #tpu.memory_space<hbm>> -> memref<1x80x128xi32, #tpu.memory_space<hbm>>
    %dma_wait3A_47 = tpu.memref_squeeze %dma_wait3A_46 : memref<1x80x128xi32, #tpu.memory_space<hbm>> -> memref<80x128xi32, #tpu.memory_space<hbm>>
    %dma_wait3A_48 = arith.constant 0 : i32
    %dma_wait3A_49 = arith.constant 0 : i32
    %dma_wait3A_50 = tpu.memref_slice %arg3[%add3A, %dma_wait3A_48, %dma_wait3A_49] : memref<32x80x128xi32, #tpu.memory_space<hbm>> -> memref<1x80x128xi32, #tpu.memory_space<hbm>>
    %dma_wait3A_51 = tpu.memref_squeeze %dma_wait3A_50 : memref<1x80x128xi32, #tpu.memory_space<hbm>> -> memref<80x128xi32, #tpu.memory_space<hbm>>
    tpu.wait_dma2 semaphore(%arg13 : memref<!tpu.dma_semaphore, #tpu.memory_space<semaphore_mem>>) src(%dma_wait3A_51 : memref<80x128xi32, #tpu.memory_space<hbm>>) dst(%arg7 : memref<80x128xi32, #tpu.memory_space<vmem>>)
    %barrier3A = arith.constant 0 : index
    tpu.barrier barrier_id(%barrier3A)
    %scan3A_52 = arith.constant 0 : i32
    %scan3A_53 = arith.constant 2 : i32
    %scan3A_54 = arith.addi %scan3A_52, %scan3A_53 : i32
    %scan3A_55 = arith.constant 1 : i32
    scf.for %scan3A_67 = %scan3A_52 to %scan3A_54 step %scan3A_55  : i32 {
      %mul3A_68 = arith.constant 1 : i32
      %mul3A_69 = arith.muli %scan3A_67, %mul3A_68 : i32
      %add3A_70 = arith.constant 0 : i32
      %add3A_71 = arith.addi %add3A_70, %mul3A_69 : i32
      %gt3A = arith.constant 0 : i32
      %gt3A_72 = arith.cmpi sgt, %add3A_71, %gt3A : i32
      %convert_element_type3A = arith.extui %gt3A_72 : i1 to i32
      %cond3A = arith.constant 0 : i32
      %cond3A_73 = arith.cmpi ne, %convert_element_type3A, %cond3A : i32
      scf.if %cond3A_73 {
        %dma_wait3A_132 = arith.constant 39 : i32
        %dma_wait3A_133 = arith.constant 0 : i32
        %dma_wait3A_134 = tpu.memref_slice %arg8[%dma_wait3A_132, %dma_wait3A_133] : memref<40x128xi32, #tpu.memory_space<vmem>> -> memref<1x128xi32, #tpu.memory_space<vmem>>
        %dma_wait3A_135 = tpu.memref_squeeze %dma_wait3A_134 : memref<1x128xi32, #tpu.memory_space<vmem>> -> memref<128xi32, #tpu.memory_space<vmem>>
        %dma_wait3A_136 = arith.constant 0 : i32
        %dma_wait3A_137 = arith.constant 0 : i32
        %dma_wait3A_138 = tpu.memref_slice %arg11[%dma_wait3A_136, %dma_wait3A_137] : memref<10112x128xf32, #tpu.memory_space<vmem_shared>> -> memref<10112x128xf32, #tpu.memory_space<vmem_shared>>
        tpu.wait_indirect_dma semaphore(%arg15 : memref<!tpu.dma_semaphore, #tpu.memory_space<semaphore_mem>>) src(%arg10 : memref<128x128xf32, #tpu.memory_space<vmem>>) dst(%dma_wait3A_138 : memref<10112x128xf32, #tpu.memory_space<vmem_shared>>)
      } else {
      }
      %mul3A_74 = arith.constant 40 : i32
      %mul3A_75 = arith.muli %add3A_71, %mul3A_74 : i32
      "tpu.region"() ({
        %run_scoped3A = tpu.sem_alloc : memref<!tpu.dma_semaphore, #tpu.memory_space<semaphore_mem>>
        %dma_start3A_132 = arith.constant 0 : i32
        %dma_start3A_133 = tpu.memref_slice %arg4[%add3A, %mul3A_75, %dma_start3A_132] : memref<32x80x128xi32, #tpu.memory_space<hbm>> -> memref<1x40x128xi32, #tpu.memory_space<hbm>>
        %dma_start3A_134 = tpu.memref_squeeze %dma_start3A_133 : memref<1x40x128xi32, #tpu.memory_space<hbm>> -> memref<40x128xi32, #tpu.memory_space<hbm>>
        %dma_start3A_135 = arith.constant 0 : i32
        %dma_start3A_136 = tpu.memref_slice %arg4[%add3A, %mul3A_75, %dma_start3A_135] : memref<32x80x128xi32, #tpu.memory_space<hbm>> -> memref<1x40x128xi32, #tpu.memory_space<hbm>>
        %dma_start3A_137 = tpu.memref_squeeze %dma_start3A_136 : memref<1x40x128xi32, #tpu.memory_space<hbm>> -> memref<40x128xi32, #tpu.memory_space<hbm>>
        tpu.enqueue_dma source(%dma_start3A_137 : memref<40x128xi32, #tpu.memory_space<hbm>>) target(%arg8 : memref<40x128xi32, #tpu.memory_space<vmem>>) target_semaphore(%run_scoped3A : memref<!tpu.dma_semaphore, #tpu.memory_space<semaphore_mem>>)
        %dma_wait3A_138 = arith.constant 0 : i32
        %dma_wait3A_139 = tpu.memref_slice %arg4[%add3A, %mul3A_75, %dma_wait3A_138] : memref<32x80x128xi32, #tpu.memory_space<hbm>> -> memref<1x40x128xi32, #tpu.memory_space<hbm>>
        %dma_wait3A_140 = tpu.memref_squeeze %dma_wait3A_139 : memref<1x40x128xi32, #tpu.memory_space<hbm>> -> memref<40x128xi32, #tpu.memory_space<hbm>>
        %dma_wait3A_141 = arith.constant 0 : i32
        %dma_wait3A_142 = tpu.memref_slice %arg4[%add3A, %mul3A_75, %dma_wait3A_141] : memref<32x80x128xi32, #tpu.memory_space<hbm>> -> memref<1x40x128xi32, #tpu.memory_space<hbm>>
        %dma_wait3A_143 = tpu.memref_squeeze %dma_wait3A_142 : memref<1x40x128xi32, #tpu.memory_space<hbm>> -> memref<40x128xi32, #tpu.memory_space<hbm>>
        tpu.wait_dma2 semaphore(%run_scoped3A : memref<!tpu.dma_semaphore, #tpu.memory_space<semaphore_mem>>) src(%dma_wait3A_143 : memref<40x128xi32, #tpu.memory_space<hbm>>) dst(%arg8 : memref<40x128xi32, #tpu.memory_space<vmem>>)
        tpu.yield
      }) : () -> ()
      %mul3A_76 = arith.constant 40 : i32
      %mul3A_77 = arith.muli %add3A_71, %mul3A_76 : i32
      %add3A_78 = arith.constant 0 : i32
      %add3A_79 = arith.addi %mul3A_77, %add3A_78 : i32
      %dma_start3A_80 = arith.constant 0 : i32
      %dma_start3A_81 = tpu.memref_slice %arg7[%add3A_79, %dma_start3A_80] : memref<80x128xi32, #tpu.memory_space<vmem>> -> memref<1x128xi32, #tpu.memory_space<vmem>>
      %dma_start3A_82 = tpu.memref_squeeze %dma_start3A_81 : memref<1x128xi32, #tpu.memory_space<vmem>> -> memref<128xi32, #tpu.memory_space<vmem>>
      %dma_start3A_83 = arith.constant 0 : i32
      %dma_start3A_84 = arith.constant 0 : i32
      %dma_start3A_85 = tpu.memref_slice %arg2[%dma_start3A_83, %dma_start3A_84] : memref<10000x128xf32, #tpu.memory_space<hbm>> -> memref<10000x128xf32, #tpu.memory_space<hbm>>
      tpu.enqueue_indirect_dma source(%dma_start3A_85 : memref<10000x128xf32, #tpu.memory_space<hbm>>) target(%arg9 : memref<128x128xf32, #tpu.memory_space<vmem>>) offsets(%dma_start3A_82 : memref<128xi32, #tpu.memory_space<vmem>>) semaphore(%arg12 : memref<!tpu.dma_semaphore, #tpu.memory_space<semaphore_mem>>)
      %add3A_86 = arith.constant 1 : i32
      %add3A_87 = arith.addi %add3A_79, %add3A_86 : i32
      %dma_start3A_88 = arith.constant 0 : i32
      %dma_start3A_89 = tpu.memref_slice %arg7[%add3A_87, %dma_start3A_88] : memref<80x128xi32, #tpu.memory_space<vmem>> -> memref<1x128xi32, #tpu.memory_space<vmem>>
      %dma_start3A_90 = tpu.memref_squeeze %dma_start3A_89 : memref<1x128xi32, #tpu.memory_space<vmem>> -> memref<128xi32, #tpu.memory_space<vmem>>
      %dma_start3A_91 = arith.constant 0 : i32
      %dma_start3A_92 = arith.constant 0 : i32
      %dma_start3A_93 = tpu.memref_slice %arg2[%dma_start3A_91, %dma_start3A_92] : memref<10000x128xf32, #tpu.memory_space<hbm>> -> memref<10000x128xf32, #tpu.memory_space<hbm>>
      tpu.enqueue_indirect_dma source(%dma_start3A_93 : memref<10000x128xf32, #tpu.memory_space<hbm>>) target(%arg10 : memref<128x128xf32, #tpu.memory_space<vmem>>) offsets(%dma_start3A_90 : memref<128xi32, #tpu.memory_space<vmem>>) semaphore(%arg13 : memref<!tpu.dma_semaphore, #tpu.memory_space<semaphore_mem>>)
      %dma_wait3A_94 = arith.constant 0 : i32
      %dma_wait3A_95 = tpu.memref_slice %arg7[%add3A_79, %dma_wait3A_94] : memref<80x128xi32, #tpu.memory_space<vmem>> -> memref<1x128xi32, #tpu.memory_space<vmem>>
      %dma_wait3A_96 = tpu.memref_squeeze %dma_wait3A_95 : memref<1x128xi32, #tpu.memory_space<vmem>> -> memref<128xi32, #tpu.memory_space<vmem>>
      %dma_wait3A_97 = arith.constant 0 : i32
      %dma_wait3A_98 = arith.constant 0 : i32
      %dma_wait3A_99 = tpu.memref_slice %arg2[%dma_wait3A_97, %dma_wait3A_98] : memref<10000x128xf32, #tpu.memory_space<hbm>> -> memref<10000x128xf32, #tpu.memory_space<hbm>>
      tpu.wait_indirect_dma semaphore(%arg12 : memref<!tpu.dma_semaphore, #tpu.memory_space<semaphore_mem>>) src(%dma_wait3A_99 : memref<10000x128xf32, #tpu.memory_space<hbm>>) dst(%arg9 : memref<128x128xf32, #tpu.memory_space<vmem>>)
      %dma_start3A_100 = arith.constant 0 : i32
      %dma_start3A_101 = arith.constant 0 : i32
      %dma_start3A_102 = tpu.memref_slice %arg8[%dma_start3A_100, %dma_start3A_101] : memref<40x128xi32, #tpu.memory_space<vmem>> -> memref<1x128xi32, #tpu.memory_space<vmem>>
      %dma_start3A_103 = tpu.memref_squeeze %dma_start3A_102 : memref<1x128xi32, #tpu.memory_space<vmem>> -> memref<128xi32, #tpu.memory_space<vmem>>
      %dma_start3A_104 = arith.constant 0 : i32
      %dma_start3A_105 = arith.constant 0 : i32
      %dma_start3A_106 = tpu.memref_slice %arg11[%dma_start3A_104, %dma_start3A_105] : memref<10112x128xf32, #tpu.memory_space<vmem_shared>> -> memref<10112x128xf32, #tpu.memory_space<vmem_shared>>
      tpu.enqueue_indirect_dma source(%arg9 : memref<128x128xf32, #tpu.memory_space<vmem>>) target(%dma_start3A_106 : memref<10112x128xf32, #tpu.memory_space<vmem_shared>>) offsets(%dma_start3A_103 : memref<128xi32, #tpu.memory_space<vmem>>) semaphore(%arg14 : memref<!tpu.dma_semaphore, #tpu.memory_space<semaphore_mem>>) {add = true}
      %dma_wait3A_107 = arith.constant 0 : i32
      %dma_wait3A_108 = tpu.memref_slice %arg7[%add3A_87, %dma_wait3A_107] : memref<80x128xi32, #tpu.memory_space<vmem>> -> memref<1x128xi32, #tpu.memory_space<vmem>>
      %dma_wait3A_109 = tpu.memref_squeeze %dma_wait3A_108 : memref<1x128xi32, #tpu.memory_space<vmem>> -> memref<128xi32, #tpu.memory_space<vmem>>
      %dma_wait3A_110 = arith.constant 0 : i32
      %dma_wait3A_111 = arith.constant 0 : i32
      %dma_wait3A_112 = tpu.memref_slice %arg2[%dma_wait3A_110, %dma_wait3A_111] : memref<10000x128xf32, #tpu.memory_space<hbm>> -> memref<10000x128xf32, #tpu.memory_space<hbm>>
      tpu.wait_indirect_dma semaphore(%arg13 : memref<!tpu.dma_semaphore, #tpu.memory_space<semaphore_mem>>) src(%dma_wait3A_112 : memref<10000x128xf32, #tpu.memory_space<hbm>>) dst(%arg10 : memref<128x128xf32, #tpu.memory_space<vmem>>)
      %dma_start3A_113 = arith.constant 1 : i32
      %dma_start3A_114 = arith.constant 0 : i32
      %dma_start3A_115 = tpu.memref_slice %arg8[%dma_start3A_113, %dma_start3A_114] : memref<40x128xi32, #tpu.memory_space<vmem>> -> memref<1x128xi32, #tpu.memory_space<vmem>>
      %dma_start3A_116 = tpu.memref_squeeze %dma_start3A_115 : memref<1x128xi32, #tpu.memory_space<vmem>> -> memref<128xi32, #tpu.memory_space<vmem>>
      %dma_start3A_117 = arith.constant 0 : i32
      %dma_start3A_118 = arith.constant 0 : i32
      %dma_start3A_119 = tpu.memref_slice %arg11[%dma_start3A_117, %dma_start3A_118] : memref<10112x128xf32, #tpu.memory_space<vmem_shared>> -> memref<10112x128xf32, #tpu.memory_space<vmem_shared>>
      tpu.enqueue_indirect_dma source(%arg10 : memref<128x128xf32, #tpu.memory_space<vmem>>) target(%dma_start3A_119 : memref<10112x128xf32, #tpu.memory_space<vmem_shared>>) offsets(%dma_start3A_116 : memref<128xi32, #tpu.memory_space<vmem>>) semaphore(%arg15 : memref<!tpu.dma_semaphore, #tpu.memory_space<semaphore_mem>>) {add = true}
      %dma_wait3A_120 = arith.constant 0 : i32
      %dma_wait3A_121 = arith.constant 0 : i32
      %dma_wait3A_122 = tpu.memref_slice %arg8[%dma_wait3A_120, %dma_wait3A_121] : memref<40x128xi32, #tpu.memory_space<vmem>> -> memref<1x128xi32, #tpu.memory_space<vmem>>
      %dma_wait3A_123 = tpu.memref_squeeze %dma_wait3A_122 : memref<1x128xi32, #tpu.memory_space<vmem>> -> memref<128xi32, #tpu.memory_space<vmem>>
      %dma_wait3A_124 = arith.constant 0 : i32
      %dma_wait3A_125 = arith.constant 0 : i32
      %dma_wait3A_126 = tpu.memref_slice %arg11[%dma_wait3A_124, %dma_wait3A_125] : memref<10112x128xf32, #tpu.memory_space<vmem_shared>> -> memref<10112x128xf32, #tpu.memory_space<vmem_shared>>
      tpu.wait_indirect_dma semaphore(%arg14 : memref<!tpu.dma_semaphore, #tpu.memory_space<semaphore_mem>>) src(%arg9 : memref<128x128xf32, #tpu.memory_space<vmem>>) dst(%dma_wait3A_126 : memref<10112x128xf32, #tpu.memory_space<vmem_shared>>)
      %scan3A_127 = arith.constant 0 : i32
      %scan3A_128 = arith.constant 19 : i32
      %scan3A_129 = arith.addi %scan3A_127, %scan3A_128 : i32
      %scan3A_130 = arith.constant 1 : i32
      scf.for %scan3A_132 = %scan3A_127 to %scan3A_129 step %scan3A_130  : i32 {
        %mul3A_133 = arith.constant 1 : i32
        %mul3A_134 = arith.muli %scan3A_132, %mul3A_133 : i32
        %add3A_135 = arith.constant 1 : i32
        %add3A_136 = arith.addi %add3A_135, %mul3A_134 : i32
        %mul3A_137 = arith.constant 2 : i32
        %mul3A_138 = arith.muli %mul3A_137, %add3A_136 : i32
        %mul3A_139 = arith.constant 40 : i32
        %mul3A_140 = arith.muli %add3A_71, %mul3A_139 : i32
        %add3A_141 = arith.addi %mul3A_140, %mul3A_138 : i32
        %dma_start3A_142 = arith.constant 0 : i32
        %dma_start3A_143 = tpu.memref_slice %arg7[%add3A_141, %dma_start3A_142] : memref<80x128xi32, #tpu.memory_space<vmem>> -> memref<1x128xi32, #tpu.memory_space<vmem>>
        %dma_start3A_144 = tpu.memref_squeeze %dma_start3A_143 : memref<1x128xi32, #tpu.memory_space<vmem>> -> memref<128xi32, #tpu.memory_space<vmem>>
        %dma_start3A_145 = arith.constant 0 : i32
        %dma_start3A_146 = arith.constant 0 : i32
        %dma_start3A_147 = tpu.memref_slice %arg2[%dma_start3A_145, %dma_start3A_146] : memref<10000x128xf32, #tpu.memory_space<hbm>> -> memref<10000x128xf32, #tpu.memory_space<hbm>>
        tpu.enqueue_indirect_dma source(%dma_start3A_147 : memref<10000x128xf32, #tpu.memory_space<hbm>>) target(%arg9 : memref<128x128xf32, #tpu.memory_space<vmem>>) offsets(%dma_start3A_144 : memref<128xi32, #tpu.memory_space<vmem>>) semaphore(%arg12 : memref<!tpu.dma_semaphore, #tpu.memory_space<semaphore_mem>>)
        %dma_wait3A_148 = arith.constant 0 : i32
        %dma_wait3A_149 = tpu.memref_slice %arg8[%mul3A_138, %dma_wait3A_148] : memref<40x128xi32, #tpu.memory_space<vmem>> -> memref<1x128xi32, #tpu.memory_space<vmem>>
        %dma_wait3A_150 = tpu.memref_squeeze %dma_wait3A_149 : memref<1x128xi32, #tpu.memory_space<vmem>> -> memref<128xi32, #tpu.memory_space<vmem>>
        %dma_wait3A_151 = arith.constant 0 : i32
        %dma_wait3A_152 = arith.constant 0 : i32
        %dma_wait3A_153 = tpu.memref_slice %arg11[%dma_wait3A_151, %dma_wait3A_152] : memref<10112x128xf32, #tpu.memory_space<vmem_shared>> -> memref<10112x128xf32, #tpu.memory_space<vmem_shared>>
        tpu.wait_indirect_dma semaphore(%arg15 : memref<!tpu.dma_semaphore, #tpu.memory_space<semaphore_mem>>) src(%arg10 : memref<128x128xf32, #tpu.memory_space<vmem>>) dst(%dma_wait3A_153 : memref<10112x128xf32, #tpu.memory_space<vmem_shared>>)
        %add3A_154 = arith.constant 1 : i32
        %add3A_155 = arith.addi %add3A_141, %add3A_154 : i32
        %dma_start3A_156 = arith.constant 0 : i32
        %dma_start3A_157 = tpu.memref_slice %arg7[%add3A_155, %dma_start3A_156] : memref<80x128xi32, #tpu.memory_space<vmem>> -> memref<1x128xi32, #tpu.memory_space<vmem>>
        %dma_start3A_158 = tpu.memref_squeeze %dma_start3A_157 : memref<1x128xi32, #tpu.memory_space<vmem>> -> memref<128xi32, #tpu.memory_space<vmem>>
        %dma_start3A_159 = arith.constant 0 : i32
        %dma_start3A_160 = arith.constant 0 : i32
        %dma_start3A_161 = tpu.memref_slice %arg2[%dma_start3A_159, %dma_start3A_160] : memref<10000x128xf32, #tpu.memory_space<hbm>> -> memref<10000x128xf32, #tpu.memory_space<hbm>>
        tpu.enqueue_indirect_dma source(%dma_start3A_161 : memref<10000x128xf32, #tpu.memory_space<hbm>>) target(%arg10 : memref<128x128xf32, #tpu.memory_space<vmem>>) offsets(%dma_start3A_158 : memref<128xi32, #tpu.memory_space<vmem>>) semaphore(%arg13 : memref<!tpu.dma_semaphore, #tpu.memory_space<semaphore_mem>>)
        %dma_wait3A_162 = arith.constant 0 : i32
        %dma_wait3A_163 = tpu.memref_slice %arg7[%add3A_141, %dma_wait3A_162] : memref<80x128xi32, #tpu.memory_space<vmem>> -> memref<1x128xi32, #tpu.memory_space<vmem>>
        %dma_wait3A_164 = tpu.memref_squeeze %dma_wait3A_163 : memref<1x128xi32, #tpu.memory_space<vmem>> -> memref<128xi32, #tpu.memory_space<vmem>>
        %dma_wait3A_165 = arith.constant 0 : i32
        %dma_wait3A_166 = arith.constant 0 : i32
        %dma_wait3A_167 = tpu.memref_slice %arg2[%dma_wait3A_165, %dma_wait3A_166] : memref<10000x128xf32, #tpu.memory_space<hbm>> -> memref<10000x128xf32, #tpu.memory_space<hbm>>
        tpu.wait_indirect_dma semaphore(%arg12 : memref<!tpu.dma_semaphore, #tpu.memory_space<semaphore_mem>>) src(%dma_wait3A_167 : memref<10000x128xf32, #tpu.memory_space<hbm>>) dst(%arg9 : memref<128x128xf32, #tpu.memory_space<vmem>>)
        %dma_start3A_168 = arith.constant 0 : i32
        %dma_start3A_169 = tpu.memref_slice %arg8[%mul3A_138, %dma_start3A_168] : memref<40x128xi32, #tpu.memory_space<vmem>> -> memref<1x128xi32, #tpu.memory_space<vmem>>
        %dma_start3A_170 = tpu.memref_squeeze %dma_start3A_169 : memref<1x128xi32, #tpu.memory_space<vmem>> -> memref<128xi32, #tpu.memory_space<vmem>>
        %dma_start3A_171 = arith.constant 0 : i32
        %dma_start3A_172 = arith.constant 0 : i32
        %dma_start3A_173 = tpu.memref_slice %arg11[%dma_start3A_171, %dma_start3A_172] : memref<10112x128xf32, #tpu.memory_space<vmem_shared>> -> memref<10112x128xf32, #tpu.memory_space<vmem_shared>>
        tpu.enqueue_indirect_dma source(%arg9 : memref<128x128xf32, #tpu.memory_space<vmem>>) target(%dma_start3A_173 : memref<10112x128xf32, #tpu.memory_space<vmem_shared>>) offsets(%dma_start3A_170 : memref<128xi32, #tpu.memory_space<vmem>>) semaphore(%arg14 : memref<!tpu.dma_semaphore, #tpu.memory_space<semaphore_mem>>) {add = true}
        %dma_wait3A_174 = arith.constant 0 : i32
        %dma_wait3A_175 = tpu.memref_slice %arg7[%add3A_155, %dma_wait3A_174] : memref<80x128xi32, #tpu.memory_space<vmem>> -> memref<1x128xi32, #tpu.memory_space<vmem>>
        %dma_wait3A_176 = tpu.memref_squeeze %dma_wait3A_175 : memref<1x128xi32, #tpu.memory_space<vmem>> -> memref<128xi32, #tpu.memory_space<vmem>>
        %dma_wait3A_177 = arith.constant 0 : i32
        %dma_wait3A_178 = arith.constant 0 : i32
        %dma_wait3A_179 = tpu.memref_slice %arg2[%dma_wait3A_177, %dma_wait3A_178] : memref<10000x128xf32, #tpu.memory_space<hbm>> -> memref<10000x128xf32, #tpu.memory_space<hbm>>
        tpu.wait_indirect_dma semaphore(%arg13 : memref<!tpu.dma_semaphore, #tpu.memory_space<semaphore_mem>>) src(%dma_wait3A_179 : memref<10000x128xf32, #tpu.memory_space<hbm>>) dst(%arg10 : memref<128x128xf32, #tpu.memory_space<vmem>>)
        %add3A_180 = arith.constant 1 : i32
        %add3A_181 = arith.addi %mul3A_138, %add3A_180 : i32
        %dma_start3A_182 = arith.constant 0 : i32
        %dma_start3A_183 = tpu.memref_slice %arg8[%add3A_181, %dma_start3A_182] : memref<40x128xi32, #tpu.memory_space<vmem>> -> memref<1x128xi32, #tpu.memory_space<vmem>>
        %dma_start3A_184 = tpu.memref_squeeze %dma_start3A_183 : memref<1x128xi32, #tpu.memory_space<vmem>> -> memref<128xi32, #tpu.memory_space<vmem>>
        %dma_start3A_185 = arith.constant 0 : i32
        %dma_start3A_186 = arith.constant 0 : i32
        %dma_start3A_187 = tpu.memref_slice %arg11[%dma_start3A_185, %dma_start3A_186] : memref<10112x128xf32, #tpu.memory_space<vmem_shared>> -> memref<10112x128xf32, #tpu.memory_space<vmem_shared>>
        tpu.enqueue_indirect_dma source(%arg10 : memref<128x128xf32, #tpu.memory_space<vmem>>) target(%dma_start3A_187 : memref<10112x128xf32, #tpu.memory_space<vmem_shared>>) offsets(%dma_start3A_184 : memref<128xi32, #tpu.memory_space<vmem>>) semaphore(%arg15 : memref<!tpu.dma_semaphore, #tpu.memory_space<semaphore_mem>>) {add = true}
        %dma_wait3A_188 = arith.constant 0 : i32
        %dma_wait3A_189 = tpu.memref_slice %arg8[%mul3A_138, %dma_wait3A_188] : memref<40x128xi32, #tpu.memory_space<vmem>> -> memref<1x128xi32, #tpu.memory_space<vmem>>
        %dma_wait3A_190 = tpu.memref_squeeze %dma_wait3A_189 : memref<1x128xi32, #tpu.memory_space<vmem>> -> memref<128xi32, #tpu.memory_space<vmem>>
        %dma_wait3A_191 = arith.constant 0 : i32
        %dma_wait3A_192 = arith.constant 0 : i32
        %dma_wait3A_193 = tpu.memref_slice %arg11[%dma_wait3A_191, %dma_wait3A_192] : memref<10112x128xf32, #tpu.memory_space<vmem_shared>> -> memref<10112x128xf32, #tpu.memory_space<vmem_shared>>
        tpu.wait_indirect_dma semaphore(%arg14 : memref<!tpu.dma_semaphore, #tpu.memory_space<semaphore_mem>>) src(%arg9 : memref<128x128xf32, #tpu.memory_space<vmem>>) dst(%dma_wait3A_193 : memref<10112x128xf32, #tpu.memory_space<vmem_shared>>)
      }
      %scan3A_131 = arith.constant 19 : i32
    }
    %scan3A_56 = arith.constant 2 : i32
    %dma_wait3A_57 = arith.constant 39 : i32
    %dma_wait3A_58 = arith.constant 0 : i32
    %dma_wait3A_59 = tpu.memref_slice %arg8[%dma_wait3A_57, %dma_wait3A_58] : memref<40x128xi32, #tpu.memory_space<vmem>> -> memref<1x128xi32, #tpu.memory_space<vmem>>
    %dma_wait3A_60 = tpu.memref_squeeze %dma_wait3A_59 : memref<1x128xi32, #tpu.memory_space<vmem>> -> memref<128xi32, #tpu.memory_space<vmem>>
    %dma_wait3A_61 = arith.constant 0 : i32
    %dma_wait3A_62 = arith.constant 0 : i32
    %dma_wait3A_63 = tpu.memref_slice %arg11[%dma_wait3A_61, %dma_wait3A_62] : memref<10112x128xf32, #tpu.memory_space<vmem_shared>> -> memref<10112x128xf32, #tpu.memory_space<vmem_shared>>
    tpu.wait_indirect_dma semaphore(%arg15 : memref<!tpu.dma_semaphore, #tpu.memory_space<semaphore_mem>>) src(%arg10 : memref<128x128xf32, #tpu.memory_space<vmem>>) dst(%dma_wait3A_63 : memref<10112x128xf32, #tpu.memory_space<vmem_shared>>)
    %barrier3A_64 = arith.constant 0 : index
    tpu.barrier barrier_id(%barrier3A_64)
    %mul3A_65 = arith.constant 632 : i32
    %mul3A_66 = arith.muli %arg1, %mul3A_65 : i32
    "tpu.region"() ({
      %run_scoped3A = tpu.sem_alloc : memref<!tpu.dma_semaphore, #tpu.memory_space<semaphore_mem>>
      %dma_start3A_67 = arith.constant 0 : i32
      %dma_start3A_68 = tpu.memref_slice %arg6[%arg0, %mul3A_66, %dma_start3A_67] : memref<2x10112x128xf32, #tpu.memory_space<hbm>> -> memref<1x632x128xf32, #tpu.memory_space<hbm>>
      %dma_start3A_69 = tpu.memref_squeeze %dma_start3A_68 : memref<1x632x128xf32, #tpu.memory_space<hbm>> -> memref<632x128xf32, #tpu.memory_space<hbm>>
      %dma_start3A_70 = arith.constant 0 : i32
      %dma_start3A_71 = tpu.memref_slice %arg11[%mul3A_66, %dma_start3A_70] : memref<10112x128xf32, #tpu.memory_space<vmem_shared>> -> memref<632x128xf32, #tpu.memory_space<vmem_shared>>
      tpu.enqueue_dma source(%dma_start3A_71 : memref<632x128xf32, #tpu.memory_space<vmem_shared>>) target(%dma_start3A_69 : memref<632x128xf32, #tpu.memory_space<hbm>>) target_semaphore(%run_scoped3A : memref<!tpu.dma_semaphore, #tpu.memory_space<semaphore_mem>>)
      %dma_wait3A_72 = arith.constant 0 : i32
      %dma_wait3A_73 = tpu.memref_slice %arg6[%arg0, %mul3A_66, %dma_wait3A_72] : memref<2x10112x128xf32, #tpu.memory_space<hbm>> -> memref<1x632x128xf32, #tpu.memory_space<hbm>>
      %dma_wait3A_74 = tpu.memref_squeeze %dma_wait3A_73 : memref<1x632x128xf32, #tpu.memory_space<hbm>> -> memref<632x128xf32, #tpu.memory_space<hbm>>
      %dma_wait3A_75 = arith.constant 0 : i32
      %dma_wait3A_76 = tpu.memref_slice %arg11[%mul3A_66, %dma_wait3A_75] : memref<10112x128xf32, #tpu.memory_space<vmem_shared>> -> memref<632x128xf32, #tpu.memory_space<vmem_shared>>
      tpu.wait_dma2 semaphore(%run_scoped3A : memref<!tpu.dma_semaphore, #tpu.memory_space<semaphore_mem>>) src(%dma_wait3A_76 : memref<632x128xf32, #tpu.memory_space<vmem_shared>>) dst(%dma_wait3A_74 : memref<632x128xf32, #tpu.memory_space<hbm>>)
      tpu.yield
    }) : () -> ()
    return
  }
}

#map = affine_map<(d0, d1) -> (0, 0)>
#map1 = affine_map<(d0, d1) -> (0, 0, 0)>
module attributes {stable_mosaic.version = 14 : i64} {
  func.func @body(%arg0: i32, %arg1: i32, %arg2: memref<10000x128xf32, #tpu.memory_space<hbm>>, %arg3: memref<32x80x128xi32, #tpu.memory_space<hbm>>, %arg4: memref<32x80x128xi32, #tpu.memory_space<hbm>>, %arg5: memref<64x128xf32, #tpu.memory_space<hbm>>, %arg6: memref<2x10112x128xf32, #tpu.memory_space<hbm>>, %arg7: memref<80x128xi32, #tpu.memory_space<vmem>>, %arg8: memref<40x128xi32, #tpu.memory_space<vmem>>, %arg9: memref<128x128xf32, #tpu.memory_space<vmem>>, %arg10: memref<128x128xf32, #tpu.memory_space<vmem>>, %arg11: memref<10112x128xf32, #tpu.memory_space<vmem_shared>>, %arg12: memref<!tpu.dma_semaphore, #tpu.memory_space<semaphore_mem>>, %arg13: memref<!tpu.dma_semaphore, #tpu.memory_space<semaphore_mem>>, %arg14: memref<!tpu.dma_semaphore, #tpu.memory_space<semaphore_mem>>, %arg15: memref<!tpu.dma_semaphore, #tpu.memory_space<semaphore_mem>>) attributes {dimension_semantics = [#tpu.dimension_semantics<core_parallel>, #tpu.dimension_semantics<subcore_parallel>], iteration_bounds = array<i64: 2, 16>, scalar_prefetch = 0 : i64, scratch_operands = 9 : i64, tpu.core_type = #tpu.core_type<sc_vector_subcore>, window_params = [{transform_indices = #map}, {transform_indices = #map1}, {transform_indices = #map1}, {transform_indices = #map}, {transform_indices = #map1}]} {
    %mul3A = arith.constant 16 : i32
    %mul3A_0 = arith.muli %arg0, %mul3A : i32
    %add3A = arith.addi %mul3A_0, %arg1 : i32
    %dma_start3A = arith.constant 0 : i32
    %dma_start3A_1 = arith.constant 0 : i32
    %dma_start3A_2 = tpu.memref_slice %arg3[%add3A, %dma_start3A, %dma_start3A_1] : memref<32x80x128xi32, #tpu.memory_space<hbm>> -> memref<1x80x128xi32, #tpu.memory_space<hbm>>
    %dma_start3A_3 = tpu.memref_squeeze %dma_start3A_2 : memref<1x80x128xi32, #tpu.memory_space<hbm>> -> memref<80x128xi32, #tpu.memory_space<hbm>>
    %dma_start3A_4 = arith.constant 0 : i32
    %dma_start3A_5 = arith.constant 0 : i32
    %dma_start3A_6 = tpu.memref_slice %arg3[%add3A, %dma_start3A_4, %dma_start3A_5] : memref<32x80x128xi32, #tpu.memory_space<hbm>> -> memref<1x80x128xi32, #tpu.memory_space<hbm>>
    %dma_start3A_7 = tpu.memref_squeeze %dma_start3A_6 : memref<1x80x128xi32, #tpu.memory_space<hbm>> -> memref<80x128xi32, #tpu.memory_space<hbm>>
    tpu.enqueue_dma source(%dma_start3A_7 : memref<80x128xi32, #tpu.memory_space<hbm>>) target(%arg7 : memref<80x128xi32, #tpu.memory_space<vmem>>) target_semaphore(%arg13 : memref<!tpu.dma_semaphore, #tpu.memory_space<semaphore_mem>>)
    "tpu.region"() ({
      %run_scoped3A = tpu.sem_alloc : memref<!tpu.dma_semaphore, #tpu.memory_space<semaphore_mem>>
      %dma_start3A_67 = arith.constant 0 : i32
      %dma_start3A_68 = arith.constant 0 : i32
      %dma_start3A_69 = tpu.memref_slice %arg9[%dma_start3A_67, %dma_start3A_68] : memref<128x128xf32, #tpu.memory_space<vmem>> -> memref<64x128xf32, #tpu.memory_space<vmem>>
      %dma_start3A_70 = arith.constant 0 : i32
      %dma_start3A_71 = arith.constant 0 : i32
      %dma_start3A_72 = tpu.memref_slice %arg9[%dma_start3A_70, %dma_start3A_71] : memref<128x128xf32, #tpu.memory_space<vmem>> -> memref<64x128xf32, #tpu.memory_space<vmem>>
      tpu.enqueue_dma source(%arg5 : memref<64x128xf32, #tpu.memory_space<hbm>>) target(%dma_start3A_72 : memref<64x128xf32, #tpu.memory_space<vmem>>) target_semaphore(%run_scoped3A : memref<!tpu.dma_semaphore, #tpu.memory_space<semaphore_mem>>)
      %dma_wait3A_73 = arith.constant 0 : i32
      %dma_wait3A_74 = arith.constant 0 : i32
      %dma_wait3A_75 = tpu.memref_slice %arg9[%dma_wait3A_73, %dma_wait3A_74] : memref<128x128xf32, #tpu.memory_space<vmem>> -> memref<64x128xf32, #tpu.memory_space<vmem>>
      %dma_wait3A_76 = arith.constant 0 : i32
      %dma_wait3A_77 = arith.constant 0 : i32
      %dma_wait3A_78 = tpu.memref_slice %arg9[%dma_wait3A_76, %dma_wait3A_77] : memref<128x128xf32, #tpu.memory_space<vmem>> -> memref<64x128xf32, #tpu.memory_space<vmem>>
      tpu.wait_dma2 semaphore(%run_scoped3A : memref<!tpu.dma_semaphore, #tpu.memory_space<semaphore_mem>>) src(%arg5 : memref<64x128xf32, #tpu.memory_space<hbm>>) dst(%dma_wait3A_78 : memref<64x128xf32, #tpu.memory_space<vmem>>)
      tpu.yield
    }) : () -> ()
    %scan3A = arith.constant 0 : i32
    %scan3A_8 = arith.constant 9 : i32
    %scan3A_9 = arith.addi %scan3A, %scan3A_8 : i32
    %scan3A_10 = arith.constant 1 : i32
    scf.for %scan3A_67 = %scan3A to %scan3A_9 step %scan3A_10  : i32 {
      %mul3A_68 = arith.constant 1 : i32
      %mul3A_69 = arith.muli %scan3A_67, %mul3A_68 : i32
      %add3A_70 = arith.constant 0 : i32
      %add3A_71 = arith.addi %add3A_70, %mul3A_69 : i32
      %mul3A_72 = arith.constant 632 : i32
      %mul3A_73 = arith.muli %arg1, %mul3A_72 : i32
      %mul3A_74 = arith.constant 64 : i32
      %mul3A_75 = arith.muli %add3A_71, %mul3A_74 : i32
      %add3A_76 = arith.addi %mul3A_73, %mul3A_75 : i32
      %dma_start3A_77 = arith.constant 0 : i32
      %dma_start3A_78 = arith.constant 0 : i32
      %dma_start3A_79 = tpu.memref_slice %arg9[%dma_start3A_77, %dma_start3A_78] : memref<128x128xf32, #tpu.memory_space<vmem>> -> memref<64x128xf32, #tpu.memory_space<vmem>>
      %dma_start3A_80 = arith.constant 0 : i32
      %dma_start3A_81 = tpu.memref_slice %arg11[%add3A_76, %dma_start3A_80] : memref<10112x128xf32, #tpu.memory_space<vmem_shared>> -> memref<64x128xf32, #tpu.memory_space<vmem_shared>>
      %dma_start3A_82 = arith.constant 0 : i32
      %dma_start3A_83 = tpu.memref_slice %arg11[%add3A_76, %dma_start3A_82] : memref<10112x128xf32, #tpu.memory_space<vmem_shared>> -> memref<64x128xf32, #tpu.memory_space<vmem_shared>>
      %dma_start3A_84 = arith.constant 0 : i32
      %dma_start3A_85 = arith.constant 0 : i32
      %dma_start3A_86 = tpu.memref_slice %arg9[%dma_start3A_84, %dma_start3A_85] : memref<128x128xf32, #tpu.memory_space<vmem>> -> memref<64x128xf32, #tpu.memory_space<vmem>>
      tpu.enqueue_dma source(%dma_start3A_86 : memref<64x128xf32, #tpu.memory_space<vmem>>) target(%dma_start3A_83 : memref<64x128xf32, #tpu.memory_space<vmem_shared>>) target_semaphore(%arg14 : memref<!tpu.dma_semaphore, #tpu.memory_space<semaphore_mem>>)
    }
    %scan3A_11 = arith.constant 9 : i32
    %mul3A_12 = arith.constant 632 : i32
    %mul3A_13 = arith.muli %arg1, %mul3A_12 : i32
    %add3A_14 = arith.constant 576 : i32
    %add3A_15 = arith.addi %mul3A_13, %add3A_14 : i32
    %dma_start3A_16 = arith.constant 0 : i32
    %dma_start3A_17 = arith.constant 0 : i32
    %dma_start3A_18 = tpu.memref_slice %arg9[%dma_start3A_16, %dma_start3A_17] : memref<128x128xf32, #tpu.memory_space<vmem>> -> memref<56x128xf32, #tpu.memory_space<vmem>>
    %dma_start3A_19 = arith.constant 0 : i32
    %dma_start3A_20 = tpu.memref_slice %arg11[%add3A_15, %dma_start3A_19] : memref<10112x128xf32, #tpu.memory_space<vmem_shared>> -> memref<56x128xf32, #tpu.memory_space<vmem_shared>>
    %dma_start3A_21 = arith.constant 0 : i32
    %dma_start3A_22 = tpu.memref_slice %arg11[%add3A_15, %dma_start3A_21] : memref<10112x128xf32, #tpu.memory_space<vmem_shared>> -> memref<56x128xf32, #tpu.memory_space<vmem_shared>>
    %dma_start3A_23 = arith.constant 0 : i32
    %dma_start3A_24 = arith.constant 0 : i32
    %dma_start3A_25 = tpu.memref_slice %arg9[%dma_start3A_23, %dma_start3A_24] : memref<128x128xf32, #tpu.memory_space<vmem>> -> memref<56x128xf32, #tpu.memory_space<vmem>>
    tpu.enqueue_dma source(%dma_start3A_25 : memref<56x128xf32, #tpu.memory_space<vmem>>) target(%dma_start3A_22 : memref<56x128xf32, #tpu.memory_space<vmem_shared>>) target_semaphore(%arg15 : memref<!tpu.dma_semaphore, #tpu.memory_space<semaphore_mem>>)
    %scan3A_26 = arith.constant 0 : i32
    %scan3A_27 = arith.constant 9 : i32
    %scan3A_28 = arith.addi %scan3A_26, %scan3A_27 : i32
    %scan3A_29 = arith.constant 1 : i32
    scf.for %scan3A_67 = %scan3A_26 to %scan3A_28 step %scan3A_29  : i32 {
      %mul3A_68 = arith.constant 1 : i32
      %mul3A_69 = arith.muli %scan3A_67, %mul3A_68 : i32
      %add3A_70 = arith.constant 0 : i32
      %add3A_71 = arith.addi %add3A_70, %mul3A_69 : i32
      %mul3A_72 = arith.constant 632 : i32
      %mul3A_73 = arith.muli %arg1, %mul3A_72 : i32
      %mul3A_74 = arith.constant 64 : i32
      %mul3A_75 = arith.muli %add3A_71, %mul3A_74 : i32
      %add3A_76 = arith.addi %mul3A_73, %mul3A_75 : i32
      %dma_wait3A_77 = arith.constant 0 : i32
      %dma_wait3A_78 = arith.constant 0 : i32
      %dma_wait3A_79 = tpu.memref_slice %arg9[%dma_wait3A_77, %dma_wait3A_78] : memref<128x128xf32, #tpu.memory_space<vmem>> -> memref<64x128xf32, #tpu.memory_space<vmem>>
      %dma_wait3A_80 = arith.constant 0 : i32
      %dma_wait3A_81 = tpu.memref_slice %arg11[%add3A_76, %dma_wait3A_80] : memref<10112x128xf32, #tpu.memory_space<vmem_shared>> -> memref<64x128xf32, #tpu.memory_space<vmem_shared>>
      %dma_wait3A_82 = arith.constant 0 : i32
      %dma_wait3A_83 = tpu.memref_slice %arg11[%add3A_76, %dma_wait3A_82] : memref<10112x128xf32, #tpu.memory_space<vmem_shared>> -> memref<64x128xf32, #tpu.memory_space<vmem_shared>>
      %dma_wait3A_84 = arith.constant 0 : i32
      %dma_wait3A_85 = arith.constant 0 : i32
      %dma_wait3A_86 = tpu.memref_slice %arg9[%dma_wait3A_84, %dma_wait3A_85] : memref<128x128xf32, #tpu.memory_space<vmem>> -> memref<64x128xf32, #tpu.memory_space<vmem>>
      tpu.wait_dma2 semaphore(%arg14 : memref<!tpu.dma_semaphore, #tpu.memory_space<semaphore_mem>>) src(%dma_wait3A_86 : memref<64x128xf32, #tpu.memory_space<vmem>>) dst(%dma_wait3A_83 : memref<64x128xf32, #tpu.memory_space<vmem_shared>>)
    }
    %scan3A_30 = arith.constant 9 : i32
    %mul3A_31 = arith.constant 632 : i32
    %mul3A_32 = arith.muli %arg1, %mul3A_31 : i32
    %add3A_33 = arith.constant 576 : i32
    %add3A_34 = arith.addi %mul3A_32, %add3A_33 : i32
    %dma_wait3A = arith.constant 0 : i32
    %dma_wait3A_35 = arith.constant 0 : i32
    %dma_wait3A_36 = tpu.memref_slice %arg9[%dma_wait3A, %dma_wait3A_35] : memref<128x128xf32, #tpu.memory_space<vmem>> -> memref<56x128xf32, #tpu.memory_space<vmem>>
    %dma_wait3A_37 = arith.constant 0 : i32
    %dma_wait3A_38 = tpu.memref_slice %arg11[%add3A_34, %dma_wait3A_37] : memref<10112x128xf32, #tpu.memory_space<vmem_shared>> -> memref<56x128xf32, #tpu.memory_space<vmem_shared>>
    %dma_wait3A_39 = arith.constant 0 : i32
    %dma_wait3A_40 = tpu.memref_slice %arg11[%add3A_34, %dma_wait3A_39] : memref<10112x128xf32, #tpu.memory_space<vmem_shared>> -> memref<56x128xf32, #tpu.memory_space<vmem_shared>>
    %dma_wait3A_41 = arith.constant 0 : i32
    %dma_wait3A_42 = arith.constant 0 : i32
    %dma_wait3A_43 = tpu.memref_slice %arg9[%dma_wait3A_41, %dma_wait3A_42] : memref<128x128xf32, #tpu.memory_space<vmem>> -> memref<56x128xf32, #tpu.memory_space<vmem>>
    tpu.wait_dma2 semaphore(%arg15 : memref<!tpu.dma_semaphore, #tpu.memory_space<semaphore_mem>>) src(%dma_wait3A_43 : memref<56x128xf32, #tpu.memory_space<vmem>>) dst(%dma_wait3A_40 : memref<56x128xf32, #tpu.memory_space<vmem_shared>>)
    %dma_wait3A_44 = arith.constant 0 : i32
    %dma_wait3A_45 = arith.constant 0 : i32
    %dma_wait3A_46 = tpu.memref_slice %arg3[%add3A, %dma_wait3A_44, %dma_wait3A_45] : memref<32x80x128xi32, #tpu.memory_space<hbm>> -> memref<1x80x128xi32, #tpu.memory_space<hbm>>
    %dma_wait3A_47 = tpu.memref_squeeze %dma_wait3A_46 : memref<1x80x128xi32, #tpu.memory_space<hbm>> -> memref<80x128xi32, #tpu.memory_space<hbm>>
    %dma_wait3A_48 = arith.constant 0 : i32
    %dma_wait3A_49 = arith.constant 0 : i32
    %dma_wait3A_50 = tpu.memref_slice %arg3[%add3A, %dma_wait3A_48, %dma_wait3A_49] : memref<32x80x128xi32, #tpu.memory_space<hbm>> -> memref<1x80x128xi32, #tpu.memory_space<hbm>>
    %dma_wait3A_51 = tpu.memref_squeeze %dma_wait3A_50 : memref<1x80x128xi32, #tpu.memory_space<hbm>> -> memref<80x128xi32, #tpu.memory_space<hbm>>
    tpu.wait_dma2 semaphore(%arg13 : memref<!tpu.dma_semaphore, #tpu.memory_space<semaphore_mem>>) src(%dma_wait3A_51 : memref<80x128xi32, #tpu.memory_space<hbm>>) dst(%arg7 : memref<80x128xi32, #tpu.memory_space<vmem>>)
    %barrier3A = arith.constant 0 : index
    tpu.barrier barrier_id(%barrier3A)
    %scan3A_52 = arith.constant 0 : i32
    %scan3A_53 = arith.constant 2 : i32
    %scan3A_54 = arith.addi %scan3A_52, %scan3A_53 : i32
    %scan3A_55 = arith.constant 1 : i32
    scf.for %scan3A_67 = %scan3A_52 to %scan3A_54 step %scan3A_55  : i32 {
      %mul3A_68 = arith.constant 1 : i32
      %mul3A_69 = arith.muli %scan3A_67, %mul3A_68 : i32
      %add3A_70 = arith.constant 0 : i32
      %add3A_71 = arith.addi %add3A_70, %mul3A_69 : i32
      %gt3A = arith.constant 0 : i32
      %gt3A_72 = arith.cmpi sgt, %add3A_71, %gt3A : i32
      %convert_element_type3A = arith.extui %gt3A_72 : i1 to i32
      %cond3A = arith.constant 0 : i32
      %cond3A_73 = arith.cmpi ne, %convert_element_type3A, %cond3A : i32
      scf.if %cond3A_73 {
        %dma_wait3A_132 = arith.constant 39 : i32
        %dma_wait3A_133 = arith.constant 0 : i32
        %dma_wait3A_134 = tpu.memref_slice %arg8[%dma_wait3A_132, %dma_wait3A_133] : memref<40x128xi32, #tpu.memory_space<vmem>> -> memref<1x128xi32, #tpu.memory_space<vmem>>
        %dma_wait3A_135 = tpu.memref_squeeze %dma_wait3A_134 : memref<1x128xi32, #tpu.memory_space<vmem>> -> memref<128xi32, #tpu.memory_space<vmem>>
        %dma_wait3A_136 = arith.constant 0 : i32
        %dma_wait3A_137 = arith.constant 0 : i32
        %dma_wait3A_138 = tpu.memref_slice %arg11[%dma_wait3A_136, %dma_wait3A_137] : memref<10112x128xf32, #tpu.memory_space<vmem_shared>> -> memref<10112x128xf32, #tpu.memory_space<vmem_shared>>
        tpu.wait_indirect_dma semaphore(%arg15 : memref<!tpu.dma_semaphore, #tpu.memory_space<semaphore_mem>>) src(%arg10 : memref<128x128xf32, #tpu.memory_space<vmem>>) dst(%dma_wait3A_138 : memref<10112x128xf32, #tpu.memory_space<vmem_shared>>)
      } else {
      }
      %mul3A_74 = arith.constant 40 : i32
      %mul3A_75 = arith.muli %add3A_71, %mul3A_74 : i32
      "tpu.region"() ({
        %run_scoped3A = tpu.sem_alloc : memref<!tpu.dma_semaphore, #tpu.memory_space<semaphore_mem>>
        %dma_start3A_132 = arith.constant 0 : i32
        %dma_start3A_133 = tpu.memref_slice %arg4[%add3A, %mul3A_75, %dma_start3A_132] : memref<32x80x128xi32, #tpu.memory_space<hbm>> -> memref<1x40x128xi32, #tpu.memory_space<hbm>>
        %dma_start3A_134 = tpu.memref_squeeze %dma_start3A_133 : memref<1x40x128xi32, #tpu.memory_space<hbm>> -> memref<40x128xi32, #tpu.memory_space<hbm>>
        %dma_start3A_135 = arith.constant 0 : i32
        %dma_start3A_136 = tpu.memref_slice %arg4[%add3A, %mul3A_75, %dma_start3A_135] : memref<32x80x128xi32, #tpu.memory_space<hbm>> -> memref<1x40x128xi32, #tpu.memory_space<hbm>>
        %dma_start3A_137 = tpu.memref_squeeze %dma_start3A_136 : memref<1x40x128xi32, #tpu.memory_space<hbm>> -> memref<40x128xi32, #tpu.memory_space<hbm>>
        tpu.enqueue_dma source(%dma_start3A_137 : memref<40x128xi32, #tpu.memory_space<hbm>>) target(%arg8 : memref<40x128xi32, #tpu.memory_space<vmem>>) target_semaphore(%run_scoped3A : memref<!tpu.dma_semaphore, #tpu.memory_space<semaphore_mem>>)
        %dma_wait3A_138 = arith.constant 0 : i32
        %dma_wait3A_139 = tpu.memref_slice %arg4[%add3A, %mul3A_75, %dma_wait3A_138] : memref<32x80x128xi32, #tpu.memory_space<hbm>> -> memref<1x40x128xi32, #tpu.memory_space<hbm>>
        %dma_wait3A_140 = tpu.memref_squeeze %dma_wait3A_139 : memref<1x40x128xi32, #tpu.memory_space<hbm>> -> memref<40x128xi32, #tpu.memory_space<hbm>>
        %dma_wait3A_141 = arith.constant 0 : i32
        %dma_wait3A_142 = tpu.memref_slice %arg4[%add3A, %mul3A_75, %dma_wait3A_141] : memref<32x80x128xi32, #tpu.memory_space<hbm>> -> memref<1x40x128xi32, #tpu.memory_space<hbm>>
        %dma_wait3A_143 = tpu.memref_squeeze %dma_wait3A_142 : memref<1x40x128xi32, #tpu.memory_space<hbm>> -> memref<40x128xi32, #tpu.memory_space<hbm>>
        tpu.wait_dma2 semaphore(%run_scoped3A : memref<!tpu.dma_semaphore, #tpu.memory_space<semaphore_mem>>) src(%dma_wait3A_143 : memref<40x128xi32, #tpu.memory_space<hbm>>) dst(%arg8 : memref<40x128xi32, #tpu.memory_space<vmem>>)
        tpu.yield
      }) : () -> ()
      %mul3A_76 = arith.constant 40 : i32
      %mul3A_77 = arith.muli %add3A_71, %mul3A_76 : i32
      %add3A_78 = arith.constant 0 : i32
      %add3A_79 = arith.addi %mul3A_77, %add3A_78 : i32
      %dma_start3A_80 = arith.constant 0 : i32
      %dma_start3A_81 = tpu.memref_slice %arg7[%add3A_79, %dma_start3A_80] : memref<80x128xi32, #tpu.memory_space<vmem>> -> memref<1x128xi32, #tpu.memory_space<vmem>>
      %dma_start3A_82 = tpu.memref_squeeze %dma_start3A_81 : memref<1x128xi32, #tpu.memory_space<vmem>> -> memref<128xi32, #tpu.memory_space<vmem>>
      %dma_start3A_83 = arith.constant 0 : i32
      %dma_start3A_84 = arith.constant 0 : i32
      %dma_start3A_85 = tpu.memref_slice %arg2[%dma_start3A_83, %dma_start3A_84] : memref<10000x128xf32, #tpu.memory_space<hbm>> -> memref<10000x128xf32, #tpu.memory_space<hbm>>
      tpu.enqueue_indirect_dma source(%dma_start3A_85 : memref<10000x128xf32, #tpu.memory_space<hbm>>) target(%arg9 : memref<128x128xf32, #tpu.memory_space<vmem>>) offsets(%dma_start3A_82 : memref<128xi32, #tpu.memory_space<vmem>>) semaphore(%arg12 : memref<!tpu.dma_semaphore, #tpu.memory_space<semaphore_mem>>)
      %add3A_86 = arith.constant 1 : i32
      %add3A_87 = arith.addi %add3A_79, %add3A_86 : i32
      %dma_start3A_88 = arith.constant 0 : i32
      %dma_start3A_89 = tpu.memref_slice %arg7[%add3A_87, %dma_start3A_88] : memref<80x128xi32, #tpu.memory_space<vmem>> -> memref<1x128xi32, #tpu.memory_space<vmem>>
      %dma_start3A_90 = tpu.memref_squeeze %dma_start3A_89 : memref<1x128xi32, #tpu.memory_space<vmem>> -> memref<128xi32, #tpu.memory_space<vmem>>
      %dma_start3A_91 = arith.constant 0 : i32
      %dma_start3A_92 = arith.constant 0 : i32
      %dma_start3A_93 = tpu.memref_slice %arg2[%dma_start3A_91, %dma_start3A_92] : memref<10000x128xf32, #tpu.memory_space<hbm>> -> memref<10000x128xf32, #tpu.memory_space<hbm>>
      tpu.enqueue_indirect_dma source(%dma_start3A_93 : memref<10000x128xf32, #tpu.memory_space<hbm>>) target(%arg10 : memref<128x128xf32, #tpu.memory_space<vmem>>) offsets(%dma_start3A_90 : memref<128xi32, #tpu.memory_space<vmem>>) semaphore(%arg13 : memref<!tpu.dma_semaphore, #tpu.memory_space<semaphore_mem>>)
      %dma_wait3A_94 = arith.constant 0 : i32
      %dma_wait3A_95 = tpu.memref_slice %arg7[%add3A_79, %dma_wait3A_94] : memref<80x128xi32, #tpu.memory_space<vmem>> -> memref<1x128xi32, #tpu.memory_space<vmem>>
      %dma_wait3A_96 = tpu.memref_squeeze %dma_wait3A_95 : memref<1x128xi32, #tpu.memory_space<vmem>> -> memref<128xi32, #tpu.memory_space<vmem>>
      %dma_wait3A_97 = arith.constant 0 : i32
      %dma_wait3A_98 = arith.constant 0 : i32
      %dma_wait3A_99 = tpu.memref_slice %arg2[%dma_wait3A_97, %dma_wait3A_98] : memref<10000x128xf32, #tpu.memory_space<hbm>> -> memref<10000x128xf32, #tpu.memory_space<hbm>>
      tpu.wait_indirect_dma semaphore(%arg12 : memref<!tpu.dma_semaphore, #tpu.memory_space<semaphore_mem>>) src(%dma_wait3A_99 : memref<10000x128xf32, #tpu.memory_space<hbm>>) dst(%arg9 : memref<128x128xf32, #tpu.memory_space<vmem>>)
      %dma_start3A_100 = arith.constant 0 : i32
      %dma_start3A_101 = arith.constant 0 : i32
      %dma_start3A_102 = tpu.memref_slice %arg8[%dma_start3A_100, %dma_start3A_101] : memref<40x128xi32, #tpu.memory_space<vmem>> -> memref<1x128xi32, #tpu.memory_space<vmem>>
      %dma_start3A_103 = tpu.memref_squeeze %dma_start3A_102 : memref<1x128xi32, #tpu.memory_space<vmem>> -> memref<128xi32, #tpu.memory_space<vmem>>
      %dma_start3A_104 = arith.constant 0 : i32
      %dma_start3A_105 = arith.constant 0 : i32
      %dma_start3A_106 = tpu.memref_slice %arg11[%dma_start3A_104, %dma_start3A_105] : memref<10112x128xf32, #tpu.memory_space<vmem_shared>> -> memref<10112x128xf32, #tpu.memory_space<vmem_shared>>
      tpu.enqueue_indirect_dma source(%arg9 : memref<128x128xf32, #tpu.memory_space<vmem>>) target(%dma_start3A_106 : memref<10112x128xf32, #tpu.memory_space<vmem_shared>>) offsets(%dma_start3A_103 : memref<128xi32, #tpu.memory_space<vmem>>) semaphore(%arg14 : memref<!tpu.dma_semaphore, #tpu.memory_space<semaphore_mem>>) {add = true}
      %dma_wait3A_107 = arith.constant 0 : i32
      %dma_wait3A_108 = tpu.memref_slice %arg7[%add3A_87, %dma_wait3A_107] : memref<80x128xi32, #tpu.memory_space<vmem>> -> memref<1x128xi32, #tpu.memory_space<vmem>>
      %dma_wait3A_109 = tpu.memref_squeeze %dma_wait3A_108 : memref<1x128xi32, #tpu.memory_space<vmem>> -> memref<128xi32, #tpu.memory_space<vmem>>
      %dma_wait3A_110 = arith.constant 0 : i32
      %dma_wait3A_111 = arith.constant 0 : i32
      %dma_wait3A_112 = tpu.memref_slice %arg2[%dma_wait3A_110, %dma_wait3A_111] : memref<10000x128xf32, #tpu.memory_space<hbm>> -> memref<10000x128xf32, #tpu.memory_space<hbm>>
      tpu.wait_indirect_dma semaphore(%arg13 : memref<!tpu.dma_semaphore, #tpu.memory_space<semaphore_mem>>) src(%dma_wait3A_112 : memref<10000x128xf32, #tpu.memory_space<hbm>>) dst(%arg10 : memref<128x128xf32, #tpu.memory_space<vmem>>)
      %dma_start3A_113 = arith.constant 1 : i32
      %dma_start3A_114 = arith.constant 0 : i32
      %dma_start3A_115 = tpu.memref_slice %arg8[%dma_start3A_113, %dma_start3A_114] : memref<40x128xi32, #tpu.memory_space<vmem>> -> memref<1x128xi32, #tpu.memory_space<vmem>>
      %dma_start3A_116 = tpu.memref_squeeze %dma_start3A_115 : memref<1x128xi32, #tpu.memory_space<vmem>> -> memref<128xi32, #tpu.memory_space<vmem>>
      %dma_start3A_117 = arith.constant 0 : i32
      %dma_start3A_118 = arith.constant 0 : i32
      %dma_start3A_119 = tpu.memref_slice %arg11[%dma_start3A_117, %dma_start3A_118] : memref<10112x128xf32, #tpu.memory_space<vmem_shared>> -> memref<10112x128xf32, #tpu.memory_space<vmem_shared>>
      tpu.enqueue_indirect_dma source(%arg10 : memref<128x128xf32, #tpu.memory_space<vmem>>) target(%dma_start3A_119 : memref<10112x128xf32, #tpu.memory_space<vmem_shared>>) offsets(%dma_start3A_116 : memref<128xi32, #tpu.memory_space<vmem>>) semaphore(%arg15 : memref<!tpu.dma_semaphore, #tpu.memory_space<semaphore_mem>>) {add = true}
      %dma_wait3A_120 = arith.constant 0 : i32
      %dma_wait3A_121 = arith.constant 0 : i32
      %dma_wait3A_122 = tpu.memref_slice %arg8[%dma_wait3A_120, %dma_wait3A_121] : memref<40x128xi32, #tpu.memory_space<vmem>> -> memref<1x128xi32, #tpu.memory_space<vmem>>
      %dma_wait3A_123 = tpu.memref_squeeze %dma_wait3A_122 : memref<1x128xi32, #tpu.memory_space<vmem>> -> memref<128xi32, #tpu.memory_space<vmem>>
      %dma_wait3A_124 = arith.constant 0 : i32
      %dma_wait3A_125 = arith.constant 0 : i32
      %dma_wait3A_126 = tpu.memref_slice %arg11[%dma_wait3A_124, %dma_wait3A_125] : memref<10112x128xf32, #tpu.memory_space<vmem_shared>> -> memref<10112x128xf32, #tpu.memory_space<vmem_shared>>
      tpu.wait_indirect_dma semaphore(%arg14 : memref<!tpu.dma_semaphore, #tpu.memory_space<semaphore_mem>>) src(%arg9 : memref<128x128xf32, #tpu.memory_space<vmem>>) dst(%dma_wait3A_126 : memref<10112x128xf32, #tpu.memory_space<vmem_shared>>)
      %scan3A_127 = arith.constant 0 : i32
      %scan3A_128 = arith.constant 19 : i32
      %scan3A_129 = arith.addi %scan3A_127, %scan3A_128 : i32
      %scan3A_130 = arith.constant 1 : i32
      scf.for %scan3A_132 = %scan3A_127 to %scan3A_129 step %scan3A_130  : i32 {
        %mul3A_133 = arith.constant 1 : i32
        %mul3A_134 = arith.muli %scan3A_132, %mul3A_133 : i32
        %add3A_135 = arith.constant 1 : i32
        %add3A_136 = arith.addi %add3A_135, %mul3A_134 : i32
        %mul3A_137 = arith.constant 2 : i32
        %mul3A_138 = arith.muli %mul3A_137, %add3A_136 : i32
        %mul3A_139 = arith.constant 40 : i32
        %mul3A_140 = arith.muli %add3A_71, %mul3A_139 : i32
        %add3A_141 = arith.addi %mul3A_140, %mul3A_138 : i32
        %dma_start3A_142 = arith.constant 0 : i32
        %dma_start3A_143 = tpu.memref_slice %arg7[%add3A_141, %dma_start3A_142] : memref<80x128xi32, #tpu.memory_space<vmem>> -> memref<1x128xi32, #tpu.memory_space<vmem>>
        %dma_start3A_144 = tpu.memref_squeeze %dma_start3A_143 : memref<1x128xi32, #tpu.memory_space<vmem>> -> memref<128xi32, #tpu.memory_space<vmem>>
        %dma_start3A_145 = arith.constant 0 : i32
        %dma_start3A_146 = arith.constant 0 : i32
        %dma_start3A_147 = tpu.memref_slice %arg2[%dma_start3A_145, %dma_start3A_146] : memref<10000x128xf32, #tpu.memory_space<hbm>> -> memref<10000x128xf32, #tpu.memory_space<hbm>>
        tpu.enqueue_indirect_dma source(%dma_start3A_147 : memref<10000x128xf32, #tpu.memory_space<hbm>>) target(%arg9 : memref<128x128xf32, #tpu.memory_space<vmem>>) offsets(%dma_start3A_144 : memref<128xi32, #tpu.memory_space<vmem>>) semaphore(%arg12 : memref<!tpu.dma_semaphore, #tpu.memory_space<semaphore_mem>>)
        %dma_wait3A_148 = arith.constant 0 : i32
        %dma_wait3A_149 = tpu.memref_slice %arg8[%mul3A_138, %dma_wait3A_148] : memref<40x128xi32, #tpu.memory_space<vmem>> -> memref<1x128xi32, #tpu.memory_space<vmem>>
        %dma_wait3A_150 = tpu.memref_squeeze %dma_wait3A_149 : memref<1x128xi32, #tpu.memory_space<vmem>> -> memref<128xi32, #tpu.memory_space<vmem>>
        %dma_wait3A_151 = arith.constant 0 : i32
        %dma_wait3A_152 = arith.constant 0 : i32
        %dma_wait3A_153 = tpu.memref_slice %arg11[%dma_wait3A_151, %dma_wait3A_152] : memref<10112x128xf32, #tpu.memory_space<vmem_shared>> -> memref<10112x128xf32, #tpu.memory_space<vmem_shared>>
        tpu.wait_indirect_dma semaphore(%arg15 : memref<!tpu.dma_semaphore, #tpu.memory_space<semaphore_mem>>) src(%arg10 : memref<128x128xf32, #tpu.memory_space<vmem>>) dst(%dma_wait3A_153 : memref<10112x128xf32, #tpu.memory_space<vmem_shared>>)
        %add3A_154 = arith.constant 1 : i32
        %add3A_155 = arith.addi %add3A_141, %add3A_154 : i32
        %dma_start3A_156 = arith.constant 0 : i32
        %dma_start3A_157 = tpu.memref_slice %arg7[%add3A_155, %dma_start3A_156] : memref<80x128xi32, #tpu.memory_space<vmem>> -> memref<1x128xi32, #tpu.memory_space<vmem>>
        %dma_start3A_158 = tpu.memref_squeeze %dma_start3A_157 : memref<1x128xi32, #tpu.memory_space<vmem>> -> memref<128xi32, #tpu.memory_space<vmem>>
        %dma_start3A_159 = arith.constant 0 : i32
        %dma_start3A_160 = arith.constant 0 : i32
        %dma_start3A_161 = tpu.memref_slice %arg2[%dma_start3A_159, %dma_start3A_160] : memref<10000x128xf32, #tpu.memory_space<hbm>> -> memref<10000x128xf32, #tpu.memory_space<hbm>>
        tpu.enqueue_indirect_dma source(%dma_start3A_161 : memref<10000x128xf32, #tpu.memory_space<hbm>>) target(%arg10 : memref<128x128xf32, #tpu.memory_space<vmem>>) offsets(%dma_start3A_158 : memref<128xi32, #tpu.memory_space<vmem>>) semaphore(%arg13 : memref<!tpu.dma_semaphore, #tpu.memory_space<semaphore_mem>>)
        %dma_wait3A_162 = arith.constant 0 : i32
        %dma_wait3A_163 = tpu.memref_slice %arg7[%add3A_141, %dma_wait3A_162] : memref<80x128xi32, #tpu.memory_space<vmem>> -> memref<1x128xi32, #tpu.memory_space<vmem>>
        %dma_wait3A_164 = tpu.memref_squeeze %dma_wait3A_163 : memref<1x128xi32, #tpu.memory_space<vmem>> -> memref<128xi32, #tpu.memory_space<vmem>>
        %dma_wait3A_165 = arith.constant 0 : i32
        %dma_wait3A_166 = arith.constant 0 : i32
        %dma_wait3A_167 = tpu.memref_slice %arg2[%dma_wait3A_165, %dma_wait3A_166] : memref<10000x128xf32, #tpu.memory_space<hbm>> -> memref<10000x128xf32, #tpu.memory_space<hbm>>
        tpu.wait_indirect_dma semaphore(%arg12 : memref<!tpu.dma_semaphore, #tpu.memory_space<semaphore_mem>>) src(%dma_wait3A_167 : memref<10000x128xf32, #tpu.memory_space<hbm>>) dst(%arg9 : memref<128x128xf32, #tpu.memory_space<vmem>>)
        %dma_start3A_168 = arith.constant 0 : i32
        %dma_start3A_169 = tpu.memref_slice %arg8[%mul3A_138, %dma_start3A_168] : memref<40x128xi32, #tpu.memory_space<vmem>> -> memref<1x128xi32, #tpu.memory_space<vmem>>
        %dma_start3A_170 = tpu.memref_squeeze %dma_start3A_169 : memref<1x128xi32, #tpu.memory_space<vmem>> -> memref<128xi32, #tpu.memory_space<vmem>>
        %dma_start3A_171 = arith.constant 0 : i32
        %dma_start3A_172 = arith.constant 0 : i32
        %dma_start3A_173 = tpu.memref_slice %arg11[%dma_start3A_171, %dma_start3A_172] : memref<10112x128xf32, #tpu.memory_space<vmem_shared>> -> memref<10112x128xf32, #tpu.memory_space<vmem_shared>>
        tpu.enqueue_indirect_dma source(%arg9 : memref<128x128xf32, #tpu.memory_space<vmem>>) target(%dma_start3A_173 : memref<10112x128xf32, #tpu.memory_space<vmem_shared>>) offsets(%dma_start3A_170 : memref<128xi32, #tpu.memory_space<vmem>>) semaphore(%arg14 : memref<!tpu.dma_semaphore, #tpu.memory_space<semaphore_mem>>) {add = true}
        %dma_wait3A_174 = arith.constant 0 : i32
        %dma_wait3A_175 = tpu.memref_slice %arg7[%add3A_155, %dma_wait3A_174] : memref<80x128xi32, #tpu.memory_space<vmem>> -> memref<1x128xi32, #tpu.memory_space<vmem>>
        %dma_wait3A_176 = tpu.memref_squeeze %dma_wait3A_175 : memref<1x128xi32, #tpu.memory_space<vmem>> -> memref<128xi32, #tpu.memory_space<vmem>>
        %dma_wait3A_177 = arith.constant 0 : i32
        %dma_wait3A_178 = arith.constant 0 : i32
        %dma_wait3A_179 = tpu.memref_slice %arg2[%dma_wait3A_177, %dma_wait3A_178] : memref<10000x128xf32, #tpu.memory_space<hbm>> -> memref<10000x128xf32, #tpu.memory_space<hbm>>
        tpu.wait_indirect_dma semaphore(%arg13 : memref<!tpu.dma_semaphore, #tpu.memory_space<semaphore_mem>>) src(%dma_wait3A_179 : memref<10000x128xf32, #tpu.memory_space<hbm>>) dst(%arg10 : memref<128x128xf32, #tpu.memory_space<vmem>>)
        %add3A_180 = arith.constant 1 : i32
        %add3A_181 = arith.addi %mul3A_138, %add3A_180 : i32
        %dma_start3A_182 = arith.constant 0 : i32
        %dma_start3A_183 = tpu.memref_slice %arg8[%add3A_181, %dma_start3A_182] : memref<40x128xi32, #tpu.memory_space<vmem>> -> memref<1x128xi32, #tpu.memory_space<vmem>>
        %dma_start3A_184 = tpu.memref_squeeze %dma_start3A_183 : memref<1x128xi32, #tpu.memory_space<vmem>> -> memref<128xi32, #tpu.memory_space<vmem>>
        %dma_start3A_185 = arith.constant 0 : i32
        %dma_start3A_186 = arith.constant 0 : i32
        %dma_start3A_187 = tpu.memref_slice %arg11[%dma_start3A_185, %dma_start3A_186] : memref<10112x128xf32, #tpu.memory_space<vmem_shared>> -> memref<10112x128xf32, #tpu.memory_space<vmem_shared>>
        tpu.enqueue_indirect_dma source(%arg10 : memref<128x128xf32, #tpu.memory_space<vmem>>) target(%dma_start3A_187 : memref<10112x128xf32, #tpu.memory_space<vmem_shared>>) offsets(%dma_start3A_184 : memref<128xi32, #tpu.memory_space<vmem>>) semaphore(%arg15 : memref<!tpu.dma_semaphore, #tpu.memory_space<semaphore_mem>>) {add = true}
        %dma_wait3A_188 = arith.constant 0 : i32
        %dma_wait3A_189 = tpu.memref_slice %arg8[%mul3A_138, %dma_wait3A_188] : memref<40x128xi32, #tpu.memory_space<vmem>> -> memref<1x128xi32, #tpu.memory_space<vmem>>
        %dma_wait3A_190 = tpu.memref_squeeze %dma_wait3A_189 : memref<1x128xi32, #tpu.memory_space<vmem>> -> memref<128xi32, #tpu.memory_space<vmem>>
        %dma_wait3A_191 = arith.constant 0 : i32
        %dma_wait3A_192 = arith.constant 0 : i32
        %dma_wait3A_193 = tpu.memref_slice %arg11[%dma_wait3A_191, %dma_wait3A_192] : memref<10112x128xf32, #tpu.memory_space<vmem_shared>> -> memref<10112x128xf32, #tpu.memory_space<vmem_shared>>
        tpu.wait_indirect_dma semaphore(%arg14 : memref<!tpu.dma_semaphore, #tpu.memory_space<semaphore_mem>>) src(%arg9 : memref<128x128xf32, #tpu.memory_space<vmem>>) dst(%dma_wait3A_193 : memref<10112x128xf32, #tpu.memory_space<vmem_shared>>)
      }
      %scan3A_131 = arith.constant 19 : i32
    }
    %scan3A_56 = arith.constant 2 : i32
    %dma_wait3A_57 = arith.constant 39 : i32
    %dma_wait3A_58 = arith.constant 0 : i32
    %dma_wait3A_59 = tpu.memref_slice %arg8[%dma_wait3A_57, %dma_wait3A_58] : memref<40x128xi32, #tpu.memory_space<vmem>> -> memref<1x128xi32, #tpu.memory_space<vmem>>
    %dma_wait3A_60 = tpu.memref_squeeze %dma_wait3A_59 : memref<1x128xi32, #tpu.memory_space<vmem>> -> memref<128xi32, #tpu.memory_space<vmem>>
    %dma_wait3A_61 = arith.constant 0 : i32
    %dma_wait3A_62 = arith.constant 0 : i32
    %dma_wait3A_63 = tpu.memref_slice %arg11[%dma_wait3A_61, %dma_wait3A_62] : memref<10112x128xf32, #tpu.memory_space<vmem_shared>> -> memref<10112x128xf32, #tpu.memory_space<vmem_shared>>
    tpu.wait_indirect_dma semaphore(%arg15 : memref<!tpu.dma_semaphore, #tpu.memory_space<semaphore_mem>>) src(%arg10 : memref<128x128xf32, #tpu.memory_space<vmem>>) dst(%dma_wait3A_63 : memref<10112x128xf32, #tpu.memory_space<vmem_shared>>)
    %barrier3A_64 = arith.constant 0 : index
    tpu.barrier barrier_id(%barrier3A_64)
    %mul3A_65 = arith.constant 632 : i32
    %mul3A_66 = arith.muli %arg1, %mul3A_65 : i32
    "tpu.region"() ({
      %run_scoped3A = tpu.sem_alloc : memref<!tpu.dma_semaphore, #tpu.memory_space<semaphore_mem>>
      %dma_start3A_67 = arith.constant 0 : i32
      %dma_start3A_68 = tpu.memref_slice %arg6[%arg0, %mul3A_66, %dma_start3A_67] : memref<2x10112x128xf32, #tpu.memory_space<hbm>> -> memref<1x632x128xf32, #tpu.memory_space<hbm>>
      %dma_start3A_69 = tpu.memref_squeeze %dma_start3A_68 : memref<1x632x128xf32, #tpu.memory_space<hbm>> -> memref<632x128xf32, #tpu.memory_space<hbm>>
      %dma_start3A_70 = arith.constant 0 : i32
      %dma_start3A_71 = tpu.memref_slice %arg11[%mul3A_66, %dma_start3A_70] : memref<10112x128xf32, #tpu.memory_space<vmem_shared>> -> memref<632x128xf32, #tpu.memory_space<vmem_shared>>
      tpu.enqueue_dma source(%dma_start3A_71 : memref<632x128xf32, #tpu.memory_space<vmem_shared>>) target(%dma_start3A_69 : memref<632x128xf32, #tpu.memory_space<hbm>>) target_semaphore(%run_scoped3A : memref<!tpu.dma_semaphore, #tpu.memory_space<semaphore_mem>>)
      %dma_wait3A_72 = arith.constant 0 : i32
      %dma_wait3A_73 = tpu.memref_slice %arg6[%arg0, %mul3A_66, %dma_wait3A_72] : memref<2x10112x128xf32, #tpu.memory_space<hbm>> -> memref<1x632x128xf32, #tpu.memory_space<hbm>>
      %dma_wait3A_74 = tpu.memref_squeeze %dma_wait3A_73 : memref<1x632x128xf32, #tpu.memory_space<hbm>> -> memref<632x128xf32, #tpu.memory_space<hbm>>
      %dma_wait3A_75 = arith.constant 0 : i32
      %dma_wait3A_76 = tpu.memref_slice %arg11[%mul3A_66, %dma_wait3A_75] : memref<10112x128xf32, #tpu.memory_space<vmem_shared>> -> memref<632x128xf32, #tpu.memory_space<vmem_shared>>
      tpu.wait_dma2 semaphore(%run_scoped3A : memref<!tpu.dma_semaphore, #tpu.memory_space<semaphore_mem>>) src(%dma_wait3A_76 : memref<632x128xf32, #tpu.memory_space<vmem_shared>>) dst(%dma_wait3A_74 : memref<632x128xf32, #tpu.memory_space<hbm>>)
      tpu.yield
    }) : () -> ()
    return
  }
}

#map = affine_map<(d0, d1) -> (0, 0, 0)>
#map1 = affine_map<(d0, d1) -> (0, 0)>
module attributes {stable_mosaic.version = 14 : i64} {
  func.func @body(%arg0: i32, %arg1: i32, %arg2: memref<32x80x128xi32, #tpu.memory_space<hbm>>, %arg3: memref<128x128xf32, #tpu.memory_space<hbm>>, %arg4: memref<64x128xf32, #tpu.memory_space<hbm>>, %arg5: memref<2x10112x128xf32, #tpu.memory_space<hbm>>, %arg6: memref<80x128xi32, #tpu.memory_space<vmem>>, %arg7: memref<128x128xf32, #tpu.memory_space<vmem>>, %arg8: memref<64x128xf32, #tpu.memory_space<vmem>>, %arg9: memref<10112x128xf32, #tpu.memory_space<vmem_shared>>, %arg10: memref<!tpu.dma_semaphore, #tpu.memory_space<semaphore_mem>>, %arg11: memref<!tpu.dma_semaphore, #tpu.memory_space<semaphore_mem>>) attributes {dimension_semantics = [#tpu.dimension_semantics<core_parallel>, #tpu.dimension_semantics<subcore_parallel>], iteration_bounds = array<i64: 2, 16>, scalar_prefetch = 0 : i64, scratch_operands = 6 : i64, tpu.core_type = #tpu.core_type<sc_vector_subcore>, window_params = [{transform_indices = #map}, {transform_indices = #map1}, {transform_indices = #map1}, {transform_indices = #map}]} {
    %mul3A = arith.constant 16 : i32
    %mul3A_0 = arith.muli %arg0, %mul3A : i32
    %add3A = arith.addi %mul3A_0, %arg1 : i32
    "tpu.region"() ({
      %run_scoped3A = tpu.sem_alloc : memref<!tpu.dma_semaphore, #tpu.memory_space<semaphore_mem>>
      %dma_start3A = arith.constant 0 : i32
      %dma_start3A_17 = arith.constant 0 : i32
      %dma_start3A_18 = tpu.memref_slice %arg2[%add3A, %dma_start3A, %dma_start3A_17] : memref<32x80x128xi32, #tpu.memory_space<hbm>> -> memref<1x80x128xi32, #tpu.memory_space<hbm>>
      %dma_start3A_19 = tpu.memref_squeeze %dma_start3A_18 : memref<1x80x128xi32, #tpu.memory_space<hbm>> -> memref<80x128xi32, #tpu.memory_space<hbm>>
      %dma_start3A_20 = arith.constant 0 : i32
      %dma_start3A_21 = arith.constant 0 : i32
      %dma_start3A_22 = tpu.memref_slice %arg2[%add3A, %dma_start3A_20, %dma_start3A_21] : memref<32x80x128xi32, #tpu.memory_space<hbm>> -> memref<1x80x128xi32, #tpu.memory_space<hbm>>
      %dma_start3A_23 = tpu.memref_squeeze %dma_start3A_22 : memref<1x80x128xi32, #tpu.memory_space<hbm>> -> memref<80x128xi32, #tpu.memory_space<hbm>>
      tpu.enqueue_dma source(%dma_start3A_23 : memref<80x128xi32, #tpu.memory_space<hbm>>) target(%arg6 : memref<80x128xi32, #tpu.memory_space<vmem>>) target_semaphore(%run_scoped3A : memref<!tpu.dma_semaphore, #tpu.memory_space<semaphore_mem>>)
      %dma_wait3A = arith.constant 0 : i32
      %dma_wait3A_24 = arith.constant 0 : i32
      %dma_wait3A_25 = tpu.memref_slice %arg2[%add3A, %dma_wait3A, %dma_wait3A_24] : memref<32x80x128xi32, #tpu.memory_space<hbm>> -> memref<1x80x128xi32, #tpu.memory_space<hbm>>
      %dma_wait3A_26 = tpu.memref_squeeze %dma_wait3A_25 : memref<1x80x128xi32, #tpu.memory_space<hbm>> -> memref<80x128xi32, #tpu.memory_space<hbm>>
      %dma_wait3A_27 = arith.constant 0 : i32
      %dma_wait3A_28 = arith.constant 0 : i32
      %dma_wait3A_29 = tpu.memref_slice %arg2[%add3A, %dma_wait3A_27, %dma_wait3A_28] : memref<32x80x128xi32, #tpu.memory_space<hbm>> -> memref<1x80x128xi32, #tpu.memory_space<hbm>>
      %dma_wait3A_30 = tpu.memref_squeeze %dma_wait3A_29 : memref<1x80x128xi32, #tpu.memory_space<hbm>> -> memref<80x128xi32, #tpu.memory_space<hbm>>
      tpu.wait_dma2 semaphore(%run_scoped3A : memref<!tpu.dma_semaphore, #tpu.memory_space<semaphore_mem>>) src(%dma_wait3A_30 : memref<80x128xi32, #tpu.memory_space<hbm>>) dst(%arg6 : memref<80x128xi32, #tpu.memory_space<vmem>>)
      tpu.yield
    }) : () -> ()
    "tpu.region"() ({
      %run_scoped3A = tpu.sem_alloc : memref<!tpu.dma_semaphore, #tpu.memory_space<semaphore_mem>>
      tpu.enqueue_dma source(%arg4 : memref<64x128xf32, #tpu.memory_space<hbm>>) target(%arg8 : memref<64x128xf32, #tpu.memory_space<vmem>>) target_semaphore(%run_scoped3A : memref<!tpu.dma_semaphore, #tpu.memory_space<semaphore_mem>>)
      tpu.wait_dma2 semaphore(%run_scoped3A : memref<!tpu.dma_semaphore, #tpu.memory_space<semaphore_mem>>) src(%arg4 : memref<64x128xf32, #tpu.memory_space<hbm>>) dst(%arg8 : memref<64x128xf32, #tpu.memory_space<vmem>>)
      tpu.yield
    }) : () -> ()
    "tpu.region"() ({
      %run_scoped3A = tpu.sem_alloc : memref<!tpu.dma_semaphore, #tpu.memory_space<semaphore_mem>>
      tpu.enqueue_dma source(%arg3 : memref<128x128xf32, #tpu.memory_space<hbm>>) target(%arg7 : memref<128x128xf32, #tpu.memory_space<vmem>>) target_semaphore(%run_scoped3A : memref<!tpu.dma_semaphore, #tpu.memory_space<semaphore_mem>>)
      tpu.wait_dma2 semaphore(%run_scoped3A : memref<!tpu.dma_semaphore, #tpu.memory_space<semaphore_mem>>) src(%arg3 : memref<128x128xf32, #tpu.memory_space<hbm>>) dst(%arg7 : memref<128x128xf32, #tpu.memory_space<vmem>>)
      tpu.yield
    }) : () -> ()
    %scan3A = arith.constant 0 : i32
    %scan3A_1 = arith.constant 9 : i32
    %scan3A_2 = arith.addi %scan3A, %scan3A_1 : i32
    %scan3A_3 = arith.constant 1 : i32
    scf.for %scan3A_17 = %scan3A to %scan3A_2 step %scan3A_3  : i32 {
      %mul3A_18 = arith.constant 1 : i32
      %mul3A_19 = arith.muli %scan3A_17, %mul3A_18 : i32
      %add3A_20 = arith.constant 0 : i32
      %add3A_21 = arith.addi %add3A_20, %mul3A_19 : i32
      %mul3A_22 = arith.constant 632 : i32
      %mul3A_23 = arith.muli %arg1, %mul3A_22 : i32
      %mul3A_24 = arith.constant 64 : i32
      %mul3A_25 = arith.muli %add3A_21, %mul3A_24 : i32
      %add3A_26 = arith.addi %mul3A_23, %mul3A_25 : i32
      "tpu.region"() ({
        %run_scoped3A = tpu.sem_alloc : memref<!tpu.dma_semaphore, #tpu.memory_space<semaphore_mem>>
        %dma_start3A = arith.constant 0 : i32
        %dma_start3A_27 = tpu.memref_slice %arg9[%add3A_26, %dma_start3A] : memref<10112x128xf32, #tpu.memory_space<vmem_shared>> -> memref<64x128xf32, #tpu.memory_space<vmem_shared>>
        %dma_start3A_28 = arith.constant 0 : i32
        %dma_start3A_29 = tpu.memref_slice %arg9[%add3A_26, %dma_start3A_28] : memref<10112x128xf32, #tpu.memory_space<vmem_shared>> -> memref<64x128xf32, #tpu.memory_space<vmem_shared>>
        tpu.enqueue_dma source(%arg8 : memref<64x128xf32, #tpu.memory_space<vmem>>) target(%dma_start3A_29 : memref<64x128xf32, #tpu.memory_space<vmem_shared>>) target_semaphore(%run_scoped3A : memref<!tpu.dma_semaphore, #tpu.memory_space<semaphore_mem>>)
        %dma_wait3A = arith.constant 0 : i32
        %dma_wait3A_30 = tpu.memref_slice %arg9[%add3A_26, %dma_wait3A] : memref<10112x128xf32, #tpu.memory_space<vmem_shared>> -> memref<64x128xf32, #tpu.memory_space<vmem_shared>>
        %dma_wait3A_31 = arith.constant 0 : i32
        %dma_wait3A_32 = tpu.memref_slice %arg9[%add3A_26, %dma_wait3A_31] : memref<10112x128xf32, #tpu.memory_space<vmem_shared>> -> memref<64x128xf32, #tpu.memory_space<vmem_shared>>
        tpu.wait_dma2 semaphore(%run_scoped3A : memref<!tpu.dma_semaphore, #tpu.memory_space<semaphore_mem>>) src(%arg8 : memref<64x128xf32, #tpu.memory_space<vmem>>) dst(%dma_wait3A_32 : memref<64x128xf32, #tpu.memory_space<vmem_shared>>)
        tpu.yield
      }) : () -> ()
    }
    %scan3A_4 = arith.constant 9 : i32
    %mul3A_5 = arith.constant 632 : i32
    %mul3A_6 = arith.muli %arg1, %mul3A_5 : i32
    %add3A_7 = arith.constant 576 : i32
    %add3A_8 = arith.addi %mul3A_6, %add3A_7 : i32
    "tpu.region"() ({
      %run_scoped3A = tpu.sem_alloc : memref<!tpu.dma_semaphore, #tpu.memory_space<semaphore_mem>>
      %dma_start3A = arith.constant 0 : i32
      %dma_start3A_17 = arith.constant 0 : i32
      %dma_start3A_18 = tpu.memref_slice %arg8[%dma_start3A, %dma_start3A_17] : memref<64x128xf32, #tpu.memory_space<vmem>> -> memref<56x128xf32, #tpu.memory_space<vmem>>
      %dma_start3A_19 = arith.constant 0 : i32
      %dma_start3A_20 = tpu.memref_slice %arg9[%add3A_8, %dma_start3A_19] : memref<10112x128xf32, #tpu.memory_space<vmem_shared>> -> memref<56x128xf32, #tpu.memory_space<vmem_shared>>
      %dma_start3A_21 = arith.constant 0 : i32
      %dma_start3A_22 = tpu.memref_slice %arg9[%add3A_8, %dma_start3A_21] : memref<10112x128xf32, #tpu.memory_space<vmem_shared>> -> memref<56x128xf32, #tpu.memory_space<vmem_shared>>
      %dma_start3A_23 = arith.constant 0 : i32
      %dma_start3A_24 = arith.constant 0 : i32
      %dma_start3A_25 = tpu.memref_slice %arg8[%dma_start3A_23, %dma_start3A_24] : memref<64x128xf32, #tpu.memory_space<vmem>> -> memref<56x128xf32, #tpu.memory_space<vmem>>
      tpu.enqueue_dma source(%dma_start3A_25 : memref<56x128xf32, #tpu.memory_space<vmem>>) target(%dma_start3A_22 : memref<56x128xf32, #tpu.memory_space<vmem_shared>>) target_semaphore(%run_scoped3A : memref<!tpu.dma_semaphore, #tpu.memory_space<semaphore_mem>>)
      %dma_wait3A = arith.constant 0 : i32
      %dma_wait3A_26 = arith.constant 0 : i32
      %dma_wait3A_27 = tpu.memref_slice %arg8[%dma_wait3A, %dma_wait3A_26] : memref<64x128xf32, #tpu.memory_space<vmem>> -> memref<56x128xf32, #tpu.memory_space<vmem>>
      %dma_wait3A_28 = arith.constant 0 : i32
      %dma_wait3A_29 = tpu.memref_slice %arg9[%add3A_8, %dma_wait3A_28] : memref<10112x128xf32, #tpu.memory_space<vmem_shared>> -> memref<56x128xf32, #tpu.memory_space<vmem_shared>>
      %dma_wait3A_30 = arith.constant 0 : i32
      %dma_wait3A_31 = tpu.memref_slice %arg9[%add3A_8, %dma_wait3A_30] : memref<10112x128xf32, #tpu.memory_space<vmem_shared>> -> memref<56x128xf32, #tpu.memory_space<vmem_shared>>
      %dma_wait3A_32 = arith.constant 0 : i32
      %dma_wait3A_33 = arith.constant 0 : i32
      %dma_wait3A_34 = tpu.memref_slice %arg8[%dma_wait3A_32, %dma_wait3A_33] : memref<64x128xf32, #tpu.memory_space<vmem>> -> memref<56x128xf32, #tpu.memory_space<vmem>>
      tpu.wait_dma2 semaphore(%run_scoped3A : memref<!tpu.dma_semaphore, #tpu.memory_space<semaphore_mem>>) src(%dma_wait3A_34 : memref<56x128xf32, #tpu.memory_space<vmem>>) dst(%dma_wait3A_31 : memref<56x128xf32, #tpu.memory_space<vmem_shared>>)
      tpu.yield
    }) : () -> ()
    %barrier3A = arith.constant 0 : index
    tpu.barrier barrier_id(%barrier3A)
    %scan3A_9 = arith.constant 0 : i32
    %scan3A_10 = arith.constant 40 : i32
    %scan3A_11 = arith.addi %scan3A_9, %scan3A_10 : i32
    %scan3A_12 = arith.constant 1 : i32
    scf.for %scan3A_17 = %scan3A_9 to %scan3A_11 step %scan3A_12  : i32 {
      %mul3A_18 = arith.constant 2 : i32
      %mul3A_19 = arith.muli %scan3A_17, %mul3A_18 : i32
      %add3A_20 = arith.constant 0 : i32
      %add3A_21 = arith.addi %add3A_20, %mul3A_19 : i32
      %dma_start3A = arith.constant 0 : i32
      %dma_start3A_22 = tpu.memref_slice %arg6[%add3A_21, %dma_start3A] : memref<80x128xi32, #tpu.memory_space<vmem>> -> memref<1x128xi32, #tpu.memory_space<vmem>>
      %dma_start3A_23 = tpu.memref_squeeze %dma_start3A_22 : memref<1x128xi32, #tpu.memory_space<vmem>> -> memref<128xi32, #tpu.memory_space<vmem>>
      %dma_start3A_24 = arith.constant 0 : i32
      %dma_start3A_25 = arith.constant 0 : i32
      %dma_start3A_26 = tpu.memref_slice %arg9[%dma_start3A_24, %dma_start3A_25] : memref<10112x128xf32, #tpu.memory_space<vmem_shared>> -> memref<10112x128xf32, #tpu.memory_space<vmem_shared>>
      tpu.enqueue_indirect_dma source(%arg7 : memref<128x128xf32, #tpu.memory_space<vmem>>) target(%dma_start3A_26 : memref<10112x128xf32, #tpu.memory_space<vmem_shared>>) offsets(%dma_start3A_23 : memref<128xi32, #tpu.memory_space<vmem>>) semaphore(%arg10 : memref<!tpu.dma_semaphore, #tpu.memory_space<semaphore_mem>>) {add = true}
      %add3A_27 = arith.constant 1 : i32
      %add3A_28 = arith.addi %add3A_21, %add3A_27 : i32
      %dma_start3A_29 = arith.constant 0 : i32
      %dma_start3A_30 = tpu.memref_slice %arg6[%add3A_28, %dma_start3A_29] : memref<80x128xi32, #tpu.memory_space<vmem>> -> memref<1x128xi32, #tpu.memory_space<vmem>>
      %dma_start3A_31 = tpu.memref_squeeze %dma_start3A_30 : memref<1x128xi32, #tpu.memory_space<vmem>> -> memref<128xi32, #tpu.memory_space<vmem>>
      %dma_start3A_32 = arith.constant 0 : i32
      %dma_start3A_33 = arith.constant 0 : i32
      %dma_start3A_34 = tpu.memref_slice %arg9[%dma_start3A_32, %dma_start3A_33] : memref<10112x128xf32, #tpu.memory_space<vmem_shared>> -> memref<10112x128xf32, #tpu.memory_space<vmem_shared>>
      tpu.enqueue_indirect_dma source(%arg7 : memref<128x128xf32, #tpu.memory_space<vmem>>) target(%dma_start3A_34 : memref<10112x128xf32, #tpu.memory_space<vmem_shared>>) offsets(%dma_start3A_31 : memref<128xi32, #tpu.memory_space<vmem>>) semaphore(%arg11 : memref<!tpu.dma_semaphore, #tpu.memory_space<semaphore_mem>>) {add = true}
      %dma_wait3A = arith.constant 0 : i32
      %dma_wait3A_35 = tpu.memref_slice %arg6[%add3A_21, %dma_wait3A] : memref<80x128xi32, #tpu.memory_space<vmem>> -> memref<1x128xi32, #tpu.memory_space<vmem>>
      %dma_wait3A_36 = tpu.memref_squeeze %dma_wait3A_35 : memref<1x128xi32, #tpu.memory_space<vmem>> -> memref<128xi32, #tpu.memory_space<vmem>>
      %dma_wait3A_37 = arith.constant 0 : i32
      %dma_wait3A_38 = arith.constant 0 : i32
      %dma_wait3A_39 = tpu.memref_slice %arg9[%dma_wait3A_37, %dma_wait3A_38] : memref<10112x128xf32, #tpu.memory_space<vmem_shared>> -> memref<10112x128xf32, #tpu.memory_space<vmem_shared>>
      tpu.wait_indirect_dma semaphore(%arg10 : memref<!tpu.dma_semaphore, #tpu.memory_space<semaphore_mem>>) src(%arg7 : memref<128x128xf32, #tpu.memory_space<vmem>>) dst(%dma_wait3A_39 : memref<10112x128xf32, #tpu.memory_space<vmem_shared>>)
      %dma_wait3A_40 = arith.constant 0 : i32
      %dma_wait3A_41 = tpu.memref_slice %arg6[%add3A_28, %dma_wait3A_40] : memref<80x128xi32, #tpu.memory_space<vmem>> -> memref<1x128xi32, #tpu.memory_space<vmem>>
      %dma_wait3A_42 = tpu.memref_squeeze %dma_wait3A_41 : memref<1x128xi32, #tpu.memory_space<vmem>> -> memref<128xi32, #tpu.memory_space<vmem>>
      %dma_wait3A_43 = arith.constant 0 : i32
      %dma_wait3A_44 = arith.constant 0 : i32
      %dma_wait3A_45 = tpu.memref_slice %arg9[%dma_wait3A_43, %dma_wait3A_44] : memref<10112x128xf32, #tpu.memory_space<vmem_shared>> -> memref<10112x128xf32, #tpu.memory_space<vmem_shared>>
      tpu.wait_indirect_dma semaphore(%arg11 : memref<!tpu.dma_semaphore, #tpu.memory_space<semaphore_mem>>) src(%arg7 : memref<128x128xf32, #tpu.memory_space<vmem>>) dst(%dma_wait3A_45 : memref<10112x128xf32, #tpu.memory_space<vmem_shared>>)
    }
    %scan3A_13 = arith.constant 40 : i32
    %barrier3A_14 = arith.constant 0 : index
    tpu.barrier barrier_id(%barrier3A_14)
    %mul3A_15 = arith.constant 632 : i32
    %mul3A_16 = arith.muli %arg1, %mul3A_15 : i32
    "tpu.region"() ({
      %run_scoped3A = tpu.sem_alloc : memref<!tpu.dma_semaphore, #tpu.memory_space<semaphore_mem>>
      %dma_start3A = arith.constant 0 : i32
      %dma_start3A_17 = tpu.memref_slice %arg5[%arg0, %mul3A_16, %dma_start3A] : memref<2x10112x128xf32, #tpu.memory_space<hbm>> -> memref<1x632x128xf32, #tpu.memory_space<hbm>>
      %dma_start3A_18 = tpu.memref_squeeze %dma_start3A_17 : memref<1x632x128xf32, #tpu.memory_space<hbm>> -> memref<632x128xf32, #tpu.memory_space<hbm>>
      %dma_start3A_19 = arith.constant 0 : i32
      %dma_start3A_20 = tpu.memref_slice %arg9[%mul3A_16, %dma_start3A_19] : memref<10112x128xf32, #tpu.memory_space<vmem_shared>> -> memref<632x128xf32, #tpu.memory_space<vmem_shared>>
      tpu.enqueue_dma source(%dma_start3A_20 : memref<632x128xf32, #tpu.memory_space<vmem_shared>>) target(%dma_start3A_18 : memref<632x128xf32, #tpu.memory_space<hbm>>) target_semaphore(%run_scoped3A : memref<!tpu.dma_semaphore, #tpu.memory_space<semaphore_mem>>)
      %dma_wait3A = arith.constant 0 : i32
      %dma_wait3A_21 = tpu.memref_slice %arg5[%arg0, %mul3A_16, %dma_wait3A] : memref<2x10112x128xf32, #tpu.memory_space<hbm>> -> memref<1x632x128xf32, #tpu.memory_space<hbm>>
      %dma_wait3A_22 = tpu.memref_squeeze %dma_wait3A_21 : memref<1x632x128xf32, #tpu.memory_space<hbm>> -> memref<632x128xf32, #tpu.memory_space<hbm>>
      %dma_wait3A_23 = arith.constant 0 : i32
      %dma_wait3A_24 = tpu.memref_slice %arg9[%mul3A_16, %dma_wait3A_23] : memref<10112x128xf32, #tpu.memory_space<vmem_shared>> -> memref<632x128xf32, #tpu.memory_space<vmem_shared>>
      tpu.wait_dma2 semaphore(%run_scoped3A : memref<!tpu.dma_semaphore, #tpu.memory_space<semaphore_mem>>) src(%dma_wait3A_24 : memref<632x128xf32, #tpu.memory_space<vmem_shared>>) dst(%dma_wait3A_22 : memref<632x128xf32, #tpu.memory_space<hbm>>)
      tpu.yield
    }) : () -> ()
    return
  }
}

#map = affine_map<(d0, d1) -> (0, 0)>
#map1 = affine_map<(d0, d1) -> (0, 0, 0)>
module attributes {stable_mosaic.version = 14 : i64} {
  func.func @body(%arg0: i32, %arg1: i32, %arg2: memref<10000x128xf32, #tpu.memory_space<hbm>>, %arg3: memref<32x80x128xi32, #tpu.memory_space<hbm>>, %arg4: memref<32x80x128xi32, #tpu.memory_space<hbm>>, %arg5: memref<64x128xf32, #tpu.memory_space<hbm>>, %arg6: memref<2x10112x128xf32, #tpu.memory_space<hbm>>, %arg7: memref<80x128xi32, #tpu.memory_space<vmem>>, %arg8: memref<40x128xi32, #tpu.memory_space<vmem>>, %arg9: memref<128x128xf32, #tpu.memory_space<vmem>>, %arg10: memref<128x128xf32, #tpu.memory_space<vmem>>, %arg11: memref<10112x128xf32, #tpu.memory_space<vmem_shared>>, %arg12: memref<!tpu.dma_semaphore, #tpu.memory_space<semaphore_mem>>, %arg13: memref<!tpu.dma_semaphore, #tpu.memory_space<semaphore_mem>>, %arg14: memref<!tpu.dma_semaphore, #tpu.memory_space<semaphore_mem>>, %arg15: memref<!tpu.dma_semaphore, #tpu.memory_space<semaphore_mem>>) attributes {dimension_semantics = [#tpu.dimension_semantics<core_parallel>, #tpu.dimension_semantics<subcore_parallel>], iteration_bounds = array<i64: 2, 16>, scalar_prefetch = 0 : i64, scratch_operands = 9 : i64, tpu.core_type = #tpu.core_type<sc_vector_subcore>, window_params = [{transform_indices = #map}, {transform_indices = #map1}, {transform_indices = #map1}, {transform_indices = #map}, {transform_indices = #map1}]} {
    %mul3A = arith.constant 16 : i32
    %mul3A_0 = arith.muli %arg0, %mul3A : i32
    %add3A = arith.addi %mul3A_0, %arg1 : i32
    %dma_start3A = arith.constant 0 : i32
    %dma_start3A_1 = arith.constant 0 : i32
    %dma_start3A_2 = tpu.memref_slice %arg3[%add3A, %dma_start3A, %dma_start3A_1] : memref<32x80x128xi32, #tpu.memory_space<hbm>> -> memref<1x80x128xi32, #tpu.memory_space<hbm>>
    %dma_start3A_3 = tpu.memref_squeeze %dma_start3A_2 : memref<1x80x128xi32, #tpu.memory_space<hbm>> -> memref<80x128xi32, #tpu.memory_space<hbm>>
    %dma_start3A_4 = arith.constant 0 : i32
    %dma_start3A_5 = arith.constant 0 : i32
    %dma_start3A_6 = tpu.memref_slice %arg3[%add3A, %dma_start3A_4, %dma_start3A_5] : memref<32x80x128xi32, #tpu.memory_space<hbm>> -> memref<1x80x128xi32, #tpu.memory_space<hbm>>
    %dma_start3A_7 = tpu.memref_squeeze %dma_start3A_6 : memref<1x80x128xi32, #tpu.memory_space<hbm>> -> memref<80x128xi32, #tpu.memory_space<hbm>>
    tpu.enqueue_dma source(%dma_start3A_7 : memref<80x128xi32, #tpu.memory_space<hbm>>) target(%arg7 : memref<80x128xi32, #tpu.memory_space<vmem>>) target_semaphore(%arg13 : memref<!tpu.dma_semaphore, #tpu.memory_space<semaphore_mem>>)
    "tpu.region"() ({
      %run_scoped3A = tpu.sem_alloc : memref<!tpu.dma_semaphore, #tpu.memory_space<semaphore_mem>>
      %dma_start3A_67 = arith.constant 0 : i32
      %dma_start3A_68 = arith.constant 0 : i32
      %dma_start3A_69 = tpu.memref_slice %arg9[%dma_start3A_67, %dma_start3A_68] : memref<128x128xf32, #tpu.memory_space<vmem>> -> memref<64x128xf32, #tpu.memory_space<vmem>>
      %dma_start3A_70 = arith.constant 0 : i32
      %dma_start3A_71 = arith.constant 0 : i32
      %dma_start3A_72 = tpu.memref_slice %arg9[%dma_start3A_70, %dma_start3A_71] : memref<128x128xf32, #tpu.memory_space<vmem>> -> memref<64x128xf32, #tpu.memory_space<vmem>>
      tpu.enqueue_dma source(%arg5 : memref<64x128xf32, #tpu.memory_space<hbm>>) target(%dma_start3A_72 : memref<64x128xf32, #tpu.memory_space<vmem>>) target_semaphore(%run_scoped3A : memref<!tpu.dma_semaphore, #tpu.memory_space<semaphore_mem>>)
      %dma_wait3A_73 = arith.constant 0 : i32
      %dma_wait3A_74 = arith.constant 0 : i32
      %dma_wait3A_75 = tpu.memref_slice %arg9[%dma_wait3A_73, %dma_wait3A_74] : memref<128x128xf32, #tpu.memory_space<vmem>> -> memref<64x128xf32, #tpu.memory_space<vmem>>
      %dma_wait3A_76 = arith.constant 0 : i32
      %dma_wait3A_77 = arith.constant 0 : i32
      %dma_wait3A_78 = tpu.memref_slice %arg9[%dma_wait3A_76, %dma_wait3A_77] : memref<128x128xf32, #tpu.memory_space<vmem>> -> memref<64x128xf32, #tpu.memory_space<vmem>>
      tpu.wait_dma2 semaphore(%run_scoped3A : memref<!tpu.dma_semaphore, #tpu.memory_space<semaphore_mem>>) src(%arg5 : memref<64x128xf32, #tpu.memory_space<hbm>>) dst(%dma_wait3A_78 : memref<64x128xf32, #tpu.memory_space<vmem>>)
      tpu.yield
    }) : () -> ()
    %scan3A = arith.constant 0 : i32
    %scan3A_8 = arith.constant 9 : i32
    %scan3A_9 = arith.addi %scan3A, %scan3A_8 : i32
    %scan3A_10 = arith.constant 1 : i32
    scf.for %scan3A_67 = %scan3A to %scan3A_9 step %scan3A_10  : i32 {
      %mul3A_68 = arith.constant 1 : i32
      %mul3A_69 = arith.muli %scan3A_67, %mul3A_68 : i32
      %add3A_70 = arith.constant 0 : i32
      %add3A_71 = arith.addi %add3A_70, %mul3A_69 : i32
      %mul3A_72 = arith.constant 632 : i32
      %mul3A_73 = arith.muli %arg1, %mul3A_72 : i32
      %mul3A_74 = arith.constant 64 : i32
      %mul3A_75 = arith.muli %add3A_71, %mul3A_74 : i32
      %add3A_76 = arith.addi %mul3A_73, %mul3A_75 : i32
      %dma_start3A_77 = arith.constant 0 : i32
      %dma_start3A_78 = arith.constant 0 : i32
      %dma_start3A_79 = tpu.memref_slice %arg9[%dma_start3A_77, %dma_start3A_78] : memref<128x128xf32, #tpu.memory_space<vmem>> -> memref<64x128xf32, #tpu.memory_space<vmem>>
      %dma_start3A_80 = arith.constant 0 : i32
      %dma_start3A_81 = tpu.memref_slice %arg11[%add3A_76, %dma_start3A_80] : memref<10112x128xf32, #tpu.memory_space<vmem_shared>> -> memref<64x128xf32, #tpu.memory_space<vmem_shared>>
      %dma_start3A_82 = arith.constant 0 : i32
      %dma_start3A_83 = tpu.memref_slice %arg11[%add3A_76, %dma_start3A_82] : memref<10112x128xf32, #tpu.memory_space<vmem_shared>> -> memref<64x128xf32, #tpu.memory_space<vmem_shared>>
      %dma_start3A_84 = arith.constant 0 : i32
      %dma_start3A_85 = arith.constant 0 : i32
      %dma_start3A_86 = tpu.memref_slice %arg9[%dma_start3A_84, %dma_start3A_85] : memref<128x128xf32, #tpu.memory_space<vmem>> -> memref<64x128xf32, #tpu.memory_space<vmem>>
      tpu.enqueue_dma source(%dma_start3A_86 : memref<64x128xf32, #tpu.memory_space<vmem>>) target(%dma_start3A_83 : memref<64x128xf32, #tpu.memory_space<vmem_shared>>) target_semaphore(%arg14 : memref<!tpu.dma_semaphore, #tpu.memory_space<semaphore_mem>>)
    }
    %scan3A_11 = arith.constant 9 : i32
    %mul3A_12 = arith.constant 632 : i32
    %mul3A_13 = arith.muli %arg1, %mul3A_12 : i32
    %add3A_14 = arith.constant 576 : i32
    %add3A_15 = arith.addi %mul3A_13, %add3A_14 : i32
    %dma_start3A_16 = arith.constant 0 : i32
    %dma_start3A_17 = arith.constant 0 : i32
    %dma_start3A_18 = tpu.memref_slice %arg9[%dma_start3A_16, %dma_start3A_17] : memref<128x128xf32, #tpu.memory_space<vmem>> -> memref<56x128xf32, #tpu.memory_space<vmem>>
    %dma_start3A_19 = arith.constant 0 : i32
    %dma_start3A_20 = tpu.memref_slice %arg11[%add3A_15, %dma_start3A_19] : memref<10112x128xf32, #tpu.memory_space<vmem_shared>> -> memref<56x128xf32, #tpu.memory_space<vmem_shared>>
    %dma_start3A_21 = arith.constant 0 : i32
    %dma_start3A_22 = tpu.memref_slice %arg11[%add3A_15, %dma_start3A_21] : memref<10112x128xf32, #tpu.memory_space<vmem_shared>> -> memref<56x128xf32, #tpu.memory_space<vmem_shared>>
    %dma_start3A_23 = arith.constant 0 : i32
    %dma_start3A_24 = arith.constant 0 : i32
    %dma_start3A_25 = tpu.memref_slice %arg9[%dma_start3A_23, %dma_start3A_24] : memref<128x128xf32, #tpu.memory_space<vmem>> -> memref<56x128xf32, #tpu.memory_space<vmem>>
    tpu.enqueue_dma source(%dma_start3A_25 : memref<56x128xf32, #tpu.memory_space<vmem>>) target(%dma_start3A_22 : memref<56x128xf32, #tpu.memory_space<vmem_shared>>) target_semaphore(%arg15 : memref<!tpu.dma_semaphore, #tpu.memory_space<semaphore_mem>>)
    %scan3A_26 = arith.constant 0 : i32
    %scan3A_27 = arith.constant 9 : i32
    %scan3A_28 = arith.addi %scan3A_26, %scan3A_27 : i32
    %scan3A_29 = arith.constant 1 : i32
    scf.for %scan3A_67 = %scan3A_26 to %scan3A_28 step %scan3A_29  : i32 {
      %mul3A_68 = arith.constant 1 : i32
      %mul3A_69 = arith.muli %scan3A_67, %mul3A_68 : i32
      %add3A_70 = arith.constant 0 : i32
      %add3A_71 = arith.addi %add3A_70, %mul3A_69 : i32
      %mul3A_72 = arith.constant 632 : i32
      %mul3A_73 = arith.muli %arg1, %mul3A_72 : i32
      %mul3A_74 = arith.constant 64 : i32
      %mul3A_75 = arith.muli %add3A_71, %mul3A_74 : i32
      %add3A_76 = arith.addi %mul3A_73, %mul3A_75 : i32
      %dma_wait3A_77 = arith.constant 0 : i32
      %dma_wait3A_78 = arith.constant 0 : i32
      %dma_wait3A_79 = tpu.memref_slice %arg9[%dma_wait3A_77, %dma_wait3A_78] : memref<128x128xf32, #tpu.memory_space<vmem>> -> memref<64x128xf32, #tpu.memory_space<vmem>>
      %dma_wait3A_80 = arith.constant 0 : i32
      %dma_wait3A_81 = tpu.memref_slice %arg11[%add3A_76, %dma_wait3A_80] : memref<10112x128xf32, #tpu.memory_space<vmem_shared>> -> memref<64x128xf32, #tpu.memory_space<vmem_shared>>
      %dma_wait3A_82 = arith.constant 0 : i32
      %dma_wait3A_83 = tpu.memref_slice %arg11[%add3A_76, %dma_wait3A_82] : memref<10112x128xf32, #tpu.memory_space<vmem_shared>> -> memref<64x128xf32, #tpu.memory_space<vmem_shared>>
      %dma_wait3A_84 = arith.constant 0 : i32
      %dma_wait3A_85 = arith.constant 0 : i32
      %dma_wait3A_86 = tpu.memref_slice %arg9[%dma_wait3A_84, %dma_wait3A_85] : memref<128x128xf32, #tpu.memory_space<vmem>> -> memref<64x128xf32, #tpu.memory_space<vmem>>
      tpu.wait_dma2 semaphore(%arg14 : memref<!tpu.dma_semaphore, #tpu.memory_space<semaphore_mem>>) src(%dma_wait3A_86 : memref<64x128xf32, #tpu.memory_space<vmem>>) dst(%dma_wait3A_83 : memref<64x128xf32, #tpu.memory_space<vmem_shared>>)
    }
    %scan3A_30 = arith.constant 9 : i32
    %mul3A_31 = arith.constant 632 : i32
    %mul3A_32 = arith.muli %arg1, %mul3A_31 : i32
    %add3A_33 = arith.constant 576 : i32
    %add3A_34 = arith.addi %mul3A_32, %add3A_33 : i32
    %dma_wait3A = arith.constant 0 : i32
    %dma_wait3A_35 = arith.constant 0 : i32
    %dma_wait3A_36 = tpu.memref_slice %arg9[%dma_wait3A, %dma_wait3A_35] : memref<128x128xf32, #tpu.memory_space<vmem>> -> memref<56x128xf32, #tpu.memory_space<vmem>>
    %dma_wait3A_37 = arith.constant 0 : i32
    %dma_wait3A_38 = tpu.memref_slice %arg11[%add3A_34, %dma_wait3A_37] : memref<10112x128xf32, #tpu.memory_space<vmem_shared>> -> memref<56x128xf32, #tpu.memory_space<vmem_shared>>
    %dma_wait3A_39 = arith.constant 0 : i32
    %dma_wait3A_40 = tpu.memref_slice %arg11[%add3A_34, %dma_wait3A_39] : memref<10112x128xf32, #tpu.memory_space<vmem_shared>> -> memref<56x128xf32, #tpu.memory_space<vmem_shared>>
    %dma_wait3A_41 = arith.constant 0 : i32
    %dma_wait3A_42 = arith.constant 0 : i32
    %dma_wait3A_43 = tpu.memref_slice %arg9[%dma_wait3A_41, %dma_wait3A_42] : memref<128x128xf32, #tpu.memory_space<vmem>> -> memref<56x128xf32, #tpu.memory_space<vmem>>
    tpu.wait_dma2 semaphore(%arg15 : memref<!tpu.dma_semaphore, #tpu.memory_space<semaphore_mem>>) src(%dma_wait3A_43 : memref<56x128xf32, #tpu.memory_space<vmem>>) dst(%dma_wait3A_40 : memref<56x128xf32, #tpu.memory_space<vmem_shared>>)
    %dma_wait3A_44 = arith.constant 0 : i32
    %dma_wait3A_45 = arith.constant 0 : i32
    %dma_wait3A_46 = tpu.memref_slice %arg3[%add3A, %dma_wait3A_44, %dma_wait3A_45] : memref<32x80x128xi32, #tpu.memory_space<hbm>> -> memref<1x80x128xi32, #tpu.memory_space<hbm>>
    %dma_wait3A_47 = tpu.memref_squeeze %dma_wait3A_46 : memref<1x80x128xi32, #tpu.memory_space<hbm>> -> memref<80x128xi32, #tpu.memory_space<hbm>>
    %dma_wait3A_48 = arith.constant 0 : i32
    %dma_wait3A_49 = arith.constant 0 : i32
    %dma_wait3A_50 = tpu.memref_slice %arg3[%add3A, %dma_wait3A_48, %dma_wait3A_49] : memref<32x80x128xi32, #tpu.memory_space<hbm>> -> memref<1x80x128xi32, #tpu.memory_space<hbm>>
    %dma_wait3A_51 = tpu.memref_squeeze %dma_wait3A_50 : memref<1x80x128xi32, #tpu.memory_space<hbm>> -> memref<80x128xi32, #tpu.memory_space<hbm>>
    tpu.wait_dma2 semaphore(%arg13 : memref<!tpu.dma_semaphore, #tpu.memory_space<semaphore_mem>>) src(%dma_wait3A_51 : memref<80x128xi32, #tpu.memory_space<hbm>>) dst(%arg7 : memref<80x128xi32, #tpu.memory_space<vmem>>)
    %barrier3A = arith.constant 0 : index
    tpu.barrier barrier_id(%barrier3A)
    %scan3A_52 = arith.constant 0 : i32
    %scan3A_53 = arith.constant 2 : i32
    %scan3A_54 = arith.addi %scan3A_52, %scan3A_53 : i32
    %scan3A_55 = arith.constant 1 : i32
    scf.for %scan3A_67 = %scan3A_52 to %scan3A_54 step %scan3A_55  : i32 {
      %mul3A_68 = arith.constant 1 : i32
      %mul3A_69 = arith.muli %scan3A_67, %mul3A_68 : i32
      %add3A_70 = arith.constant 0 : i32
      %add3A_71 = arith.addi %add3A_70, %mul3A_69 : i32
      %gt3A = arith.constant 0 : i32
      %gt3A_72 = arith.cmpi sgt, %add3A_71, %gt3A : i32
      %convert_element_type3A = arith.extui %gt3A_72 : i1 to i32
      %cond3A = arith.constant 0 : i32
      %cond3A_73 = arith.cmpi ne, %convert_element_type3A, %cond3A : i32
      scf.if %cond3A_73 {
        %dma_wait3A_132 = arith.constant 39 : i32
        %dma_wait3A_133 = arith.constant 0 : i32
        %dma_wait3A_134 = tpu.memref_slice %arg8[%dma_wait3A_132, %dma_wait3A_133] : memref<40x128xi32, #tpu.memory_space<vmem>> -> memref<1x128xi32, #tpu.memory_space<vmem>>
        %dma_wait3A_135 = tpu.memref_squeeze %dma_wait3A_134 : memref<1x128xi32, #tpu.memory_space<vmem>> -> memref<128xi32, #tpu.memory_space<vmem>>
        %dma_wait3A_136 = arith.constant 0 : i32
        %dma_wait3A_137 = arith.constant 0 : i32
        %dma_wait3A_138 = tpu.memref_slice %arg11[%dma_wait3A_136, %dma_wait3A_137] : memref<10112x128xf32, #tpu.memory_space<vmem_shared>> -> memref<10112x128xf32, #tpu.memory_space<vmem_shared>>
        tpu.wait_indirect_dma semaphore(%arg15 : memref<!tpu.dma_semaphore, #tpu.memory_space<semaphore_mem>>) src(%arg10 : memref<128x128xf32, #tpu.memory_space<vmem>>) dst(%dma_wait3A_138 : memref<10112x128xf32, #tpu.memory_space<vmem_shared>>)
      } else {
      }
      %mul3A_74 = arith.constant 40 : i32
      %mul3A_75 = arith.muli %add3A_71, %mul3A_74 : i32
      "tpu.region"() ({
        %run_scoped3A = tpu.sem_alloc : memref<!tpu.dma_semaphore, #tpu.memory_space<semaphore_mem>>
        %dma_start3A_132 = arith.constant 0 : i32
        %dma_start3A_133 = tpu.memref_slice %arg4[%add3A, %mul3A_75, %dma_start3A_132] : memref<32x80x128xi32, #tpu.memory_space<hbm>> -> memref<1x40x128xi32, #tpu.memory_space<hbm>>
        %dma_start3A_134 = tpu.memref_squeeze %dma_start3A_133 : memref<1x40x128xi32, #tpu.memory_space<hbm>> -> memref<40x128xi32, #tpu.memory_space<hbm>>
        %dma_start3A_135 = arith.constant 0 : i32
        %dma_start3A_136 = tpu.memref_slice %arg4[%add3A, %mul3A_75, %dma_start3A_135] : memref<32x80x128xi32, #tpu.memory_space<hbm>> -> memref<1x40x128xi32, #tpu.memory_space<hbm>>
        %dma_start3A_137 = tpu.memref_squeeze %dma_start3A_136 : memref<1x40x128xi32, #tpu.memory_space<hbm>> -> memref<40x128xi32, #tpu.memory_space<hbm>>
        tpu.enqueue_dma source(%dma_start3A_137 : memref<40x128xi32, #tpu.memory_space<hbm>>) target(%arg8 : memref<40x128xi32, #tpu.memory_space<vmem>>) target_semaphore(%run_scoped3A : memref<!tpu.dma_semaphore, #tpu.memory_space<semaphore_mem>>)
        %dma_wait3A_138 = arith.constant 0 : i32
        %dma_wait3A_139 = tpu.memref_slice %arg4[%add3A, %mul3A_75, %dma_wait3A_138] : memref<32x80x128xi32, #tpu.memory_space<hbm>> -> memref<1x40x128xi32, #tpu.memory_space<hbm>>
        %dma_wait3A_140 = tpu.memref_squeeze %dma_wait3A_139 : memref<1x40x128xi32, #tpu.memory_space<hbm>> -> memref<40x128xi32, #tpu.memory_space<hbm>>
        %dma_wait3A_141 = arith.constant 0 : i32
        %dma_wait3A_142 = tpu.memref_slice %arg4[%add3A, %mul3A_75, %dma_wait3A_141] : memref<32x80x128xi32, #tpu.memory_space<hbm>> -> memref<1x40x128xi32, #tpu.memory_space<hbm>>
        %dma_wait3A_143 = tpu.memref_squeeze %dma_wait3A_142 : memref<1x40x128xi32, #tpu.memory_space<hbm>> -> memref<40x128xi32, #tpu.memory_space<hbm>>
        tpu.wait_dma2 semaphore(%run_scoped3A : memref<!tpu.dma_semaphore, #tpu.memory_space<semaphore_mem>>) src(%dma_wait3A_143 : memref<40x128xi32, #tpu.memory_space<hbm>>) dst(%arg8 : memref<40x128xi32, #tpu.memory_space<vmem>>)
        tpu.yield
      }) : () -> ()
      %mul3A_76 = arith.constant 40 : i32
      %mul3A_77 = arith.muli %add3A_71, %mul3A_76 : i32
      %add3A_78 = arith.constant 0 : i32
      %add3A_79 = arith.addi %mul3A_77, %add3A_78 : i32
      %dma_start3A_80 = arith.constant 0 : i32
      %dma_start3A_81 = tpu.memref_slice %arg7[%add3A_79, %dma_start3A_80] : memref<80x128xi32, #tpu.memory_space<vmem>> -> memref<1x128xi32, #tpu.memory_space<vmem>>
      %dma_start3A_82 = tpu.memref_squeeze %dma_start3A_81 : memref<1x128xi32, #tpu.memory_space<vmem>> -> memref<128xi32, #tpu.memory_space<vmem>>
      %dma_start3A_83 = arith.constant 0 : i32
      %dma_start3A_84 = arith.constant 0 : i32
      %dma_start3A_85 = tpu.memref_slice %arg2[%dma_start3A_83, %dma_start3A_84] : memref<10000x128xf32, #tpu.memory_space<hbm>> -> memref<10000x128xf32, #tpu.memory_space<hbm>>
      tpu.enqueue_indirect_dma source(%dma_start3A_85 : memref<10000x128xf32, #tpu.memory_space<hbm>>) target(%arg9 : memref<128x128xf32, #tpu.memory_space<vmem>>) offsets(%dma_start3A_82 : memref<128xi32, #tpu.memory_space<vmem>>) semaphore(%arg12 : memref<!tpu.dma_semaphore, #tpu.memory_space<semaphore_mem>>)
      %add3A_86 = arith.constant 1 : i32
      %add3A_87 = arith.addi %add3A_79, %add3A_86 : i32
      %dma_start3A_88 = arith.constant 0 : i32
      %dma_start3A_89 = tpu.memref_slice %arg7[%add3A_87, %dma_start3A_88] : memref<80x128xi32, #tpu.memory_space<vmem>> -> memref<1x128xi32, #tpu.memory_space<vmem>>
      %dma_start3A_90 = tpu.memref_squeeze %dma_start3A_89 : memref<1x128xi32, #tpu.memory_space<vmem>> -> memref<128xi32, #tpu.memory_space<vmem>>
      %dma_start3A_91 = arith.constant 0 : i32
      %dma_start3A_92 = arith.constant 0 : i32
      %dma_start3A_93 = tpu.memref_slice %arg2[%dma_start3A_91, %dma_start3A_92] : memref<10000x128xf32, #tpu.memory_space<hbm>> -> memref<10000x128xf32, #tpu.memory_space<hbm>>
      tpu.enqueue_indirect_dma source(%dma_start3A_93 : memref<10000x128xf32, #tpu.memory_space<hbm>>) target(%arg10 : memref<128x128xf32, #tpu.memory_space<vmem>>) offsets(%dma_start3A_90 : memref<128xi32, #tpu.memory_space<vmem>>) semaphore(%arg13 : memref<!tpu.dma_semaphore, #tpu.memory_space<semaphore_mem>>)
      %dma_wait3A_94 = arith.constant 0 : i32
      %dma_wait3A_95 = tpu.memref_slice %arg7[%add3A_79, %dma_wait3A_94] : memref<80x128xi32, #tpu.memory_space<vmem>> -> memref<1x128xi32, #tpu.memory_space<vmem>>
      %dma_wait3A_96 = tpu.memref_squeeze %dma_wait3A_95 : memref<1x128xi32, #tpu.memory_space<vmem>> -> memref<128xi32, #tpu.memory_space<vmem>>
      %dma_wait3A_97 = arith.constant 0 : i32
      %dma_wait3A_98 = arith.constant 0 : i32
      %dma_wait3A_99 = tpu.memref_slice %arg2[%dma_wait3A_97, %dma_wait3A_98] : memref<10000x128xf32, #tpu.memory_space<hbm>> -> memref<10000x128xf32, #tpu.memory_space<hbm>>
      tpu.wait_indirect_dma semaphore(%arg12 : memref<!tpu.dma_semaphore, #tpu.memory_space<semaphore_mem>>) src(%dma_wait3A_99 : memref<10000x128xf32, #tpu.memory_space<hbm>>) dst(%arg9 : memref<128x128xf32, #tpu.memory_space<vmem>>)
      %dma_start3A_100 = arith.constant 0 : i32
      %dma_start3A_101 = arith.constant 0 : i32
      %dma_start3A_102 = tpu.memref_slice %arg8[%dma_start3A_100, %dma_start3A_101] : memref<40x128xi32, #tpu.memory_space<vmem>> -> memref<1x128xi32, #tpu.memory_space<vmem>>
      %dma_start3A_103 = tpu.memref_squeeze %dma_start3A_102 : memref<1x128xi32, #tpu.memory_space<vmem>> -> memref<128xi32, #tpu.memory_space<vmem>>
      %dma_start3A_104 = arith.constant 0 : i32
      %dma_start3A_105 = arith.constant 0 : i32
      %dma_start3A_106 = tpu.memref_slice %arg11[%dma_start3A_104, %dma_start3A_105] : memref<10112x128xf32, #tpu.memory_space<vmem_shared>> -> memref<10112x128xf32, #tpu.memory_space<vmem_shared>>
      tpu.enqueue_indirect_dma source(%arg9 : memref<128x128xf32, #tpu.memory_space<vmem>>) target(%dma_start3A_106 : memref<10112x128xf32, #tpu.memory_space<vmem_shared>>) offsets(%dma_start3A_103 : memref<128xi32, #tpu.memory_space<vmem>>) semaphore(%arg14 : memref<!tpu.dma_semaphore, #tpu.memory_space<semaphore_mem>>) {add = true}
      %dma_wait3A_107 = arith.constant 0 : i32
      %dma_wait3A_108 = tpu.memref_slice %arg7[%add3A_87, %dma_wait3A_107] : memref<80x128xi32, #tpu.memory_space<vmem>> -> memref<1x128xi32, #tpu.memory_space<vmem>>
      %dma_wait3A_109 = tpu.memref_squeeze %dma_wait3A_108 : memref<1x128xi32, #tpu.memory_space<vmem>> -> memref<128xi32, #tpu.memory_space<vmem>>
      %dma_wait3A_110 = arith.constant 0 : i32
      %dma_wait3A_111 = arith.constant 0 : i32
      %dma_wait3A_112 = tpu.memref_slice %arg2[%dma_wait3A_110, %dma_wait3A_111] : memref<10000x128xf32, #tpu.memory_space<hbm>> -> memref<10000x128xf32, #tpu.memory_space<hbm>>
      tpu.wait_indirect_dma semaphore(%arg13 : memref<!tpu.dma_semaphore, #tpu.memory_space<semaphore_mem>>) src(%dma_wait3A_112 : memref<10000x128xf32, #tpu.memory_space<hbm>>) dst(%arg10 : memref<128x128xf32, #tpu.memory_space<vmem>>)
      %dma_start3A_113 = arith.constant 1 : i32
      %dma_start3A_114 = arith.constant 0 : i32
      %dma_start3A_115 = tpu.memref_slice %arg8[%dma_start3A_113, %dma_start3A_114] : memref<40x128xi32, #tpu.memory_space<vmem>> -> memref<1x128xi32, #tpu.memory_space<vmem>>
      %dma_start3A_116 = tpu.memref_squeeze %dma_start3A_115 : memref<1x128xi32, #tpu.memory_space<vmem>> -> memref<128xi32, #tpu.memory_space<vmem>>
      %dma_start3A_117 = arith.constant 0 : i32
      %dma_start3A_118 = arith.constant 0 : i32
      %dma_start3A_119 = tpu.memref_slice %arg11[%dma_start3A_117, %dma_start3A_118] : memref<10112x128xf32, #tpu.memory_space<vmem_shared>> -> memref<10112x128xf32, #tpu.memory_space<vmem_shared>>
      tpu.enqueue_indirect_dma source(%arg10 : memref<128x128xf32, #tpu.memory_space<vmem>>) target(%dma_start3A_119 : memref<10112x128xf32, #tpu.memory_space<vmem_shared>>) offsets(%dma_start3A_116 : memref<128xi32, #tpu.memory_space<vmem>>) semaphore(%arg15 : memref<!tpu.dma_semaphore, #tpu.memory_space<semaphore_mem>>) {add = true}
      %dma_wait3A_120 = arith.constant 0 : i32
      %dma_wait3A_121 = arith.constant 0 : i32
      %dma_wait3A_122 = tpu.memref_slice %arg8[%dma_wait3A_120, %dma_wait3A_121] : memref<40x128xi32, #tpu.memory_space<vmem>> -> memref<1x128xi32, #tpu.memory_space<vmem>>
      %dma_wait3A_123 = tpu.memref_squeeze %dma_wait3A_122 : memref<1x128xi32, #tpu.memory_space<vmem>> -> memref<128xi32, #tpu.memory_space<vmem>>
      %dma_wait3A_124 = arith.constant 0 : i32
      %dma_wait3A_125 = arith.constant 0 : i32
      %dma_wait3A_126 = tpu.memref_slice %arg11[%dma_wait3A_124, %dma_wait3A_125] : memref<10112x128xf32, #tpu.memory_space<vmem_shared>> -> memref<10112x128xf32, #tpu.memory_space<vmem_shared>>
      tpu.wait_indirect_dma semaphore(%arg14 : memref<!tpu.dma_semaphore, #tpu.memory_space<semaphore_mem>>) src(%arg9 : memref<128x128xf32, #tpu.memory_space<vmem>>) dst(%dma_wait3A_126 : memref<10112x128xf32, #tpu.memory_space<vmem_shared>>)
      %scan3A_127 = arith.constant 0 : i32
      %scan3A_128 = arith.constant 19 : i32
      %scan3A_129 = arith.addi %scan3A_127, %scan3A_128 : i32
      %scan3A_130 = arith.constant 1 : i32
      scf.for %scan3A_132 = %scan3A_127 to %scan3A_129 step %scan3A_130  : i32 {
        %mul3A_133 = arith.constant 1 : i32
        %mul3A_134 = arith.muli %scan3A_132, %mul3A_133 : i32
        %add3A_135 = arith.constant 1 : i32
        %add3A_136 = arith.addi %add3A_135, %mul3A_134 : i32
        %mul3A_137 = arith.constant 2 : i32
        %mul3A_138 = arith.muli %mul3A_137, %add3A_136 : i32
        %mul3A_139 = arith.constant 40 : i32
        %mul3A_140 = arith.muli %add3A_71, %mul3A_139 : i32
        %add3A_141 = arith.addi %mul3A_140, %mul3A_138 : i32
        %dma_start3A_142 = arith.constant 0 : i32
        %dma_start3A_143 = tpu.memref_slice %arg7[%add3A_141, %dma_start3A_142] : memref<80x128xi32, #tpu.memory_space<vmem>> -> memref<1x128xi32, #tpu.memory_space<vmem>>
        %dma_start3A_144 = tpu.memref_squeeze %dma_start3A_143 : memref<1x128xi32, #tpu.memory_space<vmem>> -> memref<128xi32, #tpu.memory_space<vmem>>
        %dma_start3A_145 = arith.constant 0 : i32
        %dma_start3A_146 = arith.constant 0 : i32
        %dma_start3A_147 = tpu.memref_slice %arg2[%dma_start3A_145, %dma_start3A_146] : memref<10000x128xf32, #tpu.memory_space<hbm>> -> memref<10000x128xf32, #tpu.memory_space<hbm>>
        tpu.enqueue_indirect_dma source(%dma_start3A_147 : memref<10000x128xf32, #tpu.memory_space<hbm>>) target(%arg9 : memref<128x128xf32, #tpu.memory_space<vmem>>) offsets(%dma_start3A_144 : memref<128xi32, #tpu.memory_space<vmem>>) semaphore(%arg12 : memref<!tpu.dma_semaphore, #tpu.memory_space<semaphore_mem>>)
        %dma_wait3A_148 = arith.constant 0 : i32
        %dma_wait3A_149 = tpu.memref_slice %arg8[%mul3A_138, %dma_wait3A_148] : memref<40x128xi32, #tpu.memory_space<vmem>> -> memref<1x128xi32, #tpu.memory_space<vmem>>
        %dma_wait3A_150 = tpu.memref_squeeze %dma_wait3A_149 : memref<1x128xi32, #tpu.memory_space<vmem>> -> memref<128xi32, #tpu.memory_space<vmem>>
        %dma_wait3A_151 = arith.constant 0 : i32
        %dma_wait3A_152 = arith.constant 0 : i32
        %dma_wait3A_153 = tpu.memref_slice %arg11[%dma_wait3A_151, %dma_wait3A_152] : memref<10112x128xf32, #tpu.memory_space<vmem_shared>> -> memref<10112x128xf32, #tpu.memory_space<vmem_shared>>
        tpu.wait_indirect_dma semaphore(%arg15 : memref<!tpu.dma_semaphore, #tpu.memory_space<semaphore_mem>>) src(%arg10 : memref<128x128xf32, #tpu.memory_space<vmem>>) dst(%dma_wait3A_153 : memref<10112x128xf32, #tpu.memory_space<vmem_shared>>)
        %add3A_154 = arith.constant 1 : i32
        %add3A_155 = arith.addi %add3A_141, %add3A_154 : i32
        %dma_start3A_156 = arith.constant 0 : i32
        %dma_start3A_157 = tpu.memref_slice %arg7[%add3A_155, %dma_start3A_156] : memref<80x128xi32, #tpu.memory_space<vmem>> -> memref<1x128xi32, #tpu.memory_space<vmem>>
        %dma_start3A_158 = tpu.memref_squeeze %dma_start3A_157 : memref<1x128xi32, #tpu.memory_space<vmem>> -> memref<128xi32, #tpu.memory_space<vmem>>
        %dma_start3A_159 = arith.constant 0 : i32
        %dma_start3A_160 = arith.constant 0 : i32
        %dma_start3A_161 = tpu.memref_slice %arg2[%dma_start3A_159, %dma_start3A_160] : memref<10000x128xf32, #tpu.memory_space<hbm>> -> memref<10000x128xf32, #tpu.memory_space<hbm>>
        tpu.enqueue_indirect_dma source(%dma_start3A_161 : memref<10000x128xf32, #tpu.memory_space<hbm>>) target(%arg10 : memref<128x128xf32, #tpu.memory_space<vmem>>) offsets(%dma_start3A_158 : memref<128xi32, #tpu.memory_space<vmem>>) semaphore(%arg13 : memref<!tpu.dma_semaphore, #tpu.memory_space<semaphore_mem>>)
        %dma_wait3A_162 = arith.constant 0 : i32
        %dma_wait3A_163 = tpu.memref_slice %arg7[%add3A_141, %dma_wait3A_162] : memref<80x128xi32, #tpu.memory_space<vmem>> -> memref<1x128xi32, #tpu.memory_space<vmem>>
        %dma_wait3A_164 = tpu.memref_squeeze %dma_wait3A_163 : memref<1x128xi32, #tpu.memory_space<vmem>> -> memref<128xi32, #tpu.memory_space<vmem>>
        %dma_wait3A_165 = arith.constant 0 : i32
        %dma_wait3A_166 = arith.constant 0 : i32
        %dma_wait3A_167 = tpu.memref_slice %arg2[%dma_wait3A_165, %dma_wait3A_166] : memref<10000x128xf32, #tpu.memory_space<hbm>> -> memref<10000x128xf32, #tpu.memory_space<hbm>>
        tpu.wait_indirect_dma semaphore(%arg12 : memref<!tpu.dma_semaphore, #tpu.memory_space<semaphore_mem>>) src(%dma_wait3A_167 : memref<10000x128xf32, #tpu.memory_space<hbm>>) dst(%arg9 : memref<128x128xf32, #tpu.memory_space<vmem>>)
        %dma_start3A_168 = arith.constant 0 : i32
        %dma_start3A_169 = tpu.memref_slice %arg8[%mul3A_138, %dma_start3A_168] : memref<40x128xi32, #tpu.memory_space<vmem>> -> memref<1x128xi32, #tpu.memory_space<vmem>>
        %dma_start3A_170 = tpu.memref_squeeze %dma_start3A_169 : memref<1x128xi32, #tpu.memory_space<vmem>> -> memref<128xi32, #tpu.memory_space<vmem>>
        %dma_start3A_171 = arith.constant 0 : i32
        %dma_start3A_172 = arith.constant 0 : i32
        %dma_start3A_173 = tpu.memref_slice %arg11[%dma_start3A_171, %dma_start3A_172] : memref<10112x128xf32, #tpu.memory_space<vmem_shared>> -> memref<10112x128xf32, #tpu.memory_space<vmem_shared>>
        tpu.enqueue_indirect_dma source(%arg9 : memref<128x128xf32, #tpu.memory_space<vmem>>) target(%dma_start3A_173 : memref<10112x128xf32, #tpu.memory_space<vmem_shared>>) offsets(%dma_start3A_170 : memref<128xi32, #tpu.memory_space<vmem>>) semaphore(%arg14 : memref<!tpu.dma_semaphore, #tpu.memory_space<semaphore_mem>>) {add = true}
        %dma_wait3A_174 = arith.constant 0 : i32
        %dma_wait3A_175 = tpu.memref_slice %arg7[%add3A_155, %dma_wait3A_174] : memref<80x128xi32, #tpu.memory_space<vmem>> -> memref<1x128xi32, #tpu.memory_space<vmem>>
        %dma_wait3A_176 = tpu.memref_squeeze %dma_wait3A_175 : memref<1x128xi32, #tpu.memory_space<vmem>> -> memref<128xi32, #tpu.memory_space<vmem>>
        %dma_wait3A_177 = arith.constant 0 : i32
        %dma_wait3A_178 = arith.constant 0 : i32
        %dma_wait3A_179 = tpu.memref_slice %arg2[%dma_wait3A_177, %dma_wait3A_178] : memref<10000x128xf32, #tpu.memory_space<hbm>> -> memref<10000x128xf32, #tpu.memory_space<hbm>>
        tpu.wait_indirect_dma semaphore(%arg13 : memref<!tpu.dma_semaphore, #tpu.memory_space<semaphore_mem>>) src(%dma_wait3A_179 : memref<10000x128xf32, #tpu.memory_space<hbm>>) dst(%arg10 : memref<128x128xf32, #tpu.memory_space<vmem>>)
        %add3A_180 = arith.constant 1 : i32
        %add3A_181 = arith.addi %mul3A_138, %add3A_180 : i32
        %dma_start3A_182 = arith.constant 0 : i32
        %dma_start3A_183 = tpu.memref_slice %arg8[%add3A_181, %dma_start3A_182] : memref<40x128xi32, #tpu.memory_space<vmem>> -> memref<1x128xi32, #tpu.memory_space<vmem>>
        %dma_start3A_184 = tpu.memref_squeeze %dma_start3A_183 : memref<1x128xi32, #tpu.memory_space<vmem>> -> memref<128xi32, #tpu.memory_space<vmem>>
        %dma_start3A_185 = arith.constant 0 : i32
        %dma_start3A_186 = arith.constant 0 : i32
        %dma_start3A_187 = tpu.memref_slice %arg11[%dma_start3A_185, %dma_start3A_186] : memref<10112x128xf32, #tpu.memory_space<vmem_shared>> -> memref<10112x128xf32, #tpu.memory_space<vmem_shared>>
        tpu.enqueue_indirect_dma source(%arg10 : memref<128x128xf32, #tpu.memory_space<vmem>>) target(%dma_start3A_187 : memref<10112x128xf32, #tpu.memory_space<vmem_shared>>) offsets(%dma_start3A_184 : memref<128xi32, #tpu.memory_space<vmem>>) semaphore(%arg15 : memref<!tpu.dma_semaphore, #tpu.memory_space<semaphore_mem>>) {add = true}
        %dma_wait3A_188 = arith.constant 0 : i32
        %dma_wait3A_189 = tpu.memref_slice %arg8[%mul3A_138, %dma_wait3A_188] : memref<40x128xi32, #tpu.memory_space<vmem>> -> memref<1x128xi32, #tpu.memory_space<vmem>>
        %dma_wait3A_190 = tpu.memref_squeeze %dma_wait3A_189 : memref<1x128xi32, #tpu.memory_space<vmem>> -> memref<128xi32, #tpu.memory_space<vmem>>
        %dma_wait3A_191 = arith.constant 0 : i32
        %dma_wait3A_192 = arith.constant 0 : i32
        %dma_wait3A_193 = tpu.memref_slice %arg11[%dma_wait3A_191, %dma_wait3A_192] : memref<10112x128xf32, #tpu.memory_space<vmem_shared>> -> memref<10112x128xf32, #tpu.memory_space<vmem_shared>>
        tpu.wait_indirect_dma semaphore(%arg14 : memref<!tpu.dma_semaphore, #tpu.memory_space<semaphore_mem>>) src(%arg9 : memref<128x128xf32, #tpu.memory_space<vmem>>) dst(%dma_wait3A_193 : memref<10112x128xf32, #tpu.memory_space<vmem_shared>>)
      }
      %scan3A_131 = arith.constant 19 : i32
    }
    %scan3A_56 = arith.constant 2 : i32
    %dma_wait3A_57 = arith.constant 39 : i32
    %dma_wait3A_58 = arith.constant 0 : i32
    %dma_wait3A_59 = tpu.memref_slice %arg8[%dma_wait3A_57, %dma_wait3A_58] : memref<40x128xi32, #tpu.memory_space<vmem>> -> memref<1x128xi32, #tpu.memory_space<vmem>>
    %dma_wait3A_60 = tpu.memref_squeeze %dma_wait3A_59 : memref<1x128xi32, #tpu.memory_space<vmem>> -> memref<128xi32, #tpu.memory_space<vmem>>
    %dma_wait3A_61 = arith.constant 0 : i32
    %dma_wait3A_62 = arith.constant 0 : i32
    %dma_wait3A_63 = tpu.memref_slice %arg11[%dma_wait3A_61, %dma_wait3A_62] : memref<10112x128xf32, #tpu.memory_space<vmem_shared>> -> memref<10112x128xf32, #tpu.memory_space<vmem_shared>>
    tpu.wait_indirect_dma semaphore(%arg15 : memref<!tpu.dma_semaphore, #tpu.memory_space<semaphore_mem>>) src(%arg10 : memref<128x128xf32, #tpu.memory_space<vmem>>) dst(%dma_wait3A_63 : memref<10112x128xf32, #tpu.memory_space<vmem_shared>>)
    %barrier3A_64 = arith.constant 0 : index
    tpu.barrier barrier_id(%barrier3A_64)
    %mul3A_65 = arith.constant 632 : i32
    %mul3A_66 = arith.muli %arg1, %mul3A_65 : i32
    "tpu.region"() ({
      %run_scoped3A = tpu.sem_alloc : memref<!tpu.dma_semaphore, #tpu.memory_space<semaphore_mem>>
      %dma_start3A_67 = arith.constant 0 : i32
      %dma_start3A_68 = tpu.memref_slice %arg6[%arg0, %mul3A_66, %dma_start3A_67] : memref<2x10112x128xf32, #tpu.memory_space<hbm>> -> memref<1x632x128xf32, #tpu.memory_space<hbm>>
      %dma_start3A_69 = tpu.memref_squeeze %dma_start3A_68 : memref<1x632x128xf32, #tpu.memory_space<hbm>> -> memref<632x128xf32, #tpu.memory_space<hbm>>
      %dma_start3A_70 = arith.constant 0 : i32
      %dma_start3A_71 = tpu.memref_slice %arg11[%mul3A_66, %dma_start3A_70] : memref<10112x128xf32, #tpu.memory_space<vmem_shared>> -> memref<632x128xf32, #tpu.memory_space<vmem_shared>>
      tpu.enqueue_dma source(%dma_start3A_71 : memref<632x128xf32, #tpu.memory_space<vmem_shared>>) target(%dma_start3A_69 : memref<632x128xf32, #tpu.memory_space<hbm>>) target_semaphore(%run_scoped3A : memref<!tpu.dma_semaphore, #tpu.memory_space<semaphore_mem>>)
      %dma_wait3A_72 = arith.constant 0 : i32
      %dma_wait3A_73 = tpu.memref_slice %arg6[%arg0, %mul3A_66, %dma_wait3A_72] : memref<2x10112x128xf32, #tpu.memory_space<hbm>> -> memref<1x632x128xf32, #tpu.memory_space<hbm>>
      %dma_wait3A_74 = tpu.memref_squeeze %dma_wait3A_73 : memref<1x632x128xf32, #tpu.memory_space<hbm>> -> memref<632x128xf32, #tpu.memory_space<hbm>>
      %dma_wait3A_75 = arith.constant 0 : i32
      %dma_wait3A_76 = tpu.memref_slice %arg11[%mul3A_66, %dma_wait3A_75] : memref<10112x128xf32, #tpu.memory_space<vmem_shared>> -> memref<632x128xf32, #tpu.memory_space<vmem_shared>>
      tpu.wait_dma2 semaphore(%run_scoped3A : memref<!tpu.dma_semaphore, #tpu.memory_space<semaphore_mem>>) src(%dma_wait3A_76 : memref<632x128xf32, #tpu.memory_space<vmem_shared>>) dst(%dma_wait3A_74 : memref<632x128xf32, #tpu.memory_space<hbm>>)
      tpu.yield
    }) : () -> ()
    return
  }
}

#map = affine_map<(d0, d1) -> (0, 0)>
#map1 = affine_map<(d0, d1) -> (0, 0, 0)>
module attributes {stable_mosaic.version = 14 : i64} {
  func.func @body(%arg0: i32, %arg1: i32, %arg2: memref<10000x128xf32, #tpu.memory_space<hbm>>, %arg3: memref<32x80x128xi32, #tpu.memory_space<hbm>>, %arg4: memref<32x80x128xi32, #tpu.memory_space<hbm>>, %arg5: memref<64x128xf32, #tpu.memory_space<hbm>>, %arg6: memref<2x10112x128xf32, #tpu.memory_space<hbm>>, %arg7: memref<80x128xi32, #tpu.memory_space<vmem>>, %arg8: memref<40x128xi32, #tpu.memory_space<vmem>>, %arg9: memref<128x128xf32, #tpu.memory_space<vmem>>, %arg10: memref<128x128xf32, #tpu.memory_space<vmem>>, %arg11: memref<10112x128xf32, #tpu.memory_space<vmem_shared>>, %arg12: memref<!tpu.dma_semaphore, #tpu.memory_space<semaphore_mem>>, %arg13: memref<!tpu.dma_semaphore, #tpu.memory_space<semaphore_mem>>, %arg14: memref<!tpu.dma_semaphore, #tpu.memory_space<semaphore_mem>>, %arg15: memref<!tpu.dma_semaphore, #tpu.memory_space<semaphore_mem>>) attributes {dimension_semantics = [#tpu.dimension_semantics<core_parallel>, #tpu.dimension_semantics<subcore_parallel>], iteration_bounds = array<i64: 2, 16>, scalar_prefetch = 0 : i64, scratch_operands = 9 : i64, tpu.core_type = #tpu.core_type<sc_vector_subcore>, window_params = [{transform_indices = #map}, {transform_indices = #map1}, {transform_indices = #map1}, {transform_indices = #map}, {transform_indices = #map1}]} {
    %mul3A = arith.constant 16 : i32
    %mul3A_0 = arith.muli %arg0, %mul3A : i32
    %add3A = arith.addi %mul3A_0, %arg1 : i32
    %dma_start3A = arith.constant 0 : i32
    %dma_start3A_1 = arith.constant 0 : i32
    %dma_start3A_2 = tpu.memref_slice %arg3[%add3A, %dma_start3A, %dma_start3A_1] : memref<32x80x128xi32, #tpu.memory_space<hbm>> -> memref<1x80x128xi32, #tpu.memory_space<hbm>>
    %dma_start3A_3 = tpu.memref_squeeze %dma_start3A_2 : memref<1x80x128xi32, #tpu.memory_space<hbm>> -> memref<80x128xi32, #tpu.memory_space<hbm>>
    %dma_start3A_4 = arith.constant 0 : i32
    %dma_start3A_5 = arith.constant 0 : i32
    %dma_start3A_6 = tpu.memref_slice %arg3[%add3A, %dma_start3A_4, %dma_start3A_5] : memref<32x80x128xi32, #tpu.memory_space<hbm>> -> memref<1x80x128xi32, #tpu.memory_space<hbm>>
    %dma_start3A_7 = tpu.memref_squeeze %dma_start3A_6 : memref<1x80x128xi32, #tpu.memory_space<hbm>> -> memref<80x128xi32, #tpu.memory_space<hbm>>
    tpu.enqueue_dma source(%dma_start3A_7 : memref<80x128xi32, #tpu.memory_space<hbm>>) target(%arg7 : memref<80x128xi32, #tpu.memory_space<vmem>>) target_semaphore(%arg13 : memref<!tpu.dma_semaphore, #tpu.memory_space<semaphore_mem>>)
    "tpu.region"() ({
      %run_scoped3A = tpu.sem_alloc : memref<!tpu.dma_semaphore, #tpu.memory_space<semaphore_mem>>
      %dma_start3A_67 = arith.constant 0 : i32
      %dma_start3A_68 = arith.constant 0 : i32
      %dma_start3A_69 = tpu.memref_slice %arg9[%dma_start3A_67, %dma_start3A_68] : memref<128x128xf32, #tpu.memory_space<vmem>> -> memref<64x128xf32, #tpu.memory_space<vmem>>
      %dma_start3A_70 = arith.constant 0 : i32
      %dma_start3A_71 = arith.constant 0 : i32
      %dma_start3A_72 = tpu.memref_slice %arg9[%dma_start3A_70, %dma_start3A_71] : memref<128x128xf32, #tpu.memory_space<vmem>> -> memref<64x128xf32, #tpu.memory_space<vmem>>
      tpu.enqueue_dma source(%arg5 : memref<64x128xf32, #tpu.memory_space<hbm>>) target(%dma_start3A_72 : memref<64x128xf32, #tpu.memory_space<vmem>>) target_semaphore(%run_scoped3A : memref<!tpu.dma_semaphore, #tpu.memory_space<semaphore_mem>>)
      %dma_wait3A_73 = arith.constant 0 : i32
      %dma_wait3A_74 = arith.constant 0 : i32
      %dma_wait3A_75 = tpu.memref_slice %arg9[%dma_wait3A_73, %dma_wait3A_74] : memref<128x128xf32, #tpu.memory_space<vmem>> -> memref<64x128xf32, #tpu.memory_space<vmem>>
      %dma_wait3A_76 = arith.constant 0 : i32
      %dma_wait3A_77 = arith.constant 0 : i32
      %dma_wait3A_78 = tpu.memref_slice %arg9[%dma_wait3A_76, %dma_wait3A_77] : memref<128x128xf32, #tpu.memory_space<vmem>> -> memref<64x128xf32, #tpu.memory_space<vmem>>
      tpu.wait_dma2 semaphore(%run_scoped3A : memref<!tpu.dma_semaphore, #tpu.memory_space<semaphore_mem>>) src(%arg5 : memref<64x128xf32, #tpu.memory_space<hbm>>) dst(%dma_wait3A_78 : memref<64x128xf32, #tpu.memory_space<vmem>>)
      tpu.yield
    }) : () -> ()
    %scan3A = arith.constant 0 : i32
    %scan3A_8 = arith.constant 9 : i32
    %scan3A_9 = arith.addi %scan3A, %scan3A_8 : i32
    %scan3A_10 = arith.constant 1 : i32
    scf.for %scan3A_67 = %scan3A to %scan3A_9 step %scan3A_10  : i32 {
      %mul3A_68 = arith.constant 1 : i32
      %mul3A_69 = arith.muli %scan3A_67, %mul3A_68 : i32
      %add3A_70 = arith.constant 0 : i32
      %add3A_71 = arith.addi %add3A_70, %mul3A_69 : i32
      %mul3A_72 = arith.constant 632 : i32
      %mul3A_73 = arith.muli %arg1, %mul3A_72 : i32
      %mul3A_74 = arith.constant 64 : i32
      %mul3A_75 = arith.muli %add3A_71, %mul3A_74 : i32
      %add3A_76 = arith.addi %mul3A_73, %mul3A_75 : i32
      %dma_start3A_77 = arith.constant 0 : i32
      %dma_start3A_78 = arith.constant 0 : i32
      %dma_start3A_79 = tpu.memref_slice %arg9[%dma_start3A_77, %dma_start3A_78] : memref<128x128xf32, #tpu.memory_space<vmem>> -> memref<64x128xf32, #tpu.memory_space<vmem>>
      %dma_start3A_80 = arith.constant 0 : i32
      %dma_start3A_81 = tpu.memref_slice %arg11[%add3A_76, %dma_start3A_80] : memref<10112x128xf32, #tpu.memory_space<vmem_shared>> -> memref<64x128xf32, #tpu.memory_space<vmem_shared>>
      %dma_start3A_82 = arith.constant 0 : i32
      %dma_start3A_83 = tpu.memref_slice %arg11[%add3A_76, %dma_start3A_82] : memref<10112x128xf32, #tpu.memory_space<vmem_shared>> -> memref<64x128xf32, #tpu.memory_space<vmem_shared>>
      %dma_start3A_84 = arith.constant 0 : i32
      %dma_start3A_85 = arith.constant 0 : i32
      %dma_start3A_86 = tpu.memref_slice %arg9[%dma_start3A_84, %dma_start3A_85] : memref<128x128xf32, #tpu.memory_space<vmem>> -> memref<64x128xf32, #tpu.memory_space<vmem>>
      tpu.enqueue_dma source(%dma_start3A_86 : memref<64x128xf32, #tpu.memory_space<vmem>>) target(%dma_start3A_83 : memref<64x128xf32, #tpu.memory_space<vmem_shared>>) target_semaphore(%arg14 : memref<!tpu.dma_semaphore, #tpu.memory_space<semaphore_mem>>)
    }
    %scan3A_11 = arith.constant 9 : i32
    %mul3A_12 = arith.constant 632 : i32
    %mul3A_13 = arith.muli %arg1, %mul3A_12 : i32
    %add3A_14 = arith.constant 576 : i32
    %add3A_15 = arith.addi %mul3A_13, %add3A_14 : i32
    %dma_start3A_16 = arith.constant 0 : i32
    %dma_start3A_17 = arith.constant 0 : i32
    %dma_start3A_18 = tpu.memref_slice %arg9[%dma_start3A_16, %dma_start3A_17] : memref<128x128xf32, #tpu.memory_space<vmem>> -> memref<56x128xf32, #tpu.memory_space<vmem>>
    %dma_start3A_19 = arith.constant 0 : i32
    %dma_start3A_20 = tpu.memref_slice %arg11[%add3A_15, %dma_start3A_19] : memref<10112x128xf32, #tpu.memory_space<vmem_shared>> -> memref<56x128xf32, #tpu.memory_space<vmem_shared>>
    %dma_start3A_21 = arith.constant 0 : i32
    %dma_start3A_22 = tpu.memref_slice %arg11[%add3A_15, %dma_start3A_21] : memref<10112x128xf32, #tpu.memory_space<vmem_shared>> -> memref<56x128xf32, #tpu.memory_space<vmem_shared>>
    %dma_start3A_23 = arith.constant 0 : i32
    %dma_start3A_24 = arith.constant 0 : i32
    %dma_start3A_25 = tpu.memref_slice %arg9[%dma_start3A_23, %dma_start3A_24] : memref<128x128xf32, #tpu.memory_space<vmem>> -> memref<56x128xf32, #tpu.memory_space<vmem>>
    tpu.enqueue_dma source(%dma_start3A_25 : memref<56x128xf32, #tpu.memory_space<vmem>>) target(%dma_start3A_22 : memref<56x128xf32, #tpu.memory_space<vmem_shared>>) target_semaphore(%arg15 : memref<!tpu.dma_semaphore, #tpu.memory_space<semaphore_mem>>)
    %scan3A_26 = arith.constant 0 : i32
    %scan3A_27 = arith.constant 9 : i32
    %scan3A_28 = arith.addi %scan3A_26, %scan3A_27 : i32
    %scan3A_29 = arith.constant 1 : i32
    scf.for %scan3A_67 = %scan3A_26 to %scan3A_28 step %scan3A_29  : i32 {
      %mul3A_68 = arith.constant 1 : i32
      %mul3A_69 = arith.muli %scan3A_67, %mul3A_68 : i32
      %add3A_70 = arith.constant 0 : i32
      %add3A_71 = arith.addi %add3A_70, %mul3A_69 : i32
      %mul3A_72 = arith.constant 632 : i32
      %mul3A_73 = arith.muli %arg1, %mul3A_72 : i32
      %mul3A_74 = arith.constant 64 : i32
      %mul3A_75 = arith.muli %add3A_71, %mul3A_74 : i32
      %add3A_76 = arith.addi %mul3A_73, %mul3A_75 : i32
      %dma_wait3A_77 = arith.constant 0 : i32
      %dma_wait3A_78 = arith.constant 0 : i32
      %dma_wait3A_79 = tpu.memref_slice %arg9[%dma_wait3A_77, %dma_wait3A_78] : memref<128x128xf32, #tpu.memory_space<vmem>> -> memref<64x128xf32, #tpu.memory_space<vmem>>
      %dma_wait3A_80 = arith.constant 0 : i32
      %dma_wait3A_81 = tpu.memref_slice %arg11[%add3A_76, %dma_wait3A_80] : memref<10112x128xf32, #tpu.memory_space<vmem_shared>> -> memref<64x128xf32, #tpu.memory_space<vmem_shared>>
      %dma_wait3A_82 = arith.constant 0 : i32
      %dma_wait3A_83 = tpu.memref_slice %arg11[%add3A_76, %dma_wait3A_82] : memref<10112x128xf32, #tpu.memory_space<vmem_shared>> -> memref<64x128xf32, #tpu.memory_space<vmem_shared>>
      %dma_wait3A_84 = arith.constant 0 : i32
      %dma_wait3A_85 = arith.constant 0 : i32
      %dma_wait3A_86 = tpu.memref_slice %arg9[%dma_wait3A_84, %dma_wait3A_85] : memref<128x128xf32, #tpu.memory_space<vmem>> -> memref<64x128xf32, #tpu.memory_space<vmem>>
      tpu.wait_dma2 semaphore(%arg14 : memref<!tpu.dma_semaphore, #tpu.memory_space<semaphore_mem>>) src(%dma_wait3A_86 : memref<64x128xf32, #tpu.memory_space<vmem>>) dst(%dma_wait3A_83 : memref<64x128xf32, #tpu.memory_space<vmem_shared>>)
    }
    %scan3A_30 = arith.constant 9 : i32
    %mul3A_31 = arith.constant 632 : i32
    %mul3A_32 = arith.muli %arg1, %mul3A_31 : i32
    %add3A_33 = arith.constant 576 : i32
    %add3A_34 = arith.addi %mul3A_32, %add3A_33 : i32
    %dma_wait3A = arith.constant 0 : i32
    %dma_wait3A_35 = arith.constant 0 : i32
    %dma_wait3A_36 = tpu.memref_slice %arg9[%dma_wait3A, %dma_wait3A_35] : memref<128x128xf32, #tpu.memory_space<vmem>> -> memref<56x128xf32, #tpu.memory_space<vmem>>
    %dma_wait3A_37 = arith.constant 0 : i32
    %dma_wait3A_38 = tpu.memref_slice %arg11[%add3A_34, %dma_wait3A_37] : memref<10112x128xf32, #tpu.memory_space<vmem_shared>> -> memref<56x128xf32, #tpu.memory_space<vmem_shared>>
    %dma_wait3A_39 = arith.constant 0 : i32
    %dma_wait3A_40 = tpu.memref_slice %arg11[%add3A_34, %dma_wait3A_39] : memref<10112x128xf32, #tpu.memory_space<vmem_shared>> -> memref<56x128xf32, #tpu.memory_space<vmem_shared>>
    %dma_wait3A_41 = arith.constant 0 : i32
    %dma_wait3A_42 = arith.constant 0 : i32
    %dma_wait3A_43 = tpu.memref_slice %arg9[%dma_wait3A_41, %dma_wait3A_42] : memref<128x128xf32, #tpu.memory_space<vmem>> -> memref<56x128xf32, #tpu.memory_space<vmem>>
    tpu.wait_dma2 semaphore(%arg15 : memref<!tpu.dma_semaphore, #tpu.memory_space<semaphore_mem>>) src(%dma_wait3A_43 : memref<56x128xf32, #tpu.memory_space<vmem>>) dst(%dma_wait3A_40 : memref<56x128xf32, #tpu.memory_space<vmem_shared>>)
    %dma_wait3A_44 = arith.constant 0 : i32
    %dma_wait3A_45 = arith.constant 0 : i32
    %dma_wait3A_46 = tpu.memref_slice %arg3[%add3A, %dma_wait3A_44, %dma_wait3A_45] : memref<32x80x128xi32, #tpu.memory_space<hbm>> -> memref<1x80x128xi32, #tpu.memory_space<hbm>>
    %dma_wait3A_47 = tpu.memref_squeeze %dma_wait3A_46 : memref<1x80x128xi32, #tpu.memory_space<hbm>> -> memref<80x128xi32, #tpu.memory_space<hbm>>
    %dma_wait3A_48 = arith.constant 0 : i32
    %dma_wait3A_49 = arith.constant 0 : i32
    %dma_wait3A_50 = tpu.memref_slice %arg3[%add3A, %dma_wait3A_48, %dma_wait3A_49] : memref<32x80x128xi32, #tpu.memory_space<hbm>> -> memref<1x80x128xi32, #tpu.memory_space<hbm>>
    %dma_wait3A_51 = tpu.memref_squeeze %dma_wait3A_50 : memref<1x80x128xi32, #tpu.memory_space<hbm>> -> memref<80x128xi32, #tpu.memory_space<hbm>>
    tpu.wait_dma2 semaphore(%arg13 : memref<!tpu.dma_semaphore, #tpu.memory_space<semaphore_mem>>) src(%dma_wait3A_51 : memref<80x128xi32, #tpu.memory_space<hbm>>) dst(%arg7 : memref<80x128xi32, #tpu.memory_space<vmem>>)
    %barrier3A = arith.constant 0 : index
    tpu.barrier barrier_id(%barrier3A)
    %scan3A_52 = arith.constant 0 : i32
    %scan3A_53 = arith.constant 2 : i32
    %scan3A_54 = arith.addi %scan3A_52, %scan3A_53 : i32
    %scan3A_55 = arith.constant 1 : i32
    scf.for %scan3A_67 = %scan3A_52 to %scan3A_54 step %scan3A_55  : i32 {
      %mul3A_68 = arith.constant 1 : i32
      %mul3A_69 = arith.muli %scan3A_67, %mul3A_68 : i32
      %add3A_70 = arith.constant 0 : i32
      %add3A_71 = arith.addi %add3A_70, %mul3A_69 : i32
      %gt3A = arith.constant 0 : i32
      %gt3A_72 = arith.cmpi sgt, %add3A_71, %gt3A : i32
      %convert_element_type3A = arith.extui %gt3A_72 : i1 to i32
      %cond3A = arith.constant 0 : i32
      %cond3A_73 = arith.cmpi ne, %convert_element_type3A, %cond3A : i32
      scf.if %cond3A_73 {
        %dma_wait3A_132 = arith.constant 39 : i32
        %dma_wait3A_133 = arith.constant 0 : i32
        %dma_wait3A_134 = tpu.memref_slice %arg8[%dma_wait3A_132, %dma_wait3A_133] : memref<40x128xi32, #tpu.memory_space<vmem>> -> memref<1x128xi32, #tpu.memory_space<vmem>>
        %dma_wait3A_135 = tpu.memref_squeeze %dma_wait3A_134 : memref<1x128xi32, #tpu.memory_space<vmem>> -> memref<128xi32, #tpu.memory_space<vmem>>
        %dma_wait3A_136 = arith.constant 0 : i32
        %dma_wait3A_137 = arith.constant 0 : i32
        %dma_wait3A_138 = tpu.memref_slice %arg11[%dma_wait3A_136, %dma_wait3A_137] : memref<10112x128xf32, #tpu.memory_space<vmem_shared>> -> memref<10112x128xf32, #tpu.memory_space<vmem_shared>>
        tpu.wait_indirect_dma semaphore(%arg15 : memref<!tpu.dma_semaphore, #tpu.memory_space<semaphore_mem>>) src(%arg10 : memref<128x128xf32, #tpu.memory_space<vmem>>) dst(%dma_wait3A_138 : memref<10112x128xf32, #tpu.memory_space<vmem_shared>>)
      } else {
      }
      %mul3A_74 = arith.constant 40 : i32
      %mul3A_75 = arith.muli %add3A_71, %mul3A_74 : i32
      "tpu.region"() ({
        %run_scoped3A = tpu.sem_alloc : memref<!tpu.dma_semaphore, #tpu.memory_space<semaphore_mem>>
        %dma_start3A_132 = arith.constant 0 : i32
        %dma_start3A_133 = tpu.memref_slice %arg4[%add3A, %mul3A_75, %dma_start3A_132] : memref<32x80x128xi32, #tpu.memory_space<hbm>> -> memref<1x40x128xi32, #tpu.memory_space<hbm>>
        %dma_start3A_134 = tpu.memref_squeeze %dma_start3A_133 : memref<1x40x128xi32, #tpu.memory_space<hbm>> -> memref<40x128xi32, #tpu.memory_space<hbm>>
        %dma_start3A_135 = arith.constant 0 : i32
        %dma_start3A_136 = tpu.memref_slice %arg4[%add3A, %mul3A_75, %dma_start3A_135] : memref<32x80x128xi32, #tpu.memory_space<hbm>> -> memref<1x40x128xi32, #tpu.memory_space<hbm>>
        %dma_start3A_137 = tpu.memref_squeeze %dma_start3A_136 : memref<1x40x128xi32, #tpu.memory_space<hbm>> -> memref<40x128xi32, #tpu.memory_space<hbm>>
        tpu.enqueue_dma source(%dma_start3A_137 : memref<40x128xi32, #tpu.memory_space<hbm>>) target(%arg8 : memref<40x128xi32, #tpu.memory_space<vmem>>) target_semaphore(%run_scoped3A : memref<!tpu.dma_semaphore, #tpu.memory_space<semaphore_mem>>)
        %dma_wait3A_138 = arith.constant 0 : i32
        %dma_wait3A_139 = tpu.memref_slice %arg4[%add3A, %mul3A_75, %dma_wait3A_138] : memref<32x80x128xi32, #tpu.memory_space<hbm>> -> memref<1x40x128xi32, #tpu.memory_space<hbm>>
        %dma_wait3A_140 = tpu.memref_squeeze %dma_wait3A_139 : memref<1x40x128xi32, #tpu.memory_space<hbm>> -> memref<40x128xi32, #tpu.memory_space<hbm>>
        %dma_wait3A_141 = arith.constant 0 : i32
        %dma_wait3A_142 = tpu.memref_slice %arg4[%add3A, %mul3A_75, %dma_wait3A_141] : memref<32x80x128xi32, #tpu.memory_space<hbm>> -> memref<1x40x128xi32, #tpu.memory_space<hbm>>
        %dma_wait3A_143 = tpu.memref_squeeze %dma_wait3A_142 : memref<1x40x128xi32, #tpu.memory_space<hbm>> -> memref<40x128xi32, #tpu.memory_space<hbm>>
        tpu.wait_dma2 semaphore(%run_scoped3A : memref<!tpu.dma_semaphore, #tpu.memory_space<semaphore_mem>>) src(%dma_wait3A_143 : memref<40x128xi32, #tpu.memory_space<hbm>>) dst(%arg8 : memref<40x128xi32, #tpu.memory_space<vmem>>)
        tpu.yield
      }) : () -> ()
      %mul3A_76 = arith.constant 40 : i32
      %mul3A_77 = arith.muli %add3A_71, %mul3A_76 : i32
      %add3A_78 = arith.constant 0 : i32
      %add3A_79 = arith.addi %mul3A_77, %add3A_78 : i32
      %dma_start3A_80 = arith.constant 0 : i32
      %dma_start3A_81 = tpu.memref_slice %arg7[%add3A_79, %dma_start3A_80] : memref<80x128xi32, #tpu.memory_space<vmem>> -> memref<1x128xi32, #tpu.memory_space<vmem>>
      %dma_start3A_82 = tpu.memref_squeeze %dma_start3A_81 : memref<1x128xi32, #tpu.memory_space<vmem>> -> memref<128xi32, #tpu.memory_space<vmem>>
      %dma_start3A_83 = arith.constant 0 : i32
      %dma_start3A_84 = arith.constant 0 : i32
      %dma_start3A_85 = tpu.memref_slice %arg2[%dma_start3A_83, %dma_start3A_84] : memref<10000x128xf32, #tpu.memory_space<hbm>> -> memref<10000x128xf32, #tpu.memory_space<hbm>>
      tpu.enqueue_indirect_dma source(%dma_start3A_85 : memref<10000x128xf32, #tpu.memory_space<hbm>>) target(%arg9 : memref<128x128xf32, #tpu.memory_space<vmem>>) offsets(%dma_start3A_82 : memref<128xi32, #tpu.memory_space<vmem>>) semaphore(%arg12 : memref<!tpu.dma_semaphore, #tpu.memory_space<semaphore_mem>>)
      %add3A_86 = arith.constant 1 : i32
      %add3A_87 = arith.addi %add3A_79, %add3A_86 : i32
      %dma_start3A_88 = arith.constant 0 : i32
      %dma_start3A_89 = tpu.memref_slice %arg7[%add3A_87, %dma_start3A_88] : memref<80x128xi32, #tpu.memory_space<vmem>> -> memref<1x128xi32, #tpu.memory_space<vmem>>
      %dma_start3A_90 = tpu.memref_squeeze %dma_start3A_89 : memref<1x128xi32, #tpu.memory_space<vmem>> -> memref<128xi32, #tpu.memory_space<vmem>>
      %dma_start3A_91 = arith.constant 0 : i32
      %dma_start3A_92 = arith.constant 0 : i32
      %dma_start3A_93 = tpu.memref_slice %arg2[%dma_start3A_91, %dma_start3A_92] : memref<10000x128xf32, #tpu.memory_space<hbm>> -> memref<10000x128xf32, #tpu.memory_space<hbm>>
      tpu.enqueue_indirect_dma source(%dma_start3A_93 : memref<10000x128xf32, #tpu.memory_space<hbm>>) target(%arg10 : memref<128x128xf32, #tpu.memory_space<vmem>>) offsets(%dma_start3A_90 : memref<128xi32, #tpu.memory_space<vmem>>) semaphore(%arg13 : memref<!tpu.dma_semaphore, #tpu.memory_space<semaphore_mem>>)
      %dma_wait3A_94 = arith.constant 0 : i32
      %dma_wait3A_95 = tpu.memref_slice %arg7[%add3A_79, %dma_wait3A_94] : memref<80x128xi32, #tpu.memory_space<vmem>> -> memref<1x128xi32, #tpu.memory_space<vmem>>
      %dma_wait3A_96 = tpu.memref_squeeze %dma_wait3A_95 : memref<1x128xi32, #tpu.memory_space<vmem>> -> memref<128xi32, #tpu.memory_space<vmem>>
      %dma_wait3A_97 = arith.constant 0 : i32
      %dma_wait3A_98 = arith.constant 0 : i32
      %dma_wait3A_99 = tpu.memref_slice %arg2[%dma_wait3A_97, %dma_wait3A_98] : memref<10000x128xf32, #tpu.memory_space<hbm>> -> memref<10000x128xf32, #tpu.memory_space<hbm>>
      tpu.wait_indirect_dma semaphore(%arg12 : memref<!tpu.dma_semaphore, #tpu.memory_space<semaphore_mem>>) src(%dma_wait3A_99 : memref<10000x128xf32, #tpu.memory_space<hbm>>) dst(%arg9 : memref<128x128xf32, #tpu.memory_space<vmem>>)
      %dma_start3A_100 = arith.constant 0 : i32
      %dma_start3A_101 = arith.constant 0 : i32
      %dma_start3A_102 = tpu.memref_slice %arg8[%dma_start3A_100, %dma_start3A_101] : memref<40x128xi32, #tpu.memory_space<vmem>> -> memref<1x128xi32, #tpu.memory_space<vmem>>
      %dma_start3A_103 = tpu.memref_squeeze %dma_start3A_102 : memref<1x128xi32, #tpu.memory_space<vmem>> -> memref<128xi32, #tpu.memory_space<vmem>>
      %dma_start3A_104 = arith.constant 0 : i32
      %dma_start3A_105 = arith.constant 0 : i32
      %dma_start3A_106 = tpu.memref_slice %arg11[%dma_start3A_104, %dma_start3A_105] : memref<10112x128xf32, #tpu.memory_space<vmem_shared>> -> memref<10112x128xf32, #tpu.memory_space<vmem_shared>>
      tpu.enqueue_indirect_dma source(%arg9 : memref<128x128xf32, #tpu.memory_space<vmem>>) target(%dma_start3A_106 : memref<10112x128xf32, #tpu.memory_space<vmem_shared>>) offsets(%dma_start3A_103 : memref<128xi32, #tpu.memory_space<vmem>>) semaphore(%arg14 : memref<!tpu.dma_semaphore, #tpu.memory_space<semaphore_mem>>) {add = true}
      %dma_wait3A_107 = arith.constant 0 : i32
      %dma_wait3A_108 = tpu.memref_slice %arg7[%add3A_87, %dma_wait3A_107] : memref<80x128xi32, #tpu.memory_space<vmem>> -> memref<1x128xi32, #tpu.memory_space<vmem>>
      %dma_wait3A_109 = tpu.memref_squeeze %dma_wait3A_108 : memref<1x128xi32, #tpu.memory_space<vmem>> -> memref<128xi32, #tpu.memory_space<vmem>>
      %dma_wait3A_110 = arith.constant 0 : i32
      %dma_wait3A_111 = arith.constant 0 : i32
      %dma_wait3A_112 = tpu.memref_slice %arg2[%dma_wait3A_110, %dma_wait3A_111] : memref<10000x128xf32, #tpu.memory_space<hbm>> -> memref<10000x128xf32, #tpu.memory_space<hbm>>
      tpu.wait_indirect_dma semaphore(%arg13 : memref<!tpu.dma_semaphore, #tpu.memory_space<semaphore_mem>>) src(%dma_wait3A_112 : memref<10000x128xf32, #tpu.memory_space<hbm>>) dst(%arg10 : memref<128x128xf32, #tpu.memory_space<vmem>>)
      %dma_start3A_113 = arith.constant 1 : i32
      %dma_start3A_114 = arith.constant 0 : i32
      %dma_start3A_115 = tpu.memref_slice %arg8[%dma_start3A_113, %dma_start3A_114] : memref<40x128xi32, #tpu.memory_space<vmem>> -> memref<1x128xi32, #tpu.memory_space<vmem>>
      %dma_start3A_116 = tpu.memref_squeeze %dma_start3A_115 : memref<1x128xi32, #tpu.memory_space<vmem>> -> memref<128xi32, #tpu.memory_space<vmem>>
      %dma_start3A_117 = arith.constant 0 : i32
      %dma_start3A_118 = arith.constant 0 : i32
      %dma_start3A_119 = tpu.memref_slice %arg11[%dma_start3A_117, %dma_start3A_118] : memref<10112x128xf32, #tpu.memory_space<vmem_shared>> -> memref<10112x128xf32, #tpu.memory_space<vmem_shared>>
      tpu.enqueue_indirect_dma source(%arg10 : memref<128x128xf32, #tpu.memory_space<vmem>>) target(%dma_start3A_119 : memref<10112x128xf32, #tpu.memory_space<vmem_shared>>) offsets(%dma_start3A_116 : memref<128xi32, #tpu.memory_space<vmem>>) semaphore(%arg15 : memref<!tpu.dma_semaphore, #tpu.memory_space<semaphore_mem>>) {add = true}
      %dma_wait3A_120 = arith.constant 0 : i32
      %dma_wait3A_121 = arith.constant 0 : i32
      %dma_wait3A_122 = tpu.memref_slice %arg8[%dma_wait3A_120, %dma_wait3A_121] : memref<40x128xi32, #tpu.memory_space<vmem>> -> memref<1x128xi32, #tpu.memory_space<vmem>>
      %dma_wait3A_123 = tpu.memref_squeeze %dma_wait3A_122 : memref<1x128xi32, #tpu.memory_space<vmem>> -> memref<128xi32, #tpu.memory_space<vmem>>
      %dma_wait3A_124 = arith.constant 0 : i32
      %dma_wait3A_125 = arith.constant 0 : i32
      %dma_wait3A_126 = tpu.memref_slice %arg11[%dma_wait3A_124, %dma_wait3A_125] : memref<10112x128xf32, #tpu.memory_space<vmem_shared>> -> memref<10112x128xf32, #tpu.memory_space<vmem_shared>>
      tpu.wait_indirect_dma semaphore(%arg14 : memref<!tpu.dma_semaphore, #tpu.memory_space<semaphore_mem>>) src(%arg9 : memref<128x128xf32, #tpu.memory_space<vmem>>) dst(%dma_wait3A_126 : memref<10112x128xf32, #tpu.memory_space<vmem_shared>>)
      %scan3A_127 = arith.constant 0 : i32
      %scan3A_128 = arith.constant 19 : i32
      %scan3A_129 = arith.addi %scan3A_127, %scan3A_128 : i32
      %scan3A_130 = arith.constant 1 : i32
      scf.for %scan3A_132 = %scan3A_127 to %scan3A_129 step %scan3A_130  : i32 {
        %mul3A_133 = arith.constant 1 : i32
        %mul3A_134 = arith.muli %scan3A_132, %mul3A_133 : i32
        %add3A_135 = arith.constant 1 : i32
        %add3A_136 = arith.addi %add3A_135, %mul3A_134 : i32
        %mul3A_137 = arith.constant 2 : i32
        %mul3A_138 = arith.muli %mul3A_137, %add3A_136 : i32
        %mul3A_139 = arith.constant 40 : i32
        %mul3A_140 = arith.muli %add3A_71, %mul3A_139 : i32
        %add3A_141 = arith.addi %mul3A_140, %mul3A_138 : i32
        %dma_start3A_142 = arith.constant 0 : i32
        %dma_start3A_143 = tpu.memref_slice %arg7[%add3A_141, %dma_start3A_142] : memref<80x128xi32, #tpu.memory_space<vmem>> -> memref<1x128xi32, #tpu.memory_space<vmem>>
        %dma_start3A_144 = tpu.memref_squeeze %dma_start3A_143 : memref<1x128xi32, #tpu.memory_space<vmem>> -> memref<128xi32, #tpu.memory_space<vmem>>
        %dma_start3A_145 = arith.constant 0 : i32
        %dma_start3A_146 = arith.constant 0 : i32
        %dma_start3A_147 = tpu.memref_slice %arg2[%dma_start3A_145, %dma_start3A_146] : memref<10000x128xf32, #tpu.memory_space<hbm>> -> memref<10000x128xf32, #tpu.memory_space<hbm>>
        tpu.enqueue_indirect_dma source(%dma_start3A_147 : memref<10000x128xf32, #tpu.memory_space<hbm>>) target(%arg9 : memref<128x128xf32, #tpu.memory_space<vmem>>) offsets(%dma_start3A_144 : memref<128xi32, #tpu.memory_space<vmem>>) semaphore(%arg12 : memref<!tpu.dma_semaphore, #tpu.memory_space<semaphore_mem>>)
        %dma_wait3A_148 = arith.constant 0 : i32
        %dma_wait3A_149 = tpu.memref_slice %arg8[%mul3A_138, %dma_wait3A_148] : memref<40x128xi32, #tpu.memory_space<vmem>> -> memref<1x128xi32, #tpu.memory_space<vmem>>
        %dma_wait3A_150 = tpu.memref_squeeze %dma_wait3A_149 : memref<1x128xi32, #tpu.memory_space<vmem>> -> memref<128xi32, #tpu.memory_space<vmem>>
        %dma_wait3A_151 = arith.constant 0 : i32
        %dma_wait3A_152 = arith.constant 0 : i32
        %dma_wait3A_153 = tpu.memref_slice %arg11[%dma_wait3A_151, %dma_wait3A_152] : memref<10112x128xf32, #tpu.memory_space<vmem_shared>> -> memref<10112x128xf32, #tpu.memory_space<vmem_shared>>
        tpu.wait_indirect_dma semaphore(%arg15 : memref<!tpu.dma_semaphore, #tpu.memory_space<semaphore_mem>>) src(%arg10 : memref<128x128xf32, #tpu.memory_space<vmem>>) dst(%dma_wait3A_153 : memref<10112x128xf32, #tpu.memory_space<vmem_shared>>)
        %add3A_154 = arith.constant 1 : i32
        %add3A_155 = arith.addi %add3A_141, %add3A_154 : i32
        %dma_start3A_156 = arith.constant 0 : i32
        %dma_start3A_157 = tpu.memref_slice %arg7[%add3A_155, %dma_start3A_156] : memref<80x128xi32, #tpu.memory_space<vmem>> -> memref<1x128xi32, #tpu.memory_space<vmem>>
        %dma_start3A_158 = tpu.memref_squeeze %dma_start3A_157 : memref<1x128xi32, #tpu.memory_space<vmem>> -> memref<128xi32, #tpu.memory_space<vmem>>
        %dma_start3A_159 = arith.constant 0 : i32
        %dma_start3A_160 = arith.constant 0 : i32
        %dma_start3A_161 = tpu.memref_slice %arg2[%dma_start3A_159, %dma_start3A_160] : memref<10000x128xf32, #tpu.memory_space<hbm>> -> memref<10000x128xf32, #tpu.memory_space<hbm>>
        tpu.enqueue_indirect_dma source(%dma_start3A_161 : memref<10000x128xf32, #tpu.memory_space<hbm>>) target(%arg10 : memref<128x128xf32, #tpu.memory_space<vmem>>) offsets(%dma_start3A_158 : memref<128xi32, #tpu.memory_space<vmem>>) semaphore(%arg13 : memref<!tpu.dma_semaphore, #tpu.memory_space<semaphore_mem>>)
        %dma_wait3A_162 = arith.constant 0 : i32
        %dma_wait3A_163 = tpu.memref_slice %arg7[%add3A_141, %dma_wait3A_162] : memref<80x128xi32, #tpu.memory_space<vmem>> -> memref<1x128xi32, #tpu.memory_space<vmem>>
        %dma_wait3A_164 = tpu.memref_squeeze %dma_wait3A_163 : memref<1x128xi32, #tpu.memory_space<vmem>> -> memref<128xi32, #tpu.memory_space<vmem>>
        %dma_wait3A_165 = arith.constant 0 : i32
        %dma_wait3A_166 = arith.constant 0 : i32
        %dma_wait3A_167 = tpu.memref_slice %arg2[%dma_wait3A_165, %dma_wait3A_166] : memref<10000x128xf32, #tpu.memory_space<hbm>> -> memref<10000x128xf32, #tpu.memory_space<hbm>>
        tpu.wait_indirect_dma semaphore(%arg12 : memref<!tpu.dma_semaphore, #tpu.memory_space<semaphore_mem>>) src(%dma_wait3A_167 : memref<10000x128xf32, #tpu.memory_space<hbm>>) dst(%arg9 : memref<128x128xf32, #tpu.memory_space<vmem>>)
        %dma_start3A_168 = arith.constant 0 : i32
        %dma_start3A_169 = tpu.memref_slice %arg8[%mul3A_138, %dma_start3A_168] : memref<40x128xi32, #tpu.memory_space<vmem>> -> memref<1x128xi32, #tpu.memory_space<vmem>>
        %dma_start3A_170 = tpu.memref_squeeze %dma_start3A_169 : memref<1x128xi32, #tpu.memory_space<vmem>> -> memref<128xi32, #tpu.memory_space<vmem>>
        %dma_start3A_171 = arith.constant 0 : i32
        %dma_start3A_172 = arith.constant 0 : i32
        %dma_start3A_173 = tpu.memref_slice %arg11[%dma_start3A_171, %dma_start3A_172] : memref<10112x128xf32, #tpu.memory_space<vmem_shared>> -> memref<10112x128xf32, #tpu.memory_space<vmem_shared>>
        tpu.enqueue_indirect_dma source(%arg9 : memref<128x128xf32, #tpu.memory_space<vmem>>) target(%dma_start3A_173 : memref<10112x128xf32, #tpu.memory_space<vmem_shared>>) offsets(%dma_start3A_170 : memref<128xi32, #tpu.memory_space<vmem>>) semaphore(%arg14 : memref<!tpu.dma_semaphore, #tpu.memory_space<semaphore_mem>>) {add = true}
        %dma_wait3A_174 = arith.constant 0 : i32
        %dma_wait3A_175 = tpu.memref_slice %arg7[%add3A_155, %dma_wait3A_174] : memref<80x128xi32, #tpu.memory_space<vmem>> -> memref<1x128xi32, #tpu.memory_space<vmem>>
        %dma_wait3A_176 = tpu.memref_squeeze %dma_wait3A_175 : memref<1x128xi32, #tpu.memory_space<vmem>> -> memref<128xi32, #tpu.memory_space<vmem>>
        %dma_wait3A_177 = arith.constant 0 : i32
        %dma_wait3A_178 = arith.constant 0 : i32
        %dma_wait3A_179 = tpu.memref_slice %arg2[%dma_wait3A_177, %dma_wait3A_178] : memref<10000x128xf32, #tpu.memory_space<hbm>> -> memref<10000x128xf32, #tpu.memory_space<hbm>>
        tpu.wait_indirect_dma semaphore(%arg13 : memref<!tpu.dma_semaphore, #tpu.memory_space<semaphore_mem>>) src(%dma_wait3A_179 : memref<10000x128xf32, #tpu.memory_space<hbm>>) dst(%arg10 : memref<128x128xf32, #tpu.memory_space<vmem>>)
        %add3A_180 = arith.constant 1 : i32
        %add3A_181 = arith.addi %mul3A_138, %add3A_180 : i32
        %dma_start3A_182 = arith.constant 0 : i32
        %dma_start3A_183 = tpu.memref_slice %arg8[%add3A_181, %dma_start3A_182] : memref<40x128xi32, #tpu.memory_space<vmem>> -> memref<1x128xi32, #tpu.memory_space<vmem>>
        %dma_start3A_184 = tpu.memref_squeeze %dma_start3A_183 : memref<1x128xi32, #tpu.memory_space<vmem>> -> memref<128xi32, #tpu.memory_space<vmem>>
        %dma_start3A_185 = arith.constant 0 : i32
        %dma_start3A_186 = arith.constant 0 : i32
        %dma_start3A_187 = tpu.memref_slice %arg11[%dma_start3A_185, %dma_start3A_186] : memref<10112x128xf32, #tpu.memory_space<vmem_shared>> -> memref<10112x128xf32, #tpu.memory_space<vmem_shared>>
        tpu.enqueue_indirect_dma source(%arg10 : memref<128x128xf32, #tpu.memory_space<vmem>>) target(%dma_start3A_187 : memref<10112x128xf32, #tpu.memory_space<vmem_shared>>) offsets(%dma_start3A_184 : memref<128xi32, #tpu.memory_space<vmem>>) semaphore(%arg15 : memref<!tpu.dma_semaphore, #tpu.memory_space<semaphore_mem>>) {add = true}
        %dma_wait3A_188 = arith.constant 0 : i32
        %dma_wait3A_189 = tpu.memref_slice %arg8[%mul3A_138, %dma_wait3A_188] : memref<40x128xi32, #tpu.memory_space<vmem>> -> memref<1x128xi32, #tpu.memory_space<vmem>>
        %dma_wait3A_190 = tpu.memref_squeeze %dma_wait3A_189 : memref<1x128xi32, #tpu.memory_space<vmem>> -> memref<128xi32, #tpu.memory_space<vmem>>
        %dma_wait3A_191 = arith.constant 0 : i32
        %dma_wait3A_192 = arith.constant 0 : i32
        %dma_wait3A_193 = tpu.memref_slice %arg11[%dma_wait3A_191, %dma_wait3A_192] : memref<10112x128xf32, #tpu.memory_space<vmem_shared>> -> memref<10112x128xf32, #tpu.memory_space<vmem_shared>>
        tpu.wait_indirect_dma semaphore(%arg14 : memref<!tpu.dma_semaphore, #tpu.memory_space<semaphore_mem>>) src(%arg9 : memref<128x128xf32, #tpu.memory_space<vmem>>) dst(%dma_wait3A_193 : memref<10112x128xf32, #tpu.memory_space<vmem_shared>>)
      }
      %scan3A_131 = arith.constant 19 : i32
    }
    %scan3A_56 = arith.constant 2 : i32
    %dma_wait3A_57 = arith.constant 39 : i32
    %dma_wait3A_58 = arith.constant 0 : i32
    %dma_wait3A_59 = tpu.memref_slice %arg8[%dma_wait3A_57, %dma_wait3A_58] : memref<40x128xi32, #tpu.memory_space<vmem>> -> memref<1x128xi32, #tpu.memory_space<vmem>>
    %dma_wait3A_60 = tpu.memref_squeeze %dma_wait3A_59 : memref<1x128xi32, #tpu.memory_space<vmem>> -> memref<128xi32, #tpu.memory_space<vmem>>
    %dma_wait3A_61 = arith.constant 0 : i32
    %dma_wait3A_62 = arith.constant 0 : i32
    %dma_wait3A_63 = tpu.memref_slice %arg11[%dma_wait3A_61, %dma_wait3A_62] : memref<10112x128xf32, #tpu.memory_space<vmem_shared>> -> memref<10112x128xf32, #tpu.memory_space<vmem_shared>>
    tpu.wait_indirect_dma semaphore(%arg15 : memref<!tpu.dma_semaphore, #tpu.memory_space<semaphore_mem>>) src(%arg10 : memref<128x128xf32, #tpu.memory_space<vmem>>) dst(%dma_wait3A_63 : memref<10112x128xf32, #tpu.memory_space<vmem_shared>>)
    %barrier3A_64 = arith.constant 0 : index
    tpu.barrier barrier_id(%barrier3A_64)
    %mul3A_65 = arith.constant 632 : i32
    %mul3A_66 = arith.muli %arg1, %mul3A_65 : i32
    "tpu.region"() ({
      %run_scoped3A = tpu.sem_alloc : memref<!tpu.dma_semaphore, #tpu.memory_space<semaphore_mem>>
      %dma_start3A_67 = arith.constant 0 : i32
      %dma_start3A_68 = tpu.memref_slice %arg6[%arg0, %mul3A_66, %dma_start3A_67] : memref<2x10112x128xf32, #tpu.memory_space<hbm>> -> memref<1x632x128xf32, #tpu.memory_space<hbm>>
      %dma_start3A_69 = tpu.memref_squeeze %dma_start3A_68 : memref<1x632x128xf32, #tpu.memory_space<hbm>> -> memref<632x128xf32, #tpu.memory_space<hbm>>
      %dma_start3A_70 = arith.constant 0 : i32
      %dma_start3A_71 = tpu.memref_slice %arg11[%mul3A_66, %dma_start3A_70] : memref<10112x128xf32, #tpu.memory_space<vmem_shared>> -> memref<632x128xf32, #tpu.memory_space<vmem_shared>>
      tpu.enqueue_dma source(%dma_start3A_71 : memref<632x128xf32, #tpu.memory_space<vmem_shared>>) target(%dma_start3A_69 : memref<632x128xf32, #tpu.memory_space<hbm>>) target_semaphore(%run_scoped3A : memref<!tpu.dma_semaphore, #tpu.memory_space<semaphore_mem>>)
      %dma_wait3A_72 = arith.constant 0 : i32
      %dma_wait3A_73 = tpu.memref_slice %arg6[%arg0, %mul3A_66, %dma_wait3A_72] : memref<2x10112x128xf32, #tpu.memory_space<hbm>> -> memref<1x632x128xf32, #tpu.memory_space<hbm>>
      %dma_wait3A_74 = tpu.memref_squeeze %dma_wait3A_73 : memref<1x632x128xf32, #tpu.memory_space<hbm>> -> memref<632x128xf32, #tpu.memory_space<hbm>>
      %dma_wait3A_75 = arith.constant 0 : i32
      %dma_wait3A_76 = tpu.memref_slice %arg11[%mul3A_66, %dma_wait3A_75] : memref<10112x128xf32, #tpu.memory_space<vmem_shared>> -> memref<632x128xf32, #tpu.memory_space<vmem_shared>>
      tpu.wait_dma2 semaphore(%run_scoped3A : memref<!tpu.dma_semaphore, #tpu.memory_space<semaphore_mem>>) src(%dma_wait3A_76 : memref<632x128xf32, #tpu.memory_space<vmem_shared>>) dst(%dma_wait3A_74 : memref<632x128xf32, #tpu.memory_space<hbm>>)
      tpu.yield
    }) : () -> ()
    return
  }
}

module attributes {stable_mosaic.version = 14 : i64} {
  func.func @_mm_body(%arg0: i32, %arg1: memref<1000x128xf32, #tpu.memory_space<vmem>>, %arg2: memref<128x128xf32, #tpu.memory_space<vmem>>, %arg3: memref<1000x128xf32, #tpu.memory_space<vmem>>) attributes {dimension_semantics = [#tpu.dimension_semantics<arbitrary>], iteration_bounds = array<i64: 10>, scalar_prefetch = 0 : i64, scratch_operands = 0 : i64, tpu.core_type = #tpu.core_type<tc>, window_params = [{transform_indices = @transform_0, window_bounds = array<i64: 1000, 128>}, {pipeline_mode = #tpu.pipeline_mode<synchronous>, transform_indices = @transform_1, window_bounds = array<i64: 128, 128>}, {transform_indices = @transform_2, window_bounds = array<i64: 1000, 128>}]} {
    %get3A = arith.constant 0 : index
    %get3A_0 = arith.constant 0 : index
    %get3A_1 = vector.load %arg1[%get3A, %get3A_0] : memref<1000x128xf32, #tpu.memory_space<vmem>>, vector<1000x128xf32>
    %get3A_2 = arith.constant 0 : index
    %get3A_3 = arith.constant 0 : index
    %get3A_4 = vector.load %arg2[%get3A_2, %get3A_3] : memref<128x128xf32, #tpu.memory_space<vmem>>, vector<128x128xf32>
    %dot_general3A = arith.constant dense<0.000000e+00> : vector<1000x128xf32>
    %dot_general3A_5 = tpu.matmul %get3A_1, %get3A_4, %dot_general3A {dimension_numbers = #tpu.dot_dimension_numbers<[1], [0], [0], [1], [0, 0, 1, 1], [], []>, precision = #tpu.contract_precision<fp32>, transpose_lhs_hint = false} : vector<1000x128xf32>, vector<128x128xf32>, vector<1000x128xf32> -> vector<1000x128xf32>
    %swap3A = arith.constant 0 : index
    %swap3A_6 = arith.constant 0 : index
    %swap3A_7 = vector.load %arg3[%swap3A, %swap3A_6] : memref<1000x128xf32, #tpu.memory_space<vmem>>, vector<1000x128xf32>
    tpu.vector_store %arg3[%swap3A, %swap3A_6], %dot_general3A_5 {strides = array<i32>} : memref<1000x128xf32, #tpu.memory_space<vmem>>, vector<1000x128xf32>,
    return
  }
  func.func @transform_0(%arg0: i32) -> (i32, i32) {
    %c0_i32 = arith.constant 0 : i32
    %c0_i32_0 = arith.constant 0 : i32
    return %arg0, %c0_i32 : i32, i32
  }
  func.func @transform_1(%arg0: i32) -> (i32, i32) {
    %c0_i32 = arith.constant 0 : i32
    %c0_i32_0 = arith.constant 0 : i32
    %c0_i32_1 = arith.constant 0 : i32
    return %c0_i32, %c0_i32_0 : i32, i32
  }
  func.func @transform_2(%arg0: i32) -> (i32, i32) {
    %c0_i32 = arith.constant 0 : i32
    %c0_i32_0 = arith.constant 0 : i32
    return %arg0, %c0_i32 : i32, i32
  }
}

module attributes {stable_mosaic.version = 14 : i64} {
  func.func @_combine_body(%arg0: i32, %arg1: memref<1x1000x128xf32, #tpu.memory_space<vmem>>, %arg2: memref<1x1000x128xf32, #tpu.memory_space<vmem>>, %arg3: memref<1x1000x128xf32, #tpu.memory_space<vmem>>, %arg4: memref<1x1000x128xf32, #tpu.memory_space<vmem>>, %arg5: memref<1000x128xf32, #tpu.memory_space<vmem>>, %arg6: memref<128x128xf32, #tpu.memory_space<vmem>>, %arg7: memref<1x128xf32, #tpu.memory_space<vmem>>, %arg8: memref<128x128xf32, #tpu.memory_space<vmem>>, %arg9: memref<1000x128xf32, #tpu.memory_space<vmem>>, %arg10: memref<1000x128xf32, #tpu.memory_space<vmem>>) attributes {dimension_semantics = [#tpu.dimension_semantics<arbitrary>], iteration_bounds = array<i64: 10>, scalar_prefetch = 0 : i64, scratch_operands = 0 : i64, tpu.core_type = #tpu.core_type<tc>, window_params = [{transform_indices = @transform_0, window_bounds = array<i64: 1, 1000, 128>}, {transform_indices = @transform_1, window_bounds = array<i64: 1, 1000, 128>}, {transform_indices = @transform_2, window_bounds = array<i64: 1, 1000, 128>}, {transform_indices = @transform_3, window_bounds = array<i64: 1, 1000, 128>}, {transform_indices = @transform_4, window_bounds = array<i64: 1000, 128>}, {pipeline_mode = #tpu.pipeline_mode<synchronous>, transform_indices = @transform_5, window_bounds = array<i64: 128, 128>}, {pipeline_mode = #tpu.pipeline_mode<synchronous>, transform_indices = @transform_6, window_bounds = array<i64: 1, 128>}, {pipeline_mode = #tpu.pipeline_mode<synchronous>, transform_indices = @transform_7, window_bounds = array<i64: 128, 128>}, {transform_indices = @transform_8, window_bounds = array<i64: 1000, 128>}, {transform_indices = @transform_9, window_bounds = array<i64: 1000, 128>}]} {
    %get3A = arith.constant 0 : index
    %get3A_0 = arith.constant 0 : index
    %get3A_1 = arith.constant 0 : index
    %get3A_2 = vector.load %arg3[%get3A, %get3A_0, %get3A_1] : memref<1x1000x128xf32, #tpu.memory_space<vmem>>, vector<1x1000x1xf32>
    %get3A_3 = vector.shape_cast %get3A_2 : vector<1x1000x1xf32> to vector<1000x1xf32>
    %get3A_4 = arith.constant 0 : index
    %get3A_5 = arith.constant 0 : index
    %get3A_6 = arith.constant 0 : index
    %get3A_7 = vector.load %arg4[%get3A_4, %get3A_5, %get3A_6] : memref<1x1000x128xf32, #tpu.memory_space<vmem>>, vector<1x1000x1xf32>
    %get3A_8 = vector.shape_cast %get3A_7 : vector<1x1000x1xf32> to vector<1000x1xf32>
    %add3A = arith.addf %get3A_3, %get3A_8 : vector<1000x1xf32>
    %max3A = arith.constant 1.000000e+00 : f32
    %max3A_9 = vector.broadcast %max3A : f32 to vector<1000x1xf32>
    %max3A_10 = arith.maximumf %add3A, %max3A_9 : vector<1000x1xf32>
    %get3A_11 = arith.constant 0 : index
    %get3A_12 = arith.constant 0 : index
    %get3A_13 = arith.constant 0 : index
    %get3A_14 = vector.load %arg1[%get3A_11, %get3A_12, %get3A_13] : memref<1x1000x128xf32, #tpu.memory_space<vmem>>, vector<1x1000x128xf32>
    %get3A_15 = vector.shape_cast %get3A_14 : vector<1x1000x128xf32> to vector<1000x128xf32>
    %get3A_16 = arith.constant 0 : index
    %get3A_17 = arith.constant 0 : index
    %get3A_18 = arith.constant 0 : index
    %get3A_19 = vector.load %arg2[%get3A_16, %get3A_17, %get3A_18] : memref<1x1000x128xf32, #tpu.memory_space<vmem>>, vector<1x1000x128xf32>
    %get3A_20 = vector.shape_cast %get3A_19 : vector<1x1000x128xf32> to vector<1000x128xf32>
    %add3A_21 = arith.addf %get3A_15, %get3A_20 : vector<1000x128xf32>
    %div3A = vector.broadcast %max3A_10 : vector<1000x1xf32> to vector<1000x128xf32>
    %div3A_22 = arith.divf %add3A_21, %div3A : vector<1000x128xf32>
    %get3A_23 = arith.constant 0 : index
    %get3A_24 = arith.constant 0 : index
    %get3A_25 = vector.load %arg5[%get3A_23, %get3A_24] : memref<1000x128xf32, #tpu.memory_space<vmem>>, vector<1000x128xf32>
    %get3A_26 = arith.constant 0 : index
    %get3A_27 = arith.constant 0 : index
    %get3A_28 = vector.load %arg6[%get3A_26, %get3A_27] : memref<128x128xf32, #tpu.memory_space<vmem>>, vector<128x128xf32>
    %dot_general3A = arith.constant dense<0.000000e+00> : vector<1000x128xf32>
    %dot_general3A_29 = tpu.matmul %get3A_25, %get3A_28, %dot_general3A {dimension_numbers = #tpu.dot_dimension_numbers<[1], [0], [0], [1], [0, 0, 1, 1], [], []>, precision = #tpu.contract_precision<fp32>, transpose_lhs_hint = false} : vector<1000x128xf32>, vector<128x128xf32>, vector<1000x128xf32> -> vector<1000x128xf32>
    %add3A_30 = arith.addf %div3A_22, %dot_general3A_29 : vector<1000x128xf32>
    %get3A_31 = arith.constant 0 : index
    %get3A_32 = arith.constant 0 : index
    %get3A_33 = vector.load %arg7[%get3A_31, %get3A_32] : memref<1x128xf32, #tpu.memory_space<vmem>>, vector<1x128xf32>
    %add3A_34 = vector.broadcast %get3A_33 : vector<1x128xf32> to vector<1000x128xf32>
    %add3A_35 = arith.addf %add3A_30, %add3A_34 : vector<1000x128xf32>
    %ge3A = arith.constant 0.000000e+00 : f32
    %ge3A_36 = vector.broadcast %ge3A : f32 to vector<1000x128xf32>
    %ge3A_37 = arith.cmpf oge, %add3A_35, %ge3A_36 : vector<1000x128xf32>
    %mul3A = arith.constant 1.000000e-01 : f32
    %mul3A_38 = vector.broadcast %mul3A : f32 to vector<1000x128xf32>
    %mul3A_39 = arith.mulf %mul3A_38, %add3A_35 : vector<1000x128xf32>
    %select_n3A = arith.select %ge3A_37, %add3A_35, %mul3A_39 : vector<1000x128xi1>, vector<1000x128xf32>
    %swap3A = arith.constant 0 : index
    %swap3A_40 = arith.constant 0 : index
    %swap3A_41 = vector.load %arg9[%swap3A, %swap3A_40] : memref<1000x128xf32, #tpu.memory_space<vmem>>, vector<1000x128xf32>
    tpu.vector_store %arg9[%swap3A, %swap3A_40], %select_n3A {strides = array<i32>} : memref<1000x128xf32, #tpu.memory_space<vmem>>, vector<1000x128xf32>,
    %get3A_42 = arith.constant 0 : index
    %get3A_43 = arith.constant 0 : index
    %get3A_44 = vector.load %arg8[%get3A_42, %get3A_43] : memref<128x128xf32, #tpu.memory_space<vmem>>, vector<128x128xf32>
    %dot_general3A_45 = arith.constant dense<0.000000e+00> : vector<1000x128xf32>
    %dot_general3A_46 = tpu.matmul %select_n3A, %get3A_44, %dot_general3A_45 {dimension_numbers = #tpu.dot_dimension_numbers<[1], [0], [0], [1], [0, 0, 1, 1], [], []>, precision = #tpu.contract_precision<fp32>, transpose_lhs_hint = false} : vector<1000x128xf32>, vector<128x128xf32>, vector<1000x128xf32> -> vector<1000x128xf32>
    %swap3A_47 = arith.constant 0 : index
    %swap3A_48 = arith.constant 0 : index
    %swap3A_49 = vector.load %arg10[%swap3A_47, %swap3A_48] : memref<1000x128xf32, #tpu.memory_space<vmem>>, vector<1000x128xf32>
    tpu.vector_store %arg10[%swap3A_47, %swap3A_48], %dot_general3A_46 {strides = array<i32>} : memref<1000x128xf32, #tpu.memory_space<vmem>>, vector<1000x128xf32>,
    return
  }
  func.func @transform_0(%arg0: i32) -> (i32, i32, i32) {
    %c0_i32 = arith.constant 0 : i32
    %c0_i32_0 = arith.constant 0 : i32
    %c0_i32_1 = arith.constant 0 : i32
    return %c0_i32, %arg0, %c0_i32_0 : i32, i32, i32
  }
  func.func @transform_1(%arg0: i32) -> (i32, i32, i32) {
    %c1_i32 = arith.constant 1 : i32
    %c0_i32 = arith.constant 0 : i32
    %c0_i32_0 = arith.constant 0 : i32
    return %c1_i32, %arg0, %c0_i32 : i32, i32, i32
  }
  func.func @transform_2(%arg0: i32) -> (i32, i32, i32) {
    %c0_i32 = arith.constant 0 : i32
    %c0_i32_0 = arith.constant 0 : i32
    %c0_i32_1 = arith.constant 0 : i32
    return %c0_i32, %arg0, %c0_i32_0 : i32, i32, i32
  }
  func.func @transform_3(%arg0: i32) -> (i32, i32, i32) {
    %c1_i32 = arith.constant 1 : i32
    %c0_i32 = arith.constant 0 : i32
    %c0_i32_0 = arith.constant 0 : i32
    return %c1_i32, %arg0, %c0_i32 : i32, i32, i32
  }
  func.func @transform_4(%arg0: i32) -> (i32, i32) {
    %c0_i32 = arith.constant 0 : i32
    %c0_i32_0 = arith.constant 0 : i32
    return %arg0, %c0_i32 : i32, i32
  }
  func.func @transform_5(%arg0: i32) -> (i32, i32) {
    %c0_i32 = arith.constant 0 : i32
    %c0_i32_0 = arith.constant 0 : i32
    %c0_i32_1 = arith.constant 0 : i32
    return %c0_i32, %c0_i32_0 : i32, i32
  }
  func.func @transform_6(%arg0: i32) -> (i32, i32) {
    %c0_i32 = arith.constant 0 : i32
    %c0_i32_0 = arith.constant 0 : i32
    %c0_i32_1 = arith.constant 0 : i32
    return %c0_i32, %c0_i32_0 : i32, i32
  }
  func.func @transform_7(%arg0: i32) -> (i32, i32) {
    %c0_i32 = arith.constant 0 : i32
    %c0_i32_0 = arith.constant 0 : i32
    %c0_i32_1 = arith.constant 0 : i32
    return %c0_i32, %c0_i32_0 : i32, i32
  }
  func.func @transform_8(%arg0: i32) -> (i32, i32) {
    %c0_i32 = arith.constant 0 : i32
    %c0_i32_0 = arith.constant 0 : i32
    return %arg0, %c0_i32 : i32, i32
  }
  func.func @transform_9(%arg0: i32) -> (i32, i32) {
    %c0_i32 = arith.constant 0 : i32
    %c0_i32_0 = arith.constant 0 : i32
    return %arg0, %c0_i32 : i32, i32
  }
}

module attributes {stable_mosaic.version = 14 : i64} {
  func.func @_final_body(%arg0: i32, %arg1: memref<1x1000x128xf32, #tpu.memory_space<vmem>>, %arg2: memref<1x1000x128xf32, #tpu.memory_space<vmem>>, %arg3: memref<1x1000x128xf32, #tpu.memory_space<vmem>>, %arg4: memref<1x1000x128xf32, #tpu.memory_space<vmem>>, %arg5: memref<1000x128xf32, #tpu.memory_space<vmem>>, %arg6: memref<128x128xf32, #tpu.memory_space<vmem>>, %arg7: memref<1x128xf32, #tpu.memory_space<vmem>>, %arg8: memref<1000x128xf32, #tpu.memory_space<vmem>>) attributes {dimension_semantics = [#tpu.dimension_semantics<arbitrary>], iteration_bounds = array<i64: 10>, scalar_prefetch = 0 : i64, scratch_operands = 0 : i64, tpu.core_type = #tpu.core_type<tc>, window_params = [{transform_indices = @transform_0, window_bounds = array<i64: 1, 1000, 128>}, {transform_indices = @transform_1, window_bounds = array<i64: 1, 1000, 128>}, {transform_indices = @transform_2, window_bounds = array<i64: 1, 1000, 128>}, {transform_indices = @transform_3, window_bounds = array<i64: 1, 1000, 128>}, {transform_indices = @transform_4, window_bounds = array<i64: 1000, 128>}, {pipeline_mode = #tpu.pipeline_mode<synchronous>, transform_indices = @transform_5, window_bounds = array<i64: 128, 128>}, {pipeline_mode = #tpu.pipeline_mode<synchronous>, transform_indices = @transform_6, window_bounds = array<i64: 1, 128>}, {transform_indices = @transform_7, window_bounds = array<i64: 1000, 128>}]} {
    %get3A = arith.constant 0 : index
    %get3A_0 = arith.constant 0 : index
    %get3A_1 = arith.constant 0 : index
    %get3A_2 = vector.load %arg3[%get3A, %get3A_0, %get3A_1] : memref<1x1000x128xf32, #tpu.memory_space<vmem>>, vector<1x1000x1xf32>
    %get3A_3 = vector.shape_cast %get3A_2 : vector<1x1000x1xf32> to vector<1000x1xf32>
    %get3A_4 = arith.constant 0 : index
    %get3A_5 = arith.constant 0 : index
    %get3A_6 = arith.constant 0 : index
    %get3A_7 = vector.load %arg4[%get3A_4, %get3A_5, %get3A_6] : memref<1x1000x128xf32, #tpu.memory_space<vmem>>, vector<1x1000x1xf32>
    %get3A_8 = vector.shape_cast %get3A_7 : vector<1x1000x1xf32> to vector<1000x1xf32>
    %add3A = arith.addf %get3A_3, %get3A_8 : vector<1000x1xf32>
    %max3A = arith.constant 1.000000e+00 : f32
    %max3A_9 = vector.broadcast %max3A : f32 to vector<1000x1xf32>
    %max3A_10 = arith.maximumf %add3A, %max3A_9 : vector<1000x1xf32>
    %get3A_11 = arith.constant 0 : index
    %get3A_12 = arith.constant 0 : index
    %get3A_13 = arith.constant 0 : index
    %get3A_14 = vector.load %arg1[%get3A_11, %get3A_12, %get3A_13] : memref<1x1000x128xf32, #tpu.memory_space<vmem>>, vector<1x1000x128xf32>
    %get3A_15 = vector.shape_cast %get3A_14 : vector<1x1000x128xf32> to vector<1000x128xf32>
    %get3A_16 = arith.constant 0 : index
    %get3A_17 = arith.constant 0 : index
    %get3A_18 = arith.constant 0 : index
    %get3A_19 = vector.load %arg2[%get3A_16, %get3A_17, %get3A_18] : memref<1x1000x128xf32, #tpu.memory_space<vmem>>, vector<1x1000x128xf32>
    %get3A_20 = vector.shape_cast %get3A_19 : vector<1x1000x128xf32> to vector<1000x128xf32>
    %add3A_21 = arith.addf %get3A_15, %get3A_20 : vector<1000x128xf32>
    %div3A = vector.broadcast %max3A_10 : vector<1000x1xf32> to vector<1000x128xf32>
    %div3A_22 = arith.divf %add3A_21, %div3A : vector<1000x128xf32>
    %get3A_23 = arith.constant 0 : index
    %get3A_24 = arith.constant 0 : index
    %get3A_25 = vector.load %arg5[%get3A_23, %get3A_24] : memref<1000x128xf32, #tpu.memory_space<vmem>>, vector<1000x128xf32>
    %get3A_26 = arith.constant 0 : index
    %get3A_27 = arith.constant 0 : index
    %get3A_28 = vector.load %arg6[%get3A_26, %get3A_27] : memref<128x128xf32, #tpu.memory_space<vmem>>, vector<128x128xf32>
    %dot_general3A = arith.constant dense<0.000000e+00> : vector<1000x128xf32>
    %dot_general3A_29 = tpu.matmul %get3A_25, %get3A_28, %dot_general3A {dimension_numbers = #tpu.dot_dimension_numbers<[1], [0], [0], [1], [0, 0, 1, 1], [], []>, precision = #tpu.contract_precision<fp32>, transpose_lhs_hint = false} : vector<1000x128xf32>, vector<128x128xf32>, vector<1000x128xf32> -> vector<1000x128xf32>
    %add3A_30 = arith.addf %div3A_22, %dot_general3A_29 : vector<1000x128xf32>
    %get3A_31 = arith.constant 0 : index
    %get3A_32 = arith.constant 0 : index
    %get3A_33 = vector.load %arg7[%get3A_31, %get3A_32] : memref<1x128xf32, #tpu.memory_space<vmem>>, vector<1x128xf32>
    %add3A_34 = vector.broadcast %get3A_33 : vector<1x128xf32> to vector<1000x128xf32>
    %add3A_35 = arith.addf %add3A_30, %add3A_34 : vector<1000x128xf32>
    %reduce_max3A = arith.constant dense<0xFF800000> : vector<1000xf32>
    %reduce_max3A_36 = vector.multi_reduction <maximumf>, %add3A_35, %reduce_max3A [1] : vector<1000x128xf32> to vector<1000xf32>
    %broadcast_in_dim3A = vector.shape_cast %reduce_max3A_36 : vector<1000xf32> to vector<1000x1xf32>
    %sub3A = vector.broadcast %broadcast_in_dim3A : vector<1000x1xf32> to vector<1000x128xf32>
    %sub3A_37 = arith.subf %add3A_35, %sub3A : vector<1000x128xf32>
    %exp3A = math.exp %sub3A_37 : vector<1000x128xf32>
    %reduce_sum3A = arith.constant dense<0.000000e+00> : vector<1000xf32>
    %reduce_sum3A_38 = vector.multi_reduction <add>, %exp3A, %reduce_sum3A [1] : vector<1000x128xf32> to vector<1000xf32>
    %broadcast_in_dim3A_39 = vector.shape_cast %reduce_sum3A_38 : vector<1000xf32> to vector<1000x1xf32>
    %log3A = math.log %broadcast_in_dim3A_39 : vector<1000x1xf32>
    %sub3A_40 = vector.broadcast %log3A : vector<1000x1xf32> to vector<1000x128xf32>
    %sub3A_41 = arith.subf %sub3A_37, %sub3A_40 : vector<1000x128xf32>
    %swap3A = arith.constant 0 : index
    %swap3A_42 = arith.constant 0 : index
    %swap3A_43 = vector.load %arg8[%swap3A, %swap3A_42] : memref<1000x128xf32, #tpu.memory_space<vmem>>, vector<1000x128xf32>
    tpu.vector_store %arg8[%swap3A, %swap3A_42], %sub3A_41 {strides = array<i32>} : memref<1000x128xf32, #tpu.memory_space<vmem>>, vector<1000x128xf32>,
    return
  }
  func.func @transform_0(%arg0: i32) -> (i32, i32, i32) {
    %c0_i32 = arith.constant 0 : i32
    %c0_i32_0 = arith.constant 0 : i32
    %c0_i32_1 = arith.constant 0 : i32
    return %c0_i32, %arg0, %c0_i32_0 : i32, i32, i32
  }
  func.func @transform_1(%arg0: i32) -> (i32, i32, i32) {
    %c1_i32 = arith.constant 1 : i32
    %c0_i32 = arith.constant 0 : i32
    %c0_i32_0 = arith.constant 0 : i32
    return %c1_i32, %arg0, %c0_i32 : i32, i32, i32
  }
  func.func @transform_2(%arg0: i32) -> (i32, i32, i32) {
    %c0_i32 = arith.constant 0 : i32
    %c0_i32_0 = arith.constant 0 : i32
    %c0_i32_1 = arith.constant 0 : i32
    return %c0_i32, %arg0, %c0_i32_0 : i32, i32, i32
  }
  func.func @transform_3(%arg0: i32) -> (i32, i32, i32) {
    %c1_i32 = arith.constant 1 : i32
    %c0_i32 = arith.constant 0 : i32
    %c0_i32_0 = arith.constant 0 : i32
    return %c1_i32, %arg0, %c0_i32 : i32, i32, i32
  }
  func.func @transform_4(%arg0: i32) -> (i32, i32) {
    %c0_i32 = arith.constant 0 : i32
    %c0_i32_0 = arith.constant 0 : i32
    return %arg0, %c0_i32 : i32, i32
  }
  func.func @transform_5(%arg0: i32) -> (i32, i32) {
    %c0_i32 = arith.constant 0 : i32
    %c0_i32_0 = arith.constant 0 : i32
    %c0_i32_1 = arith.constant 0 : i32
    return %c0_i32, %c0_i32_0 : i32, i32
  }
  func.func @transform_6(%arg0: i32) -> (i32, i32) {
    %c0_i32 = arith.constant 0 : i32
    %c0_i32_0 = arith.constant 0 : i32
    %c0_i32_1 = arith.constant 0 : i32
    return %c0_i32, %c0_i32_0 : i32, i32
  }
  func.func @transform_7(%arg0: i32) -> (i32, i32) {
    %c0_i32 = arith.constant 0 : i32
    %c0_i32_0 = arith.constant 0 : i32
    return %arg0, %c0_i32 : i32, i32
  }
}

</mosaic_0001>

<sc_bundles>
// kernel: kernel.12.cloned.1.call-start
scs
__scs_entry_jumppad:
0x0: {  	(pc) =	sbr.rel $0x88, $3  }
0x1: {  	(tag) =	ssettag $0x0;
	lr =	simm.s32 $0x1  }
0x2: {  	[smem:$0x3F93] =	sst lr;
	_ =	strace $0xD0000000  }
0x3: {  	_ = 	snop  }
0x4: {  	_ = 	snop  }
0x5: {  	_ = 	snop  }
0x6: {  	_ = 	snop  }
0x7: {  	_ = 	snop  }
__scs_overlays_trampoline_lowered:
0x8: {  	[smem:$0x3FA2] =	sst s0  }
0x9: {  	[smem:$0x3FA3] =	sst s1  }
0xa: {  	[smem:$0x3FA4] =	sst s2  }
0xb: {  	[smem:$0x3FA5] =	sst s3  }
0xc: {  	[smem:$0x3FA6] =	sst s4  }
0xd: {  	[smem:$0x3FA7] =	sst s5  }
0xe: {  	[smem:$0x3FA8] =	sst s6  }
0xf: {  	[smem:$0x3FA9] =	sst s7  }
0x10: {  	[smem:$0x3FAA] =	sst s8  }
0x11: {  	[smem:$0x3FAB] =	sst s9;
	s0 =	simm.s32 @!p0 $0x0  }
0x12: {  	s1 =	sld [smem:$0x3F91];
	s0 =	simm.s32 @p0 $0x1  }
0x13: {  	[smem:$0x3FAC] =	sst s0;
	s0 =	simm.s32 @!p1 $0x0  }
0x14: {  	s2 =	sld [smem:$0x3F90];
	s0 =	simm.s32 @p1 $0x1  }
0x15: {  	[smem:$0x3FAD] =	sst s0;
	s0 =	simm.s32 @!p2 $0x0  }
0x16: {  	s3 =	sld [smem:$0x3FDB];
	s0 =	simm.s32 @p2 $0x1  }
0x17: {  	s4 =	simm.s32 $0x1BF5;
	[smem:$0x3FAF] =	sst s0  }
0x18: {  	s0 =	sld [smem:$0x3F92];
	_ =	swait.ge [sflag:s4], $0x0  }
0x19: {  	s7 =	sld [smem:$0x3F93]  }
0x1a: {  	s8 =	sadd.s32 $0xFFFFE003, lr  }
0x1b: {  	s9 =	sadd.s32 $0xFFFFFEF7, lr;
	s5 =	simm.s32 $0xFFFFFFFF;
	p2 =	slt.u32 s8, $0xFFFFF086  }
0x1c: {  	p1 =	slt.u32 s9, $0xF7A;
	s5 =	simm.s32 @!p2 $0x0  }
0x1d: {  	s5 =	simm.s32 @p1 $0x1;
	p0 =	seq.s32 s7, s2  }
0x1e: {  	s7 =	smul.u32 @!p0 $0xF7A, s2;
	p2 =	seq.s32 @!p0 s5, $0x0  }
0x1f: {  	s9 =	smul.u32 $0xF7A, s1;
	s8 =	simm.s32 @!p0 $0x1BF5;
	p2 =	por !p2, p0  }
0x20: {  	[sflag:s8] =	ssyncset.s32 @!p0 $0xFFFFF086;
	s6 =	sadd.s32 @!p0 s3, s7;
	s7 =	simm.s32 @!p0 $0x108  }
0x21: {  	s3 =	sadd.s32 s3, s9;
	s6 =	sadd.s32 @!p0 $0x88, s6;
	s7 =	simm.s32 @p2 $0x1082  }
0x22: {  	[simem:s7], [sflag:s8] =	dma.local @!p0 [hbm:s6], $0xF7A  }
0x23: {  	s9 =	sor.u32 $0xD0000000, s2;
	s6 =	simm.s32 $0x108;
	_ =	swait.ge @!p0 [sflag:s8], $0x0  }
0x24: {  	s3 =	sadd.s32 $0x88, s3;
	s6 =	simm.s32 @!p1 $0x1082;
	[sflag:s4] =	ssyncset.s32 $0xFFFFF086  }
0x25: {  	[simem:s6], [sflag:s4] =	dma.local [hbm:s3], $0xF7A  }
0x26: {  	[smem:$0x3F93] =	sst s1;
	(tag) =	ssettag s2;
	_ =	strace s9  }
0x27: {  	s1 =	sld [smem:$0x3FA3]  }
0x28: {  	s2 =	sld [smem:$0x3FA4]  }
0x29: {  	s4 =	sld [smem:$0x3FA6]  }
0x2a: {  	p0 =	seq.s32 s5, $0x0;
	s5 =	sld [smem:$0x3FA7]  }
0x2b: {  	s6 =	sld [smem:$0x3FA8]  }
0x2c: {  	s7 =	sld [smem:$0x3FA9]  }
0x2d: {  	s3 =	simm.s32 $0x108;
	s8 =	sld [smem:$0x3FAA]  }
0x2e: {  	s3 =	simm.s32 @!p0 $0x1082;
	s9 =	sld [smem:$0x3FAB]  }
0x2f: {  	lr =	sadd.s32 s0, s3;
	s0 =	sld [smem:$0x3FA2]  }
0x30: {  	s3 =	sld [smem:$0x3FA5]  }
0x31: {  	[smem:$0x3FAE] =	sst s10  }
0x32: {  	s10 =	sld [smem:$0x3FAC];
	_ =	sdelay $0x3  }
0x33: {  	p0 =	seq.s32 s10, $0x1;
	s10 =	sld [smem:$0x3FAE];
	_ =	sdelay $0x3  }
0x34: {  	[smem:$0x3FAE] =	sst s10  }
0x35: {  	s10 =	sld [smem:$0x3FAD];
	_ =	sdelay $0x3  }
0x36: {  	p1 =	seq.s32 s10, $0x1;
	s10 =	sld [smem:$0x3FAE];
	_ =	sdelay $0x3  }
0x37: {  	[smem:$0x3FAE] =	sst s10  }
0x38: {  	s10 =	sld [smem:$0x3FAF]  }
0x39: {  	_ = 	snop;
	(pc) =	sbr.ind lr, $3  }
0x3a: {  	_ = 	snop  }
0x3b: {  	_ = 	snop  }
0x3c: {  	p2 =	seq.s32 s10, $0x1;
	s10 =	sld [smem:$0x3FAE]  }
0x3d: {  	_ =	shalt  }
0x3e: {  	_ =	shalt  }
0x3f: {  	_ =	shalt  }
0x40: {  	_ =	shalt  }
0x41: {  	_ =	shalt  }
0x42: {  	_ =	shalt  }
0x43: {  	_ =	shalt  }
0x44: {  	_ =	shalt  }
0x45: {  	_ =	shalt  }
0x46: {  	_ =	shalt  }
0x47: {  	_ =	shalt  }
0x48: {  	_ =	shalt  }
0x49: {  	_ =	shalt  }
0x4a: {  	_ =	shalt  }
0x4b: {  	_ =	shalt  }
0x4c: {  	_ =	shalt  }
0x4d: {  	_ =	shalt  }
0x4e: {  	_ =	shalt  }
0x4f: {  	_ =	shalt  }
0x50: {  	_ =	shalt  }
0x51: {  	_ =	shalt  }
0x52: {  	_ =	shalt  }
0x53: {  	_ =	shalt  }
0x54: {  	_ =	shalt  }
0x55: {  	_ =	shalt  }
0x56: {  	_ =	shalt  }
0x57: {  	_ =	shalt  }
0x58: {  	_ =	shalt  }
0x59: {  	_ =	shalt  }
0x5a: {  	_ =	shalt  }
0x5b: {  	_ =	shalt  }
0x5c: {  	_ =	shalt  }
0x5d: {  	_ =	shalt  }
0x5e: {  	_ =	shalt  }
0x5f: {  	_ =	shalt  }
0x60: {  	_ =	shalt  }
0x61: {  	_ =	shalt  }
0x62: {  	_ =	shalt  }
0x63: {  	_ =	shalt  }
0x64: {  	_ =	shalt  }
0x65: {  	_ =	shalt  }
0x66: {  	_ =	shalt  }
0x67: {  	_ =	shalt  }
0x68: {  	_ =	shalt  }
0x69: {  	_ =	shalt  }
0x6a: {  	_ =	shalt  }
0x6b: {  	_ =	shalt  }
0x6c: {  	_ =	shalt  }
0x6d: {  	_ =	shalt  }
0x6e: {  	_ =	shalt  }
0x6f: {  	_ =	shalt  }
0x70: {  	_ =	shalt  }
0x71: {  	_ =	shalt  }
0x72: {  	_ =	shalt  }
0x73: {  	_ =	shalt  }
0x74: {  	_ =	shalt  }
0x75: {  	_ =	shalt  }
0x76: {  	_ =	shalt  }
0x77: {  	_ =	shalt  }
0x78: {  	_ =	shalt  }
0x79: {  	_ =	shalt  }
0x7a: {  	_ =	shalt  }
0x7b: {  	_ =	shalt  }
0x7c: {  	_ =	shalt  }
0x7d: {  	_ =	shalt  }
0x7e: {  	_ =	shalt  }
0x7f: {  	_ =	shalt  }
0x80: {  	_ =	shalt  }
0x81: {  	_ =	shalt  }
0x82: {  	_ =	shalt  }
0x83: {  	_ =	shalt  }
0x84: {  	_ =	shalt  }
0x85: {  	_ =	shalt  }
0x86: {  	_ =	shalt  }
0x87: {  	_ =	shalt  }
.Lfunc_end0:
.L_simem_size_0:
called_computation_lowered:
.L_overlay_start_0:
0x88: {  	s2 =	sld [smem:$0x3FD9]  }
0x89: {  	s3 =	sld [smem:$0x3FFE];
	_ =	sdelay $0x1  }
0x8a: {  	s1 =	srdreg.scid  }
0x8b: {  	s0 =	sand.u32 $0x1, s1  }
0x8c: {  	s17 =	sshll.u32 s0, $0xA;
	s2 =	sadd.s32 s3, s2  }
0x8d: {  	s2 =	sadd.s32 s2, s17  }
0x8e: {  	[smem:$0x3FBA] =	sst s2  }
0x8f: {  	_ = 	snop  }
0x90: {  	(tm) =	ssettm $0x1  }
0x91: {  	s18 =	sld [smem:$0x3FFB];
	_ =	sdelay $0x3  }
0x92: {  	_ =	strace s18  }
0x93: {  	s2 =	sld [smem:$0x3FFC];
	_ =	sdelay $0x3  }
0x94: {  	_ =	strace s2  }
0x95: {  	s2 =	sld [smem:$0x3FFD];
	_ =	sdelay $0x3  }
0x96: {  	_ =	strace s2  }
0x97: {  	_ =	strace $0x8FFFFFFF  }
0x98: {  	s19 =	sld [smem:$0x3FDB];
	_ =	sdelay $0x1  }
0x99: {  	s20 =	simm.s32 $_scs_section_size  }
0x9a: {  	s4 =	simm.s32 $_size__tile_overlayer_lowered;
	s5 =	simm.s32 $_tile_overlayer_lowered  }
0x9b: {  	s6 =	simm.s32 $0x1BFF;
	s21 =	sshll.u32 s5, $0x1;
	s3 =	sadd.s32 s20, s19  }
0x9c: {  	s22 =	simm.s32 $0x0;
	s4 =	sshll.u32 s4, $0x1;
	s5 =	sadd.s32 s21, s3  }
0x9d: {  	[timem:s22], [sflag:s6] =	dma.local [hbm:s5], s4  }
0x9e: {  	_ =	swait.ge [sflag:s6], s4  }
0x9f: {  	s4 =	ssub.s32 $0x0, s4;
	[sflag:s6] =	ssyncset.done $0x0  }
0xa0: {  	[sflag:s6] =	ssyncadd.s32 s4;
	_ =	sdelay $0x1  }
0xa1: {  	s23 =	simm.s32 $0x1B8B  }
0xa2: {  	_ =	swait.ge [sflag:s23], $0x1  }
0xa3: {  	[sflag:s23] =	ssyncset.done $0x0  }
0xa4: {  	[sflag:s23] =	ssyncadd.s32 $0xFFFFFFFF  }
0xa5: {  	s4 =	sld [smem:$0x0]  }
0xa6: {  	s5 =	sand.u32 $0xFFFFFFFE, s1  }
0xa7: {  	p0 =	sne.s32 s1, s5  }
0xa8: {  	s5 =	sshll.u32 @p0 s5, $0xE  }
0xa9: {  	s5 =	sadd.s32 @p0 $0x11B8D, s5;
	s6 =	sshll.u32 @p0 s4, $0x11  }
0xaa: {  	s5 =	sor.u32 @p0 s6, s5  }
0xab: {  	[sflag:s5] =	ssyncadd.remote.s32 @p0 $0x1;
	_ =	sdelay $0x1  }
0xac: {  	s5 =	simm.s32 @p0 $0x1B8D  }
0xad: {  	_ =	swait.eq @p0 [sflag:s5], $0x1  }
0xae: {  	[sflag:s5] =	ssyncadd.s32 @p0 $0xFFFFFFFF  }
0xaf: {  	s6 =	sshll.u32 @!p0 s1, $0xE  }
0xb0: {  	s6 =	sor.u32 @!p0 $0x4000, s6;
	s5 =	simm.s32 @!p0 $0x1B8D  }
0xb1: {  	s4 =	sshll.u32 @!p0 s4, $0x11;
	s6 =	sadd.s32 @!p0 $0x11B8D, s6;
	_ =	swait.eq @!p0 [sflag:s5], $0x1  }
0xb2: {  	s4 =	sor.u32 @!p0 s4, s6;
	[sflag:s5] =	ssyncadd.s32 @!p0 $0xFFFFFFFF  }
0xb3: {  	s25 =	simm.s32 $0x1B8E;
	s24 =	sld [smem:$0x3FFE];
	[sflag:s4] =	ssyncadd.remote.s32 @!p0 $0x1  }
0xb4: {  	s26 =	simm.s32 $execute0_lowered;
	[smem:$0x3FD2] =	sst s25  }
0xb5: {  	s5 =	sshll.u32 s26, $0x1;
	_ =	strace $0x80000049;
	[dreg:$0x1] =	wrdreg $0xFFFFFFFF  }
0xb6: {  	s28 =	simm.s32 $_size_execute0_lowered;
	s3 =	sadd.s32 s3, s5;
	[dreg:$0x0] =	wrdreg $0x0  }
0xb7: {  	s5 =	sshll.u32 s28, $0x1;
	[dreg:$0x2] =	wrdreg s3  }
0xb8: {  	[dreg:$0x3] =	wrdreg s5  }
0xb9: {  	[dreg:$0x4] =	wrdreg $0xC0  }
0xba: {  	_ =	task [dreg:s22], $0x5FFFF  }
0xbb: {  	[dreg:$0x1] =	wrdreg $0xFFFFFFFF  }
0xbc: {  	[dreg:$0x0] =	wrdreg $0x60  }
0xbd: {  	[dreg:$0x2] =	wrdreg s24  }
0xbe: {  	[dreg:$0x3] =	wrdreg $0x88000  }
0xbf: {  	[dreg:$0x4] =	wrdreg $0x9  }
0xc0: {  	_ =	task.clear_ibuf [dreg:s22], $0x5FFFF;
	_ =	strace $0x90000049  }
0xc1: {  	s29 =	simm.s32 $0x9;
	_ =	strace $0x8000004B  }
0xc2: {  	_ =	swait.ge [sflag:s29], $0x1  }
0xc3: {  	[sflag:s29] =	ssyncadd.s32 $0xFFFFFFFF  }
0xc4: {  	_ =	strace $0x9000004B  }
0xc5: {  	_ =	sfence  }
0xc6: {  	s30 =	sld [smem:$0x0];
	_ =	sdelay $0x2  }
0xc7: {  	s31 =	sshll.u32 s1, $0xD;
	s1 =	sshrl.u32 s1, $0x2  }
0xc8: {  	s4 =	sand.u32 $0x4000, s31;
	s1 =	sadd.s32 s1, s30  }
0xc9: {  	s0 =	sor.u32 s4, s0;
	s1 =	sshll.u32 s1, $0x11  }
0xca: {  	s0 =	sor.u32 s1, s0  }
0xcb: {  	s0 =	sadd.s32 $0x8F2B, s0  }
0xcc: {  	[sflag:s0] =	ssyncadd.remote.s32 $0x1  }
0xcd: {  	_ =	sfence.sel $0xFFFF  }
0xce: {  	[dreg:$0x0] =	wrdreg $0xFFFFFFFF;
	(pc) =	sbr.abs _section_cstart, $3  }
0xcf: {  	[dreg:$0x1] =	wrdreg $0xFFFFFFFF  }
0xd0: {  	_ =	task.clear_ibuf [dreg:s22], $0x2FFFF;
	_ =	strace $0x9FFFFFFF  }
0xd1: {  	(tm) =	ssettm $0x7FFFFFFF  }
tec
execute0_lowered:
.L_overlay_start_1:
0x0: {  	(tag) =	ssettag $0x1  }
0x1: {  	s0 =	srdreg.scid;
	s7 =	rddreg [dreg:$0x0]  }
0x2: {  	s2 =	rddreg [dreg:$0x1];
	s3 =	simm.s32 $0x0;
	s19 =	simm.s32 $0x3  }
0x3: {  	s20 =	simm.s32 $0x6800;
	s21 =	simm.s32 $0x2800;
	s22 =	simm.s32 $0x80  }
0x4: {  	s23 =	simm.s32 $0x1;
	s24 =	simm.s32 $0x2;
	s6 =	sand.u32 $0x1, s0  }
0x5: {  	s28 =	simm.s32 $0x0;
	s0 =	stileid.u32;
	s5 =	smul.u32 $0x13C000, s6  }
0x6: {  	[smem:$0x7FF] =	sst s3;
	s1 =	sshll.u32 s6, $0x4;
	s8 =	smul.u32 $0x13C00, s0  }
0x7: {  	_ =	strace $0x8000004A;
	s10 =	smul.u32 $0x4F000, s0;
	s6 =	ssub.s32 $0x2, s6  }
0x8: {  	s25 =	sshll.u32 s0, $0x6;
	s1 =	sor.u32 s0, s1;
	s29 =	sshrl.u32 s6, $0x1  }
0x9: {  	s25 =	sor.u32 $0x1C03, s25;
	s4 =	smul.u32 $0x500, s1;
	s8 =	sadd.s32 s8, s5  }
0xa: {  	s5 =	sadd.s32 $0x17600, s7;
	s30 =	sshrl.u32 s10, $0x2;
	s31 =	ssub.s32 s6, s29  }
0xb: {  	s8 =	sshrl.u32 s8, $0x3;
	s10 =	smax.u32 s31, $0x1;
	s9 =	sadd.s32 s4, s7  }
0xc: {  	s4 =	sadd.s32 $0x66A00, s7;
	s11 =	sadd.s32 s8, s7;
	s7 =	sadd.s32 s30, s2  }
0xd: {  	s6 =	sadd.s32 $0x3600, s9;
	s8 =	sadd.s32 $0x12000, s7;
	s9 =	sadd.s32 $0x67200, s11  }
0xe: {  	s11 =	sadd.s32 $0x2000, s7;
	s12 =	sadd.s32 $0x4000, s7;
	s13 =	sadd.s32 $0x6000, s7  }
0xf: {  	s14 =	sadd.s32 $0x8000, s7;
	s15 =	sadd.s32 $0xA000, s7;
	s16 =	sadd.s32 $0xC000, s7  }
0x10: {  	s17 =	sadd.s32 $0xE000, s7;
	s18 =	sadd.s32 $0x10000, s7;
	s26 =	sshrl.u32 s7, $0x3  }
.LBB2_1:
0x11: {  	[tilespmem:s3], [sflag:$0x3] =	stream.linear.gather [hbm4b:s6+s3], $0x2800, $0x38;
	[tilespmem:$0x1C400] =	vst v63  }
0x12: {  	_ =	swait.ge [sflag:s19], $0x2800  }
0x13: {  	[sflag:s19] =	ssyncset.done $0x0  }
0x14: {  	[sflag:s19] =	ssyncadd.s32 $0xFFFFD800  }
0x15: {  	[tilespmem:s20], [sflag:$0x3] =	stream.linear.gather [hbm4b:s5+s3], $0x2000, $0x38;
	[tilespmem:$0x1C400] =	vst v63  }
0x16: {  	_ =	swait.ge [sflag:s19], $0x2000  }
0x17: {  	[sflag:s19] =	ssyncset.done $0x0  }
0x18: {  	[sflag:s19] =	ssyncadd.s32 $0xFFFFE000  }
0x19: {  	[tilespmem:s21], [sflag:$0x3] =	stream.linear.gather [hbm4b:s4+s3], $0x4000, $0x38;
	[tilespmem:$0x1C400] =	vst v63  }
0x1a: {  	_ =	swait.ge [sflag:s19], $0x4000  }
0x1b: {  	[sflag:s19] =	ssyncset.done $0x0  }
0x1c: {  	[sflag:s19] =	ssyncadd.s32 $0xFFFFC000  }
0x1d: {  	[spmem:s7] =	stream.linear.scatter [tilespmem:s20], [sflag:$0x3], $0x2000, $0x38;
	[tilespmem:$0x1C400] =	vst v63  }
0x1e: {  	_ =	swait.ge [sflag:s19], $0x2000  }
0x1f: {  	[sflag:s19] =	ssyncset.done $0x0  }
0x20: {  	[sflag:s19] =	ssyncadd.s32 $0xFFFFE000  }
0x21: {  	[spmem:s11] =	stream.linear.scatter [tilespmem:s20], [sflag:$0x3], $0x2000, $0x38;
	[tilespmem:$0x1C400] =	vst v63  }
0x22: {  	_ =	swait.ge [sflag:s19], $0x2000  }
0x23: {  	[sflag:s19] =	ssyncset.done $0x0  }
0x24: {  	[sflag:s19] =	ssyncadd.s32 $0xFFFFE000  }
0x25: {  	[spmem:s12] =	stream.linear.scatter [tilespmem:s20], [sflag:$0x3], $0x2000, $0x38;
	[tilespmem:$0x1C400] =	vst v63  }
0x26: {  	_ =	swait.ge [sflag:s19], $0x2000  }
0x27: {  	[sflag:s19] =	ssyncset.done $0x0  }
0x28: {  	[sflag:s19] =	ssyncadd.s32 $0xFFFFE000  }
0x29: {  	[spmem:s13] =	stream.linear.scatter [tilespmem:s20], [sflag:$0x3], $0x2000, $0x38;
	[tilespmem:$0x1C400] =	vst v63  }
0x2a: {  	_ =	swait.ge [sflag:s19], $0x2000  }
0x2b: {  	[sflag:s19] =	ssyncset.done $0x0  }
0x2c: {  	[sflag:s19] =	ssyncadd.s32 $0xFFFFE000  }
0x2d: {  	[spmem:s14] =	stream.linear.scatter [tilespmem:s20], [sflag:$0x3], $0x2000, $0x38;
	[tilespmem:$0x1C400] =	vst v63  }
0x2e: {  	_ =	swait.ge [sflag:s19], $0x2000  }
0x2f: {  	[sflag:s19] =	ssyncset.done $0x0  }
0x30: {  	[sflag:s19] =	ssyncadd.s32 $0xFFFFE000  }
0x31: {  	[spmem:s15] =	stream.linear.scatter [tilespmem:s20], [sflag:$0x3], $0x2000, $0x38;
	[tilespmem:$0x1C400] =	vst v63  }
0x32: {  	_ =	swait.ge [sflag:s19], $0x2000  }
0x33: {  	[sflag:s19] =	ssyncset.done $0x0  }
0x34: {  	[sflag:s19] =	ssyncadd.s32 $0xFFFFE000  }
0x35: {  	[spmem:s16] =	stream.linear.scatter [tilespmem:s20], [sflag:$0x3], $0x2000, $0x38;
	[tilespmem:$0x1C400] =	vst v63  }
0x36: {  	_ =	swait.ge [sflag:s19], $0x2000  }
0x37: {  	[sflag:s19] =	ssyncset.done $0x0  }
0x38: {  	[sflag:s19] =	ssyncadd.s32 $0xFFFFE000  }
0x39: {  	[spmem:s17] =	stream.linear.scatter [tilespmem:s20], [sflag:$0x3], $0x2000, $0x38;
	[tilespmem:$0x1C400] =	vst v63  }
0x3a: {  	_ =	swait.ge [sflag:s19], $0x2000  }
0x3b: {  	[sflag:s19] =	ssyncset.done $0x0  }
0x3c: {  	[sflag:s19] =	ssyncadd.s32 $0xFFFFE000  }
0x3d: {  	[spmem:s18] =	stream.linear.scatter [tilespmem:s20], [sflag:$0x3], $0x2000, $0x38;
	[tilespmem:$0x1C400] =	vst v63  }
0x3e: {  	_ =	swait.ge [sflag:s19], $0x2000  }
0x3f: {  	[sflag:s19] =	ssyncset.done $0x0  }
0x40: {  	[sflag:s19] =	ssyncadd.s32 $0xFFFFE000  }
0x41: {  	[spmem:s8] =	stream.linear.scatter [tilespmem:s20], [sflag:$0x3], $0x1C00, $0x38;
	[tilespmem:$0x1C400] =	vst v63  }
0x42: {  	_ =	swait.ge [sflag:s19], $0x1C00  }
0x43: {  	[sflag:s19] =	ssyncset.done $0x0  }
0x44: {  	[sflag:s19] =	ssyncadd.s32 $0xFFFFE400  }
0x45: {  	s29 =	simm.s32 $0x0;
	[bflag:$0x0] =	sbarrier.arrive $0xFFFF  }
0x46: {  	[spmem:s2] =	stream.indirect.scatter.add.f32 [tilespmem:s21], [sflag:$0x1], $0x80, s29, s22, $0xb8;
	[tilespmem:$0x1C400] =	vst v63  }
0x47: {  	s29 =	simm.s32 $0x80  }
0x48: {  	[spmem:s2] =	stream.indirect.scatter.add.f32 [tilespmem:s21], [sflag:$0x2], $0x80, s29, s22, $0xb8;
	[tilespmem:$0x1C400] =	vst v63  }
0x49: {  	_ =	swait.ge [sflag:s23], $0x4000  }
0x4a: {  	[sflag:s23] =	ssyncset.done $0x0  }
0x4b: {  	[sflag:s23] =	ssyncadd.s32 $0xFFFFC000  }
0x4c: {  	_ =	swait.ge [sflag:s24], $0x4000  }
0x4d: {  	s30 =	simm.s32 $0x800;
	s29 =	simm.s32 $0x400;
	[sflag:s24] =	ssyncset.done $0x0  }
.LBB2_2:
0x4e: {  	s31 =	sshra.s32 s29, $0x2  }
0x4f: {  	[sflag:s24] =	ssyncadd.s32 $0xFFFFC000;
	s29 =	smov.u32 s30;
	s1 =	sadd.s32 $0x400, s30  }
0x50: {  	[spmem:s2] =	stream.indirect.scatter.add.f32 [tilespmem:s21], [sflag:$0x1], $0x80, s31, s22, $0xb8;
	[tilespmem:$0x1C400] =	vst v63  }
0x51: {  	p0 =	sne.s32 s30, $0x9C00;
	s30 =	sadd.s32 $0x80, s31  }
0x52: {  	[spmem:s2] =	stream.indirect.scatter.add.f32 [tilespmem:s21], [sflag:$0x2], $0x80, s30, s22, $0xb8;
	[tilespmem:$0x1C400] =	vst v63  }
.Ltmp0:
0x53: {  	_ =	swait.ge [sflag:s23], $0x4000;
	(pc) =	sbr.rel @p0 .LBB2_2-.Ltmp0, $4  }
0x54: {  	[sflag:s23] =	ssyncset.done $0x0  }
0x55: {  	[sflag:s23] =	ssyncadd.s32 $0xFFFFC000  }
0x56: {  	_ =	swait.ge [sflag:s24], $0x4000  }
0x57: {  	s30 =	smov.u32 s1;
	[sflag:s24] =	ssyncset.done $0x0  }
0x58: {  	s1 =	sshra.s32 s29, $0x2;
	[sflag:s24] =	ssyncadd.s32 $0xFFFFC000  }
0x59: {  	[spmem:s2] =	stream.indirect.scatter.add.f32 [tilespmem:s21], [sflag:$0x1], $0x80, s1, s22, $0xb8;
	[tilespmem:$0x1C400] =	vst v63  }
0x5a: {  	s1 =	sadd.s32 $0x80, s1  }
0x5b: {  	[spmem:s2] =	stream.indirect.scatter.add.f32 [tilespmem:s21], [sflag:$0x2], $0x80, s1, s22, $0xb8;
	[tilespmem:$0x1C400] =	vst v63  }
0x5c: {  	_ =	swait.ge [sflag:s23], $0x4000  }
0x5d: {  	[sflag:s23] =	ssyncset.done $0x0  }
0x5e: {  	[sflag:s23] =	ssyncadd.s32 $0xFFFFC000  }
0x5f: {  	_ =	swait.ge [sflag:s24], $0x4000  }
0x60: {  	s28 =	sadd.s32 $0x1, s28;
	[sflag:s24] =	ssyncset.done $0x0  }
0x61: {  	p0 =	sne.s32 s28, s10;
	[sflag:s24] =	ssyncadd.s32 $0xFFFFC000  }
.Ltmp1:
0x62: {  	[bflag:$0x0] =	sbarrier.arrive $0xFFFF;
	(pc) =	sbr.rel @p0 .LBB2_1-.Ltmp1, $4  }
0x63: {  	[hbm:s9], [sflag:s25] =	dma.local [spmem:s26], $0x2780  }
0x64: {  	_ =	swait.ge [sflag:s19], $0x2780  }
0x65: {  	[sflag:s19] =	ssyncset.done $0x0  }
0x66: {  	[sflag:s19] =	ssyncadd.s32 $0xFFFFD880  }
0x67: {  	_ =	sfence.sel $0x180000  }
0x68: {  	[bflag:$0x0] =	sbarrier.arrive $0xFFFF  }
0x69: {  	_ =	strace $0x9000004A  }
0x6a: {  	[bflag:$0x2] =	sbarrier.arrive $0xFFFF  }
0x6b: {  	p0 =	sne.s32 s0, $0x0;
	s0 =	rddreg [dreg:$0x2]  }
0x6c: {  	s0 =	sadd.s32 @!p0 $0x100000, s0  }
0x6d: {  	[sflag:s0] =	ssyncadd.tile.s32 @!p0 $0x1;
	_ =	shalt  }
.Lfunc_end2:
_tile_overlayer_lowered:
.L_overlay_start_2:
0x6e: {  	(tag) =	ssettag $0x2  }
0x6f: {  	s0 =	rddreg [dreg:$0x0];
	s2 =	stileid.u32  }
0x70: {  	s1 =	rddreg [dreg:$0x1];
	p0 =	sne.s32 s2, $0x0  }
0x71: {  	s3 =	rddreg [dreg:$0x2];
	[bflag:$0x3] =	sbarrier.arrive $0xFFFF;
	s2 =	simm.s32 @!p0 $0x1C03  }
0x72: {  	[timem:s3], [sflag:s2] =	dma.local @!p0 [hbm:s0], s1  }
0x73: {  	s0 =	simm.s32 @!p0 $0x3  }
0x74: {  	_ =	swait.ge @!p0 [sflag:s0], s1  }
0x75: {  	s1 =	ssub.s32 @!p0 $0x0, s1;
	[sflag:s0] =	ssyncset.done @!p0 $0x0  }
0x76: {  	[sflag:s0] =	ssyncadd.s32 @!p0 s1  }
0x77: {  	[bflag:$0x3] =	sbarrier.arrive $0xFFFF  }
0x78: {  	_ =	shalt  }

// kernel: kernel.15.cloned.1.call-start
scs
__scs_entry_jumppad:
0x0: {  	(pc) =	sbr.rel $0x88, $3  }
0x1: {  	(tag) =	ssettag $0x0;
	lr =	simm.s32 $0x1  }
0x2: {  	[smem:$0x3F93] =	sst lr;
	_ =	strace $0xD0000000  }
0x3: {  	_ = 	snop  }
0x4: {  	_ = 	snop  }
0x5: {  	_ = 	snop  }
0x6: {  	_ = 	snop  }
0x7: {  	_ = 	snop  }
__scs_overlays_trampoline_lowered:
0x8: {  	[smem:$0x3FA2] =	sst s0  }
0x9: {  	[smem:$0x3FA3] =	sst s1  }
0xa: {  	[smem:$0x3FA4] =	sst s2  }
0xb: {  	[smem:$0x3FA5] =	sst s3  }
0xc: {  	[smem:$0x3FA6] =	sst s4  }
0xd: {  	[smem:$0x3FA7] =	sst s5  }
0xe: {  	[smem:$0x3FA8] =	sst s6  }
0xf: {  	[smem:$0x3FA9] =	sst s7  }
0x10: {  	[smem:$0x3FAA] =	sst s8  }
0x11: {  	[smem:$0x3FAB] =	sst s9;
	s0 =	simm.s32 @!p0 $0x0  }
0x12: {  	s1 =	sld [smem:$0x3F91];
	s0 =	simm.s32 @p0 $0x1  }
0x13: {  	[smem:$0x3FAC] =	sst s0;
	s0 =	simm.s32 @!p1 $0x0  }
0x14: {  	s2 =	sld [smem:$0x3F90];
	s0 =	simm.s32 @p1 $0x1  }
0x15: {  	[smem:$0x3FAD] =	sst s0;
	s0 =	simm.s32 @!p2 $0x0  }
0x16: {  	s3 =	sld [smem:$0x3FDB];
	s0 =	simm.s32 @p2 $0x1  }
0x17: {  	s4 =	simm.s32 $0x1BF5;
	[smem:$0x3FAF] =	sst s0  }
0x18: {  	s0 =	sld [smem:$0x3F92];
	_ =	swait.ge [sflag:s4], $0x0  }
0x19: {  	s7 =	sld [smem:$0x3F93]  }
0x1a: {  	s8 =	sadd.s32 $0xFFFFE003, lr  }
0x1b: {  	s9 =	sadd.s32 $0xFFFFFEF7, lr;
	s5 =	simm.s32 $0xFFFFFFFF;
	p2 =	slt.u32 s8, $0xFFFFF086  }
0x1c: {  	p1 =	slt.u32 s9, $0xF7A;
	s5 =	simm.s32 @!p2 $0x0  }
0x1d: {  	s5 =	simm.s32 @p1 $0x1;
	p0 =	seq.s32 s7, s2  }
0x1e: {  	s7 =	smul.u32 @!p0 $0xF7A, s2;
	p2 =	seq.s32 @!p0 s5, $0x0  }
0x1f: {  	s9 =	smul.u32 $0xF7A, s1;
	s8 =	simm.s32 @!p0 $0x1BF5;
	p2 =	por !p2, p0  }
0x20: {  	[sflag:s8] =	ssyncset.s32 @!p0 $0xFFFFF086;
	s6 =	sadd.s32 @!p0 s3, s7;
	s7 =	simm.s32 @!p0 $0x108  }
0x21: {  	s3 =	sadd.s32 s3, s9;
	s6 =	sadd.s32 @!p0 $0x88, s6;
	s7 =	simm.s32 @p2 $0x1082  }
0x22: {  	[simem:s7], [sflag:s8] =	dma.local @!p0 [hbm:s6], $0xF7A  }
0x23: {  	s9 =	sor.u32 $0xD0000000, s2;
	s6 =	simm.s32 $0x108;
	_ =	swait.ge @!p0 [sflag:s8], $0x0  }
0x24: {  	s3 =	sadd.s32 $0x88, s3;
	s6 =	simm.s32 @!p1 $0x1082;
	[sflag:s4] =	ssyncset.s32 $0xFFFFF086  }
0x25: {  	[simem:s6], [sflag:s4] =	dma.local [hbm:s3], $0xF7A  }
0x26: {  	[smem:$0x3F93] =	sst s1;
	(tag) =	ssettag s2;
	_ =	strace s9  }
0x27: {  	s1 =	sld [smem:$0x3FA3]  }
0x28: {  	s2 =	sld [smem:$0x3FA4]  }
0x29: {  	s4 =	sld [smem:$0x3FA6]  }
0x2a: {  	p0 =	seq.s32 s5, $0x0;
	s5 =	sld [smem:$0x3FA7]  }
0x2b: {  	s6 =	sld [smem:$0x3FA8]  }
0x2c: {  	s7 =	sld [smem:$0x3FA9]  }
0x2d: {  	s3 =	simm.s32 $0x108;
	s8 =	sld [smem:$0x3FAA]  }
0x2e: {  	s3 =	simm.s32 @!p0 $0x1082;
	s9 =	sld [smem:$0x3FAB]  }
0x2f: {  	lr =	sadd.s32 s0, s3;
	s0 =	sld [smem:$0x3FA2]  }
0x30: {  	s3 =	sld [smem:$0x3FA5]  }
0x31: {  	[smem:$0x3FAE] =	sst s10  }
0x32: {  	s10 =	sld [smem:$0x3FAC];
	_ =	sdelay $0x3  }
0x33: {  	p0 =	seq.s32 s10, $0x1;
	s10 =	sld [smem:$0x3FAE];
	_ =	sdelay $0x3  }
0x34: {  	[smem:$0x3FAE] =	sst s10  }
0x35: {  	s10 =	sld [smem:$0x3FAD];
	_ =	sdelay $0x3  }
0x36: {  	p1 =	seq.s32 s10, $0x1;
	s10 =	sld [smem:$0x3FAE];
	_ =	sdelay $0x3  }
0x37: {  	[smem:$0x3FAE] =	sst s10  }
0x38: {  	s10 =	sld [smem:$0x3FAF]  }
0x39: {  	_ = 	snop;
	(pc) =	sbr.ind lr, $3  }
0x3a: {  	_ = 	snop  }
0x3b: {  	_ = 	snop  }
0x3c: {  	p2 =	seq.s32 s10, $0x1;
	s10 =	sld [smem:$0x3FAE]  }
0x3d: {  	_ =	shalt  }
0x3e: {  	_ =	shalt  }
0x3f: {  	_ =	shalt  }
0x40: {  	_ =	shalt  }
0x41: {  	_ =	shalt  }
0x42: {  	_ =	shalt  }
0x43: {  	_ =	shalt  }
0x44: {  	_ =	shalt  }
0x45: {  	_ =	shalt  }
0x46: {  	_ =	shalt  }
0x47: {  	_ =	shalt  }
0x48: {  	_ =	shalt  }
0x49: {  	_ =	shalt  }
0x4a: {  	_ =	shalt  }
0x4b: {  	_ =	shalt  }
0x4c: {  	_ =	shalt  }
0x4d: {  	_ =	shalt  }
0x4e: {  	_ =	shalt  }
0x4f: {  	_ =	shalt  }
0x50: {  	_ =	shalt  }
0x51: {  	_ =	shalt  }
0x52: {  	_ =	shalt  }
0x53: {  	_ =	shalt  }
0x54: {  	_ =	shalt  }
0x55: {  	_ =	shalt  }
0x56: {  	_ =	shalt  }
0x57: {  	_ =	shalt  }
0x58: {  	_ =	shalt  }
0x59: {  	_ =	shalt  }
0x5a: {  	_ =	shalt  }
0x5b: {  	_ =	shalt  }
0x5c: {  	_ =	shalt  }
0x5d: {  	_ =	shalt  }
0x5e: {  	_ =	shalt  }
0x5f: {  	_ =	shalt  }
0x60: {  	_ =	shalt  }
0x61: {  	_ =	shalt  }
0x62: {  	_ =	shalt  }
0x63: {  	_ =	shalt  }
0x64: {  	_ =	shalt  }
0x65: {  	_ =	shalt  }
0x66: {  	_ =	shalt  }
0x67: {  	_ =	shalt  }
0x68: {  	_ =	shalt  }
0x69: {  	_ =	shalt  }
0x6a: {  	_ =	shalt  }
0x6b: {  	_ =	shalt  }
0x6c: {  	_ =	shalt  }
0x6d: {  	_ =	shalt  }
0x6e: {  	_ =	shalt  }
0x6f: {  	_ =	shalt  }
0x70: {  	_ =	shalt  }
0x71: {  	_ =	shalt  }
0x72: {  	_ =	shalt  }
0x73: {  	_ =	shalt  }
0x74: {  	_ =	shalt  }
0x75: {  	_ =	shalt  }
0x76: {  	_ =	shalt  }
0x77: {  	_ =	shalt  }
0x78: {  	_ =	shalt  }
0x79: {  	_ =	shalt  }
0x7a: {  	_ =	shalt  }
0x7b: {  	_ =	shalt  }
0x7c: {  	_ =	shalt  }
0x7d: {  	_ =	shalt  }
0x7e: {  	_ =	shalt  }
0x7f: {  	_ =	shalt  }
0x80: {  	_ =	shalt  }
0x81: {  	_ =	shalt  }
0x82: {  	_ =	shalt  }
0x83: {  	_ =	shalt  }
0x84: {  	_ =	shalt  }
0x85: {  	_ =	shalt  }
0x86: {  	_ =	shalt  }
0x87: {  	_ =	shalt  }
.Lfunc_end0:
.L_simem_size_0:
called_computation.1_lowered:
.L_overlay_start_0:
0x88: {  	s2 =	sld [smem:$0x3FD9]  }
0x89: {  	s3 =	sld [smem:$0x3FFE];
	_ =	sdelay $0x1  }
0x8a: {  	s1 =	srdreg.scid  }
0x8b: {  	s0 =	sand.u32 $0x1, s1  }
0x8c: {  	s17 =	sshll.u32 s0, $0xA;
	s2 =	sadd.s32 s3, s2  }
0x8d: {  	s2 =	sadd.s32 s2, s17  }
0x8e: {  	[smem:$0x3FBA] =	sst s2  }
0x8f: {  	_ = 	snop  }
0x90: {  	s2 =	sld [smem:$0x3FD0];
	(tm) =	ssettm $0x1  }
0x91: {  	s18 =	sld [smem:$0x3FFB];
	_ =	sdelay $0x3  }
0x92: {  	_ =	strace s18  }
0x93: {  	s3 =	sld [smem:$0x3FFC];
	_ =	sdelay $0x3  }
0x94: {  	_ =	strace s3  }
0x95: {  	s3 =	sld [smem:$0x3FFD];
	_ =	sdelay $0x3  }
0x96: {  	_ =	strace s3  }
0x97: {  	_ =	strace $0x8FFFFFFF  }
0x98: {  	s19 =	sld [smem:$0x3FDB];
	_ =	sdelay $0x1  }
0x99: {  	s4 =	simm.s32 $_scs_section_size  }
0x9a: {  	s5 =	simm.s32 $_size__tile_overlayer_lowered;
	s6 =	simm.s32 $_tile_overlayer_lowered  }
0x9b: {  	s22 =	simm.s32 $0x1BFF;
	s21 =	sshll.u32 s6, $0x1;
	s3 =	sadd.s32 s4, s19  }
0x9c: {  	s7 =	simm.s32 $0x0;
	s20 =	sshll.u32 s5, $0x1;
	s5 =	sadd.s32 s21, s3  }
0x9d: {  	[timem:s7], [sflag:s22] =	dma.local [hbm:s5], s20  }
0x9e: {  	_ =	swait.ge [sflag:s22], s20  }
0x9f: {  	s4 =	ssub.s32 $0x0, s20;
	[sflag:s22] =	ssyncset.done $0x0  }
0xa0: {  	[sflag:s22] =	ssyncadd.s32 s4;
	_ =	sdelay $0x1  }
0xa1: {  	s23 =	simm.s32 $0x1B8B  }
0xa2: {  	_ =	swait.ge [sflag:s23], $0x1  }
0xa3: {  	[sflag:s23] =	ssyncset.done $0x0  }
0xa4: {  	s25 =	simm.s32 $0x1B8E;
	s24 =	sld [smem:$0x3FFE];
	[sflag:s23] =	ssyncadd.s32 $0xFFFFFFFF  }
0xa5: {  	s26 =	simm.s32 $execute0_lowered;
	[smem:$0x3FD2] =	sst s25  }
0xa6: {  	s5 =	sshll.u32 s26, $0x1;
	_ =	strace $0x80000046;
	[dreg:$0x1] =	wrdreg $0xFFFFFFFF  }
0xa7: {  	s28 =	simm.s32 $_size_execute0_lowered;
	s3 =	sadd.s32 s3, s5;
	[dreg:$0x0] =	wrdreg $0x0  }
0xa8: {  	s5 =	sshll.u32 s28, $0x1;
	[dreg:$0x2] =	wrdreg s3  }
0xa9: {  	[dreg:$0x3] =	wrdreg s5  }
0xaa: {  	[dreg:$0x4] =	wrdreg $0xC0  }
0xab: {  	_ =	task [dreg:s7], $0x5FFFF  }
0xac: {  	[dreg:$0x1] =	wrdreg $0xFFFFFFFF  }
0xad: {  	[dreg:$0x0] =	wrdreg $0x60  }
0xae: {  	[dreg:$0x2] =	wrdreg s2  }
0xaf: {  	[dreg:$0x3] =	wrdreg s24  }
0xb0: {  	[dreg:$0x4] =	wrdreg $0xBC000  }
0xb1: {  	[dreg:$0x5] =	wrdreg $0xA  }
0xb2: {  	_ =	task.clear_ibuf [dreg:s7], $0x6FFFF;
	_ =	strace $0x90000046  }
0xb3: {  	s29 =	simm.s32 $0xA;
	_ =	strace $0x80000048  }
0xb4: {  	_ =	swait.ge [sflag:s29], $0x1  }
0xb5: {  	[sflag:s29] =	ssyncadd.s32 $0xFFFFFFFF  }
0xb6: {  	_ =	strace $0x90000048  }
0xb7: {  	_ =	sfence  }
0xb8: {  	s30 =	sld [smem:$0x0];
	_ =	sdelay $0x2  }
0xb9: {  	s31 =	sshll.u32 s1, $0xD;
	s1 =	sshrl.u32 s1, $0x2  }
0xba: {  	s3 =	sand.u32 $0x4000, s31;
	s1 =	sadd.s32 s1, s30  }
0xbb: {  	s0 =	sor.u32 s3, s0;
	s1 =	sshll.u32 s1, $0x11  }
0xbc: {  	s0 =	sor.u32 s1, s0  }
0xbd: {  	s0 =	sadd.s32 $0x8F2B, s0  }
0xbe: {  	[sflag:s0] =	ssyncadd.remote.s32 $0x1  }
0xbf: {  	_ =	sfence.sel $0xFFFF  }
0xc0: {  	[dreg:$0x0] =	wrdreg $0xFFFFFFFF;
	(pc) =	sbr.abs _section_cstart, $3  }
0xc1: {  	[dreg:$0x1] =	wrdreg $0xFFFFFFFF  }
0xc2: {  	_ =	task.clear_ibuf [dreg:s7], $0x2FFFF;
	_ =	strace $0x9FFFFFFF  }
0xc3: {  	(tm) =	ssettm $0x7FFFFFFF  }
tec
execute0_lowered:
.L_overlay_start_1:
0x0: {  	(tag) =	ssettag $0x1  }
0x1: {  	s0 =	srdreg.scid;
	s1 =	rddreg [dreg:$0x0]  }
0x2: {  	s8 =	stileid.u32;
	s5 =	rddreg [dreg:$0x1]  }
0x3: {  	s3 =	rddreg [dreg:$0x2];
	s4 =	simm.s32 $0x0;
	s21 =	simm.s32 $0x3C00  }
0x4: {  	s22 =	simm.s32 $0x5;
	s23 =	simm.s32 $0x3;
	s28 =	simm.s32 $0x80  }
0x5: {  	s29 =	simm.s32 $0x7C00;
	s30 =	simm.s32 $0x1;
	s31 =	simm.s32 $0x2880  }
0x6: {  	s0 =	sand.u32 $0x1, s0;
	[smem:$0x7FF] =	sst s4;
	s7 =	smul.u32 $0x13C00, s8  }
0x7: {  	s9 =	sadd.s32 $0x17600, s5;
	s2 =	sshll.u32 s0, $0x4;
	s6 =	smul.u32 $0x13C000, s0  }
0x8: {  	_ =	strace $0x80000047;
	s0 =	ssub.s32 $0x2, s0;
	s2 =	sor.u32 s8, s2  }
0x9: {  	[dreg:$0x4] =	wrdreg s9;
	s24 =	sshrl.u32 s0, $0x1;
	s2 =	smul.u32 $0x2800, s2  }
0xa: {  	s8 =	smul.u32 $0x4F000, s8;
	s6 =	sadd.s32 s7, s6;
	s0 =	ssub.s32 s0, s24  }
0xb: {  	s24 =	simm.s32 $0x4;
	s6 =	sshrl.u32 s6, $0x3;
	s2 =	sshrl.u32 s2, $0x3  }
0xc: {  	s8 =	sshrl.u32 s8, $0x2;
	s10 =	smax.u32 s0, $0x1;
	s2 =	sadd.s32 s2, s5  }
0xd: {  	s5 =	sadd.s32 s6, s5;
	s6 =	sadd.s32 s8, s3;
	s25 =	sadd.s32 $0xD600, s2  }
0xe: {  	s26 =	sadd.s32 $0x12000, s6;
	s5 =	sadd.s32 $0x17A00, s5;
	s11 =	sadd.s32 $0x2000, s6  }
0xf: {  	s12 =	sadd.s32 $0x4000, s6;
	s13 =	sadd.s32 $0x6000, s6;
	s14 =	sadd.s32 $0x8000, s6  }
0x10: {  	s15 =	sadd.s32 $0xA000, s6;
	s16 =	sadd.s32 $0xC000, s6;
	s17 =	sadd.s32 $0xE000, s6  }
0x11: {  	s18 =	sadd.s32 $0x10000, s6;
	s19 =	sadd.s32 $0x3600, s2;
	[dreg:$0x5] =	wrdreg s25  }
0x12: {  	s20 =	sadd.s32 $0x3880, s2;
	s2 =	simm.s32 $0x0;
	[dreg:$0x6] =	wrdreg s26  }
0x13: {  	[dreg:$0x7] =	wrdreg s5;
	s25 =	simm.s32 $0x2;
	s26 =	simm.s32 $0x2800  }
.LBB2_1:
0x14: {  	s0 =	rddreg [dreg:$0x5]  }
0x15: {  	[tilespmem:s4], [sflag:$0x2] =	stream.linear.gather [hbm4b:s0+s4], $0x2800, $0x38;
	[tilespmem:$0x1F800] =	vst v63  }
0x16: {  	s8 =	rddreg [dreg:$0x4]  }
0x17: {  	[tilespmem:s21], [sflag:$0x5] =	stream.linear.gather [hbm4b:s8+s4], $0x2000, $0x38;
	[tilespmem:$0x1F800] =	vst v63  }
0x18: {  	_ =	swait.ge [sflag:s22], $0x2000  }
0x19: {  	[sflag:s22] =	ssyncset.done $0x0  }
0x1a: {  	[sflag:s22] =	ssyncadd.s32 $0xFFFFE000  }
0x1b: {  	[spmem:s6] =	stream.linear.scatter [tilespmem:s21], [sflag:$0x3], $0x2000, $0x38;
	[tilespmem:$0x1F800] =	vst v63  }
0x1c: {  	_ = 	snop  }
0x1d: {  	[spmem:s11] =	stream.linear.scatter [tilespmem:s21], [sflag:$0x3], $0x2000, $0x38;
	[tilespmem:$0x1F800] =	vst v63  }
0x1e: {  	_ = 	snop  }
0x1f: {  	[spmem:s12] =	stream.linear.scatter [tilespmem:s21], [sflag:$0x3], $0x2000, $0x38;
	[tilespmem:$0x1F800] =	vst v63  }
0x20: {  	_ = 	snop  }
0x21: {  	[spmem:s13] =	stream.linear.scatter [tilespmem:s21], [sflag:$0x3], $0x2000, $0x38;
	[tilespmem:$0x1F800] =	vst v63  }
0x22: {  	_ = 	snop  }
0x23: {  	[spmem:s14] =	stream.linear.scatter [tilespmem:s21], [sflag:$0x3], $0x2000, $0x38;
	[tilespmem:$0x1F800] =	vst v63  }
0x24: {  	_ = 	snop  }
0x25: {  	[spmem:s15] =	stream.linear.scatter [tilespmem:s21], [sflag:$0x3], $0x2000, $0x38;
	[tilespmem:$0x1F800] =	vst v63  }
0x26: {  	_ = 	snop  }
0x27: {  	[spmem:s16] =	stream.linear.scatter [tilespmem:s21], [sflag:$0x3], $0x2000, $0x38;
	[tilespmem:$0x1F800] =	vst v63  }
0x28: {  	_ = 	snop  }
0x29: {  	[spmem:s17] =	stream.linear.scatter [tilespmem:s21], [sflag:$0x3], $0x2000, $0x38;
	[tilespmem:$0x1F800] =	vst v63  }
0x2a: {  	_ = 	snop  }
0x2b: {  	[spmem:s18] =	stream.linear.scatter [tilespmem:s21], [sflag:$0x3], $0x2000, $0x38;
	[tilespmem:$0x1F800] =	vst v63  }
0x2c: {  	s9 =	rddreg [dreg:$0x6]  }
0x2d: {  	[spmem:s9] =	stream.linear.scatter [tilespmem:s21], [sflag:$0x4], $0x1C00, $0x38;
	[tilespmem:$0x1F800] =	vst v63  }
0x2e: {  	_ =	swait.ge [sflag:s23], $0x2000  }
0x2f: {  	[sflag:s23] =	ssyncset.done $0x0  }
0x30: {  	[sflag:s23] =	ssyncadd.s32 $0xFFFFE000  }
0x31: {  	_ =	swait.ge [sflag:s23], $0x2000  }
0x32: {  	[sflag:s23] =	ssyncset.done $0x0  }
0x33: {  	[sflag:s23] =	ssyncadd.s32 $0xFFFFE000  }
0x34: {  	_ =	swait.ge [sflag:s23], $0x2000  }
0x35: {  	[sflag:s23] =	ssyncset.done $0x0  }
0x36: {  	[sflag:s23] =	ssyncadd.s32 $0xFFFFE000  }
0x37: {  	_ =	swait.ge [sflag:s23], $0x2000  }
0x38: {  	[sflag:s23] =	ssyncset.done $0x0  }
0x39: {  	[sflag:s23] =	ssyncadd.s32 $0xFFFFE000  }
0x3a: {  	_ =	swait.ge [sflag:s23], $0x2000  }
0x3b: {  	[sflag:s23] =	ssyncset.done $0x0  }
0x3c: {  	[sflag:s23] =	ssyncadd.s32 $0xFFFFE000  }
0x3d: {  	_ =	swait.ge [sflag:s23], $0x2000  }
0x3e: {  	[sflag:s23] =	ssyncset.done $0x0  }
0x3f: {  	[sflag:s23] =	ssyncadd.s32 $0xFFFFE000  }
0x40: {  	_ =	swait.ge [sflag:s23], $0x2000  }
0x41: {  	[sflag:s23] =	ssyncset.done $0x0  }
0x42: {  	[sflag:s23] =	ssyncadd.s32 $0xFFFFE000  }
0x43: {  	_ =	swait.ge [sflag:s23], $0x2000  }
0x44: {  	[sflag:s23] =	ssyncset.done $0x0  }
0x45: {  	[sflag:s23] =	ssyncadd.s32 $0xFFFFE000  }
0x46: {  	_ =	swait.ge [sflag:s23], $0x2000  }
0x47: {  	[sflag:s23] =	ssyncset.done $0x0  }
0x48: {  	[sflag:s23] =	ssyncadd.s32 $0xFFFFE000  }
0x49: {  	_ =	swait.ge [sflag:s24], $0x1C00  }
0x4a: {  	[sflag:s24] =	ssyncset.done $0x0  }
0x4b: {  	[sflag:s24] =	ssyncadd.s32 $0xFFFFE400  }
0x4c: {  	_ =	swait.ge [sflag:s25], $0x2800  }
0x4d: {  	[sflag:s25] =	ssyncset.done $0x0  }
0x4e: {  	[sflag:s25] =	ssyncadd.s32 $0xFFFFD800  }
0x4f: {  	[bflag:$0x0] =	sbarrier.arrive $0xFFFF  }
0x50: {  	[tilespmem:s26], [sflag:$0x5] =	stream.linear.gather [hbm4b:s19+s4], $0x1400, $0x38;
	[tilespmem:$0x1F800] =	vst v63  }
0x51: {  	_ =	swait.ge [sflag:s22], $0x1400  }
0x52: {  	[sflag:s22] =	ssyncset.done $0x0  }
0x53: {  	[sflag:s22] =	ssyncadd.s32 $0xFFFFEC00  }
0x54: {  	[tilespmem:s21], [sflag:$0x1] =	stream.indirect.gather [hbm4b:s1+s28], $0x80, s4, s28, $0xb8;
	[tilespmem:$0x1F800] =	vst v63  }
0x55: {  	_ = 	snop  }
0x56: {  	[tilespmem:s29], [sflag:$0x2] =	stream.indirect.gather [hbm4b:s1+s28], $0x80, s28, s28, $0xb8;
	[tilespmem:$0x1F800] =	vst v63  }
0x57: {  	_ =	swait.ge [sflag:s30], $0x4000  }
0x58: {  	[sflag:s30] =	ssyncset.done $0x0  }
0x59: {  	[sflag:s30] =	ssyncadd.s32 $0xFFFFC000  }
0x5a: {  	[spmem:s3] =	stream.indirect.scatter.add.f32 [tilespmem:s21], [sflag:$0x3], $0x80, s26, s28, $0xb8;
	[tilespmem:$0x1F800] =	vst v63  }
0x5b: {  	_ =	swait.ge [sflag:s25], $0x4000  }
0x5c: {  	[sflag:s25] =	ssyncset.done $0x0  }
0x5d: {  	[sflag:s25] =	ssyncadd.s32 $0xFFFFC000  }
0x5e: {  	[spmem:s3] =	stream.indirect.scatter.add.f32 [tilespmem:s29], [sflag:$0x4], $0x80, s31, s28, $0xb8;
	[tilespmem:$0x1F800] =	vst v63  }
0x5f: {  	_ =	swait.ge [sflag:s23], $0x4000  }
0x60: {  	[sflag:s23] =	ssyncset.done $0x0  }
0x61: {  	s5 =	simm.s32 $0x100;
	[sflag:s23] =	ssyncadd.s32 $0xFFFFC000  }
0x62: {  	[tilespmem:s21], [sflag:$0x1] =	stream.indirect.gather [hbm4b:s1+s28], $0x80, s5, s28, $0xb8;
	[tilespmem:$0x1F800] =	vst v63  }
0x63: {  	_ =	swait.ge [sflag:s24], $0x4000  }
0x64: {  	[sflag:s24] =	ssyncset.done $0x0  }
0x65: {  	s7 =	simm.s32 $0x180;
	[sflag:s24] =	ssyncadd.s32 $0xFFFFC000  }
0x66: {  	[tilespmem:s29], [sflag:$0x2] =	stream.indirect.gather [hbm4b:s1+s28], $0x80, s7, s28, $0xb8;
	[tilespmem:$0x1F800] =	vst v63  }
0x67: {  	_ =	swait.ge [sflag:s30], $0x4000  }
0x68: {  	[sflag:s30] =	ssyncset.done $0x0  }
0x69: {  	s8 =	simm.s32 $0x2900;
	[sflag:s30] =	ssyncadd.s32 $0xFFFFC000  }
0x6a: {  	[spmem:s3] =	stream.indirect.scatter.add.f32 [tilespmem:s21], [sflag:$0x3], $0x80, s8, s28, $0xb8;
	[tilespmem:$0x1F800] =	vst v63  }
0x6b: {  	_ =	swait.ge [sflag:s25], $0x4000  }
0x6c: {  	[sflag:s25] =	ssyncset.done $0x0  }
0x6d: {  	s9 =	simm.s32 $0x2980;
	[sflag:s25] =	ssyncadd.s32 $0xFFFFC000  }
0x6e: {  	[spmem:s3] =	stream.indirect.scatter.add.f32 [tilespmem:s29], [sflag:$0x4], $0x80, s9, s28, $0xb8;
	[tilespmem:$0x1F800] =	vst v63  }
0x6f: {  	_ =	swait.ge [sflag:s23], $0x4000  }
0x70: {  	s0 =	simm.s32 $0xFFFFEE00;
	s5 =	simm.s32 $0xFFFFBC00;
	[sflag:s23] =	ssyncset.done $0x0  }
.LBB2_2:
0x71: {  	s7 =	sadd.s32 $0x1400, s0  }
0x72: {  	[sflag:s23] =	ssyncadd.s32 $0xFFFFC000;
	s8 =	smov.u32 s5;
	s9 =	sadd.s32 $0x400, s5  }
0x73: {  	[tilespmem:s21], [sflag:$0x1] =	stream.indirect.gather [hbm4b:s1+s28], $0x80, s7, s28, $0xb8;
	[tilespmem:$0x1F800] =	vst v63  }
0x74: {  	p0 =	sne.s32 s5, $0xFFFFFC00;
	_ =	swait.ge [sflag:s24], $0x4000  }
0x75: {  	[sflag:s24] =	ssyncset.done $0x0  }
0x76: {  	s5 =	sadd.s32 $0x1480, s0;
	[sflag:s24] =	ssyncadd.s32 $0xFFFFC000  }
0x77: {  	[tilespmem:s29], [sflag:$0x2] =	stream.indirect.gather [hbm4b:s1+s28], $0x80, s5, s28, $0xb8;
	[tilespmem:$0x1F800] =	vst v63  }
0x78: {  	_ =	swait.ge [sflag:s30], $0x4000  }
0x79: {  	[sflag:s30] =	ssyncset.done $0x0  }
0x7a: {  	s5 =	sadd.s32 $0x3C00, s0;
	[sflag:s30] =	ssyncadd.s32 $0xFFFFC000  }
0x7b: {  	[spmem:s3] =	stream.indirect.scatter.add.f32 [tilespmem:s21], [sflag:$0x3], $0x80, s5, s28, $0xb8;
	[tilespmem:$0x1F800] =	vst v63  }
0x7c: {  	_ =	swait.ge [sflag:s25], $0x4000  }
.Ltmp0:
0x7d: {  	[sflag:s25] =	ssyncset.done $0x0;
	(pc) =	sbr.rel @p0 .LBB2_2-.Ltmp0, $4  }
0x7e: {  	s0 =	sadd.s32 $0x3C80, s0;
	[sflag:s25] =	ssyncadd.s32 $0xFFFFC000  }
0x7f: {  	[spmem:s3] =	stream.indirect.scatter.add.f32 [tilespmem:s29], [sflag:$0x4], $0x80, s0, s28, $0xb8;
	[tilespmem:$0x1F800] =	vst v63  }
0x80: {  	_ =	swait.ge [sflag:s23], $0x4000  }
0x81: {  	s5 =	smov.u32 s9;
	s0 =	sshra.s32 s8, $0x2;
	[sflag:s23] =	ssyncset.done $0x0  }
0x82: {  	s5 =	sadd.s32 $0x1400, s0;
	[sflag:s23] =	ssyncadd.s32 $0xFFFFC000  }
0x83: {  	[tilespmem:s21], [sflag:$0x1] =	stream.indirect.gather [hbm4b:s1+s28], $0x80, s5, s28, $0xb8;
	[tilespmem:$0x1F800] =	vst v63  }
0x84: {  	_ =	swait.ge [sflag:s24], $0x4000  }
0x85: {  	[sflag:s24] =	ssyncset.done $0x0  }
0x86: {  	s8 =	sadd.s32 $0x1480, s0;
	[sflag:s24] =	ssyncadd.s32 $0xFFFFC000  }
0x87: {  	[tilespmem:s29], [sflag:$0x2] =	stream.indirect.gather [hbm4b:s1+s28], $0x80, s8, s28, $0xb8;
	[tilespmem:$0x1F800] =	vst v63  }
0x88: {  	_ =	swait.ge [sflag:s30], $0x4000  }
0x89: {  	[sflag:s30] =	ssyncset.done $0x0  }
0x8a: {  	s9 =	sadd.s32 $0x3C00, s0;
	[sflag:s30] =	ssyncadd.s32 $0xFFFFC000  }
0x8b: {  	[spmem:s3] =	stream.indirect.scatter.add.f32 [tilespmem:s21], [sflag:$0x3], $0x80, s9, s28, $0xb8;
	[tilespmem:$0x1F800] =	vst v63  }
0x8c: {  	_ =	swait.ge [sflag:s25], $0x4000  }
0x8d: {  	[sflag:s25] =	ssyncset.done $0x0  }
0x8e: {  	s7 =	sadd.s32 $0x3C80, s0;
	[sflag:s25] =	ssyncadd.s32 $0xFFFFC000  }
0x8f: {  	[spmem:s3] =	stream.indirect.scatter.add.f32 [tilespmem:s29], [sflag:$0x4], $0x80, s7, s28, $0xb8;
	[tilespmem:$0x1F800] =	vst v63  }
0x90: {  	_ =	swait.ge [sflag:s23], $0x4000  }
0x91: {  	[sflag:s23] =	ssyncset.done $0x0  }
0x92: {  	[sflag:s23] =	ssyncadd.s32 $0xFFFFC000  }
0x93: {  	_ =	swait.ge [sflag:s24], $0x4000  }
0x94: {  	[sflag:s24] =	ssyncset.done $0x0  }
0x95: {  	[sflag:s24] =	ssyncadd.s32 $0xFFFFC000  }
0x96: {  	[tilespmem:s26], [sflag:$0x5] =	stream.linear.gather [hbm4b:s20+s4], $0x1400, $0x38;
	[tilespmem:$0x1F800] =	vst v63  }
0x97: {  	_ =	swait.ge [sflag:s22], $0x1400  }
0x98: {  	[sflag:s22] =	ssyncset.done $0x0  }
0x99: {  	s8 =	simm.s32 $0x1400;
	[sflag:s22] =	ssyncadd.s32 $0xFFFFEC00  }
0x9a: {  	[tilespmem:s21], [sflag:$0x1] =	stream.indirect.gather [hbm4b:s1+s28], $0x80, s8, s28, $0xb8;
	[tilespmem:$0x1F800] =	vst v63  }
0x9b: {  	s9 =	simm.s32 $0x1480  }
0x9c: {  	[tilespmem:s29], [sflag:$0x2] =	stream.indirect.gather [hbm4b:s1+s28], $0x80, s9, s28, $0xb8;
	[tilespmem:$0x1F800] =	vst v63  }
0x9d: {  	_ =	swait.ge [sflag:s30], $0x4000  }
0x9e: {  	[sflag:s30] =	ssyncset.done $0x0  }
0x9f: {  	[sflag:s30] =	ssyncadd.s32 $0xFFFFC000  }
0xa0: {  	[spmem:s3] =	stream.indirect.scatter.add.f32 [tilespmem:s21], [sflag:$0x3], $0x80, s26, s28, $0xb8;
	[tilespmem:$0x1F800] =	vst v63  }
0xa1: {  	_ =	swait.ge [sflag:s25], $0x4000  }
0xa2: {  	[sflag:s25] =	ssyncset.done $0x0  }
0xa3: {  	[sflag:s25] =	ssyncadd.s32 $0xFFFFC000  }
0xa4: {  	[spmem:s3] =	stream.indirect.scatter.add.f32 [tilespmem:s29], [sflag:$0x4], $0x80, s31, s28, $0xb8;
	[tilespmem:$0x1F800] =	vst v63  }
0xa5: {  	_ =	swait.ge [sflag:s23], $0x4000  }
0xa6: {  	[sflag:s23] =	ssyncset.done $0x0  }
0xa7: {  	s5 =	simm.s32 $0x1500;
	[sflag:s23] =	ssyncadd.s32 $0xFFFFC000  }
0xa8: {  	[tilespmem:s21], [sflag:$0x1] =	stream.indirect.gather [hbm4b:s1+s28], $0x80, s5, s28, $0xb8;
	[tilespmem:$0x1F800] =	vst v63  }
0xa9: {  	_ =	swait.ge [sflag:s24], $0x4000  }
0xaa: {  	[sflag:s24] =	ssyncset.done $0x0  }
0xab: {  	s7 =	simm.s32 $0x1580;
	[sflag:s24] =	ssyncadd.s32 $0xFFFFC000  }
0xac: {  	[tilespmem:s29], [sflag:$0x2] =	stream.indirect.gather [hbm4b:s1+s28], $0x80, s7, s28, $0xb8;
	[tilespmem:$0x1F800] =	vst v63  }
0xad: {  	_ =	swait.ge [sflag:s30], $0x4000  }
0xae: {  	[sflag:s30] =	ssyncset.done $0x0  }
0xaf: {  	s8 =	simm.s32 $0x2900;
	[sflag:s30] =	ssyncadd.s32 $0xFFFFC000  }
0xb0: {  	[spmem:s3] =	stream.indirect.scatter.add.f32 [tilespmem:s21], [sflag:$0x3], $0x80, s8, s28, $0xb8;
	[tilespmem:$0x1F800] =	vst v63  }
0xb1: {  	_ =	swait.ge [sflag:s25], $0x4000  }
0xb2: {  	[sflag:s25] =	ssyncset.done $0x0  }
0xb3: {  	s9 =	simm.s32 $0x2980;
	[sflag:s25] =	ssyncadd.s32 $0xFFFFC000  }
0xb4: {  	[spmem:s3] =	stream.indirect.scatter.add.f32 [tilespmem:s29], [sflag:$0x4], $0x80, s9, s28, $0xb8;
	[tilespmem:$0x1F800] =	vst v63  }
0xb5: {  	_ =	swait.ge [sflag:s23], $0x4000  }
0xb6: {  	s0 =	simm.s32 $0xFFFFEE00;
	s5 =	simm.s32 $0xFFFFBC00;
	[sflag:s23] =	ssyncset.done $0x0  }
.LBB2_4:
0xb7: {  	s7 =	sadd.s32 $0x2800, s0  }
0xb8: {  	[sflag:s23] =	ssyncadd.s32 $0xFFFFC000;
	s8 =	smov.u32 s5;
	s9 =	sadd.s32 $0x400, s5  }
0xb9: {  	[tilespmem:s21], [sflag:$0x1] =	stream.indirect.gather [hbm4b:s1+s28], $0x80, s7, s28, $0xb8;
	[tilespmem:$0x1F800] =	vst v63  }
0xba: {  	p0 =	sne.s32 s5, $0xFFFFFC00;
	_ =	swait.ge [sflag:s24], $0x4000  }
0xbb: {  	[sflag:s24] =	ssyncset.done $0x0  }
0xbc: {  	s5 =	sadd.s32 $0x2880, s0;
	[sflag:s24] =	ssyncadd.s32 $0xFFFFC000  }
0xbd: {  	[tilespmem:s29], [sflag:$0x2] =	stream.indirect.gather [hbm4b:s1+s28], $0x80, s5, s28, $0xb8;
	[tilespmem:$0x1F800] =	vst v63  }
0xbe: {  	_ =	swait.ge [sflag:s30], $0x4000  }
0xbf: {  	[sflag:s30] =	ssyncset.done $0x0  }
0xc0: {  	s5 =	sadd.s32 $0x3C00, s0;
	[sflag:s30] =	ssyncadd.s32 $0xFFFFC000  }
0xc1: {  	[spmem:s3] =	stream.indirect.scatter.add.f32 [tilespmem:s21], [sflag:$0x3], $0x80, s5, s28, $0xb8;
	[tilespmem:$0x1F800] =	vst v63  }
0xc2: {  	_ =	swait.ge [sflag:s25], $0x4000  }
.Ltmp1:
0xc3: {  	[sflag:s25] =	ssyncset.done $0x0;
	(pc) =	sbr.rel @p0 .LBB2_4-.Ltmp1, $4  }
0xc4: {  	s0 =	sadd.s32 $0x3C80, s0;
	[sflag:s25] =	ssyncadd.s32 $0xFFFFC000  }
0xc5: {  	[spmem:s3] =	stream.indirect.scatter.add.f32 [tilespmem:s29], [sflag:$0x4], $0x80, s0, s28, $0xb8;
	[tilespmem:$0x1F800] =	vst v63  }
0xc6: {  	_ =	swait.ge [sflag:s23], $0x4000  }
0xc7: {  	s5 =	smov.u32 s9;
	s0 =	sshra.s32 s8, $0x2;
	[sflag:s23] =	ssyncset.done $0x0  }
0xc8: {  	s5 =	sadd.s32 $0x2800, s0;
	[sflag:s23] =	ssyncadd.s32 $0xFFFFC000  }
0xc9: {  	[tilespmem:s21], [sflag:$0x1] =	stream.indirect.gather [hbm4b:s1+s28], $0x80, s5, s28, $0xb8;
	[tilespmem:$0x1F800] =	vst v63  }
0xca: {  	_ =	swait.ge [sflag:s24], $0x4000  }
0xcb: {  	[sflag:s24] =	ssyncset.done $0x0  }
0xcc: {  	s8 =	sadd.s32 $0x2880, s0;
	[sflag:s24] =	ssyncadd.s32 $0xFFFFC000  }
0xcd: {  	[tilespmem:s29], [sflag:$0x2] =	stream.indirect.gather [hbm4b:s1+s28], $0x80, s8, s28, $0xb8;
	[tilespmem:$0x1F800] =	vst v63  }
0xce: {  	_ =	swait.ge [sflag:s30], $0x4000  }
0xcf: {  	[sflag:s30] =	ssyncset.done $0x0  }
0xd0: {  	s9 =	sadd.s32 $0x3C00, s0;
	[sflag:s30] =	ssyncadd.s32 $0xFFFFC000  }
0xd1: {  	[spmem:s3] =	stream.indirect.scatter.add.f32 [tilespmem:s21], [sflag:$0x3], $0x80, s9, s28, $0xb8;
	[tilespmem:$0x1F800] =	vst v63  }
0xd2: {  	_ =	swait.ge [sflag:s25], $0x4000  }
0xd3: {  	[sflag:s25] =	ssyncset.done $0x0  }
0xd4: {  	s7 =	sadd.s32 $0x3C80, s0;
	[sflag:s25] =	ssyncadd.s32 $0xFFFFC000  }
0xd5: {  	[spmem:s3] =	stream.indirect.scatter.add.f32 [tilespmem:s29], [sflag:$0x4], $0x80, s7, s28, $0xb8;
	[tilespmem:$0x1F800] =	vst v63  }
0xd6: {  	_ =	swait.ge [sflag:s23], $0x4000  }
0xd7: {  	[sflag:s23] =	ssyncset.done $0x0  }
0xd8: {  	[sflag:s23] =	ssyncadd.s32 $0xFFFFC000  }
0xd9: {  	_ =	swait.ge [sflag:s24], $0x4000  }
0xda: {  	s8 =	stileid.u32;
	[sflag:s24] =	ssyncset.done $0x0  }
0xdb: {  	s2 =	sadd.s32 $0x1, s2;
	s0 =	sshll.u32 s8, $0x6;
	[sflag:s24] =	ssyncadd.s32 $0xFFFFC000  }
0xdc: {  	p0 =	sne.s32 s2, s10;
	s0 =	sor.u32 $0x1C05, s0;
	[bflag:$0x0] =	sbarrier.arrive $0xFFFF  }
.Ltmp2:
0xdd: {  	s9 =	sshrl.u32 s6, $0x3;
	s7 =	rddreg [dreg:$0x7];
	(pc) =	sbr.rel @p0 .LBB2_1-.Ltmp2, $4  }
0xde: {  	[hbm:s7], [sflag:s0] =	dma.local [spmem:s9], $0x2780  }
0xdf: {  	_ =	swait.ge [sflag:s22], $0x2780  }
0xe0: {  	[sflag:s22] =	ssyncset.done $0x0  }
0xe1: {  	[sflag:s22] =	ssyncadd.s32 $0xFFFFD880  }
0xe2: {  	_ =	sfence.sel $0x180000  }
0xe3: {  	[bflag:$0x0] =	sbarrier.arrive $0xFFFF  }
0xe4: {  	_ =	strace $0x90000047  }
0xe5: {  	s0 =	stileid.u32;
	[bflag:$0x2] =	sbarrier.arrive $0xFFFF  }
0xe6: {  	p0 =	sne.s32 s0, $0x0;
	s0 =	rddreg [dreg:$0x3]  }
0xe7: {  	s0 =	sadd.s32 @!p0 $0x100000, s0  }
0xe8: {  	[sflag:s0] =	ssyncadd.tile.s32 @!p0 $0x1;
	_ =	shalt  }
.Lfunc_end2:
_tile_overlayer_lowered:
.L_overlay_start_2:
0xe9: {  	(tag) =	ssettag $0x2  }
0xea: {  	s0 =	rddreg [dreg:$0x0];
	s2 =	stileid.u32  }
0xeb: {  	s1 =	rddreg [dreg:$0x1];
	p0 =	sne.s32 s2, $0x0  }
0xec: {  	s3 =	rddreg [dreg:$0x2];
	[bflag:$0x3] =	sbarrier.arrive $0xFFFF;
	s2 =	simm.s32 @!p0 $0x1C05  }
0xed: {  	[timem:s3], [sflag:s2] =	dma.local @!p0 [hbm:s0], s1  }
0xee: {  	s0 =	simm.s32 @!p0 $0x5  }
0xef: {  	_ =	swait.ge @!p0 [sflag:s0], s1  }
0xf0: {  	s1 =	ssub.s32 @!p0 $0x0, s1;
	[sflag:s0] =	ssyncset.done @!p0 $0x0  }
0xf1: {  	[sflag:s0] =	ssyncadd.s32 @!p0 s1  }
0xf2: {  	[bflag:$0x3] =	sbarrier.arrive $0xFFFF  }
0xf3: {  	_ =	shalt  }

// kernel: kernel.18.cloned.1.call-start
scs
__scs_entry_jumppad:
0x0: {  	(pc) =	sbr.rel $0x88, $3  }
0x1: {  	(tag) =	ssettag $0x0;
	lr =	simm.s32 $0x1  }
0x2: {  	[smem:$0x3F93] =	sst lr;
	_ =	strace $0xD0000000  }
0x3: {  	_ = 	snop  }
0x4: {  	_ = 	snop  }
0x5: {  	_ = 	snop  }
0x6: {  	_ = 	snop  }
0x7: {  	_ = 	snop  }
__scs_overlays_trampoline_lowered:
0x8: {  	[smem:$0x3FA2] =	sst s0  }
0x9: {  	[smem:$0x3FA3] =	sst s1  }
0xa: {  	[smem:$0x3FA4] =	sst s2  }
0xb: {  	[smem:$0x3FA5] =	sst s3  }
0xc: {  	[smem:$0x3FA6] =	sst s4  }
0xd: {  	[smem:$0x3FA7] =	sst s5  }
0xe: {  	[smem:$0x3FA8] =	sst s6  }
0xf: {  	[smem:$0x3FA9] =	sst s7  }
0x10: {  	[smem:$0x3FAA] =	sst s8  }
0x11: {  	[smem:$0x3FAB] =	sst s9;
	s0 =	simm.s32 @!p0 $0x0  }
0x12: {  	s1 =	sld [smem:$0x3F91];
	s0 =	simm.s32 @p0 $0x1  }
0x13: {  	[smem:$0x3FAC] =	sst s0;
	s0 =	simm.s32 @!p1 $0x0  }
0x14: {  	s2 =	sld [smem:$0x3F90];
	s0 =	simm.s32 @p1 $0x1  }
0x15: {  	[smem:$0x3FAD] =	sst s0;
	s0 =	simm.s32 @!p2 $0x0  }
0x16: {  	s3 =	sld [smem:$0x3FDB];
	s0 =	simm.s32 @p2 $0x1  }
0x17: {  	s4 =	simm.s32 $0x1BF5;
	[smem:$0x3FAF] =	sst s0  }
0x18: {  	s0 =	sld [smem:$0x3F92];
	_ =	swait.ge [sflag:s4], $0x0  }
0x19: {  	s7 =	sld [smem:$0x3F93]  }
0x1a: {  	s8 =	sadd.s32 $0xFFFFE003, lr  }
0x1b: {  	s9 =	sadd.s32 $0xFFFFFEF7, lr;
	s5 =	simm.s32 $0xFFFFFFFF;
	p2 =	slt.u32 s8, $0xFFFFF086  }
0x1c: {  	p1 =	slt.u32 s9, $0xF7A;
	s5 =	simm.s32 @!p2 $0x0  }
0x1d: {  	s5 =	simm.s32 @p1 $0x1;
	p0 =	seq.s32 s7, s2  }
0x1e: {  	s7 =	smul.u32 @!p0 $0xF7A, s2;
	p2 =	seq.s32 @!p0 s5, $0x0  }
0x1f: {  	s9 =	smul.u32 $0xF7A, s1;
	s8 =	simm.s32 @!p0 $0x1BF5;
	p2 =	por !p2, p0  }
0x20: {  	[sflag:s8] =	ssyncset.s32 @!p0 $0xFFFFF086;
	s6 =	sadd.s32 @!p0 s3, s7;
	s7 =	simm.s32 @!p0 $0x108  }
0x21: {  	s3 =	sadd.s32 s3, s9;
	s6 =	sadd.s32 @!p0 $0x88, s6;
	s7 =	simm.s32 @p2 $0x1082  }
0x22: {  	[simem:s7], [sflag:s8] =	dma.local @!p0 [hbm:s6], $0xF7A  }
0x23: {  	s9 =	sor.u32 $0xD0000000, s2;
	s6 =	simm.s32 $0x108;
	_ =	swait.ge @!p0 [sflag:s8], $0x0  }
0x24: {  	s3 =	sadd.s32 $0x88, s3;
	s6 =	simm.s32 @!p1 $0x1082;
	[sflag:s4] =	ssyncset.s32 $0xFFFFF086  }
0x25: {  	[simem:s6], [sflag:s4] =	dma.local [hbm:s3], $0xF7A  }
0x26: {  	[smem:$0x3F93] =	sst s1;
	(tag) =	ssettag s2;
	_ =	strace s9  }
0x27: {  	s1 =	sld [smem:$0x3FA3]  }
0x28: {  	s2 =	sld [smem:$0x3FA4]  }
0x29: {  	s4 =	sld [smem:$0x3FA6]  }
0x2a: {  	p0 =	seq.s32 s5, $0x0;
	s5 =	sld [smem:$0x3FA7]  }
0x2b: {  	s6 =	sld [smem:$0x3FA8]  }
0x2c: {  	s7 =	sld [smem:$0x3FA9]  }
0x2d: {  	s3 =	simm.s32 $0x108;
	s8 =	sld [smem:$0x3FAA]  }
0x2e: {  	s3 =	simm.s32 @!p0 $0x1082;
	s9 =	sld [smem:$0x3FAB]  }
0x2f: {  	lr =	sadd.s32 s0, s3;
	s0 =	sld [smem:$0x3FA2]  }
0x30: {  	s3 =	sld [smem:$0x3FA5]  }
0x31: {  	[smem:$0x3FAE] =	sst s10  }
0x32: {  	s10 =	sld [smem:$0x3FAC];
	_ =	sdelay $0x3  }
0x33: {  	p0 =	seq.s32 s10, $0x1;
	s10 =	sld [smem:$0x3FAE];
	_ =	sdelay $0x3  }
0x34: {  	[smem:$0x3FAE] =	sst s10  }
0x35: {  	s10 =	sld [smem:$0x3FAD];
	_ =	sdelay $0x3  }
0x36: {  	p1 =	seq.s32 s10, $0x1;
	s10 =	sld [smem:$0x3FAE];
	_ =	sdelay $0x3  }
0x37: {  	[smem:$0x3FAE] =	sst s10  }
0x38: {  	s10 =	sld [smem:$0x3FAF]  }
0x39: {  	_ = 	snop;
	(pc) =	sbr.ind lr, $3  }
0x3a: {  	_ = 	snop  }
0x3b: {  	_ = 	snop  }
0x3c: {  	p2 =	seq.s32 s10, $0x1;
	s10 =	sld [smem:$0x3FAE]  }
0x3d: {  	_ =	shalt  }
0x3e: {  	_ =	shalt  }
0x3f: {  	_ =	shalt  }
0x40: {  	_ =	shalt  }
0x41: {  	_ =	shalt  }
0x42: {  	_ =	shalt  }
0x43: {  	_ =	shalt  }
0x44: {  	_ =	shalt  }
0x45: {  	_ =	shalt  }
0x46: {  	_ =	shalt  }
0x47: {  	_ =	shalt  }
0x48: {  	_ =	shalt  }
0x49: {  	_ =	shalt  }
0x4a: {  	_ =	shalt  }
0x4b: {  	_ =	shalt  }
0x4c: {  	_ =	shalt  }
0x4d: {  	_ =	shalt  }
0x4e: {  	_ =	shalt  }
0x4f: {  	_ =	shalt  }
0x50: {  	_ =	shalt  }
0x51: {  	_ =	shalt  }
0x52: {  	_ =	shalt  }
0x53: {  	_ =	shalt  }
0x54: {  	_ =	shalt  }
0x55: {  	_ =	shalt  }
0x56: {  	_ =	shalt  }
0x57: {  	_ =	shalt  }
0x58: {  	_ =	shalt  }
0x59: {  	_ =	shalt  }
0x5a: {  	_ =	shalt  }
0x5b: {  	_ =	shalt  }
0x5c: {  	_ =	shalt  }
0x5d: {  	_ =	shalt  }
0x5e: {  	_ =	shalt  }
0x5f: {  	_ =	shalt  }
0x60: {  	_ =	shalt  }
0x61: {  	_ =	shalt  }
0x62: {  	_ =	shalt  }
0x63: {  	_ =	shalt  }
0x64: {  	_ =	shalt  }
0x65: {  	_ =	shalt  }
0x66: {  	_ =	shalt  }
0x67: {  	_ =	shalt  }
0x68: {  	_ =	shalt  }
0x69: {  	_ =	shalt  }
0x6a: {  	_ =	shalt  }
0x6b: {  	_ =	shalt  }
0x6c: {  	_ =	shalt  }
0x6d: {  	_ =	shalt  }
0x6e: {  	_ =	shalt  }
0x6f: {  	_ =	shalt  }
0x70: {  	_ =	shalt  }
0x71: {  	_ =	shalt  }
0x72: {  	_ =	shalt  }
0x73: {  	_ =	shalt  }
0x74: {  	_ =	shalt  }
0x75: {  	_ =	shalt  }
0x76: {  	_ =	shalt  }
0x77: {  	_ =	shalt  }
0x78: {  	_ =	shalt  }
0x79: {  	_ =	shalt  }
0x7a: {  	_ =	shalt  }
0x7b: {  	_ =	shalt  }
0x7c: {  	_ =	shalt  }
0x7d: {  	_ =	shalt  }
0x7e: {  	_ =	shalt  }
0x7f: {  	_ =	shalt  }
0x80: {  	_ =	shalt  }
0x81: {  	_ =	shalt  }
0x82: {  	_ =	shalt  }
0x83: {  	_ =	shalt  }
0x84: {  	_ =	shalt  }
0x85: {  	_ =	shalt  }
0x86: {  	_ =	shalt  }
0x87: {  	_ =	shalt  }
.Lfunc_end0:
.L_simem_size_0:
called_computation.2_lowered:
.L_overlay_start_0:
0x88: {  	s2 =	sld [smem:$0x3FD9]  }
0x89: {  	s3 =	sld [smem:$0x3FFE];
	_ =	sdelay $0x1  }
0x8a: {  	s1 =	srdreg.scid  }
0x8b: {  	s0 =	sand.u32 $0x1, s1  }
0x8c: {  	s17 =	sshll.u32 s0, $0xA;
	s2 =	sadd.s32 s3, s2  }
0x8d: {  	s2 =	sadd.s32 s2, s17  }
0x8e: {  	[smem:$0x3FBA] =	sst s2  }
0x8f: {  	_ = 	snop  }
0x90: {  	s2 =	sld [smem:$0x3FD0];
	(tm) =	ssettm $0x1  }
0x91: {  	s18 =	sld [smem:$0x3FFB];
	_ =	sdelay $0x3  }
0x92: {  	_ =	strace s18  }
0x93: {  	s3 =	sld [smem:$0x3FFC];
	_ =	sdelay $0x3  }
0x94: {  	_ =	strace s3  }
0x95: {  	s3 =	sld [smem:$0x3FFD];
	_ =	sdelay $0x3  }
0x96: {  	_ =	strace s3  }
0x97: {  	_ =	strace $0x8FFFFFFF  }
0x98: {  	s19 =	sld [smem:$0x3FDB];
	_ =	sdelay $0x1  }
0x99: {  	s4 =	simm.s32 $_scs_section_size  }
0x9a: {  	s5 =	simm.s32 $_size__tile_overlayer_lowered;
	s6 =	simm.s32 $_tile_overlayer_lowered  }
0x9b: {  	s22 =	simm.s32 $0x1BFF;
	s21 =	sshll.u32 s6, $0x1;
	s3 =	sadd.s32 s4, s19  }
0x9c: {  	s7 =	simm.s32 $0x0;
	s20 =	sshll.u32 s5, $0x1;
	s5 =	sadd.s32 s21, s3  }
0x9d: {  	[timem:s7], [sflag:s22] =	dma.local [hbm:s5], s20  }
0x9e: {  	_ =	swait.ge [sflag:s22], s20  }
0x9f: {  	s4 =	ssub.s32 $0x0, s20;
	[sflag:s22] =	ssyncset.done $0x0  }
0xa0: {  	[sflag:s22] =	ssyncadd.s32 s4;
	_ =	sdelay $0x1  }
0xa1: {  	s23 =	simm.s32 $0x1B8B  }
0xa2: {  	_ =	swait.ge [sflag:s23], $0x1  }
0xa3: {  	[sflag:s23] =	ssyncset.done $0x0  }
0xa4: {  	s25 =	simm.s32 $0x1B8E;
	s24 =	sld [smem:$0x3FFE];
	[sflag:s23] =	ssyncadd.s32 $0xFFFFFFFF  }
0xa5: {  	s26 =	simm.s32 $execute0_lowered;
	[smem:$0x3FD2] =	sst s25  }
0xa6: {  	s5 =	sshll.u32 s26, $0x1;
	_ =	strace $0x8000004C;
	[dreg:$0x1] =	wrdreg $0xFFFFFFFF  }
0xa7: {  	s28 =	simm.s32 $_size_execute0_lowered;
	s3 =	sadd.s32 s3, s5;
	[dreg:$0x0] =	wrdreg $0x0  }
0xa8: {  	s5 =	sshll.u32 s28, $0x1;
	[dreg:$0x2] =	wrdreg s3  }
0xa9: {  	[dreg:$0x3] =	wrdreg s5  }
0xaa: {  	[dreg:$0x4] =	wrdreg $0xC0  }
0xab: {  	_ =	task [dreg:s7], $0x5FFFF  }
0xac: {  	[dreg:$0x1] =	wrdreg $0xFFFFFFFF  }
0xad: {  	[dreg:$0x0] =	wrdreg $0x60  }
0xae: {  	[dreg:$0x2] =	wrdreg s2  }
0xaf: {  	[dreg:$0x3] =	wrdreg s24  }
0xb0: {  	[dreg:$0x4] =	wrdreg $0xBC000  }
0xb1: {  	[dreg:$0x5] =	wrdreg $0x9  }
0xb2: {  	_ =	task.clear_ibuf [dreg:s7], $0x6FFFF;
	_ =	strace $0x9000004C  }
0xb3: {  	s29 =	simm.s32 $0x9;
	_ =	strace $0x8000004E  }
0xb4: {  	_ =	swait.ge [sflag:s29], $0x1  }
0xb5: {  	[sflag:s29] =	ssyncadd.s32 $0xFFFFFFFF  }
0xb6: {  	_ =	strace $0x9000004E  }
0xb7: {  	_ =	sfence  }
0xb8: {  	s30 =	sld [smem:$0x0];
	_ =	sdelay $0x2  }
0xb9: {  	s31 =	sshll.u32 s1, $0xD;
	s1 =	sshrl.u32 s1, $0x2  }
0xba: {  	s3 =	sand.u32 $0x4000, s31;
	s1 =	sadd.s32 s1, s30  }
0xbb: {  	s0 =	sor.u32 s3, s0;
	s1 =	sshll.u32 s1, $0x11  }
0xbc: {  	s0 =	sor.u32 s1, s0  }
0xbd: {  	s0 =	sadd.s32 $0x8F2B, s0  }
0xbe: {  	[sflag:s0] =	ssyncadd.remote.s32 $0x1  }
0xbf: {  	_ =	sfence.sel $0xFFFF  }
0xc0: {  	[dreg:$0x0] =	wrdreg $0xFFFFFFFF;
	(pc) =	sbr.abs _section_cstart, $3  }
0xc1: {  	[dreg:$0x1] =	wrdreg $0xFFFFFFFF  }
0xc2: {  	_ =	task.clear_ibuf [dreg:s7], $0x2FFFF;
	_ =	strace $0x9FFFFFFF  }
0xc3: {  	(tm) =	ssettm $0x7FFFFFFF  }
tec
execute0_lowered:
.L_overlay_start_1:
0x0: {  	(tag) =	ssettag $0x1  }
0x1: {  	s0 =	srdreg.scid;
	s1 =	rddreg [dreg:$0x0]  }
0x2: {  	s8 =	stileid.u32;
	s5 =	rddreg [dreg:$0x1]  }
0x3: {  	s3 =	rddreg [dreg:$0x2];
	s4 =	simm.s32 $0x0;
	s21 =	simm.s32 $0x3C00  }
0x4: {  	s22 =	simm.s32 $0x5;
	s23 =	simm.s32 $0x3;
	s28 =	simm.s32 $0x80  }
0x5: {  	s29 =	simm.s32 $0x7C00;
	s30 =	simm.s32 $0x1;
	s31 =	simm.s32 $0x2880  }
0x6: {  	s0 =	sand.u32 $0x1, s0;
	[smem:$0x7FF] =	sst s4;
	s7 =	smul.u32 $0x13C00, s8  }
0x7: {  	s9 =	sadd.s32 $0x17600, s5;
	s2 =	sshll.u32 s0, $0x4;
	s6 =	smul.u32 $0x13C000, s0  }
0x8: {  	_ =	strace $0x8000004D;
	s0 =	ssub.s32 $0x2, s0;
	s2 =	sor.u32 s8, s2  }
0x9: {  	[dreg:$0x4] =	wrdreg s9;
	s24 =	sshrl.u32 s0, $0x1;
	s2 =	smul.u32 $0x2800, s2  }
0xa: {  	s8 =	smul.u32 $0x4F000, s8;
	s6 =	sadd.s32 s7, s6;
	s0 =	ssub.s32 s0, s24  }
0xb: {  	s24 =	simm.s32 $0x4;
	s6 =	sshrl.u32 s6, $0x3;
	s2 =	sshrl.u32 s2, $0x3  }
0xc: {  	s8 =	sshrl.u32 s8, $0x2;
	s10 =	smax.u32 s0, $0x1;
	s2 =	sadd.s32 s2, s5  }
0xd: {  	s5 =	sadd.s32 s6, s5;
	s6 =	sadd.s32 s8, s3;
	s25 =	sadd.s32 $0xD600, s2  }
0xe: {  	s26 =	sadd.s32 $0x12000, s6;
	s5 =	sadd.s32 $0x17A00, s5;
	s11 =	sadd.s32 $0x2000, s6  }
0xf: {  	s12 =	sadd.s32 $0x4000, s6;
	s13 =	sadd.s32 $0x6000, s6;
	s14 =	sadd.s32 $0x8000, s6  }
0x10: {  	s15 =	sadd.s32 $0xA000, s6;
	s16 =	sadd.s32 $0xC000, s6;
	s17 =	sadd.s32 $0xE000, s6  }
0x11: {  	s18 =	sadd.s32 $0x10000, s6;
	s19 =	sadd.s32 $0x3600, s2;
	[dreg:$0x5] =	wrdreg s25  }
0x12: {  	s20 =	sadd.s32 $0x3880, s2;
	s2 =	simm.s32 $0x0;
	[dreg:$0x6] =	wrdreg s26  }
0x13: {  	[dreg:$0x7] =	wrdreg s5;
	s25 =	simm.s32 $0x2;
	s26 =	simm.s32 $0x2800  }
.LBB2_1:
0x14: {  	s0 =	rddreg [dreg:$0x5]  }
0x15: {  	[tilespmem:s4], [sflag:$0x2] =	stream.linear.gather [hbm4b:s0+s4], $0x2800, $0x38;
	[tilespmem:$0x1F800] =	vst v63  }
0x16: {  	s8 =	rddreg [dreg:$0x4]  }
0x17: {  	[tilespmem:s21], [sflag:$0x5] =	stream.linear.gather [hbm4b:s8+s4], $0x2000, $0x38;
	[tilespmem:$0x1F800] =	vst v63  }
0x18: {  	_ =	swait.ge [sflag:s22], $0x2000  }
0x19: {  	[sflag:s22] =	ssyncset.done $0x0  }
0x1a: {  	[sflag:s22] =	ssyncadd.s32 $0xFFFFE000  }
0x1b: {  	[spmem:s6] =	stream.linear.scatter [tilespmem:s21], [sflag:$0x3], $0x2000, $0x38;
	[tilespmem:$0x1F800] =	vst v63  }
0x1c: {  	_ = 	snop  }
0x1d: {  	[spmem:s11] =	stream.linear.scatter [tilespmem:s21], [sflag:$0x3], $0x2000, $0x38;
	[tilespmem:$0x1F800] =	vst v63  }
0x1e: {  	_ = 	snop  }
0x1f: {  	[spmem:s12] =	stream.linear.scatter [tilespmem:s21], [sflag:$0x3], $0x2000, $0x38;
	[tilespmem:$0x1F800] =	vst v63  }
0x20: {  	_ = 	snop  }
0x21: {  	[spmem:s13] =	stream.linear.scatter [tilespmem:s21], [sflag:$0x3], $0x2000, $0x38;
	[tilespmem:$0x1F800] =	vst v63  }
0x22: {  	_ = 	snop  }
0x23: {  	[spmem:s14] =	stream.linear.scatter [tilespmem:s21], [sflag:$0x3], $0x2000, $0x38;
	[tilespmem:$0x1F800] =	vst v63  }
0x24: {  	_ = 	snop  }
0x25: {  	[spmem:s15] =	stream.linear.scatter [tilespmem:s21], [sflag:$0x3], $0x2000, $0x38;
	[tilespmem:$0x1F800] =	vst v63  }
0x26: {  	_ = 	snop  }
0x27: {  	[spmem:s16] =	stream.linear.scatter [tilespmem:s21], [sflag:$0x3], $0x2000, $0x38;
	[tilespmem:$0x1F800] =	vst v63  }
0x28: {  	_ = 	snop  }
0x29: {  	[spmem:s17] =	stream.linear.scatter [tilespmem:s21], [sflag:$0x3], $0x2000, $0x38;
	[tilespmem:$0x1F800] =	vst v63  }
0x2a: {  	_ = 	snop  }
0x2b: {  	[spmem:s18] =	stream.linear.scatter [tilespmem:s21], [sflag:$0x3], $0x2000, $0x38;
	[tilespmem:$0x1F800] =	vst v63  }
0x2c: {  	s9 =	rddreg [dreg:$0x6]  }
0x2d: {  	[spmem:s9] =	stream.linear.scatter [tilespmem:s21], [sflag:$0x4], $0x1C00, $0x38;
	[tilespmem:$0x1F800] =	vst v63  }
0x2e: {  	_ =	swait.ge [sflag:s23], $0x2000  }
0x2f: {  	[sflag:s23] =	ssyncset.done $0x0  }
0x30: {  	[sflag:s23] =	ssyncadd.s32 $0xFFFFE000  }
0x31: {  	_ =	swait.ge [sflag:s23], $0x2000  }
0x32: {  	[sflag:s23] =	ssyncset.done $0x0  }
0x33: {  	[sflag:s23] =	ssyncadd.s32 $0xFFFFE000  }
0x34: {  	_ =	swait.ge [sflag:s23], $0x2000  }
0x35: {  	[sflag:s23] =	ssyncset.done $0x0  }
0x36: {  	[sflag:s23] =	ssyncadd.s32 $0xFFFFE000  }
0x37: {  	_ =	swait.ge [sflag:s23], $0x2000  }
0x38: {  	[sflag:s23] =	ssyncset.done $0x0  }
0x39: {  	[sflag:s23] =	ssyncadd.s32 $0xFFFFE000  }
0x3a: {  	_ =	swait.ge [sflag:s23], $0x2000  }
0x3b: {  	[sflag:s23] =	ssyncset.done $0x0  }
0x3c: {  	[sflag:s23] =	ssyncadd.s32 $0xFFFFE000  }
0x3d: {  	_ =	swait.ge [sflag:s23], $0x2000  }
0x3e: {  	[sflag:s23] =	ssyncset.done $0x0  }
0x3f: {  	[sflag:s23] =	ssyncadd.s32 $0xFFFFE000  }
0x40: {  	_ =	swait.ge [sflag:s23], $0x2000  }
0x41: {  	[sflag:s23] =	ssyncset.done $0x0  }
0x42: {  	[sflag:s23] =	ssyncadd.s32 $0xFFFFE000  }
0x43: {  	_ =	swait.ge [sflag:s23], $0x2000  }
0x44: {  	[sflag:s23] =	ssyncset.done $0x0  }
0x45: {  	[sflag:s23] =	ssyncadd.s32 $0xFFFFE000  }
0x46: {  	_ =	swait.ge [sflag:s23], $0x2000  }
0x47: {  	[sflag:s23] =	ssyncset.done $0x0  }
0x48: {  	[sflag:s23] =	ssyncadd.s32 $0xFFFFE000  }
0x49: {  	_ =	swait.ge [sflag:s24], $0x1C00  }
0x4a: {  	[sflag:s24] =	ssyncset.done $0x0  }
0x4b: {  	[sflag:s24] =	ssyncadd.s32 $0xFFFFE400  }
0x4c: {  	_ =	swait.ge [sflag:s25], $0x2800  }
0x4d: {  	[sflag:s25] =	ssyncset.done $0x0  }
0x4e: {  	[sflag:s25] =	ssyncadd.s32 $0xFFFFD800  }
0x4f: {  	[bflag:$0x0] =	sbarrier.arrive $0xFFFF  }
0x50: {  	[tilespmem:s26], [sflag:$0x5] =	stream.linear.gather [hbm4b:s19+s4], $0x1400, $0x38;
	[tilespmem:$0x1F800] =	vst v63  }
0x51: {  	_ =	swait.ge [sflag:s22], $0x1400  }
0x52: {  	[sflag:s22] =	ssyncset.done $0x0  }
0x53: {  	[sflag:s22] =	ssyncadd.s32 $0xFFFFEC00  }
0x54: {  	[tilespmem:s21], [sflag:$0x1] =	stream.indirect.gather [hbm4b:s1+s28], $0x80, s4, s28, $0xb8;
	[tilespmem:$0x1F800] =	vst v63  }
0x55: {  	_ = 	snop  }
0x56: {  	[tilespmem:s29], [sflag:$0x2] =	stream.indirect.gather [hbm4b:s1+s28], $0x80, s28, s28, $0xb8;
	[tilespmem:$0x1F800] =	vst v63  }
0x57: {  	_ =	swait.ge [sflag:s30], $0x4000  }
0x58: {  	[sflag:s30] =	ssyncset.done $0x0  }
0x59: {  	[sflag:s30] =	ssyncadd.s32 $0xFFFFC000  }
0x5a: {  	[spmem:s3] =	stream.indirect.scatter.add.f32 [tilespmem:s21], [sflag:$0x3], $0x80, s26, s28, $0xb8;
	[tilespmem:$0x1F800] =	vst v63  }
0x5b: {  	_ =	swait.ge [sflag:s25], $0x4000  }
0x5c: {  	[sflag:s25] =	ssyncset.done $0x0  }
0x5d: {  	[sflag:s25] =	ssyncadd.s32 $0xFFFFC000  }
0x5e: {  	[spmem:s3] =	stream.indirect.scatter.add.f32 [tilespmem:s29], [sflag:$0x4], $0x80, s31, s28, $0xb8;
	[tilespmem:$0x1F800] =	vst v63  }
0x5f: {  	_ =	swait.ge [sflag:s23], $0x4000  }
0x60: {  	[sflag:s23] =	ssyncset.done $0x0  }
0x61: {  	s5 =	simm.s32 $0x100;
	[sflag:s23] =	ssyncadd.s32 $0xFFFFC000  }
0x62: {  	[tilespmem:s21], [sflag:$0x1] =	stream.indirect.gather [hbm4b:s1+s28], $0x80, s5, s28, $0xb8;
	[tilespmem:$0x1F800] =	vst v63  }
0x63: {  	_ =	swait.ge [sflag:s24], $0x4000  }
0x64: {  	[sflag:s24] =	ssyncset.done $0x0  }
0x65: {  	s7 =	simm.s32 $0x180;
	[sflag:s24] =	ssyncadd.s32 $0xFFFFC000  }
0x66: {  	[tilespmem:s29], [sflag:$0x2] =	stream.indirect.gather [hbm4b:s1+s28], $0x80, s7, s28, $0xb8;
	[tilespmem:$0x1F800] =	vst v63  }
0x67: {  	_ =	swait.ge [sflag:s30], $0x4000  }
0x68: {  	[sflag:s30] =	ssyncset.done $0x0  }
0x69: {  	s8 =	simm.s32 $0x2900;
	[sflag:s30] =	ssyncadd.s32 $0xFFFFC000  }
0x6a: {  	[spmem:s3] =	stream.indirect.scatter.add.f32 [tilespmem:s21], [sflag:$0x3], $0x80, s8, s28, $0xb8;
	[tilespmem:$0x1F800] =	vst v63  }
0x6b: {  	_ =	swait.ge [sflag:s25], $0x4000  }
0x6c: {  	[sflag:s25] =	ssyncset.done $0x0  }
0x6d: {  	s9 =	simm.s32 $0x2980;
	[sflag:s25] =	ssyncadd.s32 $0xFFFFC000  }
0x6e: {  	[spmem:s3] =	stream.indirect.scatter.add.f32 [tilespmem:s29], [sflag:$0x4], $0x80, s9, s28, $0xb8;
	[tilespmem:$0x1F800] =	vst v63  }
0x6f: {  	_ =	swait.ge [sflag:s23], $0x4000  }
0x70: {  	s0 =	simm.s32 $0xFFFFEE00;
	s5 =	simm.s32 $0xFFFFBC00;
	[sflag:s23] =	ssyncset.done $0x0  }
.LBB2_2:
0x71: {  	s7 =	sadd.s32 $0x1400, s0  }
0x72: {  	[sflag:s23] =	ssyncadd.s32 $0xFFFFC000;
	s8 =	smov.u32 s5;
	s9 =	sadd.s32 $0x400, s5  }
0x73: {  	[tilespmem:s21], [sflag:$0x1] =	stream.indirect.gather [hbm4b:s1+s28], $0x80, s7, s28, $0xb8;
	[tilespmem:$0x1F800] =	vst v63  }
0x74: {  	p0 =	sne.s32 s5, $0xFFFFFC00;
	_ =	swait.ge [sflag:s24], $0x4000  }
0x75: {  	[sflag:s24] =	ssyncset.done $0x0  }
0x76: {  	s5 =	sadd.s32 $0x1480, s0;
	[sflag:s24] =	ssyncadd.s32 $0xFFFFC000  }
0x77: {  	[tilespmem:s29], [sflag:$0x2] =	stream.indirect.gather [hbm4b:s1+s28], $0x80, s5, s28, $0xb8;
	[tilespmem:$0x1F800] =	vst v63  }
0x78: {  	_ =	swait.ge [sflag:s30], $0x4000  }
0x79: {  	[sflag:s30] =	ssyncset.done $0x0  }
0x7a: {  	s5 =	sadd.s32 $0x3C00, s0;
	[sflag:s30] =	ssyncadd.s32 $0xFFFFC000  }
0x7b: {  	[spmem:s3] =	stream.indirect.scatter.add.f32 [tilespmem:s21], [sflag:$0x3], $0x80, s5, s28, $0xb8;
	[tilespmem:$0x1F800] =	vst v63  }
0x7c: {  	_ =	swait.ge [sflag:s25], $0x4000  }
.Ltmp0:
0x7d: {  	[sflag:s25] =	ssyncset.done $0x0;
	(pc) =	sbr.rel @p0 .LBB2_2-.Ltmp0, $4  }
0x7e: {  	s0 =	sadd.s32 $0x3C80, s0;
	[sflag:s25] =	ssyncadd.s32 $0xFFFFC000  }
0x7f: {  	[spmem:s3] =	stream.indirect.scatter.add.f32 [tilespmem:s29], [sflag:$0x4], $0x80, s0, s28, $0xb8;
	[tilespmem:$0x1F800] =	vst v63  }
0x80: {  	_ =	swait.ge [sflag:s23], $0x4000  }
0x81: {  	s5 =	smov.u32 s9;
	s0 =	sshra.s32 s8, $0x2;
	[sflag:s23] =	ssyncset.done $0x0  }
0x82: {  	s5 =	sadd.s32 $0x1400, s0;
	[sflag:s23] =	ssyncadd.s32 $0xFFFFC000  }
0x83: {  	[tilespmem:s21], [sflag:$0x1] =	stream.indirect.gather [hbm4b:s1+s28], $0x80, s5, s28, $0xb8;
	[tilespmem:$0x1F800] =	vst v63  }
0x84: {  	_ =	swait.ge [sflag:s24], $0x4000  }
0x85: {  	[sflag:s24] =	ssyncset.done $0x0  }
0x86: {  	s8 =	sadd.s32 $0x1480, s0;
	[sflag:s24] =	ssyncadd.s32 $0xFFFFC000  }
0x87: {  	[tilespmem:s29], [sflag:$0x2] =	stream.indirect.gather [hbm4b:s1+s28], $0x80, s8, s28, $0xb8;
	[tilespmem:$0x1F800] =	vst v63  }
0x88: {  	_ =	swait.ge [sflag:s30], $0x4000  }
0x89: {  	[sflag:s30] =	ssyncset.done $0x0  }
0x8a: {  	s9 =	sadd.s32 $0x3C00, s0;
	[sflag:s30] =	ssyncadd.s32 $0xFFFFC000  }
0x8b: {  	[spmem:s3] =	stream.indirect.scatter.add.f32 [tilespmem:s21], [sflag:$0x3], $0x80, s9, s28, $0xb8;
	[tilespmem:$0x1F800] =	vst v63  }
0x8c: {  	_ =	swait.ge [sflag:s25], $0x4000  }
0x8d: {  	[sflag:s25] =	ssyncset.done $0x0  }
0x8e: {  	s7 =	sadd.s32 $0x3C80, s0;
	[sflag:s25] =	ssyncadd.s32 $0xFFFFC000  }
0x8f: {  	[spmem:s3] =	stream.indirect.scatter.add.f32 [tilespmem:s29], [sflag:$0x4], $0x80, s7, s28, $0xb8;
	[tilespmem:$0x1F800] =	vst v63  }
0x90: {  	_ =	swait.ge [sflag:s23], $0x4000  }
0x91: {  	[sflag:s23] =	ssyncset.done $0x0  }
0x92: {  	[sflag:s23] =	ssyncadd.s32 $0xFFFFC000  }
0x93: {  	_ =	swait.ge [sflag:s24], $0x4000  }
0x94: {  	[sflag:s24] =	ssyncset.done $0x0  }
0x95: {  	[sflag:s24] =	ssyncadd.s32 $0xFFFFC000  }
0x96: {  	[tilespmem:s26], [sflag:$0x5] =	stream.linear.gather [hbm4b:s20+s4], $0x1400, $0x38;
	[tilespmem:$0x1F800] =	vst v63  }
0x97: {  	_ =	swait.ge [sflag:s22], $0x1400  }
0x98: {  	[sflag:s22] =	ssyncset.done $0x0  }
0x99: {  	s8 =	simm.s32 $0x1400;
	[sflag:s22] =	ssyncadd.s32 $0xFFFFEC00  }
0x9a: {  	[tilespmem:s21], [sflag:$0x1] =	stream.indirect.gather [hbm4b:s1+s28], $0x80, s8, s28, $0xb8;
	[tilespmem:$0x1F800] =	vst v63  }
0x9b: {  	s9 =	simm.s32 $0x1480  }
0x9c: {  	[tilespmem:s29], [sflag:$0x2] =	stream.indirect.gather [hbm4b:s1+s28], $0x80, s9, s28, $0xb8;
	[tilespmem:$0x1F800] =	vst v63  }
0x9d: {  	_ =	swait.ge [sflag:s30], $0x4000  }
0x9e: {  	[sflag:s30] =	ssyncset.done $0x0  }
0x9f: {  	[sflag:s30] =	ssyncadd.s32 $0xFFFFC000  }
0xa0: {  	[spmem:s3] =	stream.indirect.scatter.add.f32 [tilespmem:s21], [sflag:$0x3], $0x80, s26, s28, $0xb8;
	[tilespmem:$0x1F800] =	vst v63  }
0xa1: {  	_ =	swait.ge [sflag:s25], $0x4000  }
0xa2: {  	[sflag:s25] =	ssyncset.done $0x0  }
0xa3: {  	[sflag:s25] =	ssyncadd.s32 $0xFFFFC000  }
0xa4: {  	[spmem:s3] =	stream.indirect.scatter.add.f32 [tilespmem:s29], [sflag:$0x4], $0x80, s31, s28, $0xb8;
	[tilespmem:$0x1F800] =	vst v63  }
0xa5: {  	_ =	swait.ge [sflag:s23], $0x4000  }
0xa6: {  	[sflag:s23] =	ssyncset.done $0x0  }
0xa7: {  	s5 =	simm.s32 $0x1500;
	[sflag:s23] =	ssyncadd.s32 $0xFFFFC000  }
0xa8: {  	[tilespmem:s21], [sflag:$0x1] =	stream.indirect.gather [hbm4b:s1+s28], $0x80, s5, s28, $0xb8;
	[tilespmem:$0x1F800] =	vst v63  }
0xa9: {  	_ =	swait.ge [sflag:s24], $0x4000  }
0xaa: {  	[sflag:s24] =	ssyncset.done $0x0  }
0xab: {  	s7 =	simm.s32 $0x1580;
	[sflag:s24] =	ssyncadd.s32 $0xFFFFC000  }
0xac: {  	[tilespmem:s29], [sflag:$0x2] =	stream.indirect.gather [hbm4b:s1+s28], $0x80, s7, s28, $0xb8;
	[tilespmem:$0x1F800] =	vst v63  }
0xad: {  	_ =	swait.ge [sflag:s30], $0x4000  }
0xae: {  	[sflag:s30] =	ssyncset.done $0x0  }
0xaf: {  	s8 =	simm.s32 $0x2900;
	[sflag:s30] =	ssyncadd.s32 $0xFFFFC000  }
0xb0: {  	[spmem:s3] =	stream.indirect.scatter.add.f32 [tilespmem:s21], [sflag:$0x3], $0x80, s8, s28, $0xb8;
	[tilespmem:$0x1F800] =	vst v63  }
0xb1: {  	_ =	swait.ge [sflag:s25], $0x4000  }
0xb2: {  	[sflag:s25] =	ssyncset.done $0x0  }
0xb3: {  	s9 =	simm.s32 $0x2980;
	[sflag:s25] =	ssyncadd.s32 $0xFFFFC000  }
0xb4: {  	[spmem:s3] =	stream.indirect.scatter.add.f32 [tilespmem:s29], [sflag:$0x4], $0x80, s9, s28, $0xb8;
	[tilespmem:$0x1F800] =	vst v63  }
0xb5: {  	_ =	swait.ge [sflag:s23], $0x4000  }
0xb6: {  	s0 =	simm.s32 $0xFFFFEE00;
	s5 =	simm.s32 $0xFFFFBC00;
	[sflag:s23] =	ssyncset.done $0x0  }
.LBB2_4:
0xb7: {  	s7 =	sadd.s32 $0x2800, s0  }
0xb8: {  	[sflag:s23] =	ssyncadd.s32 $0xFFFFC000;
	s8 =	smov.u32 s5;
	s9 =	sadd.s32 $0x400, s5  }
0xb9: {  	[tilespmem:s21], [sflag:$0x1] =	stream.indirect.gather [hbm4b:s1+s28], $0x80, s7, s28, $0xb8;
	[tilespmem:$0x1F800] =	vst v63  }
0xba: {  	p0 =	sne.s32 s5, $0xFFFFFC00;
	_ =	swait.ge [sflag:s24], $0x4000  }
0xbb: {  	[sflag:s24] =	ssyncset.done $0x0  }
0xbc: {  	s5 =	sadd.s32 $0x2880, s0;
	[sflag:s24] =	ssyncadd.s32 $0xFFFFC000  }
0xbd: {  	[tilespmem:s29], [sflag:$0x2] =	stream.indirect.gather [hbm4b:s1+s28], $0x80, s5, s28, $0xb8;
	[tilespmem:$0x1F800] =	vst v63  }
0xbe: {  	_ =	swait.ge [sflag:s30], $0x4000  }
0xbf: {  	[sflag:s30] =	ssyncset.done $0x0  }
0xc0: {  	s5 =	sadd.s32 $0x3C00, s0;
	[sflag:s30] =	ssyncadd.s32 $0xFFFFC000  }
0xc1: {  	[spmem:s3] =	stream.indirect.scatter.add.f32 [tilespmem:s21], [sflag:$0x3], $0x80, s5, s28, $0xb8;
	[tilespmem:$0x1F800] =	vst v63  }
0xc2: {  	_ =	swait.ge [sflag:s25], $0x4000  }
.Ltmp1:
0xc3: {  	[sflag:s25] =	ssyncset.done $0x0;
	(pc) =	sbr.rel @p0 .LBB2_4-.Ltmp1, $4  }
0xc4: {  	s0 =	sadd.s32 $0x3C80, s0;
	[sflag:s25] =	ssyncadd.s32 $0xFFFFC000  }
0xc5: {  	[spmem:s3] =	stream.indirect.scatter.add.f32 [tilespmem:s29], [sflag:$0x4], $0x80, s0, s28, $0xb8;
	[tilespmem:$0x1F800] =	vst v63  }
0xc6: {  	_ =	swait.ge [sflag:s23], $0x4000  }
0xc7: {  	s5 =	smov.u32 s9;
	s0 =	sshra.s32 s8, $0x2;
	[sflag:s23] =	ssyncset.done $0x0  }
0xc8: {  	s5 =	sadd.s32 $0x2800, s0;
	[sflag:s23] =	ssyncadd.s32 $0xFFFFC000  }
0xc9: {  	[tilespmem:s21], [sflag:$0x1] =	stream.indirect.gather [hbm4b:s1+s28], $0x80, s5, s28, $0xb8;
	[tilespmem:$0x1F800] =	vst v63  }
0xca: {  	_ =	swait.ge [sflag:s24], $0x4000  }
0xcb: {  	[sflag:s24] =	ssyncset.done $0x0  }
0xcc: {  	s8 =	sadd.s32 $0x2880, s0;
	[sflag:s24] =	ssyncadd.s32 $0xFFFFC000  }
0xcd: {  	[tilespmem:s29], [sflag:$0x2] =	stream.indirect.gather [hbm4b:s1+s28], $0x80, s8, s28, $0xb8;
	[tilespmem:$0x1F800] =	vst v63  }
0xce: {  	_ =	swait.ge [sflag:s30], $0x4000  }
0xcf: {  	[sflag:s30] =	ssyncset.done $0x0  }
0xd0: {  	s9 =	sadd.s32 $0x3C00, s0;
	[sflag:s30] =	ssyncadd.s32 $0xFFFFC000  }
0xd1: {  	[spmem:s3] =	stream.indirect.scatter.add.f32 [tilespmem:s21], [sflag:$0x3], $0x80, s9, s28, $0xb8;
	[tilespmem:$0x1F800] =	vst v63  }
0xd2: {  	_ =	swait.ge [sflag:s25], $0x4000  }
0xd3: {  	[sflag:s25] =	ssyncset.done $0x0  }
0xd4: {  	s7 =	sadd.s32 $0x3C80, s0;
	[sflag:s25] =	ssyncadd.s32 $0xFFFFC000  }
0xd5: {  	[spmem:s3] =	stream.indirect.scatter.add.f32 [tilespmem:s29], [sflag:$0x4], $0x80, s7, s28, $0xb8;
	[tilespmem:$0x1F800] =	vst v63  }
0xd6: {  	_ =	swait.ge [sflag:s23], $0x4000  }
0xd7: {  	[sflag:s23] =	ssyncset.done $0x0  }
0xd8: {  	[sflag:s23] =	ssyncadd.s32 $0xFFFFC000  }
0xd9: {  	_ =	swait.ge [sflag:s24], $0x4000  }
0xda: {  	s8 =	stileid.u32;
	[sflag:s24] =	ssyncset.done $0x0  }
0xdb: {  	s2 =	sadd.s32 $0x1, s2;
	s0 =	sshll.u32 s8, $0x6;
	[sflag:s24] =	ssyncadd.s32 $0xFFFFC000  }
0xdc: {  	p0 =	sne.s32 s2, s10;
	s0 =	sor.u32 $0x1C05, s0;
	[bflag:$0x0] =	sbarrier.arrive $0xFFFF  }
.Ltmp2:
0xdd: {  	s9 =	sshrl.u32 s6, $0x3;
	s7 =	rddreg [dreg:$0x7];
	(pc) =	sbr.rel @p0 .LBB2_1-.Ltmp2, $4  }
0xde: {  	[hbm:s7], [sflag:s0] =	dma.local [spmem:s9], $0x2780  }
0xdf: {  	_ =	swait.ge [sflag:s22], $0x2780  }
0xe0: {  	[sflag:s22] =	ssyncset.done $0x0  }
0xe1: {  	[sflag:s22] =	ssyncadd.s32 $0xFFFFD880  }
0xe2: {  	_ =	sfence.sel $0x180000  }
0xe3: {  	[bflag:$0x0] =	sbarrier.arrive $0xFFFF  }
0xe4: {  	_ =	strace $0x9000004D  }
0xe5: {  	s0 =	stileid.u32;
	[bflag:$0x2] =	sbarrier.arrive $0xFFFF  }
0xe6: {  	p0 =	sne.s32 s0, $0x0;
	s0 =	rddreg [dreg:$0x3]  }
0xe7: {  	s0 =	sadd.s32 @!p0 $0x100000, s0  }
0xe8: {  	[sflag:s0] =	ssyncadd.tile.s32 @!p0 $0x1;
	_ =	shalt  }
.Lfunc_end2:
_tile_overlayer_lowered:
.L_overlay_start_2:
0xe9: {  	(tag) =	ssettag $0x2  }
0xea: {  	s0 =	rddreg [dreg:$0x0];
	s2 =	stileid.u32  }
0xeb: {  	s1 =	rddreg [dreg:$0x1];
	p0 =	sne.s32 s2, $0x0  }
0xec: {  	s3 =	rddreg [dreg:$0x2];
	[bflag:$0x3] =	sbarrier.arrive $0xFFFF;
	s2 =	simm.s32 @!p0 $0x1C05  }
0xed: {  	[timem:s3], [sflag:s2] =	dma.local @!p0 [hbm:s0], s1  }
0xee: {  	s0 =	simm.s32 @!p0 $0x5  }
0xef: {  	_ =	swait.ge @!p0 [sflag:s0], s1  }
0xf0: {  	s1 =	ssub.s32 @!p0 $0x0, s1;
	[sflag:s0] =	ssyncset.done @!p0 $0x0  }
0xf1: {  	[sflag:s0] =	ssyncadd.s32 @!p0 s1  }
0xf2: {  	[bflag:$0x3] =	sbarrier.arrive $0xFFFF  }
0xf3: {  	_ =	shalt  }

// kernel: kernel.21.cloned.1.call-start
scs
__scs_entry_jumppad:
0x0: {  	(pc) =	sbr.rel $0x88, $3  }
0x1: {  	(tag) =	ssettag $0x0;
	lr =	simm.s32 $0x1  }
0x2: {  	[smem:$0x3F93] =	sst lr;
	_ =	strace $0xD0000000  }
0x3: {  	_ = 	snop  }
0x4: {  	_ = 	snop  }
0x5: {  	_ = 	snop  }
0x6: {  	_ = 	snop  }
0x7: {  	_ = 	snop  }
__scs_overlays_trampoline_lowered:
0x8: {  	[smem:$0x3FA2] =	sst s0  }
0x9: {  	[smem:$0x3FA3] =	sst s1  }
0xa: {  	[smem:$0x3FA4] =	sst s2  }
0xb: {  	[smem:$0x3FA5] =	sst s3  }
0xc: {  	[smem:$0x3FA6] =	sst s4  }
0xd: {  	[smem:$0x3FA7] =	sst s5  }
0xe: {  	[smem:$0x3FA8] =	sst s6  }
0xf: {  	[smem:$0x3FA9] =	sst s7  }
0x10: {  	[smem:$0x3FAA] =	sst s8  }
0x11: {  	[smem:$0x3FAB] =	sst s9;
	s0 =	simm.s32 @!p0 $0x0  }
0x12: {  	s1 =	sld [smem:$0x3F91];
	s0 =	simm.s32 @p0 $0x1  }
0x13: {  	[smem:$0x3FAC] =	sst s0;
	s0 =	simm.s32 @!p1 $0x0  }
0x14: {  	s2 =	sld [smem:$0x3F90];
	s0 =	simm.s32 @p1 $0x1  }
0x15: {  	[smem:$0x3FAD] =	sst s0;
	s0 =	simm.s32 @!p2 $0x0  }
0x16: {  	s3 =	sld [smem:$0x3FDB];
	s0 =	simm.s32 @p2 $0x1  }
0x17: {  	s4 =	simm.s32 $0x1BF5;
	[smem:$0x3FAF] =	sst s0  }
0x18: {  	s0 =	sld [smem:$0x3F92];
	_ =	swait.ge [sflag:s4], $0x0  }
0x19: {  	s7 =	sld [smem:$0x3F93]  }
0x1a: {  	s8 =	sadd.s32 $0xFFFFE003, lr  }
0x1b: {  	s9 =	sadd.s32 $0xFFFFFEF7, lr;
	s5 =	simm.s32 $0xFFFFFFFF;
	p2 =	slt.u32 s8, $0xFFFFF086  }
0x1c: {  	p1 =	slt.u32 s9, $0xF7A;
	s5 =	simm.s32 @!p2 $0x0  }
0x1d: {  	s5 =	simm.s32 @p1 $0x1;
	p0 =	seq.s32 s7, s2  }
0x1e: {  	s7 =	smul.u32 @!p0 $0xF7A, s2;
	p2 =	seq.s32 @!p0 s5, $0x0  }
0x1f: {  	s9 =	smul.u32 $0xF7A, s1;
	s8 =	simm.s32 @!p0 $0x1BF5;
	p2 =	por !p2, p0  }
0x20: {  	[sflag:s8] =	ssyncset.s32 @!p0 $0xFFFFF086;
	s6 =	sadd.s32 @!p0 s3, s7;
	s7 =	simm.s32 @!p0 $0x108  }
0x21: {  	s3 =	sadd.s32 s3, s9;
	s6 =	sadd.s32 @!p0 $0x88, s6;
	s7 =	simm.s32 @p2 $0x1082  }
0x22: {  	[simem:s7], [sflag:s8] =	dma.local @!p0 [hbm:s6], $0xF7A  }
0x23: {  	s9 =	sor.u32 $0xD0000000, s2;
	s6 =	simm.s32 $0x108;
	_ =	swait.ge @!p0 [sflag:s8], $0x0  }
0x24: {  	s3 =	sadd.s32 $0x88, s3;
	s6 =	simm.s32 @!p1 $0x1082;
	[sflag:s4] =	ssyncset.s32 $0xFFFFF086  }
0x25: {  	[simem:s6], [sflag:s4] =	dma.local [hbm:s3], $0xF7A  }
0x26: {  	[smem:$0x3F93] =	sst s1;
	(tag) =	ssettag s2;
	_ =	strace s9  }
0x27: {  	s1 =	sld [smem:$0x3FA3]  }
0x28: {  	s2 =	sld [smem:$0x3FA4]  }
0x29: {  	s4 =	sld [smem:$0x3FA6]  }
0x2a: {  	p0 =	seq.s32 s5, $0x0;
	s5 =	sld [smem:$0x3FA7]  }
0x2b: {  	s6 =	sld [smem:$0x3FA8]  }
0x2c: {  	s7 =	sld [smem:$0x3FA9]  }
0x2d: {  	s3 =	simm.s32 $0x108;
	s8 =	sld [smem:$0x3FAA]  }
0x2e: {  	s3 =	simm.s32 @!p0 $0x1082;
	s9 =	sld [smem:$0x3FAB]  }
0x2f: {  	lr =	sadd.s32 s0, s3;
	s0 =	sld [smem:$0x3FA2]  }
0x30: {  	s3 =	sld [smem:$0x3FA5]  }
0x31: {  	[smem:$0x3FAE] =	sst s10  }
0x32: {  	s10 =	sld [smem:$0x3FAC];
	_ =	sdelay $0x3  }
0x33: {  	p0 =	seq.s32 s10, $0x1;
	s10 =	sld [smem:$0x3FAE];
	_ =	sdelay $0x3  }
0x34: {  	[smem:$0x3FAE] =	sst s10  }
0x35: {  	s10 =	sld [smem:$0x3FAD];
	_ =	sdelay $0x3  }
0x36: {  	p1 =	seq.s32 s10, $0x1;
	s10 =	sld [smem:$0x3FAE];
	_ =	sdelay $0x3  }
0x37: {  	[smem:$0x3FAE] =	sst s10  }
0x38: {  	s10 =	sld [smem:$0x3FAF]  }
0x39: {  	_ = 	snop;
	(pc) =	sbr.ind lr, $3  }
0x3a: {  	_ = 	snop  }
0x3b: {  	_ = 	snop  }
0x3c: {  	p2 =	seq.s32 s10, $0x1;
	s10 =	sld [smem:$0x3FAE]  }
0x3d: {  	_ =	shalt  }
0x3e: {  	_ =	shalt  }
0x3f: {  	_ =	shalt  }
0x40: {  	_ =	shalt  }
0x41: {  	_ =	shalt  }
0x42: {  	_ =	shalt  }
0x43: {  	_ =	shalt  }
0x44: {  	_ =	shalt  }
0x45: {  	_ =	shalt  }
0x46: {  	_ =	shalt  }
0x47: {  	_ =	shalt  }
0x48: {  	_ =	shalt  }
0x49: {  	_ =	shalt  }
0x4a: {  	_ =	shalt  }
0x4b: {  	_ =	shalt  }
0x4c: {  	_ =	shalt  }
0x4d: {  	_ =	shalt  }
0x4e: {  	_ =	shalt  }
0x4f: {  	_ =	shalt  }
0x50: {  	_ =	shalt  }
0x51: {  	_ =	shalt  }
0x52: {  	_ =	shalt  }
0x53: {  	_ =	shalt  }
0x54: {  	_ =	shalt  }
0x55: {  	_ =	shalt  }
0x56: {  	_ =	shalt  }
0x57: {  	_ =	shalt  }
0x58: {  	_ =	shalt  }
0x59: {  	_ =	shalt  }
0x5a: {  	_ =	shalt  }
0x5b: {  	_ =	shalt  }
0x5c: {  	_ =	shalt  }
0x5d: {  	_ =	shalt  }
0x5e: {  	_ =	shalt  }
0x5f: {  	_ =	shalt  }
0x60: {  	_ =	shalt  }
0x61: {  	_ =	shalt  }
0x62: {  	_ =	shalt  }
0x63: {  	_ =	shalt  }
0x64: {  	_ =	shalt  }
0x65: {  	_ =	shalt  }
0x66: {  	_ =	shalt  }
0x67: {  	_ =	shalt  }
0x68: {  	_ =	shalt  }
0x69: {  	_ =	shalt  }
0x6a: {  	_ =	shalt  }
0x6b: {  	_ =	shalt  }
0x6c: {  	_ =	shalt  }
0x6d: {  	_ =	shalt  }
0x6e: {  	_ =	shalt  }
0x6f: {  	_ =	shalt  }
0x70: {  	_ =	shalt  }
0x71: {  	_ =	shalt  }
0x72: {  	_ =	shalt  }
0x73: {  	_ =	shalt  }
0x74: {  	_ =	shalt  }
0x75: {  	_ =	shalt  }
0x76: {  	_ =	shalt  }
0x77: {  	_ =	shalt  }
0x78: {  	_ =	shalt  }
0x79: {  	_ =	shalt  }
0x7a: {  	_ =	shalt  }
0x7b: {  	_ =	shalt  }
0x7c: {  	_ =	shalt  }
0x7d: {  	_ =	shalt  }
0x7e: {  	_ =	shalt  }
0x7f: {  	_ =	shalt  }
0x80: {  	_ =	shalt  }
0x81: {  	_ =	shalt  }
0x82: {  	_ =	shalt  }
0x83: {  	_ =	shalt  }
0x84: {  	_ =	shalt  }
0x85: {  	_ =	shalt  }
0x86: {  	_ =	shalt  }
0x87: {  	_ =	shalt  }
.Lfunc_end0:
.L_simem_size_0:
called_computation.3_lowered:
.L_overlay_start_0:
0x88: {  	s2 =	sld [smem:$0x3FD9]  }
0x89: {  	s3 =	sld [smem:$0x3FFE];
	_ =	sdelay $0x1  }
0x8a: {  	s1 =	srdreg.scid  }
0x8b: {  	s0 =	sand.u32 $0x1, s1  }
0x8c: {  	s17 =	sshll.u32 s0, $0xA;
	s2 =	sadd.s32 s3, s2  }
0x8d: {  	s2 =	sadd.s32 s2, s17  }
0x8e: {  	[smem:$0x3FBA] =	sst s2  }
0x8f: {  	_ = 	snop  }
0x90: {  	s2 =	sld [smem:$0x3FD0];
	(tm) =	ssettm $0x1  }
0x91: {  	s18 =	sld [smem:$0x3FFB];
	_ =	sdelay $0x3  }
0x92: {  	_ =	strace s18  }
0x93: {  	s3 =	sld [smem:$0x3FFC];
	_ =	sdelay $0x3  }
0x94: {  	_ =	strace s3  }
0x95: {  	s3 =	sld [smem:$0x3FFD];
	_ =	sdelay $0x3  }
0x96: {  	_ =	strace s3  }
0x97: {  	_ =	strace $0x8FFFFFFF  }
0x98: {  	s19 =	sld [smem:$0x3FDB];
	_ =	sdelay $0x1  }
0x99: {  	s4 =	simm.s32 $_scs_section_size  }
0x9a: {  	s5 =	simm.s32 $_size__tile_overlayer_lowered;
	s6 =	simm.s32 $_tile_overlayer_lowered  }
0x9b: {  	s22 =	simm.s32 $0x1BFF;
	s21 =	sshll.u32 s6, $0x1;
	s3 =	sadd.s32 s4, s19  }
0x9c: {  	s7 =	simm.s32 $0x0;
	s20 =	sshll.u32 s5, $0x1;
	s5 =	sadd.s32 s21, s3  }
0x9d: {  	[timem:s7], [sflag:s22] =	dma.local [hbm:s5], s20  }
0x9e: {  	_ =	swait.ge [sflag:s22], s20  }
0x9f: {  	s4 =	ssub.s32 $0x0, s20;
	[sflag:s22] =	ssyncset.done $0x0  }
0xa0: {  	[sflag:s22] =	ssyncadd.s32 s4;
	_ =	sdelay $0x1  }
0xa1: {  	s23 =	simm.s32 $0x1B8B  }
0xa2: {  	_ =	swait.ge [sflag:s23], $0x1  }
0xa3: {  	[sflag:s23] =	ssyncset.done $0x0  }
0xa4: {  	s25 =	simm.s32 $0x1B8E;
	s24 =	sld [smem:$0x3FFE];
	[sflag:s23] =	ssyncadd.s32 $0xFFFFFFFF  }
0xa5: {  	s26 =	simm.s32 $execute0_lowered;
	[smem:$0x3FD2] =	sst s25  }
0xa6: {  	s5 =	sshll.u32 s26, $0x1;
	_ =	strace $0x8000004F;
	[dreg:$0x1] =	wrdreg $0xFFFFFFFF  }
0xa7: {  	s28 =	simm.s32 $_size_execute0_lowered;
	s3 =	sadd.s32 s3, s5;
	[dreg:$0x0] =	wrdreg $0x0  }
0xa8: {  	s5 =	sshll.u32 s28, $0x1;
	[dreg:$0x2] =	wrdreg s3  }
0xa9: {  	[dreg:$0x3] =	wrdreg s5  }
0xaa: {  	[dreg:$0x4] =	wrdreg $0xC0  }
0xab: {  	_ =	task [dreg:s7], $0x5FFFF  }
0xac: {  	[dreg:$0x1] =	wrdreg $0xFFFFFFFF  }
0xad: {  	[dreg:$0x0] =	wrdreg $0x60  }
0xae: {  	[dreg:$0x2] =	wrdreg s2  }
0xaf: {  	[dreg:$0x3] =	wrdreg s24  }
0xb0: {  	[dreg:$0x4] =	wrdreg $0xBC000  }
0xb1: {  	[dreg:$0x5] =	wrdreg $0x9  }
0xb2: {  	_ =	task.clear_ibuf [dreg:s7], $0x6FFFF;
	_ =	strace $0x9000004F  }
0xb3: {  	s29 =	simm.s32 $0x9;
	_ =	strace $0x80000051  }
0xb4: {  	_ =	swait.ge [sflag:s29], $0x1  }
0xb5: {  	[sflag:s29] =	ssyncadd.s32 $0xFFFFFFFF  }
0xb6: {  	_ =	strace $0x90000051  }
0xb7: {  	_ =	sfence  }
0xb8: {  	s30 =	sld [smem:$0x0];
	_ =	sdelay $0x2  }
0xb9: {  	s31 =	sshll.u32 s1, $0xD;
	s1 =	sshrl.u32 s1, $0x2  }
0xba: {  	s3 =	sand.u32 $0x4000, s31;
	s1 =	sadd.s32 s1, s30  }
0xbb: {  	s0 =	sor.u32 s3, s0;
	s1 =	sshll.u32 s1, $0x11  }
0xbc: {  	s0 =	sor.u32 s1, s0  }
0xbd: {  	s0 =	sadd.s32 $0x8F2B, s0  }
0xbe: {  	[sflag:s0] =	ssyncadd.remote.s32 $0x1  }
0xbf: {  	_ =	sfence.sel $0xFFFF  }
0xc0: {  	[dreg:$0x0] =	wrdreg $0xFFFFFFFF;
	(pc) =	sbr.abs _section_cstart, $3  }
0xc1: {  	[dreg:$0x1] =	wrdreg $0xFFFFFFFF  }
0xc2: {  	_ =	task.clear_ibuf [dreg:s7], $0x2FFFF;
	_ =	strace $0x9FFFFFFF  }
0xc3: {  	(tm) =	ssettm $0x7FFFFFFF  }
tec
execute0_lowered:
.L_overlay_start_1:
0x0: {  	(tag) =	ssettag $0x1  }
0x1: {  	s0 =	srdreg.scid;
	s1 =	rddreg [dreg:$0x0]  }
0x2: {  	s8 =	stileid.u32;
	s5 =	rddreg [dreg:$0x1]  }
0x3: {  	s3 =	rddreg [dreg:$0x2];
	s4 =	simm.s32 $0x0;
	s21 =	simm.s32 $0x3C00  }
0x4: {  	s22 =	simm.s32 $0x5;
	s23 =	simm.s32 $0x3;
	s28 =	simm.s32 $0x80  }
0x5: {  	s29 =	simm.s32 $0x7C00;
	s30 =	simm.s32 $0x1;
	s31 =	simm.s32 $0x2880  }
0x6: {  	s0 =	sand.u32 $0x1, s0;
	[smem:$0x7FF] =	sst s4;
	s7 =	smul.u32 $0x13C00, s8  }
0x7: {  	s9 =	sadd.s32 $0x17600, s5;
	s2 =	sshll.u32 s0, $0x4;
	s6 =	smul.u32 $0x13C000, s0  }
0x8: {  	_ =	strace $0x80000050;
	s0 =	ssub.s32 $0x2, s0;
	s2 =	sor.u32 s8, s2  }
0x9: {  	[dreg:$0x4] =	wrdreg s9;
	s24 =	sshrl.u32 s0, $0x1;
	s2 =	smul.u32 $0x2800, s2  }
0xa: {  	s8 =	smul.u32 $0x4F000, s8;
	s6 =	sadd.s32 s7, s6;
	s0 =	ssub.s32 s0, s24  }
0xb: {  	s24 =	simm.s32 $0x4;
	s6 =	sshrl.u32 s6, $0x3;
	s2 =	sshrl.u32 s2, $0x3  }
0xc: {  	s8 =	sshrl.u32 s8, $0x2;
	s10 =	smax.u32 s0, $0x1;
	s2 =	sadd.s32 s2, s5  }
0xd: {  	s5 =	sadd.s32 s6, s5;
	s6 =	sadd.s32 s8, s3;
	s25 =	sadd.s32 $0xD600, s2  }
0xe: {  	s26 =	sadd.s32 $0x12000, s6;
	s5 =	sadd.s32 $0x17A00, s5;
	s11 =	sadd.s32 $0x2000, s6  }
0xf: {  	s12 =	sadd.s32 $0x4000, s6;
	s13 =	sadd.s32 $0x6000, s6;
	s14 =	sadd.s32 $0x8000, s6  }
0x10: {  	s15 =	sadd.s32 $0xA000, s6;
	s16 =	sadd.s32 $0xC000, s6;
	s17 =	sadd.s32 $0xE000, s6  }
0x11: {  	s18 =	sadd.s32 $0x10000, s6;
	s19 =	sadd.s32 $0x3600, s2;
	[dreg:$0x5] =	wrdreg s25  }
0x12: {  	s20 =	sadd.s32 $0x3880, s2;
	s2 =	simm.s32 $0x0;
	[dreg:$0x6] =	wrdreg s26  }
0x13: {  	[dreg:$0x7] =	wrdreg s5;
	s25 =	simm.s32 $0x2;
	s26 =	simm.s32 $0x2800  }
.LBB2_1:
0x14: {  	s0 =	rddreg [dreg:$0x5]  }
0x15: {  	[tilespmem:s4], [sflag:$0x2] =	stream.linear.gather [hbm4b:s0+s4], $0x2800, $0x38;
	[tilespmem:$0x1F800] =	vst v63  }
0x16: {  	s8 =	rddreg [dreg:$0x4]  }
0x17: {  	[tilespmem:s21], [sflag:$0x5] =	stream.linear.gather [hbm4b:s8+s4], $0x2000, $0x38;
	[tilespmem:$0x1F800] =	vst v63  }
0x18: {  	_ =	swait.ge [sflag:s22], $0x2000  }
0x19: {  	[sflag:s22] =	ssyncset.done $0x0  }
0x1a: {  	[sflag:s22] =	ssyncadd.s32 $0xFFFFE000  }
0x1b: {  	[spmem:s6] =	stream.linear.scatter [tilespmem:s21], [sflag:$0x3], $0x2000, $0x38;
	[tilespmem:$0x1F800] =	vst v63  }
0x1c: {  	_ = 	snop  }
0x1d: {  	[spmem:s11] =	stream.linear.scatter [tilespmem:s21], [sflag:$0x3], $0x2000, $0x38;
	[tilespmem:$0x1F800] =	vst v63  }
0x1e: {  	_ = 	snop  }
0x1f: {  	[spmem:s12] =	stream.linear.scatter [tilespmem:s21], [sflag:$0x3], $0x2000, $0x38;
	[tilespmem:$0x1F800] =	vst v63  }
0x20: {  	_ = 	snop  }
0x21: {  	[spmem:s13] =	stream.linear.scatter [tilespmem:s21], [sflag:$0x3], $0x2000, $0x38;
	[tilespmem:$0x1F800] =	vst v63  }
0x22: {  	_ = 	snop  }
0x23: {  	[spmem:s14] =	stream.linear.scatter [tilespmem:s21], [sflag:$0x3], $0x2000, $0x38;
	[tilespmem:$0x1F800] =	vst v63  }
0x24: {  	_ = 	snop  }
0x25: {  	[spmem:s15] =	stream.linear.scatter [tilespmem:s21], [sflag:$0x3], $0x2000, $0x38;
	[tilespmem:$0x1F800] =	vst v63  }
0x26: {  	_ = 	snop  }
0x27: {  	[spmem:s16] =	stream.linear.scatter [tilespmem:s21], [sflag:$0x3], $0x2000, $0x38;
	[tilespmem:$0x1F800] =	vst v63  }
0x28: {  	_ = 	snop  }
0x29: {  	[spmem:s17] =	stream.linear.scatter [tilespmem:s21], [sflag:$0x3], $0x2000, $0x38;
	[tilespmem:$0x1F800] =	vst v63  }
0x2a: {  	_ = 	snop  }
0x2b: {  	[spmem:s18] =	stream.linear.scatter [tilespmem:s21], [sflag:$0x3], $0x2000, $0x38;
	[tilespmem:$0x1F800] =	vst v63  }
0x2c: {  	s9 =	rddreg [dreg:$0x6]  }
0x2d: {  	[spmem:s9] =	stream.linear.scatter [tilespmem:s21], [sflag:$0x4], $0x1C00, $0x38;
	[tilespmem:$0x1F800] =	vst v63  }
0x2e: {  	_ =	swait.ge [sflag:s23], $0x2000  }
0x2f: {  	[sflag:s23] =	ssyncset.done $0x0  }
0x30: {  	[sflag:s23] =	ssyncadd.s32 $0xFFFFE000  }
0x31: {  	_ =	swait.ge [sflag:s23], $0x2000  }
0x32: {  	[sflag:s23] =	ssyncset.done $0x0  }
0x33: {  	[sflag:s23] =	ssyncadd.s32 $0xFFFFE000  }
0x34: {  	_ =	swait.ge [sflag:s23], $0x2000  }
0x35: {  	[sflag:s23] =	ssyncset.done $0x0  }
0x36: {  	[sflag:s23] =	ssyncadd.s32 $0xFFFFE000  }
0x37: {  	_ =	swait.ge [sflag:s23], $0x2000  }
0x38: {  	[sflag:s23] =	ssyncset.done $0x0  }
0x39: {  	[sflag:s23] =	ssyncadd.s32 $0xFFFFE000  }
0x3a: {  	_ =	swait.ge [sflag:s23], $0x2000  }
0x3b: {  	[sflag:s23] =	ssyncset.done $0x0  }
0x3c: {  	[sflag:s23] =	ssyncadd.s32 $0xFFFFE000  }
0x3d: {  	_ =	swait.ge [sflag:s23], $0x2000  }
0x3e: {  	[sflag:s23] =	ssyncset.done $0x0  }
0x3f: {  	[sflag:s23] =	ssyncadd.s32 $0xFFFFE000  }
0x40: {  	_ =	swait.ge [sflag:s23], $0x2000  }
0x41: {  	[sflag:s23] =	ssyncset.done $0x0  }
0x42: {  	[sflag:s23] =	ssyncadd.s32 $0xFFFFE000  }
0x43: {  	_ =	swait.ge [sflag:s23], $0x2000  }
0x44: {  	[sflag:s23] =	ssyncset.done $0x0  }
0x45: {  	[sflag:s23] =	ssyncadd.s32 $0xFFFFE000  }
0x46: {  	_ =	swait.ge [sflag:s23], $0x2000  }
0x47: {  	[sflag:s23] =	ssyncset.done $0x0  }
0x48: {  	[sflag:s23] =	ssyncadd.s32 $0xFFFFE000  }
0x49: {  	_ =	swait.ge [sflag:s24], $0x1C00  }
0x4a: {  	[sflag:s24] =	ssyncset.done $0x0  }
0x4b: {  	[sflag:s24] =	ssyncadd.s32 $0xFFFFE400  }
0x4c: {  	_ =	swait.ge [sflag:s25], $0x2800  }
0x4d: {  	[sflag:s25] =	ssyncset.done $0x0  }
0x4e: {  	[sflag:s25] =	ssyncadd.s32 $0xFFFFD800  }
0x4f: {  	[bflag:$0x0] =	sbarrier.arrive $0xFFFF  }
0x50: {  	[tilespmem:s26], [sflag:$0x5] =	stream.linear.gather [hbm4b:s19+s4], $0x1400, $0x38;
	[tilespmem:$0x1F800] =	vst v63  }
0x51: {  	_ =	swait.ge [sflag:s22], $0x1400  }
0x52: {  	[sflag:s22] =	ssyncset.done $0x0  }
0x53: {  	[sflag:s22] =	ssyncadd.s32 $0xFFFFEC00  }
0x54: {  	[tilespmem:s21], [sflag:$0x1] =	stream.indirect.gather [hbm4b:s1+s28], $0x80, s4, s28, $0xb8;
	[tilespmem:$0x1F800] =	vst v63  }
0x55: {  	_ = 	snop  }
0x56: {  	[tilespmem:s29], [sflag:$0x2] =	stream.indirect.gather [hbm4b:s1+s28], $0x80, s28, s28, $0xb8;
	[tilespmem:$0x1F800] =	vst v63  }
0x57: {  	_ =	swait.ge [sflag:s30], $0x4000  }
0x58: {  	[sflag:s30] =	ssyncset.done $0x0  }
0x59: {  	[sflag:s30] =	ssyncadd.s32 $0xFFFFC000  }
0x5a: {  	[spmem:s3] =	stream.indirect.scatter.add.f32 [tilespmem:s21], [sflag:$0x3], $0x80, s26, s28, $0xb8;
	[tilespmem:$0x1F800] =	vst v63  }
0x5b: {  	_ =	swait.ge [sflag:s25], $0x4000  }
0x5c: {  	[sflag:s25] =	ssyncset.done $0x0  }
0x5d: {  	[sflag:s25] =	ssyncadd.s32 $0xFFFFC000  }
0x5e: {  	[spmem:s3] =	stream.indirect.scatter.add.f32 [tilespmem:s29], [sflag:$0x4], $0x80, s31, s28, $0xb8;
	[tilespmem:$0x1F800] =	vst v63  }
0x5f: {  	_ =	swait.ge [sflag:s23], $0x4000  }
0x60: {  	[sflag:s23] =	ssyncset.done $0x0  }
0x61: {  	s5 =	simm.s32 $0x100;
	[sflag:s23] =	ssyncadd.s32 $0xFFFFC000  }
0x62: {  	[tilespmem:s21], [sflag:$0x1] =	stream.indirect.gather [hbm4b:s1+s28], $0x80, s5, s28, $0xb8;
	[tilespmem:$0x1F800] =	vst v63  }
0x63: {  	_ =	swait.ge [sflag:s24], $0x4000  }
0x64: {  	[sflag:s24] =	ssyncset.done $0x0  }
0x65: {  	s7 =	simm.s32 $0x180;
	[sflag:s24] =	ssyncadd.s32 $0xFFFFC000  }
0x66: {  	[tilespmem:s29], [sflag:$0x2] =	stream.indirect.gather [hbm4b:s1+s28], $0x80, s7, s28, $0xb8;
	[tilespmem:$0x1F800] =	vst v63  }
0x67: {  	_ =	swait.ge [sflag:s30], $0x4000  }
0x68: {  	[sflag:s30] =	ssyncset.done $0x0  }
0x69: {  	s8 =	simm.s32 $0x2900;
	[sflag:s30] =	ssyncadd.s32 $0xFFFFC000  }
0x6a: {  	[spmem:s3] =	stream.indirect.scatter.add.f32 [tilespmem:s21], [sflag:$0x3], $0x80, s8, s28, $0xb8;
	[tilespmem:$0x1F800] =	vst v63  }
0x6b: {  	_ =	swait.ge [sflag:s25], $0x4000  }
0x6c: {  	[sflag:s25] =	ssyncset.done $0x0  }
0x6d: {  	s9 =	simm.s32 $0x2980;
	[sflag:s25] =	ssyncadd.s32 $0xFFFFC000  }
0x6e: {  	[spmem:s3] =	stream.indirect.scatter.add.f32 [tilespmem:s29], [sflag:$0x4], $0x80, s9, s28, $0xb8;
	[tilespmem:$0x1F800] =	vst v63  }
0x6f: {  	_ =	swait.ge [sflag:s23], $0x4000  }
0x70: {  	s0 =	simm.s32 $0xFFFFEE00;
	s5 =	simm.s32 $0xFFFFBC00;
	[sflag:s23] =	ssyncset.done $0x0  }
.LBB2_2:
0x71: {  	s7 =	sadd.s32 $0x1400, s0  }
0x72: {  	[sflag:s23] =	ssyncadd.s32 $0xFFFFC000;
	s8 =	smov.u32 s5;
	s9 =	sadd.s32 $0x400, s5  }
0x73: {  	[tilespmem:s21], [sflag:$0x1] =	stream.indirect.gather [hbm4b:s1+s28], $0x80, s7, s28, $0xb8;
	[tilespmem:$0x1F800] =	vst v63  }
0x74: {  	p0 =	sne.s32 s5, $0xFFFFFC00;
	_ =	swait.ge [sflag:s24], $0x4000  }
0x75: {  	[sflag:s24] =	ssyncset.done $0x0  }
0x76: {  	s5 =	sadd.s32 $0x1480, s0;
	[sflag:s24] =	ssyncadd.s32 $0xFFFFC000  }
0x77: {  	[tilespmem:s29], [sflag:$0x2] =	stream.indirect.gather [hbm4b:s1+s28], $0x80, s5, s28, $0xb8;
	[tilespmem:$0x1F800] =	vst v63  }
0x78: {  	_ =	swait.ge [sflag:s30], $0x4000  }
0x79: {  	[sflag:s30] =	ssyncset.done $0x0  }
0x7a: {  	s5 =	sadd.s32 $0x3C00, s0;
	[sflag:s30] =	ssyncadd.s32 $0xFFFFC000  }
0x7b: {  	[spmem:s3] =	stream.indirect.scatter.add.f32 [tilespmem:s21], [sflag:$0x3], $0x80, s5, s28, $0xb8;
	[tilespmem:$0x1F800] =	vst v63  }
0x7c: {  	_ =	swait.ge [sflag:s25], $0x4000  }
.Ltmp0:
0x7d: {  	[sflag:s25] =	ssyncset.done $0x0;
	(pc) =	sbr.rel @p0 .LBB2_2-.Ltmp0, $4  }
0x7e: {  	s0 =	sadd.s32 $0x3C80, s0;
	[sflag:s25] =	ssyncadd.s32 $0xFFFFC000  }
0x7f: {  	[spmem:s3] =	stream.indirect.scatter.add.f32 [tilespmem:s29], [sflag:$0x4], $0x80, s0, s28, $0xb8;
	[tilespmem:$0x1F800] =	vst v63  }
0x80: {  	_ =	swait.ge [sflag:s23], $0x4000  }
0x81: {  	s5 =	smov.u32 s9;
	s0 =	sshra.s32 s8, $0x2;
	[sflag:s23] =	ssyncset.done $0x0  }
0x82: {  	s5 =	sadd.s32 $0x1400, s0;
	[sflag:s23] =	ssyncadd.s32 $0xFFFFC000  }
0x83: {  	[tilespmem:s21], [sflag:$0x1] =	stream.indirect.gather [hbm4b:s1+s28], $0x80, s5, s28, $0xb8;
	[tilespmem:$0x1F800] =	vst v63  }
0x84: {  	_ =	swait.ge [sflag:s24], $0x4000  }
0x85: {  	[sflag:s24] =	ssyncset.done $0x0  }
0x86: {  	s8 =	sadd.s32 $0x1480, s0;
	[sflag:s24] =	ssyncadd.s32 $0xFFFFC000  }
0x87: {  	[tilespmem:s29], [sflag:$0x2] =	stream.indirect.gather [hbm4b:s1+s28], $0x80, s8, s28, $0xb8;
	[tilespmem:$0x1F800] =	vst v63  }
0x88: {  	_ =	swait.ge [sflag:s30], $0x4000  }
0x89: {  	[sflag:s30] =	ssyncset.done $0x0  }
0x8a: {  	s9 =	sadd.s32 $0x3C00, s0;
	[sflag:s30] =	ssyncadd.s32 $0xFFFFC000  }
0x8b: {  	[spmem:s3] =	stream.indirect.scatter.add.f32 [tilespmem:s21], [sflag:$0x3], $0x80, s9, s28, $0xb8;
	[tilespmem:$0x1F800] =	vst v63  }
0x8c: {  	_ =	swait.ge [sflag:s25], $0x4000  }
0x8d: {  	[sflag:s25] =	ssyncset.done $0x0  }
0x8e: {  	s7 =	sadd.s32 $0x3C80, s0;
	[sflag:s25] =	ssyncadd.s32 $0xFFFFC000  }
0x8f: {  	[spmem:s3] =	stream.indirect.scatter.add.f32 [tilespmem:s29], [sflag:$0x4], $0x80, s7, s28, $0xb8;
	[tilespmem:$0x1F800] =	vst v63  }
0x90: {  	_ =	swait.ge [sflag:s23], $0x4000  }
0x91: {  	[sflag:s23] =	ssyncset.done $0x0  }
0x92: {  	[sflag:s23] =	ssyncadd.s32 $0xFFFFC000  }
0x93: {  	_ =	swait.ge [sflag:s24], $0x4000  }
0x94: {  	[sflag:s24] =	ssyncset.done $0x0  }
0x95: {  	[sflag:s24] =	ssyncadd.s32 $0xFFFFC000  }
0x96: {  	[tilespmem:s26], [sflag:$0x5] =	stream.linear.gather [hbm4b:s20+s4], $0x1400, $0x38;
	[tilespmem:$0x1F800] =	vst v63  }
0x97: {  	_ =	swait.ge [sflag:s22], $0x1400  }
0x98: {  	[sflag:s22] =	ssyncset.done $0x0  }
0x99: {  	s8 =	simm.s32 $0x1400;
	[sflag:s22] =	ssyncadd.s32 $0xFFFFEC00  }
0x9a: {  	[tilespmem:s21], [sflag:$0x1] =	stream.indirect.gather [hbm4b:s1+s28], $0x80, s8, s28, $0xb8;
	[tilespmem:$0x1F800] =	vst v63  }
0x9b: {  	s9 =	simm.s32 $0x1480  }
0x9c: {  	[tilespmem:s29], [sflag:$0x2] =	stream.indirect.gather [hbm4b:s1+s28], $0x80, s9, s28, $0xb8;
	[tilespmem:$0x1F800] =	vst v63  }
0x9d: {  	_ =	swait.ge [sflag:s30], $0x4000  }
0x9e: {  	[sflag:s30] =	ssyncset.done $0x0  }
0x9f: {  	[sflag:s30] =	ssyncadd.s32 $0xFFFFC000  }
0xa0: {  	[spmem:s3] =	stream.indirect.scatter.add.f32 [tilespmem:s21], [sflag:$0x3], $0x80, s26, s28, $0xb8;
	[tilespmem:$0x1F800] =	vst v63  }
0xa1: {  	_ =	swait.ge [sflag:s25], $0x4000  }
0xa2: {  	[sflag:s25] =	ssyncset.done $0x0  }
0xa3: {  	[sflag:s25] =	ssyncadd.s32 $0xFFFFC000  }
0xa4: {  	[spmem:s3] =	stream.indirect.scatter.add.f32 [tilespmem:s29], [sflag:$0x4], $0x80, s31, s28, $0xb8;
	[tilespmem:$0x1F800] =	vst v63  }
0xa5: {  	_ =	swait.ge [sflag:s23], $0x4000  }
0xa6: {  	[sflag:s23] =	ssyncset.done $0x0  }
0xa7: {  	s5 =	simm.s32 $0x1500;
	[sflag:s23] =	ssyncadd.s32 $0xFFFFC000  }
0xa8: {  	[tilespmem:s21], [sflag:$0x1] =	stream.indirect.gather [hbm4b:s1+s28], $0x80, s5, s28, $0xb8;
	[tilespmem:$0x1F800] =	vst v63  }
0xa9: {  	_ =	swait.ge [sflag:s24], $0x4000  }
0xaa: {  	[sflag:s24] =	ssyncset.done $0x0  }
0xab: {  	s7 =	simm.s32 $0x1580;
	[sflag:s24] =	ssyncadd.s32 $0xFFFFC000  }
0xac: {  	[tilespmem:s29], [sflag:$0x2] =	stream.indirect.gather [hbm4b:s1+s28], $0x80, s7, s28, $0xb8;
	[tilespmem:$0x1F800] =	vst v63  }
0xad: {  	_ =	swait.ge [sflag:s30], $0x4000  }
0xae: {  	[sflag:s30] =	ssyncset.done $0x0  }
0xaf: {  	s8 =	simm.s32 $0x2900;
	[sflag:s30] =	ssyncadd.s32 $0xFFFFC000  }
0xb0: {  	[spmem:s3] =	stream.indirect.scatter.add.f32 [tilespmem:s21], [sflag:$0x3], $0x80, s8, s28, $0xb8;
	[tilespmem:$0x1F800] =	vst v63  }
0xb1: {  	_ =	swait.ge [sflag:s25], $0x4000  }
0xb2: {  	[sflag:s25] =	ssyncset.done $0x0  }
0xb3: {  	s9 =	simm.s32 $0x2980;
	[sflag:s25] =	ssyncadd.s32 $0xFFFFC000  }
0xb4: {  	[spmem:s3] =	stream.indirect.scatter.add.f32 [tilespmem:s29], [sflag:$0x4], $0x80, s9, s28, $0xb8;
	[tilespmem:$0x1F800] =	vst v63  }
0xb5: {  	_ =	swait.ge [sflag:s23], $0x4000  }
0xb6: {  	s0 =	simm.s32 $0xFFFFEE00;
	s5 =	simm.s32 $0xFFFFBC00;
	[sflag:s23] =	ssyncset.done $0x0  }
.LBB2_4:
0xb7: {  	s7 =	sadd.s32 $0x2800, s0  }
0xb8: {  	[sflag:s23] =	ssyncadd.s32 $0xFFFFC000;
	s8 =	smov.u32 s5;
	s9 =	sadd.s32 $0x400, s5  }
0xb9: {  	[tilespmem:s21], [sflag:$0x1] =	stream.indirect.gather [hbm4b:s1+s28], $0x80, s7, s28, $0xb8;
	[tilespmem:$0x1F800] =	vst v63  }
0xba: {  	p0 =	sne.s32 s5, $0xFFFFFC00;
	_ =	swait.ge [sflag:s24], $0x4000  }
0xbb: {  	[sflag:s24] =	ssyncset.done $0x0  }
0xbc: {  	s5 =	sadd.s32 $0x2880, s0;
	[sflag:s24] =	ssyncadd.s32 $0xFFFFC000  }
0xbd: {  	[tilespmem:s29], [sflag:$0x2] =	stream.indirect.gather [hbm4b:s1+s28], $0x80, s5, s28, $0xb8;
	[tilespmem:$0x1F800] =	vst v63  }
0xbe: {  	_ =	swait.ge [sflag:s30], $0x4000  }
0xbf: {  	[sflag:s30] =	ssyncset.done $0x0  }
0xc0: {  	s5 =	sadd.s32 $0x3C00, s0;
	[sflag:s30] =	ssyncadd.s32 $0xFFFFC000  }
0xc1: {  	[spmem:s3] =	stream.indirect.scatter.add.f32 [tilespmem:s21], [sflag:$0x3], $0x80, s5, s28, $0xb8;
	[tilespmem:$0x1F800] =	vst v63  }
0xc2: {  	_ =	swait.ge [sflag:s25], $0x4000  }
.Ltmp1:
0xc3: {  	[sflag:s25] =	ssyncset.done $0x0;
	(pc) =	sbr.rel @p0 .LBB2_4-.Ltmp1, $4  }
0xc4: {  	s0 =	sadd.s32 $0x3C80, s0;
	[sflag:s25] =	ssyncadd.s32 $0xFFFFC000  }
0xc5: {  	[spmem:s3] =	stream.indirect.scatter.add.f32 [tilespmem:s29], [sflag:$0x4], $0x80, s0, s28, $0xb8;
	[tilespmem:$0x1F800] =	vst v63  }
0xc6: {  	_ =	swait.ge [sflag:s23], $0x4000  }
0xc7: {  	s5 =	smov.u32 s9;
	s0 =	sshra.s32 s8, $0x2;
	[sflag:s23] =	ssyncset.done $0x0  }
0xc8: {  	s5 =	sadd.s32 $0x2800, s0;
	[sflag:s23] =	ssyncadd.s32 $0xFFFFC000  }
0xc9: {  	[tilespmem:s21], [sflag:$0x1] =	stream.indirect.gather [hbm4b:s1+s28], $0x80, s5, s28, $0xb8;
	[tilespmem:$0x1F800] =	vst v63  }
0xca: {  	_ =	swait.ge [sflag:s24], $0x4000  }
0xcb: {  	[sflag:s24] =	ssyncset.done $0x0  }
0xcc: {  	s8 =	sadd.s32 $0x2880, s0;
	[sflag:s24] =	ssyncadd.s32 $0xFFFFC000  }
0xcd: {  	[tilespmem:s29], [sflag:$0x2] =	stream.indirect.gather [hbm4b:s1+s28], $0x80, s8, s28, $0xb8;
	[tilespmem:$0x1F800] =	vst v63  }
0xce: {  	_ =	swait.ge [sflag:s30], $0x4000  }
0xcf: {  	[sflag:s30] =	ssyncset.done $0x0  }
0xd0: {  	s9 =	sadd.s32 $0x3C00, s0;
	[sflag:s30] =	ssyncadd.s32 $0xFFFFC000  }
0xd1: {  	[spmem:s3] =	stream.indirect.scatter.add.f32 [tilespmem:s21], [sflag:$0x3], $0x80, s9, s28, $0xb8;
	[tilespmem:$0x1F800] =	vst v63  }
0xd2: {  	_ =	swait.ge [sflag:s25], $0x4000  }
0xd3: {  	[sflag:s25] =	ssyncset.done $0x0  }
0xd4: {  	s7 =	sadd.s32 $0x3C80, s0;
	[sflag:s25] =	ssyncadd.s32 $0xFFFFC000  }
0xd5: {  	[spmem:s3] =	stream.indirect.scatter.add.f32 [tilespmem:s29], [sflag:$0x4], $0x80, s7, s28, $0xb8;
	[tilespmem:$0x1F800] =	vst v63  }
0xd6: {  	_ =	swait.ge [sflag:s23], $0x4000  }
0xd7: {  	[sflag:s23] =	ssyncset.done $0x0  }
0xd8: {  	[sflag:s23] =	ssyncadd.s32 $0xFFFFC000  }
0xd9: {  	_ =	swait.ge [sflag:s24], $0x4000  }
0xda: {  	s8 =	stileid.u32;
	[sflag:s24] =	ssyncset.done $0x0  }
0xdb: {  	s2 =	sadd.s32 $0x1, s2;
	s0 =	sshll.u32 s8, $0x6;
	[sflag:s24] =	ssyncadd.s32 $0xFFFFC000  }
0xdc: {  	p0 =	sne.s32 s2, s10;
	s0 =	sor.u32 $0x1C05, s0;
	[bflag:$0x0] =	sbarrier.arrive $0xFFFF  }
.Ltmp2:
0xdd: {  	s9 =	sshrl.u32 s6, $0x3;
	s7 =	rddreg [dreg:$0x7];
	(pc) =	sbr.rel @p0 .LBB2_1-.Ltmp2, $4  }
0xde: {  	[hbm:s7], [sflag:s0] =	dma.local [spmem:s9], $0x2780  }
0xdf: {  	_ =	swait.ge [sflag:s22], $0x2780  }
0xe0: {  	[sflag:s22] =	ssyncset.done $0x0  }
0xe1: {  	[sflag:s22] =	ssyncadd.s32 $0xFFFFD880  }
0xe2: {  	_ =	sfence.sel $0x180000  }
0xe3: {  	[bflag:$0x0] =	sbarrier.arrive $0xFFFF  }
0xe4: {  	_ =	strace $0x90000050  }
0xe5: {  	s0 =	stileid.u32;
	[bflag:$0x2] =	sbarrier.arrive $0xFFFF  }
0xe6: {  	p0 =	sne.s32 s0, $0x0;
	s0 =	rddreg [dreg:$0x3]  }
0xe7: {  	s0 =	sadd.s32 @!p0 $0x100000, s0  }
0xe8: {  	[sflag:s0] =	ssyncadd.tile.s32 @!p0 $0x1;
	_ =	shalt  }
.Lfunc_end2:
_tile_overlayer_lowered:
.L_overlay_start_2:
0xe9: {  	(tag) =	ssettag $0x2  }
0xea: {  	s0 =	rddreg [dreg:$0x0];
	s2 =	stileid.u32  }
0xeb: {  	s1 =	rddreg [dreg:$0x1];
	p0 =	sne.s32 s2, $0x0  }
0xec: {  	s3 =	rddreg [dreg:$0x2];
	[bflag:$0x3] =	sbarrier.arrive $0xFFFF;
	s2 =	simm.s32 @!p0 $0x1C05  }
0xed: {  	[timem:s3], [sflag:s2] =	dma.local @!p0 [hbm:s0], s1  }
0xee: {  	s0 =	simm.s32 @!p0 $0x5  }
0xef: {  	_ =	swait.ge @!p0 [sflag:s0], s1  }
0xf0: {  	s1 =	ssub.s32 @!p0 $0x0, s1;
	[sflag:s0] =	ssyncset.done @!p0 $0x0  }
0xf1: {  	[sflag:s0] =	ssyncadd.s32 @!p0 s1  }
0xf2: {  	[bflag:$0x3] =	sbarrier.arrive $0xFFFF  }
0xf3: {  	_ =	shalt  }

// kernel: kernel.24.cloned.1.call-start
scs
__scs_entry_jumppad:
0x0: {  	(pc) =	sbr.rel $0x88, $3  }
0x1: {  	(tag) =	ssettag $0x0;
	lr =	simm.s32 $0x1  }
0x2: {  	[smem:$0x3F93] =	sst lr;
	_ =	strace $0xD0000000  }
0x3: {  	_ = 	snop  }
0x4: {  	_ = 	snop  }
0x5: {  	_ = 	snop  }
0x6: {  	_ = 	snop  }
0x7: {  	_ = 	snop  }
__scs_overlays_trampoline_lowered:
0x8: {  	[smem:$0x3FA2] =	sst s0  }
0x9: {  	[smem:$0x3FA3] =	sst s1  }
0xa: {  	[smem:$0x3FA4] =	sst s2  }
0xb: {  	[smem:$0x3FA5] =	sst s3  }
0xc: {  	[smem:$0x3FA6] =	sst s4  }
0xd: {  	[smem:$0x3FA7] =	sst s5  }
0xe: {  	[smem:$0x3FA8] =	sst s6  }
0xf: {  	[smem:$0x3FA9] =	sst s7  }
0x10: {  	[smem:$0x3FAA] =	sst s8  }
0x11: {  	[smem:$0x3FAB] =	sst s9;
	s0 =	simm.s32 @!p0 $0x0  }
0x12: {  	s1 =	sld [smem:$0x3F91];
	s0 =	simm.s32 @p0 $0x1  }
0x13: {  	[smem:$0x3FAC] =	sst s0;
	s0 =	simm.s32 @!p1 $0x0  }
0x14: {  	s2 =	sld [smem:$0x3F90];
	s0 =	simm.s32 @p1 $0x1  }
0x15: {  	[smem:$0x3FAD] =	sst s0;
	s0 =	simm.s32 @!p2 $0x0  }
0x16: {  	s3 =	sld [smem:$0x3FDB];
	s0 =	simm.s32 @p2 $0x1  }
0x17: {  	s4 =	simm.s32 $0x1BF5;
	[smem:$0x3FAF] =	sst s0  }
0x18: {  	s0 =	sld [smem:$0x3F92];
	_ =	swait.ge [sflag:s4], $0x0  }
0x19: {  	s7 =	sld [smem:$0x3F93]  }
0x1a: {  	s8 =	sadd.s32 $0xFFFFE003, lr  }
0x1b: {  	s9 =	sadd.s32 $0xFFFFFEF7, lr;
	s5 =	simm.s32 $0xFFFFFFFF;
	p2 =	slt.u32 s8, $0xFFFFF086  }
0x1c: {  	p1 =	slt.u32 s9, $0xF7A;
	s5 =	simm.s32 @!p2 $0x0  }
0x1d: {  	s5 =	simm.s32 @p1 $0x1;
	p0 =	seq.s32 s7, s2  }
0x1e: {  	s7 =	smul.u32 @!p0 $0xF7A, s2;
	p2 =	seq.s32 @!p0 s5, $0x0  }
0x1f: {  	s9 =	smul.u32 $0xF7A, s1;
	s8 =	simm.s32 @!p0 $0x1BF5;
	p2 =	por !p2, p0  }
0x20: {  	[sflag:s8] =	ssyncset.s32 @!p0 $0xFFFFF086;
	s6 =	sadd.s32 @!p0 s3, s7;
	s7 =	simm.s32 @!p0 $0x108  }
0x21: {  	s3 =	sadd.s32 s3, s9;
	s6 =	sadd.s32 @!p0 $0x88, s6;
	s7 =	simm.s32 @p2 $0x1082  }
0x22: {  	[simem:s7], [sflag:s8] =	dma.local @!p0 [hbm:s6], $0xF7A  }
0x23: {  	s9 =	sor.u32 $0xD0000000, s2;
	s6 =	simm.s32 $0x108;
	_ =	swait.ge @!p0 [sflag:s8], $0x0  }
0x24: {  	s3 =	sadd.s32 $0x88, s3;
	s6 =	simm.s32 @!p1 $0x1082;
	[sflag:s4] =	ssyncset.s32 $0xFFFFF086  }
0x25: {  	[simem:s6], [sflag:s4] =	dma.local [hbm:s3], $0xF7A  }
0x26: {  	[smem:$0x3F93] =	sst s1;
	(tag) =	ssettag s2;
	_ =	strace s9  }
0x27: {  	s1 =	sld [smem:$0x3FA3]  }
0x28: {  	s2 =	sld [smem:$0x3FA4]  }
0x29: {  	s4 =	sld [smem:$0x3FA6]  }
0x2a: {  	p0 =	seq.s32 s5, $0x0;
	s5 =	sld [smem:$0x3FA7]  }
0x2b: {  	s6 =	sld [smem:$0x3FA8]  }
0x2c: {  	s7 =	sld [smem:$0x3FA9]  }
0x2d: {  	s3 =	simm.s32 $0x108;
	s8 =	sld [smem:$0x3FAA]  }
0x2e: {  	s3 =	simm.s32 @!p0 $0x1082;
	s9 =	sld [smem:$0x3FAB]  }
0x2f: {  	lr =	sadd.s32 s0, s3;
	s0 =	sld [smem:$0x3FA2]  }
0x30: {  	s3 =	sld [smem:$0x3FA5]  }
0x31: {  	[smem:$0x3FAE] =	sst s10  }
0x32: {  	s10 =	sld [smem:$0x3FAC];
	_ =	sdelay $0x3  }
0x33: {  	p0 =	seq.s32 s10, $0x1;
	s10 =	sld [smem:$0x3FAE];
	_ =	sdelay $0x3  }
0x34: {  	[smem:$0x3FAE] =	sst s10  }
0x35: {  	s10 =	sld [smem:$0x3FAD];
	_ =	sdelay $0x3  }
0x36: {  	p1 =	seq.s32 s10, $0x1;
	s10 =	sld [smem:$0x3FAE];
	_ =	sdelay $0x3  }
0x37: {  	[smem:$0x3FAE] =	sst s10  }
0x38: {  	s10 =	sld [smem:$0x3FAF]  }
0x39: {  	_ = 	snop;
	(pc) =	sbr.ind lr, $3  }
0x3a: {  	_ = 	snop  }
0x3b: {  	_ = 	snop  }
0x3c: {  	p2 =	seq.s32 s10, $0x1;
	s10 =	sld [smem:$0x3FAE]  }
0x3d: {  	_ =	shalt  }
0x3e: {  	_ =	shalt  }
0x3f: {  	_ =	shalt  }
0x40: {  	_ =	shalt  }
0x41: {  	_ =	shalt  }
0x42: {  	_ =	shalt  }
0x43: {  	_ =	shalt  }
0x44: {  	_ =	shalt  }
0x45: {  	_ =	shalt  }
0x46: {  	_ =	shalt  }
0x47: {  	_ =	shalt  }
0x48: {  	_ =	shalt  }
0x49: {  	_ =	shalt  }
0x4a: {  	_ =	shalt  }
0x4b: {  	_ =	shalt  }
0x4c: {  	_ =	shalt  }
0x4d: {  	_ =	shalt  }
0x4e: {  	_ =	shalt  }
0x4f: {  	_ =	shalt  }
0x50: {  	_ =	shalt  }
0x51: {  	_ =	shalt  }
0x52: {  	_ =	shalt  }
0x53: {  	_ =	shalt  }
0x54: {  	_ =	shalt  }
0x55: {  	_ =	shalt  }
0x56: {  	_ =	shalt  }
0x57: {  	_ =	shalt  }
0x58: {  	_ =	shalt  }
0x59: {  	_ =	shalt  }
0x5a: {  	_ =	shalt  }
0x5b: {  	_ =	shalt  }
0x5c: {  	_ =	shalt  }
0x5d: {  	_ =	shalt  }
0x5e: {  	_ =	shalt  }
0x5f: {  	_ =	shalt  }
0x60: {  	_ =	shalt  }
0x61: {  	_ =	shalt  }
0x62: {  	_ =	shalt  }
0x63: {  	_ =	shalt  }
0x64: {  	_ =	shalt  }
0x65: {  	_ =	shalt  }
0x66: {  	_ =	shalt  }
0x67: {  	_ =	shalt  }
0x68: {  	_ =	shalt  }
0x69: {  	_ =	shalt  }
0x6a: {  	_ =	shalt  }
0x6b: {  	_ =	shalt  }
0x6c: {  	_ =	shalt  }
0x6d: {  	_ =	shalt  }
0x6e: {  	_ =	shalt  }
0x6f: {  	_ =	shalt  }
0x70: {  	_ =	shalt  }
0x71: {  	_ =	shalt  }
0x72: {  	_ =	shalt  }
0x73: {  	_ =	shalt  }
0x74: {  	_ =	shalt  }
0x75: {  	_ =	shalt  }
0x76: {  	_ =	shalt  }
0x77: {  	_ =	shalt  }
0x78: {  	_ =	shalt  }
0x79: {  	_ =	shalt  }
0x7a: {  	_ =	shalt  }
0x7b: {  	_ =	shalt  }
0x7c: {  	_ =	shalt  }
0x7d: {  	_ =	shalt  }
0x7e: {  	_ =	shalt  }
0x7f: {  	_ =	shalt  }
0x80: {  	_ =	shalt  }
0x81: {  	_ =	shalt  }
0x82: {  	_ =	shalt  }
0x83: {  	_ =	shalt  }
0x84: {  	_ =	shalt  }
0x85: {  	_ =	shalt  }
0x86: {  	_ =	shalt  }
0x87: {  	_ =	shalt  }
.Lfunc_end0:
.L_simem_size_0:
called_computation.4_lowered:
.L_overlay_start_0:
0x88: {  	s2 =	sld [smem:$0x3FD9]  }
0x89: {  	s3 =	sld [smem:$0x3FFE];
	_ =	sdelay $0x1  }
0x8a: {  	s1 =	srdreg.scid  }
0x8b: {  	s0 =	sand.u32 $0x1, s1  }
0x8c: {  	s17 =	sshll.u32 s0, $0xA;
	s2 =	sadd.s32 s3, s2  }
0x8d: {  	s2 =	sadd.s32 s2, s17  }
0x8e: {  	[smem:$0x3FBA] =	sst s2  }
0x8f: {  	_ = 	snop  }
0x90: {  	s2 =	sld [smem:$0x3FD0];
	(tm) =	ssettm $0x1  }
0x91: {  	s18 =	sld [smem:$0x3FFB];
	_ =	sdelay $0x3  }
0x92: {  	_ =	strace s18  }
0x93: {  	s3 =	sld [smem:$0x3FFC];
	_ =	sdelay $0x3  }
0x94: {  	_ =	strace s3  }
0x95: {  	s3 =	sld [smem:$0x3FFD];
	_ =	sdelay $0x3  }
0x96: {  	_ =	strace s3  }
0x97: {  	_ =	strace $0x8FFFFFFF  }
0x98: {  	s19 =	sld [smem:$0x3FDB];
	_ =	sdelay $0x1  }
0x99: {  	s4 =	simm.s32 $_scs_section_size  }
0x9a: {  	s5 =	simm.s32 $_size__tile_overlayer_lowered;
	s6 =	simm.s32 $_tile_overlayer_lowered  }
0x9b: {  	s22 =	simm.s32 $0x1BFF;
	s21 =	sshll.u32 s6, $0x1;
	s3 =	sadd.s32 s4, s19  }
0x9c: {  	s7 =	simm.s32 $0x0;
	s20 =	sshll.u32 s5, $0x1;
	s5 =	sadd.s32 s21, s3  }
0x9d: {  	[timem:s7], [sflag:s22] =	dma.local [hbm:s5], s20  }
0x9e: {  	_ =	swait.ge [sflag:s22], s20  }
0x9f: {  	s4 =	ssub.s32 $0x0, s20;
	[sflag:s22] =	ssyncset.done $0x0  }
0xa0: {  	[sflag:s22] =	ssyncadd.s32 s4;
	_ =	sdelay $0x1  }
0xa1: {  	s23 =	simm.s32 $0x1B8B  }
0xa2: {  	_ =	swait.ge [sflag:s23], $0x1  }
0xa3: {  	[sflag:s23] =	ssyncset.done $0x0  }
0xa4: {  	s25 =	simm.s32 $0x1B8E;
	s24 =	sld [smem:$0x3FFE];
	[sflag:s23] =	ssyncadd.s32 $0xFFFFFFFF  }
0xa5: {  	s26 =	simm.s32 $execute0_lowered;
	[smem:$0x3FD2] =	sst s25  }
0xa6: {  	s5 =	sshll.u32 s26, $0x1;
	_ =	strace $0x80000052;
	[dreg:$0x1] =	wrdreg $0xFFFFFFFF  }
0xa7: {  	s28 =	simm.s32 $_size_execute0_lowered;
	s3 =	sadd.s32 s3, s5;
	[dreg:$0x0] =	wrdreg $0x0  }
0xa8: {  	s5 =	sshll.u32 s28, $0x1;
	[dreg:$0x2] =	wrdreg s3  }
0xa9: {  	[dreg:$0x3] =	wrdreg s5  }
0xaa: {  	[dreg:$0x4] =	wrdreg $0xC0  }
0xab: {  	_ =	task [dreg:s7], $0x5FFFF  }
0xac: {  	[dreg:$0x1] =	wrdreg $0xFFFFFFFF  }
0xad: {  	[dreg:$0x0] =	wrdreg $0x60  }
0xae: {  	[dreg:$0x2] =	wrdreg s2  }
0xaf: {  	[dreg:$0x3] =	wrdreg s24  }
0xb0: {  	[dreg:$0x4] =	wrdreg $0xBC000  }
0xb1: {  	[dreg:$0x5] =	wrdreg $0x9  }
0xb2: {  	_ =	task.clear_ibuf [dreg:s7], $0x6FFFF;
	_ =	strace $0x90000052  }
0xb3: {  	s29 =	simm.s32 $0x9;
	_ =	strace $0x80000054  }
0xb4: {  	_ =	swait.ge [sflag:s29], $0x1  }
0xb5: {  	[sflag:s29] =	ssyncadd.s32 $0xFFFFFFFF  }
0xb6: {  	_ =	strace $0x90000054  }
0xb7: {  	_ =	sfence  }
0xb8: {  	s30 =	sld [smem:$0x0];
	_ =	sdelay $0x2  }
0xb9: {  	s31 =	sshll.u32 s1, $0xD;
	s1 =	sshrl.u32 s1, $0x2  }
0xba: {  	s3 =	sand.u32 $0x4000, s31;
	s1 =	sadd.s32 s1, s30  }
0xbb: {  	s0 =	sor.u32 s3, s0;
	s1 =	sshll.u32 s1, $0x11  }
0xbc: {  	s0 =	sor.u32 s1, s0  }
0xbd: {  	s0 =	sadd.s32 $0x8F2B, s0  }
0xbe: {  	[sflag:s0] =	ssyncadd.remote.s32 $0x1  }
0xbf: {  	_ =	sfence.sel $0xFFFF  }
0xc0: {  	[dreg:$0x0] =	wrdreg $0xFFFFFFFF;
	(pc) =	sbr.abs _section_cstart, $3  }
0xc1: {  	[dreg:$0x1] =	wrdreg $0xFFFFFFFF  }
0xc2: {  	_ =	task.clear_ibuf [dreg:s7], $0x2FFFF;
	_ =	strace $0x9FFFFFFF  }
0xc3: {  	(tm) =	ssettm $0x7FFFFFFF  }
tec
execute0_lowered:
.L_overlay_start_1:
0x0: {  	(tag) =	ssettag $0x1  }
0x1: {  	s0 =	srdreg.scid;
	s1 =	rddreg [dreg:$0x0]  }
0x2: {  	s8 =	stileid.u32;
	s5 =	rddreg [dreg:$0x1]  }
0x3: {  	s3 =	rddreg [dreg:$0x2];
	s4 =	simm.s32 $0x0;
	s21 =	simm.s32 $0x3C00  }
0x4: {  	s22 =	simm.s32 $0x5;
	s23 =	simm.s32 $0x3;
	s28 =	simm.s32 $0x80  }
0x5: {  	s29 =	simm.s32 $0x7C00;
	s30 =	simm.s32 $0x1;
	s31 =	simm.s32 $0x2880  }
0x6: {  	s0 =	sand.u32 $0x1, s0;
	[smem:$0x7FF] =	sst s4;
	s7 =	smul.u32 $0x13C00, s8  }
0x7: {  	s9 =	sadd.s32 $0x17600, s5;
	s2 =	sshll.u32 s0, $0x4;
	s6 =	smul.u32 $0x13C000, s0  }
0x8: {  	_ =	strace $0x80000053;
	s0 =	ssub.s32 $0x2, s0;
	s2 =	sor.u32 s8, s2  }
0x9: {  	[dreg:$0x4] =	wrdreg s9;
	s24 =	sshrl.u32 s0, $0x1;
	s2 =	smul.u32 $0x2800, s2  }
0xa: {  	s8 =	smul.u32 $0x4F000, s8;
	s6 =	sadd.s32 s7, s6;
	s0 =	ssub.s32 s0, s24  }
0xb: {  	s24 =	simm.s32 $0x4;
	s6 =	sshrl.u32 s6, $0x3;
	s2 =	sshrl.u32 s2, $0x3  }
0xc: {  	s8 =	sshrl.u32 s8, $0x2;
	s10 =	smax.u32 s0, $0x1;
	s2 =	sadd.s32 s2, s5  }
0xd: {  	s5 =	sadd.s32 s6, s5;
	s6 =	sadd.s32 s8, s3;
	s25 =	sadd.s32 $0xD600, s2  }
0xe: {  	s26 =	sadd.s32 $0x12000, s6;
	s5 =	sadd.s32 $0x17A00, s5;
	s11 =	sadd.s32 $0x2000, s6  }
0xf: {  	s12 =	sadd.s32 $0x4000, s6;
	s13 =	sadd.s32 $0x6000, s6;
	s14 =	sadd.s32 $0x8000, s6  }
0x10: {  	s15 =	sadd.s32 $0xA000, s6;
	s16 =	sadd.s32 $0xC000, s6;
	s17 =	sadd.s32 $0xE000, s6  }
0x11: {  	s18 =	sadd.s32 $0x10000, s6;
	s19 =	sadd.s32 $0x3600, s2;
	[dreg:$0x5] =	wrdreg s25  }
0x12: {  	s20 =	sadd.s32 $0x3880, s2;
	s2 =	simm.s32 $0x0;
	[dreg:$0x6] =	wrdreg s26  }
0x13: {  	[dreg:$0x7] =	wrdreg s5;
	s25 =	simm.s32 $0x2;
	s26 =	simm.s32 $0x2800  }
.LBB2_1:
0x14: {  	s0 =	rddreg [dreg:$0x5]  }
0x15: {  	[tilespmem:s4], [sflag:$0x2] =	stream.linear.gather [hbm4b:s0+s4], $0x2800, $0x38;
	[tilespmem:$0x1F800] =	vst v63  }
0x16: {  	s8 =	rddreg [dreg:$0x4]  }
0x17: {  	[tilespmem:s21], [sflag:$0x5] =	stream.linear.gather [hbm4b:s8+s4], $0x2000, $0x38;
	[tilespmem:$0x1F800] =	vst v63  }
0x18: {  	_ =	swait.ge [sflag:s22], $0x2000  }
0x19: {  	[sflag:s22] =	ssyncset.done $0x0  }
0x1a: {  	[sflag:s22] =	ssyncadd.s32 $0xFFFFE000  }
0x1b: {  	[spmem:s6] =	stream.linear.scatter [tilespmem:s21], [sflag:$0x3], $0x2000, $0x38;
	[tilespmem:$0x1F800] =	vst v63  }
0x1c: {  	_ = 	snop  }
0x1d: {  	[spmem:s11] =	stream.linear.scatter [tilespmem:s21], [sflag:$0x3], $0x2000, $0x38;
	[tilespmem:$0x1F800] =	vst v63  }
0x1e: {  	_ = 	snop  }
0x1f: {  	[spmem:s12] =	stream.linear.scatter [tilespmem:s21], [sflag:$0x3], $0x2000, $0x38;
	[tilespmem:$0x1F800] =	vst v63  }
0x20: {  	_ = 	snop  }
0x21: {  	[spmem:s13] =	stream.linear.scatter [tilespmem:s21], [sflag:$0x3], $0x2000, $0x38;
	[tilespmem:$0x1F800] =	vst v63  }
0x22: {  	_ = 	snop  }
0x23: {  	[spmem:s14] =	stream.linear.scatter [tilespmem:s21], [sflag:$0x3], $0x2000, $0x38;
	[tilespmem:$0x1F800] =	vst v63  }
0x24: {  	_ = 	snop  }
0x25: {  	[spmem:s15] =	stream.linear.scatter [tilespmem:s21], [sflag:$0x3], $0x2000, $0x38;
	[tilespmem:$0x1F800] =	vst v63  }
0x26: {  	_ = 	snop  }
0x27: {  	[spmem:s16] =	stream.linear.scatter [tilespmem:s21], [sflag:$0x3], $0x2000, $0x38;
	[tilespmem:$0x1F800] =	vst v63  }
0x28: {  	_ = 	snop  }
0x29: {  	[spmem:s17] =	stream.linear.scatter [tilespmem:s21], [sflag:$0x3], $0x2000, $0x38;
	[tilespmem:$0x1F800] =	vst v63  }
0x2a: {  	_ = 	snop  }
0x2b: {  	[spmem:s18] =	stream.linear.scatter [tilespmem:s21], [sflag:$0x3], $0x2000, $0x38;
	[tilespmem:$0x1F800] =	vst v63  }
0x2c: {  	s9 =	rddreg [dreg:$0x6]  }
0x2d: {  	[spmem:s9] =	stream.linear.scatter [tilespmem:s21], [sflag:$0x4], $0x1C00, $0x38;
	[tilespmem:$0x1F800] =	vst v63  }
0x2e: {  	_ =	swait.ge [sflag:s23], $0x2000  }
0x2f: {  	[sflag:s23] =	ssyncset.done $0x0  }
0x30: {  	[sflag:s23] =	ssyncadd.s32 $0xFFFFE000  }
0x31: {  	_ =	swait.ge [sflag:s23], $0x2000  }
0x32: {  	[sflag:s23] =	ssyncset.done $0x0  }
0x33: {  	[sflag:s23] =	ssyncadd.s32 $0xFFFFE000  }
0x34: {  	_ =	swait.ge [sflag:s23], $0x2000  }
0x35: {  	[sflag:s23] =	ssyncset.done $0x0  }
0x36: {  	[sflag:s23] =	ssyncadd.s32 $0xFFFFE000  }
0x37: {  	_ =	swait.ge [sflag:s23], $0x2000  }
0x38: {  	[sflag:s23] =	ssyncset.done $0x0  }
0x39: {  	[sflag:s23] =	ssyncadd.s32 $0xFFFFE000  }
0x3a: {  	_ =	swait.ge [sflag:s23], $0x2000  }
0x3b: {  	[sflag:s23] =	ssyncset.done $0x0  }
0x3c: {  	[sflag:s23] =	ssyncadd.s32 $0xFFFFE000  }
0x3d: {  	_ =	swait.ge [sflag:s23], $0x2000  }
0x3e: {  	[sflag:s23] =	ssyncset.done $0x0  }
0x3f: {  	[sflag:s23] =	ssyncadd.s32 $0xFFFFE000  }
0x40: {  	_ =	swait.ge [sflag:s23], $0x2000  }
0x41: {  	[sflag:s23] =	ssyncset.done $0x0  }
0x42: {  	[sflag:s23] =	ssyncadd.s32 $0xFFFFE000  }
0x43: {  	_ =	swait.ge [sflag:s23], $0x2000  }
0x44: {  	[sflag:s23] =	ssyncset.done $0x0  }
0x45: {  	[sflag:s23] =	ssyncadd.s32 $0xFFFFE000  }
0x46: {  	_ =	swait.ge [sflag:s23], $0x2000  }
0x47: {  	[sflag:s23] =	ssyncset.done $0x0  }
0x48: {  	[sflag:s23] =	ssyncadd.s32 $0xFFFFE000  }
0x49: {  	_ =	swait.ge [sflag:s24], $0x1C00  }
0x4a: {  	[sflag:s24] =	ssyncset.done $0x0  }
0x4b: {  	[sflag:s24] =	ssyncadd.s32 $0xFFFFE400  }
0x4c: {  	_ =	swait.ge [sflag:s25], $0x2800  }
0x4d: {  	[sflag:s25] =	ssyncset.done $0x0  }
0x4e: {  	[sflag:s25] =	ssyncadd.s32 $0xFFFFD800  }
0x4f: {  	[bflag:$0x0] =	sbarrier.arrive $0xFFFF  }
0x50: {  	[tilespmem:s26], [sflag:$0x5] =	stream.linear.gather [hbm4b:s19+s4], $0x1400, $0x38;
	[tilespmem:$0x1F800] =	vst v63  }
0x51: {  	_ =	swait.ge [sflag:s22], $0x1400  }
0x52: {  	[sflag:s22] =	ssyncset.done $0x0  }
0x53: {  	[sflag:s22] =	ssyncadd.s32 $0xFFFFEC00  }
0x54: {  	[tilespmem:s21], [sflag:$0x1] =	stream.indirect.gather [hbm4b:s1+s28], $0x80, s4, s28, $0xb8;
	[tilespmem:$0x1F800] =	vst v63  }
0x55: {  	_ = 	snop  }
0x56: {  	[tilespmem:s29], [sflag:$0x2] =	stream.indirect.gather [hbm4b:s1+s28], $0x80, s28, s28, $0xb8;
	[tilespmem:$0x1F800] =	vst v63  }
0x57: {  	_ =	swait.ge [sflag:s30], $0x4000  }
0x58: {  	[sflag:s30] =	ssyncset.done $0x0  }
0x59: {  	[sflag:s30] =	ssyncadd.s32 $0xFFFFC000  }
0x5a: {  	[spmem:s3] =	stream.indirect.scatter.add.f32 [tilespmem:s21], [sflag:$0x3], $0x80, s26, s28, $0xb8;
	[tilespmem:$0x1F800] =	vst v63  }
0x5b: {  	_ =	swait.ge [sflag:s25], $0x4000  }
0x5c: {  	[sflag:s25] =	ssyncset.done $0x0  }
0x5d: {  	[sflag:s25] =	ssyncadd.s32 $0xFFFFC000  }
0x5e: {  	[spmem:s3] =	stream.indirect.scatter.add.f32 [tilespmem:s29], [sflag:$0x4], $0x80, s31, s28, $0xb8;
	[tilespmem:$0x1F800] =	vst v63  }
0x5f: {  	_ =	swait.ge [sflag:s23], $0x4000  }
0x60: {  	[sflag:s23] =	ssyncset.done $0x0  }
0x61: {  	s5 =	simm.s32 $0x100;
	[sflag:s23] =	ssyncadd.s32 $0xFFFFC000  }
0x62: {  	[tilespmem:s21], [sflag:$0x1] =	stream.indirect.gather [hbm4b:s1+s28], $0x80, s5, s28, $0xb8;
	[tilespmem:$0x1F800] =	vst v63  }
0x63: {  	_ =	swait.ge [sflag:s24], $0x4000  }
0x64: {  	[sflag:s24] =	ssyncset.done $0x0  }
0x65: {  	s7 =	simm.s32 $0x180;
	[sflag:s24] =	ssyncadd.s32 $0xFFFFC000  }
0x66: {  	[tilespmem:s29], [sflag:$0x2] =	stream.indirect.gather [hbm4b:s1+s28], $0x80, s7, s28, $0xb8;
	[tilespmem:$0x1F800] =	vst v63  }
0x67: {  	_ =	swait.ge [sflag:s30], $0x4000  }
0x68: {  	[sflag:s30] =	ssyncset.done $0x0  }
0x69: {  	s8 =	simm.s32 $0x2900;
	[sflag:s30] =	ssyncadd.s32 $0xFFFFC000  }
0x6a: {  	[spmem:s3] =	stream.indirect.scatter.add.f32 [tilespmem:s21], [sflag:$0x3], $0x80, s8, s28, $0xb8;
	[tilespmem:$0x1F800] =	vst v63  }
0x6b: {  	_ =	swait.ge [sflag:s25], $0x4000  }
0x6c: {  	[sflag:s25] =	ssyncset.done $0x0  }
0x6d: {  	s9 =	simm.s32 $0x2980;
	[sflag:s25] =	ssyncadd.s32 $0xFFFFC000  }
0x6e: {  	[spmem:s3] =	stream.indirect.scatter.add.f32 [tilespmem:s29], [sflag:$0x4], $0x80, s9, s28, $0xb8;
	[tilespmem:$0x1F800] =	vst v63  }
0x6f: {  	_ =	swait.ge [sflag:s23], $0x4000  }
0x70: {  	s0 =	simm.s32 $0xFFFFEE00;
	s5 =	simm.s32 $0xFFFFBC00;
	[sflag:s23] =	ssyncset.done $0x0  }
.LBB2_2:
0x71: {  	s7 =	sadd.s32 $0x1400, s0  }
0x72: {  	[sflag:s23] =	ssyncadd.s32 $0xFFFFC000;
	s8 =	smov.u32 s5;
	s9 =	sadd.s32 $0x400, s5  }
0x73: {  	[tilespmem:s21], [sflag:$0x1] =	stream.indirect.gather [hbm4b:s1+s28], $0x80, s7, s28, $0xb8;
	[tilespmem:$0x1F800] =	vst v63  }
0x74: {  	p0 =	sne.s32 s5, $0xFFFFFC00;
	_ =	swait.ge [sflag:s24], $0x4000  }
0x75: {  	[sflag:s24] =	ssyncset.done $0x0  }
0x76: {  	s5 =	sadd.s32 $0x1480, s0;
	[sflag:s24] =	ssyncadd.s32 $0xFFFFC000  }
0x77: {  	[tilespmem:s29], [sflag:$0x2] =	stream.indirect.gather [hbm4b:s1+s28], $0x80, s5, s28, $0xb8;
	[tilespmem:$0x1F800] =	vst v63  }
0x78: {  	_ =	swait.ge [sflag:s30], $0x4000  }
0x79: {  	[sflag:s30] =	ssyncset.done $0x0  }
0x7a: {  	s5 =	sadd.s32 $0x3C00, s0;
	[sflag:s30] =	ssyncadd.s32 $0xFFFFC000  }
0x7b: {  	[spmem:s3] =	stream.indirect.scatter.add.f32 [tilespmem:s21], [sflag:$0x3], $0x80, s5, s28, $0xb8;
	[tilespmem:$0x1F800] =	vst v63  }
0x7c: {  	_ =	swait.ge [sflag:s25], $0x4000  }
.Ltmp0:
0x7d: {  	[sflag:s25] =	ssyncset.done $0x0;
	(pc) =	sbr.rel @p0 .LBB2_2-.Ltmp0, $4  }
0x7e: {  	s0 =	sadd.s32 $0x3C80, s0;
	[sflag:s25] =	ssyncadd.s32 $0xFFFFC000  }
0x7f: {  	[spmem:s3] =	stream.indirect.scatter.add.f32 [tilespmem:s29], [sflag:$0x4], $0x80, s0, s28, $0xb8;
	[tilespmem:$0x1F800] =	vst v63  }
0x80: {  	_ =	swait.ge [sflag:s23], $0x4000  }
0x81: {  	s5 =	smov.u32 s9;
	s0 =	sshra.s32 s8, $0x2;
	[sflag:s23] =	ssyncset.done $0x0  }
0x82: {  	s5 =	sadd.s32 $0x1400, s0;
	[sflag:s23] =	ssyncadd.s32 $0xFFFFC000  }
0x83: {  	[tilespmem:s21], [sflag:$0x1] =	stream.indirect.gather [hbm4b:s1+s28], $0x80, s5, s28, $0xb8;
	[tilespmem:$0x1F800] =	vst v63  }
0x84: {  	_ =	swait.ge [sflag:s24], $0x4000  }
0x85: {  	[sflag:s24] =	ssyncset.done $0x0  }
0x86: {  	s8 =	sadd.s32 $0x1480, s0;
	[sflag:s24] =	ssyncadd.s32 $0xFFFFC000  }
0x87: {  	[tilespmem:s29], [sflag:$0x2] =	stream.indirect.gather [hbm4b:s1+s28], $0x80, s8, s28, $0xb8;
	[tilespmem:$0x1F800] =	vst v63  }
0x88: {  	_ =	swait.ge [sflag:s30], $0x4000  }
0x89: {  	[sflag:s30] =	ssyncset.done $0x0  }
0x8a: {  	s9 =	sadd.s32 $0x3C00, s0;
	[sflag:s30] =	ssyncadd.s32 $0xFFFFC000  }
0x8b: {  	[spmem:s3] =	stream.indirect.scatter.add.f32 [tilespmem:s21], [sflag:$0x3], $0x80, s9, s28, $0xb8;
	[tilespmem:$0x1F800] =	vst v63  }
0x8c: {  	_ =	swait.ge [sflag:s25], $0x4000  }
0x8d: {  	[sflag:s25] =	ssyncset.done $0x0  }
0x8e: {  	s7 =	sadd.s32 $0x3C80, s0;
	[sflag:s25] =	ssyncadd.s32 $0xFFFFC000  }
0x8f: {  	[spmem:s3] =	stream.indirect.scatter.add.f32 [tilespmem:s29], [sflag:$0x4], $0x80, s7, s28, $0xb8;
	[tilespmem:$0x1F800] =	vst v63  }
0x90: {  	_ =	swait.ge [sflag:s23], $0x4000  }
0x91: {  	[sflag:s23] =	ssyncset.done $0x0  }
0x92: {  	[sflag:s23] =	ssyncadd.s32 $0xFFFFC000  }
0x93: {  	_ =	swait.ge [sflag:s24], $0x4000  }
0x94: {  	[sflag:s24] =	ssyncset.done $0x0  }
0x95: {  	[sflag:s24] =	ssyncadd.s32 $0xFFFFC000  }
0x96: {  	[tilespmem:s26], [sflag:$0x5] =	stream.linear.gather [hbm4b:s20+s4], $0x1400, $0x38;
	[tilespmem:$0x1F800] =	vst v63  }
0x97: {  	_ =	swait.ge [sflag:s22], $0x1400  }
0x98: {  	[sflag:s22] =	ssyncset.done $0x0  }
0x99: {  	s8 =	simm.s32 $0x1400;
	[sflag:s22] =	ssyncadd.s32 $0xFFFFEC00  }
0x9a: {  	[tilespmem:s21], [sflag:$0x1] =	stream.indirect.gather [hbm4b:s1+s28], $0x80, s8, s28, $0xb8;
	[tilespmem:$0x1F800] =	vst v63  }
0x9b: {  	s9 =	simm.s32 $0x1480  }
0x9c: {  	[tilespmem:s29], [sflag:$0x2] =	stream.indirect.gather [hbm4b:s1+s28], $0x80, s9, s28, $0xb8;
	[tilespmem:$0x1F800] =	vst v63  }
0x9d: {  	_ =	swait.ge [sflag:s30], $0x4000  }
0x9e: {  	[sflag:s30] =	ssyncset.done $0x0  }
0x9f: {  	[sflag:s30] =	ssyncadd.s32 $0xFFFFC000  }
0xa0: {  	[spmem:s3] =	stream.indirect.scatter.add.f32 [tilespmem:s21], [sflag:$0x3], $0x80, s26, s28, $0xb8;
	[tilespmem:$0x1F800] =	vst v63  }
0xa1: {  	_ =	swait.ge [sflag:s25], $0x4000  }
0xa2: {  	[sflag:s25] =	ssyncset.done $0x0  }
0xa3: {  	[sflag:s25] =	ssyncadd.s32 $0xFFFFC000  }
0xa4: {  	[spmem:s3] =	stream.indirect.scatter.add.f32 [tilespmem:s29], [sflag:$0x4], $0x80, s31, s28, $0xb8;
	[tilespmem:$0x1F800] =	vst v63  }
0xa5: {  	_ =	swait.ge [sflag:s23], $0x4000  }
0xa6: {  	[sflag:s23] =	ssyncset.done $0x0  }
0xa7: {  	s5 =	simm.s32 $0x1500;
	[sflag:s23] =	ssyncadd.s32 $0xFFFFC000  }
0xa8: {  	[tilespmem:s21], [sflag:$0x1] =	stream.indirect.gather [hbm4b:s1+s28], $0x80, s5, s28, $0xb8;
	[tilespmem:$0x1F800] =	vst v63  }
0xa9: {  	_ =	swait.ge [sflag:s24], $0x4000  }
0xaa: {  	[sflag:s24] =	ssyncset.done $0x0  }
0xab: {  	s7 =	simm.s32 $0x1580;
	[sflag:s24] =	ssyncadd.s32 $0xFFFFC000  }
0xac: {  	[tilespmem:s29], [sflag:$0x2] =	stream.indirect.gather [hbm4b:s1+s28], $0x80, s7, s28, $0xb8;
	[tilespmem:$0x1F800] =	vst v63  }
0xad: {  	_ =	swait.ge [sflag:s30], $0x4000  }
0xae: {  	[sflag:s30] =	ssyncset.done $0x0  }
0xaf: {  	s8 =	simm.s32 $0x2900;
	[sflag:s30] =	ssyncadd.s32 $0xFFFFC000  }
0xb0: {  	[spmem:s3] =	stream.indirect.scatter.add.f32 [tilespmem:s21], [sflag:$0x3], $0x80, s8, s28, $0xb8;
	[tilespmem:$0x1F800] =	vst v63  }
0xb1: {  	_ =	swait.ge [sflag:s25], $0x4000  }
0xb2: {  	[sflag:s25] =	ssyncset.done $0x0  }
0xb3: {  	s9 =	simm.s32 $0x2980;
	[sflag:s25] =	ssyncadd.s32 $0xFFFFC000  }
0xb4: {  	[spmem:s3] =	stream.indirect.scatter.add.f32 [tilespmem:s29], [sflag:$0x4], $0x80, s9, s28, $0xb8;
	[tilespmem:$0x1F800] =	vst v63  }
0xb5: {  	_ =	swait.ge [sflag:s23], $0x4000  }
0xb6: {  	s0 =	simm.s32 $0xFFFFEE00;
	s5 =	simm.s32 $0xFFFFBC00;
	[sflag:s23] =	ssyncset.done $0x0  }
.LBB2_4:
0xb7: {  	s7 =	sadd.s32 $0x2800, s0  }
0xb8: {  	[sflag:s23] =	ssyncadd.s32 $0xFFFFC000;
	s8 =	smov.u32 s5;
	s9 =	sadd.s32 $0x400, s5  }
0xb9: {  	[tilespmem:s21], [sflag:$0x1] =	stream.indirect.gather [hbm4b:s1+s28], $0x80, s7, s28, $0xb8;
	[tilespmem:$0x1F800] =	vst v63  }
0xba: {  	p0 =	sne.s32 s5, $0xFFFFFC00;
	_ =	swait.ge [sflag:s24], $0x4000  }
0xbb: {  	[sflag:s24] =	ssyncset.done $0x0  }
0xbc: {  	s5 =	sadd.s32 $0x2880, s0;
	[sflag:s24] =	ssyncadd.s32 $0xFFFFC000  }
0xbd: {  	[tilespmem:s29], [sflag:$0x2] =	stream.indirect.gather [hbm4b:s1+s28], $0x80, s5, s28, $0xb8;
	[tilespmem:$0x1F800] =	vst v63  }
0xbe: {  	_ =	swait.ge [sflag:s30], $0x4000  }
0xbf: {  	[sflag:s30] =	ssyncset.done $0x0  }
0xc0: {  	s5 =	sadd.s32 $0x3C00, s0;
	[sflag:s30] =	ssyncadd.s32 $0xFFFFC000  }
0xc1: {  	[spmem:s3] =	stream.indirect.scatter.add.f32 [tilespmem:s21], [sflag:$0x3], $0x80, s5, s28, $0xb8;
	[tilespmem:$0x1F800] =	vst v63  }
0xc2: {  	_ =	swait.ge [sflag:s25], $0x4000  }
.Ltmp1:
0xc3: {  	[sflag:s25] =	ssyncset.done $0x0;
	(pc) =	sbr.rel @p0 .LBB2_4-.Ltmp1, $4  }
0xc4: {  	s0 =	sadd.s32 $0x3C80, s0;
	[sflag:s25] =	ssyncadd.s32 $0xFFFFC000  }
0xc5: {  	[spmem:s3] =	stream.indirect.scatter.add.f32 [tilespmem:s29], [sflag:$0x4], $0x80, s0, s28, $0xb8;
	[tilespmem:$0x1F800] =	vst v63  }
0xc6: {  	_ =	swait.ge [sflag:s23], $0x4000  }
0xc7: {  	s5 =	smov.u32 s9;
	s0 =	sshra.s32 s8, $0x2;
	[sflag:s23] =	ssyncset.done $0x0  }
0xc8: {  	s5 =	sadd.s32 $0x2800, s0;
	[sflag:s23] =	ssyncadd.s32 $0xFFFFC000  }
0xc9: {  	[tilespmem:s21], [sflag:$0x1] =	stream.indirect.gather [hbm4b:s1+s28], $0x80, s5, s28, $0xb8;
	[tilespmem:$0x1F800] =	vst v63  }
0xca: {  	_ =	swait.ge [sflag:s24], $0x4000  }
0xcb: {  	[sflag:s24] =	ssyncset.done $0x0  }
0xcc: {  	s8 =	sadd.s32 $0x2880, s0;
	[sflag:s24] =	ssyncadd.s32 $0xFFFFC000  }
0xcd: {  	[tilespmem:s29], [sflag:$0x2] =	stream.indirect.gather [hbm4b:s1+s28], $0x80, s8, s28, $0xb8;
	[tilespmem:$0x1F800] =	vst v63  }
0xce: {  	_ =	swait.ge [sflag:s30], $0x4000  }
0xcf: {  	[sflag:s30] =	ssyncset.done $0x0  }
0xd0: {  	s9 =	sadd.s32 $0x3C00, s0;
	[sflag:s30] =	ssyncadd.s32 $0xFFFFC000  }
0xd1: {  	[spmem:s3] =	stream.indirect.scatter.add.f32 [tilespmem:s21], [sflag:$0x3], $0x80, s9, s28, $0xb8;
	[tilespmem:$0x1F800] =	vst v63  }
0xd2: {  	_ =	swait.ge [sflag:s25], $0x4000  }
0xd3: {  	[sflag:s25] =	ssyncset.done $0x0  }
0xd4: {  	s7 =	sadd.s32 $0x3C80, s0;
	[sflag:s25] =	ssyncadd.s32 $0xFFFFC000  }
0xd5: {  	[spmem:s3] =	stream.indirect.scatter.add.f32 [tilespmem:s29], [sflag:$0x4], $0x80, s7, s28, $0xb8;
	[tilespmem:$0x1F800] =	vst v63  }
0xd6: {  	_ =	swait.ge [sflag:s23], $0x4000  }
0xd7: {  	[sflag:s23] =	ssyncset.done $0x0  }
0xd8: {  	[sflag:s23] =	ssyncadd.s32 $0xFFFFC000  }
0xd9: {  	_ =	swait.ge [sflag:s24], $0x4000  }
0xda: {  	s8 =	stileid.u32;
	[sflag:s24] =	ssyncset.done $0x0  }
0xdb: {  	s2 =	sadd.s32 $0x1, s2;
	s0 =	sshll.u32 s8, $0x6;
	[sflag:s24] =	ssyncadd.s32 $0xFFFFC000  }
0xdc: {  	p0 =	sne.s32 s2, s10;
	s0 =	sor.u32 $0x1C05, s0;
	[bflag:$0x0] =	sbarrier.arrive $0xFFFF  }
.Ltmp2:
0xdd: {  	s9 =	sshrl.u32 s6, $0x3;
	s7 =	rddreg [dreg:$0x7];
	(pc) =	sbr.rel @p0 .LBB2_1-.Ltmp2, $4  }
0xde: {  	[hbm:s7], [sflag:s0] =	dma.local [spmem:s9], $0x2780  }
0xdf: {  	_ =	swait.ge [sflag:s22], $0x2780  }
0xe0: {  	[sflag:s22] =	ssyncset.done $0x0  }
0xe1: {  	[sflag:s22] =	ssyncadd.s32 $0xFFFFD880  }
0xe2: {  	_ =	sfence.sel $0x180000  }
0xe3: {  	[bflag:$0x0] =	sbarrier.arrive $0xFFFF  }
0xe4: {  	_ =	strace $0x90000053  }
0xe5: {  	s0 =	stileid.u32;
	[bflag:$0x2] =	sbarrier.arrive $0xFFFF  }
0xe6: {  	p0 =	sne.s32 s0, $0x0;
	s0 =	rddreg [dreg:$0x3]  }
0xe7: {  	s0 =	sadd.s32 @!p0 $0x100000, s0  }
0xe8: {  	[sflag:s0] =	ssyncadd.tile.s32 @!p0 $0x1;
	_ =	shalt  }
.Lfunc_end2:
_tile_overlayer_lowered:
.L_overlay_start_2:
0xe9: {  	(tag) =	ssettag $0x2  }
0xea: {  	s0 =	rddreg [dreg:$0x0];
	s2 =	stileid.u32  }
0xeb: {  	s1 =	rddreg [dreg:$0x1];
	p0 =	sne.s32 s2, $0x0  }
0xec: {  	s3 =	rddreg [dreg:$0x2];
	[bflag:$0x3] =	sbarrier.arrive $0xFFFF;
	s2 =	simm.s32 @!p0 $0x1C05  }
0xed: {  	[timem:s3], [sflag:s2] =	dma.local @!p0 [hbm:s0], s1  }
0xee: {  	s0 =	simm.s32 @!p0 $0x5  }
0xef: {  	_ =	swait.ge @!p0 [sflag:s0], s1  }
0xf0: {  	s1 =	ssub.s32 @!p0 $0x0, s1;
	[sflag:s0] =	ssyncset.done @!p0 $0x0  }
0xf1: {  	[sflag:s0] =	ssyncadd.s32 @!p0 s1  }
0xf2: {  	[bflag:$0x3] =	sbarrier.arrive $0xFFFF  }
0xf3: {  	_ =	shalt  }

</sc_bundles>
